<compile_context>
chip_gen: v7x
topology: tpu7x:2x2x1
jax: 0.10.2.dev20260603
libtpu: 0.0.44.dev20260713+nightly
codegen_flags: <defaults>
</compile_context>

<pallas_src>
import functools

import jax
import jax.numpy as jnp
from jax import lax
from jax.experimental import pallas as pl
from jax.experimental.pallas import tpu as pltpu
from jax.experimental.pallas import tpu_sc as plsc

_N = 64
_C = 100000
_K = 8
_INV_T = 0.5
_NB = 8
_BLK = 12800
_NEG = float("-inf")
_IMAX = 2**31 - 1
_WIN = 128
_G = _N // 8


_TAIL = _C % _WIN
_TSTART = _C - _TAIL


def _stage1(x_ref, outv_ref, outi_ref, tail_ref, sum_ref, runv_ref, runi_ref):
    b = pl.program_id(0)

    @pl.when(b == 0)
    def _init():
        sum_ref[...] = jnp.zeros_like(sum_ref)
        runv_ref[...] = jnp.full((_N, _K), _NEG, jnp.float32)
        runi_ref[...] = jnp.full((_N, _K), _IMAX, jnp.int32)

    x = x_ref[...]
    col = jax.lax.broadcasted_iota(jnp.int32, (_N, _BLK), 1) + b * _BLK
    x = jnp.where(col < _C, x, _NEG)
    e = jnp.exp(x * _INV_T)
    sum_ref[...] += jnp.sum(e, axis=1, keepdims=True)

    bvs, bis = [], []
    for i in range(_K):
        m = jnp.max(x, axis=1, keepdims=True)
        hit = x == m
        idx = jnp.min(jnp.where(hit, col, _IMAX), axis=1, keepdims=True)
        bvs.append(m)
        bis.append(idx)
        x = jnp.where(hit & (col == idx), _NEG, x)

    V = jnp.concatenate([runv_ref[...]] + bvs, axis=1)
    I = jnp.concatenate([runi_ref[...]] + bis, axis=1)
    nv, ni = [], []
    for i in range(_K):
        m = jnp.max(V, axis=1, keepdims=True)
        hit = V == m
        idx = jnp.min(jnp.where(hit, I, _IMAX), axis=1, keepdims=True)
        nv.append(m)
        ni.append(idx)
        V = jnp.where(hit & (I == idx), _NEG, V)
    runv_ref[...] = jnp.concatenate(nv, axis=1)
    runi_ref[...] = jnp.concatenate(ni, axis=1)

    @pl.when(b == _NB - 1)
    def _final():
        topv = runv_ref[...]
        topi = runi_ref[...]
        denom = sum_ref[...]
        vals = []
        for i in range(_K):
            e = jnp.exp(topv[:, i:i + 1] * _INV_T)
            vals.append(e / denom)
            outv_ref[:, i:i + 1] = vals[-1]
            denom = denom - e
        outi_ref[...] = topi
        jt = jax.lax.broadcasted_iota(jnp.int32, (_N, _TAIL), 1) + _TSTART
        tacc = jnp.zeros((_N, _TAIL), jnp.float32)
        for i in range(_K):
            tacc = jnp.where(topi[:, i:i + 1] == jt, vals[i], tacc)
        tail_ref[...] = tacc


_NW = 32
_RPW = _N // _NW
_CHUNK = 20000
_NCH = _C // _CHUNK
_VPC = _CHUNK // 16
_NSEM = 4


def _sc_zero_body(out_hbm, zbuf, *sems):
    wid = lax.axis_index("s") * 2 + lax.axis_index("c")
    r0 = wid * _RPW

    def _zero(i, carry):
        zbuf[pl.ds(i * 16, 16)] = jnp.zeros((16,), jnp.float32)
        return carry

    lax.fori_loop(0, _VPC, _zero, 0)

    pending = [None] * _NSEM
    for t, (r, c) in enumerate([(r, c) for r in range(_RPW)
                                for c in range(_NCH)]):
        b = t % _NSEM
        if pending[b] is not None:
            pending[b].wait()
        pending[b] = pltpu.async_copy(
            zbuf, out_hbm.at[r0 + r, pl.ds(c * _CHUNK, _CHUNK)], sems[b])
    for cp in pending:
        if cp is not None:
            cp.wait()


@functools.lru_cache(maxsize=1)
def _make_sc_zero():
    mesh = plsc.VectorSubcoreMesh(
        core_axis_name="c", subcore_axis_name="s", num_cores=2,
        num_subcores=16)
    return pl.kernel(
        _sc_zero_body,
        out_type=jax.ShapeDtypeStruct((_N, _C), jnp.float32),
        mesh=mesh,
        scratch_types=[pltpu.VMEM((_CHUNK,), jnp.float32)]
        + [pltpu.SemaphoreType.DMA] * _NSEM,
        compiler_params=pltpu.CompilerParams(
            use_tc_tiling_on_sc=False, needs_layout_passes=False),
    )


def _scatter_body(idx_ref, idxv_ref, v_ref, z_ref, o_ref,
                  bufa, bufb, sema, semb):
    del z_ref
    idxs = idxv_ref[...]
    vals = v_ref[...]
    jota = jax.lax.broadcasted_iota(jnp.int32, (8, _WIN), 1)

    def do_pair(i, buf, sem, wait_first):
        if wait_first:
            for g in range(_G):
                pltpu.make_async_copy(
                    buf.at[pl.ds(g * 8, 8), :],
                    o_ref.at[pl.ds(g * 8, 8), pl.ds(0, _WIN)],
                    sem).wait()
        copies = []
        for g in range(_G):
            base = jnp.minimum(idx_ref[g * 8 + i // _K, i % _K] // _WIN,
                               _C // _WIN - 1) * _WIN
            win = base + jota
            acc = jnp.zeros((8, _WIN), jnp.float32)
            for k2 in range(_K):
                hit = idxs[g * 8:(g + 1) * 8, k2:k2 + 1] == win
                acc = jnp.where(hit, vals[g * 8:(g + 1) * 8, k2:k2 + 1], acc)
            buf[pl.ds(g * 8, 8), :] = acc
            copies.append((g, base))
        for g, base in copies:
            pltpu.make_async_copy(
                buf.at[pl.ds(g * 8, 8), :],
                o_ref.at[pl.ds(g * 8, 8), pl.ds(base, _WIN)],
                sem).start()

    do_pair(0, bufa, sema, False)
    do_pair(1, bufb, semb, False)

    def step(j, carry):
        do_pair(2 * j, bufa, sema, True)
        do_pair(2 * j + 1, bufb, semb, True)
        return carry

    lax.fori_loop(1, (_K * 8) // 2, step, 0)

    for buf, sem in ((bufa, sema), (bufb, semb)):
        for g in range(_G):
            pltpu.make_async_copy(
                buf.at[pl.ds(g * 8, 8), :],
                o_ref.at[pl.ds(g * 8, 8), pl.ds(0, _WIN)],
                sem).wait()


def kernel(normu, cls):
    z = _make_sc_zero()()

    outv, outi, tail = pl.pallas_call(
        _stage1,
        grid=(_NB,),
        in_specs=[pl.BlockSpec((_N, _BLK), lambda b: (0, b))],
        out_specs=[
            pl.BlockSpec((_N, _K), lambda b: (0, 0)),
            pl.BlockSpec((_N, _K), lambda b: (0, 0)),
            pl.BlockSpec((_N, _TAIL), lambda b: (0, 0)),
        ],
        out_shape=[
            jax.ShapeDtypeStruct((_N, _K), jnp.float32),
            jax.ShapeDtypeStruct((_N, _K), jnp.int32),
            jax.ShapeDtypeStruct((_N, _TAIL), jnp.float32),
        ],
        scratch_shapes=[
            pltpu.VMEM((_N, 1), jnp.float32),
            pltpu.VMEM((_N, _K), jnp.float32),
            pltpu.VMEM((_N, _K), jnp.int32),
        ],
    )(cls)

    classes = pl.pallas_call(
        _scatter_body,
        grid_spec=pltpu.PrefetchScalarGridSpec(
            num_scalar_prefetch=1,
            grid=(1,),
            in_specs=[
                pl.BlockSpec((_N, _K), lambda s, idx: (0, 0)),
                pl.BlockSpec((_N, _K), lambda s, idx: (0, 0)),
                pl.BlockSpec(memory_space=pl.ANY),
            ],
            out_specs=pl.BlockSpec(memory_space=pl.ANY),
            scratch_shapes=[
                pltpu.VMEM((_N, _WIN), jnp.float32),
                pltpu.VMEM((_N, _WIN), jnp.float32),
                pltpu.SemaphoreType.DMA,
                pltpu.SemaphoreType.DMA,
            ],
        ),
        out_shape=jax.ShapeDtypeStruct((_N, _C), jnp.float32),
        input_output_aliases={3: 0},
    )(outi, outi, outv, z)

    classes = jax.lax.dynamic_update_slice(classes, tail, (0, _TSTART))

    return (normu, classes)

# --- scband reference (transcript-rebuilt; emitter-appended) ---
"""Pipeline reference for scband-latents-10857677324695 (READ-ONLY COPY).

The authoritative reference and input builder live on the scoring server;
editing this copy changes nothing except your own understanding.
"""

import jax, jax.numpy as jnp
import numpy as np

NUM_LATENTS = 64
NUM_CLASSES = 100000
Z_DIM = 128
MAX_CLASSES = 8
CLASS_TEMPERATURE = 2.0


def setup_inputs(seed: int = 0) -> dict:
    key = jax.random.key(seed)
    k1, k2 = jax.random.split(key)
    # learned parameters of the Latents module
    normu = jax.random.normal(k1, (NUM_LATENTS, Z_DIM), dtype=jnp.float32)  # std=1
    cls = jax.random.normal(k2, (NUM_LATENTS, NUM_CLASSES), dtype=jnp.float32) * 0.3 - 3.9  # mean=-3.9, std=0.3
    return {"normu": normu, "cls": cls}


def differentiable_topk(x, k, temperature=1.0):
    n, dim = x.shape
    rows = jnp.arange(n)[:, None]
    topk_tensors = []
    for i in range(k):
        is_last = i == k - 1
        sm = jax.nn.softmax(x / temperature, axis=-1)
        values, indices = jax.lax.top_k(sm, 1)  # values/indices: [n, 1]
        topks = jnp.zeros_like(x).at[rows, indices].set(values)
        topk_tensors.append(topks)
        if not is_last:
            x = x.at[rows, indices].set(-jnp.inf)
    topks = jnp.concatenate(topk_tensors, axis=-1)
    return topks.reshape(n, k, dim).sum(axis=1)


def reference(normu, cls):
    # max_classes is set, so use differentiable_topk path
    classes = differentiable_topk(cls, MAX_CLASSES, temperature=CLASS_TEMPERATURE)
    return (normu, classes)

if __name__ == "__main__":
    import jax
    _d = setup_inputs()
    print(jax.jit(kernel)(*tuple(_d.values())))

</pallas_src>

<mosaic_0001>
#map = affine_map<(d0, d1) -> (0, 0)>
module attributes {stable_mosaic.version = 14 : i64} {
  func.func @_sc_zero_body(%arg0: i32, %arg1: i32, %arg2: memref<64x100000xf32, #tpu.memory_space<hbm>>, %arg3: memref<20000xf32, #tpu.memory_space<vmem>>, %arg4: memref<!tpu.dma_semaphore, #tpu.memory_space<semaphore_mem>>, %arg5: memref<!tpu.dma_semaphore, #tpu.memory_space<semaphore_mem>>, %arg6: memref<!tpu.dma_semaphore, #tpu.memory_space<semaphore_mem>>, %arg7: memref<!tpu.dma_semaphore, #tpu.memory_space<semaphore_mem>>) attributes {dimension_semantics = [#tpu.dimension_semantics<core_parallel>, #tpu.dimension_semantics<subcore_parallel>], iteration_bounds = array<i64: 2, 16>, scalar_prefetch = 0 : i64, scratch_operands = 5 : i64, tpu.core_type = #tpu.core_type<sc_vector_subcore>, window_params = [{transform_indices = #map}]} {
    %mul3A = arith.constant 2 : i32
    %mul3A_0 = arith.muli %arg1, %mul3A : i32
    %add3A = arith.addi %mul3A_0, %arg0 : i32
    %mul3A_1 = arith.constant 2 : i32
    %mul3A_2 = arith.muli %add3A, %mul3A_1 : i32
    %scan3A = arith.constant 0 : i32
    %scan3A_3 = arith.constant 0 : i32
    %scan3A_4 = arith.constant 1250 : i32
    %scan3A_5 = arith.addi %scan3A_3, %scan3A_4 : i32
    %scan3A_6 = arith.constant 1 : i32
    scf.for %scan3A_146 = %scan3A_3 to %scan3A_5 step %scan3A_6  : i32 {
      %broadcast_in_dim3A = arith.constant 0.000000e+00 : f32
      %broadcast_in_dim3A_147 = vector.broadcast %broadcast_in_dim3A : f32 to vector<16xf32>
      %mul3A_148 = arith.constant 16 : i32
      %mul3A_149 = arith.muli %scan3A_146, %mul3A_148 : i32
      %swap3A = arith.index_cast %mul3A_149 : i32 to index
      %swap3A_150 = tpu.vector_load %arg3[%swap3A] {strides = array<i32>} : memref<20000xf32, #tpu.memory_space<vmem>>, vector<16xf32>,
      tpu.vector_store %arg3[%swap3A], %broadcast_in_dim3A_147 {strides = array<i32>} : memref<20000xf32, #tpu.memory_space<vmem>>, vector<16xf32>,
    }
    %scan3A_7 = arith.constant 1250 : i32
    %add3A_8 = arith.constant 0 : i32
    %add3A_9 = arith.addi %mul3A_2, %add3A_8 : i32
    %dma_start3A = arith.constant 0 : i32
    %dma_start3A_10 = tpu.memref_slice %arg2[%add3A_9, %dma_start3A] : memref<64x100000xf32, #tpu.memory_space<hbm>> -> memref<1x20000xf32, #tpu.memory_space<hbm>>
    %dma_start3A_11 = tpu.memref_squeeze %dma_start3A_10 : memref<1x20000xf32, #tpu.memory_space<hbm>> -> memref<20000xf32, #tpu.memory_space<hbm>>
    %dma_start3A_12 = arith.constant 0 : i32
    %dma_start3A_13 = tpu.memref_slice %arg2[%add3A_9, %dma_start3A_12] : memref<64x100000xf32, #tpu.memory_space<hbm>> -> memref<1x20000xf32, #tpu.memory_space<hbm>>
    %dma_start3A_14 = tpu.memref_squeeze %dma_start3A_13 : memref<1x20000xf32, #tpu.memory_space<hbm>> -> memref<20000xf32, #tpu.memory_space<hbm>>
    tpu.enqueue_dma source(%arg3 : memref<20000xf32, #tpu.memory_space<vmem>>) target(%dma_start3A_14 : memref<20000xf32, #tpu.memory_space<hbm>>) target_semaphore(%arg4 : memref<!tpu.dma_semaphore, #tpu.memory_space<semaphore_mem>>)
    %add3A_15 = arith.constant 0 : i32
    %add3A_16 = arith.addi %mul3A_2, %add3A_15 : i32
    %dma_start3A_17 = arith.constant 20000 : i32
    %dma_start3A_18 = tpu.memref_slice %arg2[%add3A_16, %dma_start3A_17] : memref<64x100000xf32, #tpu.memory_space<hbm>> -> memref<1x20000xf32, #tpu.memory_space<hbm>>
    %dma_start3A_19 = tpu.memref_squeeze %dma_start3A_18 : memref<1x20000xf32, #tpu.memory_space<hbm>> -> memref<20000xf32, #tpu.memory_space<hbm>>
    %dma_start3A_20 = arith.constant 20000 : i32
    %dma_start3A_21 = tpu.memref_slice %arg2[%add3A_16, %dma_start3A_20] : memref<64x100000xf32, #tpu.memory_space<hbm>> -> memref<1x20000xf32, #tpu.memory_space<hbm>>
    %dma_start3A_22 = tpu.memref_squeeze %dma_start3A_21 : memref<1x20000xf32, #tpu.memory_space<hbm>> -> memref<20000xf32, #tpu.memory_space<hbm>>
    tpu.enqueue_dma source(%arg3 : memref<20000xf32, #tpu.memory_space<vmem>>) target(%dma_start3A_22 : memref<20000xf32, #tpu.memory_space<hbm>>) target_semaphore(%arg5 : memref<!tpu.dma_semaphore, #tpu.memory_space<semaphore_mem>>)
    %add3A_23 = arith.constant 0 : i32
    %add3A_24 = arith.addi %mul3A_2, %add3A_23 : i32
    %dma_start3A_25 = arith.constant 40000 : i32
    %dma_start3A_26 = tpu.memref_slice %arg2[%add3A_24, %dma_start3A_25] : memref<64x100000xf32, #tpu.memory_space<hbm>> -> memref<1x20000xf32, #tpu.memory_space<hbm>>
    %dma_start3A_27 = tpu.memref_squeeze %dma_start3A_26 : memref<1x20000xf32, #tpu.memory_space<hbm>> -> memref<20000xf32, #tpu.memory_space<hbm>>
    %dma_start3A_28 = arith.constant 40000 : i32
    %dma_start3A_29 = tpu.memref_slice %arg2[%add3A_24, %dma_start3A_28] : memref<64x100000xf32, #tpu.memory_space<hbm>> -> memref<1x20000xf32, #tpu.memory_space<hbm>>
    %dma_start3A_30 = tpu.memref_squeeze %dma_start3A_29 : memref<1x20000xf32, #tpu.memory_space<hbm>> -> memref<20000xf32, #tpu.memory_space<hbm>>
    tpu.enqueue_dma source(%arg3 : memref<20000xf32, #tpu.memory_space<vmem>>) target(%dma_start3A_30 : memref<20000xf32, #tpu.memory_space<hbm>>) target_semaphore(%arg6 : memref<!tpu.dma_semaphore, #tpu.memory_space<semaphore_mem>>)
    %add3A_31 = arith.constant 0 : i32
    %add3A_32 = arith.addi %mul3A_2, %add3A_31 : i32
    %dma_start3A_33 = arith.constant 60000 : i32
    %dma_start3A_34 = tpu.memref_slice %arg2[%add3A_32, %dma_start3A_33] : memref<64x100000xf32, #tpu.memory_space<hbm>> -> memref<1x20000xf32, #tpu.memory_space<hbm>>
    %dma_start3A_35 = tpu.memref_squeeze %dma_start3A_34 : memref<1x20000xf32, #tpu.memory_space<hbm>> -> memref<20000xf32, #tpu.memory_space<hbm>>
    %dma_start3A_36 = arith.constant 60000 : i32
    %dma_start3A_37 = tpu.memref_slice %arg2[%add3A_32, %dma_start3A_36] : memref<64x100000xf32, #tpu.memory_space<hbm>> -> memref<1x20000xf32, #tpu.memory_space<hbm>>
    %dma_start3A_38 = tpu.memref_squeeze %dma_start3A_37 : memref<1x20000xf32, #tpu.memory_space<hbm>> -> memref<20000xf32, #tpu.memory_space<hbm>>
    tpu.enqueue_dma source(%arg3 : memref<20000xf32, #tpu.memory_space<vmem>>) target(%dma_start3A_38 : memref<20000xf32, #tpu.memory_space<hbm>>) target_semaphore(%arg7 : memref<!tpu.dma_semaphore, #tpu.memory_space<semaphore_mem>>)
    %dma_wait3A = arith.constant 0 : i32
    %dma_wait3A_39 = tpu.memref_slice %arg2[%add3A_9, %dma_wait3A] : memref<64x100000xf32, #tpu.memory_space<hbm>> -> memref<1x20000xf32, #tpu.memory_space<hbm>>
    %dma_wait3A_40 = tpu.memref_squeeze %dma_wait3A_39 : memref<1x20000xf32, #tpu.memory_space<hbm>> -> memref<20000xf32, #tpu.memory_space<hbm>>
    %dma_wait3A_41 = arith.constant 0 : i32
    %dma_wait3A_42 = tpu.memref_slice %arg2[%add3A_9, %dma_wait3A_41] : memref<64x100000xf32, #tpu.memory_space<hbm>> -> memref<1x20000xf32, #tpu.memory_space<hbm>>
    %dma_wait3A_43 = tpu.memref_squeeze %dma_wait3A_42 : memref<1x20000xf32, #tpu.memory_space<hbm>> -> memref<20000xf32, #tpu.memory_space<hbm>>
    tpu.wait_dma2 semaphore(%arg4 : memref<!tpu.dma_semaphore, #tpu.memory_space<semaphore_mem>>) src(%arg3 : memref<20000xf32, #tpu.memory_space<vmem>>) dst(%dma_wait3A_43 : memref<20000xf32, #tpu.memory_space<hbm>>)
    %add3A_44 = arith.constant 0 : i32
    %add3A_45 = arith.addi %mul3A_2, %add3A_44 : i32
    %dma_start3A_46 = arith.constant 80000 : i32
    %dma_start3A_47 = tpu.memref_slice %arg2[%add3A_45, %dma_start3A_46] : memref<64x100000xf32, #tpu.memory_space<hbm>> -> memref<1x20000xf32, #tpu.memory_space<hbm>>
    %dma_start3A_48 = tpu.memref_squeeze %dma_start3A_47 : memref<1x20000xf32, #tpu.memory_space<hbm>> -> memref<20000xf32, #tpu.memory_space<hbm>>
    %dma_start3A_49 = arith.constant 80000 : i32
    %dma_start3A_50 = tpu.memref_slice %arg2[%add3A_45, %dma_start3A_49] : memref<64x100000xf32, #tpu.memory_space<hbm>> -> memref<1x20000xf32, #tpu.memory_space<hbm>>
    %dma_start3A_51 = tpu.memref_squeeze %dma_start3A_50 : memref<1x20000xf32, #tpu.memory_space<hbm>> -> memref<20000xf32, #tpu.memory_space<hbm>>
    tpu.enqueue_dma source(%arg3 : memref<20000xf32, #tpu.memory_space<vmem>>) target(%dma_start3A_51 : memref<20000xf32, #tpu.memory_space<hbm>>) target_semaphore(%arg4 : memref<!tpu.dma_semaphore, #tpu.memory_space<semaphore_mem>>)
    %dma_wait3A_52 = arith.constant 20000 : i32
    %dma_wait3A_53 = tpu.memref_slice %arg2[%add3A_16, %dma_wait3A_52] : memref<64x100000xf32, #tpu.memory_space<hbm>> -> memref<1x20000xf32, #tpu.memory_space<hbm>>
    %dma_wait3A_54 = tpu.memref_squeeze %dma_wait3A_53 : memref<1x20000xf32, #tpu.memory_space<hbm>> -> memref<20000xf32, #tpu.memory_space<hbm>>
    %dma_wait3A_55 = arith.constant 20000 : i32
    %dma_wait3A_56 = tpu.memref_slice %arg2[%add3A_16, %dma_wait3A_55] : memref<64x100000xf32, #tpu.memory_space<hbm>> -> memref<1x20000xf32, #tpu.memory_space<hbm>>
    %dma_wait3A_57 = tpu.memref_squeeze %dma_wait3A_56 : memref<1x20000xf32, #tpu.memory_space<hbm>> -> memref<20000xf32, #tpu.memory_space<hbm>>
    tpu.wait_dma2 semaphore(%arg5 : memref<!tpu.dma_semaphore, #tpu.memory_space<semaphore_mem>>) src(%arg3 : memref<20000xf32, #tpu.memory_space<vmem>>) dst(%dma_wait3A_57 : memref<20000xf32, #tpu.memory_space<hbm>>)
    %add3A_58 = arith.constant 1 : i32
    %add3A_59 = arith.addi %mul3A_2, %add3A_58 : i32
    %dma_start3A_60 = arith.constant 0 : i32
    %dma_start3A_61 = tpu.memref_slice %arg2[%add3A_59, %dma_start3A_60] : memref<64x100000xf32, #tpu.memory_space<hbm>> -> memref<1x20000xf32, #tpu.memory_space<hbm>>
    %dma_start3A_62 = tpu.memref_squeeze %dma_start3A_61 : memref<1x20000xf32, #tpu.memory_space<hbm>> -> memref<20000xf32, #tpu.memory_space<hbm>>
    %dma_start3A_63 = arith.constant 0 : i32
    %dma_start3A_64 = tpu.memref_slice %arg2[%add3A_59, %dma_start3A_63] : memref<64x100000xf32, #tpu.memory_space<hbm>> -> memref<1x20000xf32, #tpu.memory_space<hbm>>
    %dma_start3A_65 = tpu.memref_squeeze %dma_start3A_64 : memref<1x20000xf32, #tpu.memory_space<hbm>> -> memref<20000xf32, #tpu.memory_space<hbm>>
    tpu.enqueue_dma source(%arg3 : memref<20000xf32, #tpu.memory_space<vmem>>) target(%dma_start3A_65 : memref<20000xf32, #tpu.memory_space<hbm>>) target_semaphore(%arg5 : memref<!tpu.dma_semaphore, #tpu.memory_space<semaphore_mem>>)
    %dma_wait3A_66 = arith.constant 40000 : i32
    %dma_wait3A_67 = tpu.memref_slice %arg2[%add3A_24, %dma_wait3A_66] : memref<64x100000xf32, #tpu.memory_space<hbm>> -> memref<1x20000xf32, #tpu.memory_space<hbm>>
    %dma_wait3A_68 = tpu.memref_squeeze %dma_wait3A_67 : memref<1x20000xf32, #tpu.memory_space<hbm>> -> memref<20000xf32, #tpu.memory_space<hbm>>
    %dma_wait3A_69 = arith.constant 40000 : i32
    %dma_wait3A_70 = tpu.memref_slice %arg2[%add3A_24, %dma_wait3A_69] : memref<64x100000xf32, #tpu.memory_space<hbm>> -> memref<1x20000xf32, #tpu.memory_space<hbm>>
    %dma_wait3A_71 = tpu.memref_squeeze %dma_wait3A_70 : memref<1x20000xf32, #tpu.memory_space<hbm>> -> memref<20000xf32, #tpu.memory_space<hbm>>
    tpu.wait_dma2 semaphore(%arg6 : memref<!tpu.dma_semaphore, #tpu.memory_space<semaphore_mem>>) src(%arg3 : memref<20000xf32, #tpu.memory_space<vmem>>) dst(%dma_wait3A_71 : memref<20000xf32, #tpu.memory_space<hbm>>)
    %add3A_72 = arith.constant 1 : i32
    %add3A_73 = arith.addi %mul3A_2, %add3A_72 : i32
    %dma_start3A_74 = arith.constant 20000 : i32
    %dma_start3A_75 = tpu.memref_slice %arg2[%add3A_73, %dma_start3A_74] : memref<64x100000xf32, #tpu.memory_space<hbm>> -> memref<1x20000xf32, #tpu.memory_space<hbm>>
    %dma_start3A_76 = tpu.memref_squeeze %dma_start3A_75 : memref<1x20000xf32, #tpu.memory_space<hbm>> -> memref<20000xf32, #tpu.memory_space<hbm>>
    %dma_start3A_77 = arith.constant 20000 : i32
    %dma_start3A_78 = tpu.memref_slice %arg2[%add3A_73, %dma_start3A_77] : memref<64x100000xf32, #tpu.memory_space<hbm>> -> memref<1x20000xf32, #tpu.memory_space<hbm>>
    %dma_start3A_79 = tpu.memref_squeeze %dma_start3A_78 : memref<1x20000xf32, #tpu.memory_space<hbm>> -> memref<20000xf32, #tpu.memory_space<hbm>>
    tpu.enqueue_dma source(%arg3 : memref<20000xf32, #tpu.memory_space<vmem>>) target(%dma_start3A_79 : memref<20000xf32, #tpu.memory_space<hbm>>) target_semaphore(%arg6 : memref<!tpu.dma_semaphore, #tpu.memory_space<semaphore_mem>>)
    %dma_wait3A_80 = arith.constant 60000 : i32
    %dma_wait3A_81 = tpu.memref_slice %arg2[%add3A_32, %dma_wait3A_80] : memref<64x100000xf32, #tpu.memory_space<hbm>> -> memref<1x20000xf32, #tpu.memory_space<hbm>>
    %dma_wait3A_82 = tpu.memref_squeeze %dma_wait3A_81 : memref<1x20000xf32, #tpu.memory_space<hbm>> -> memref<20000xf32, #tpu.memory_space<hbm>>
    %dma_wait3A_83 = arith.constant 60000 : i32
    %dma_wait3A_84 = tpu.memref_slice %arg2[%add3A_32, %dma_wait3A_83] : memref<64x100000xf32, #tpu.memory_space<hbm>> -> memref<1x20000xf32, #tpu.memory_space<hbm>>
    %dma_wait3A_85 = tpu.memref_squeeze %dma_wait3A_84 : memref<1x20000xf32, #tpu.memory_space<hbm>> -> memref<20000xf32, #tpu.memory_space<hbm>>
    tpu.wait_dma2 semaphore(%arg7 : memref<!tpu.dma_semaphore, #tpu.memory_space<semaphore_mem>>) src(%arg3 : memref<20000xf32, #tpu.memory_space<vmem>>) dst(%dma_wait3A_85 : memref<20000xf32, #tpu.memory_space<hbm>>)
    %add3A_86 = arith.constant 1 : i32
    %add3A_87 = arith.addi %mul3A_2, %add3A_86 : i32
    %dma_start3A_88 = arith.constant 40000 : i32
    %dma_start3A_89 = tpu.memref_slice %arg2[%add3A_87, %dma_start3A_88] : memref<64x100000xf32, #tpu.memory_space<hbm>> -> memref<1x20000xf32, #tpu.memory_space<hbm>>
    %dma_start3A_90 = tpu.memref_squeeze %dma_start3A_89 : memref<1x20000xf32, #tpu.memory_space<hbm>> -> memref<20000xf32, #tpu.memory_space<hbm>>
    %dma_start3A_91 = arith.constant 40000 : i32
    %dma_start3A_92 = tpu.memref_slice %arg2[%add3A_87, %dma_start3A_91] : memref<64x100000xf32, #tpu.memory_space<hbm>> -> memref<1x20000xf32, #tpu.memory_space<hbm>>
    %dma_start3A_93 = tpu.memref_squeeze %dma_start3A_92 : memref<1x20000xf32, #tpu.memory_space<hbm>> -> memref<20000xf32, #tpu.memory_space<hbm>>
    tpu.enqueue_dma source(%arg3 : memref<20000xf32, #tpu.memory_space<vmem>>) target(%dma_start3A_93 : memref<20000xf32, #tpu.memory_space<hbm>>) target_semaphore(%arg7 : memref<!tpu.dma_semaphore, #tpu.memory_space<semaphore_mem>>)
    %dma_wait3A_94 = arith.constant 80000 : i32
    %dma_wait3A_95 = tpu.memref_slice %arg2[%add3A_45, %dma_wait3A_94] : memref<64x100000xf32, #tpu.memory_space<hbm>> -> memref<1x20000xf32, #tpu.memory_space<hbm>>
    %dma_wait3A_96 = tpu.memref_squeeze %dma_wait3A_95 : memref<1x20000xf32, #tpu.memory_space<hbm>> -> memref<20000xf32, #tpu.memory_space<hbm>>
    %dma_wait3A_97 = arith.constant 80000 : i32
    %dma_wait3A_98 = tpu.memref_slice %arg2[%add3A_45, %dma_wait3A_97] : memref<64x100000xf32, #tpu.memory_space<hbm>> -> memref<1x20000xf32, #tpu.memory_space<hbm>>
    %dma_wait3A_99 = tpu.memref_squeeze %dma_wait3A_98 : memref<1x20000xf32, #tpu.memory_space<hbm>> -> memref<20000xf32, #tpu.memory_space<hbm>>
    tpu.wait_dma2 semaphore(%arg4 : memref<!tpu.dma_semaphore, #tpu.memory_space<semaphore_mem>>) src(%arg3 : memref<20000xf32, #tpu.memory_space<vmem>>) dst(%dma_wait3A_99 : memref<20000xf32, #tpu.memory_space<hbm>>)
    %add3A_100 = arith.constant 1 : i32
    %add3A_101 = arith.addi %mul3A_2, %add3A_100 : i32
    %dma_start3A_102 = arith.constant 60000 : i32
    %dma_start3A_103 = tpu.memref_slice %arg2[%add3A_101, %dma_start3A_102] : memref<64x100000xf32, #tpu.memory_space<hbm>> -> memref<1x20000xf32, #tpu.memory_space<hbm>>
    %dma_start3A_104 = tpu.memref_squeeze %dma_start3A_103 : memref<1x20000xf32, #tpu.memory_space<hbm>> -> memref<20000xf32, #tpu.memory_space<hbm>>
    %dma_start3A_105 = arith.constant 60000 : i32
    %dma_start3A_106 = tpu.memref_slice %arg2[%add3A_101, %dma_start3A_105] : memref<64x100000xf32, #tpu.memory_space<hbm>> -> memref<1x20000xf32, #tpu.memory_space<hbm>>
    %dma_start3A_107 = tpu.memref_squeeze %dma_start3A_106 : memref<1x20000xf32, #tpu.memory_space<hbm>> -> memref<20000xf32, #tpu.memory_space<hbm>>
    tpu.enqueue_dma source(%arg3 : memref<20000xf32, #tpu.memory_space<vmem>>) target(%dma_start3A_107 : memref<20000xf32, #tpu.memory_space<hbm>>) target_semaphore(%arg4 : memref<!tpu.dma_semaphore, #tpu.memory_space<semaphore_mem>>)
    %dma_wait3A_108 = arith.constant 0 : i32
    %dma_wait3A_109 = tpu.memref_slice %arg2[%add3A_59, %dma_wait3A_108] : memref<64x100000xf32, #tpu.memory_space<hbm>> -> memref<1x20000xf32, #tpu.memory_space<hbm>>
    %dma_wait3A_110 = tpu.memref_squeeze %dma_wait3A_109 : memref<1x20000xf32, #tpu.memory_space<hbm>> -> memref<20000xf32, #tpu.memory_space<hbm>>
    %dma_wait3A_111 = arith.constant 0 : i32
    %dma_wait3A_112 = tpu.memref_slice %arg2[%add3A_59, %dma_wait3A_111] : memref<64x100000xf32, #tpu.memory_space<hbm>> -> memref<1x20000xf32, #tpu.memory_space<hbm>>
    %dma_wait3A_113 = tpu.memref_squeeze %dma_wait3A_112 : memref<1x20000xf32, #tpu.memory_space<hbm>> -> memref<20000xf32, #tpu.memory_space<hbm>>
    tpu.wait_dma2 semaphore(%arg5 : memref<!tpu.dma_semaphore, #tpu.memory_space<semaphore_mem>>) src(%arg3 : memref<20000xf32, #tpu.memory_space<vmem>>) dst(%dma_wait3A_113 : memref<20000xf32, #tpu.memory_space<hbm>>)
    %add3A_114 = arith.constant 1 : i32
    %add3A_115 = arith.addi %mul3A_2, %add3A_114 : i32
    %dma_start3A_116 = arith.constant 80000 : i32
    %dma_start3A_117 = tpu.memref_slice %arg2[%add3A_115, %dma_start3A_116] : memref<64x100000xf32, #tpu.memory_space<hbm>> -> memref<1x20000xf32, #tpu.memory_space<hbm>>
    %dma_start3A_118 = tpu.memref_squeeze %dma_start3A_117 : memref<1x20000xf32, #tpu.memory_space<hbm>> -> memref<20000xf32, #tpu.memory_space<hbm>>
    %dma_start3A_119 = arith.constant 80000 : i32
    %dma_start3A_120 = tpu.memref_slice %arg2[%add3A_115, %dma_start3A_119] : memref<64x100000xf32, #tpu.memory_space<hbm>> -> memref<1x20000xf32, #tpu.memory_space<hbm>>
    %dma_start3A_121 = tpu.memref_squeeze %dma_start3A_120 : memref<1x20000xf32, #tpu.memory_space<hbm>> -> memref<20000xf32, #tpu.memory_space<hbm>>
    tpu.enqueue_dma source(%arg3 : memref<20000xf32, #tpu.memory_space<vmem>>) target(%dma_start3A_121 : memref<20000xf32, #tpu.memory_space<hbm>>) target_semaphore(%arg5 : memref<!tpu.dma_semaphore, #tpu.memory_space<semaphore_mem>>)
    %dma_wait3A_122 = arith.constant 60000 : i32
    %dma_wait3A_123 = tpu.memref_slice %arg2[%add3A_101, %dma_wait3A_122] : memref<64x100000xf32, #tpu.memory_space<hbm>> -> memref<1x20000xf32, #tpu.memory_space<hbm>>
    %dma_wait3A_124 = tpu.memref_squeeze %dma_wait3A_123 : memref<1x20000xf32, #tpu.memory_space<hbm>> -> memref<20000xf32, #tpu.memory_space<hbm>>
    %dma_wait3A_125 = arith.constant 60000 : i32
    %dma_wait3A_126 = tpu.memref_slice %arg2[%add3A_101, %dma_wait3A_125] : memref<64x100000xf32, #tpu.memory_space<hbm>> -> memref<1x20000xf32, #tpu.memory_space<hbm>>
    %dma_wait3A_127 = tpu.memref_squeeze %dma_wait3A_126 : memref<1x20000xf32, #tpu.memory_space<hbm>> -> memref<20000xf32, #tpu.memory_space<hbm>>
    tpu.wait_dma2 semaphore(%arg4 : memref<!tpu.dma_semaphore, #tpu.memory_space<semaphore_mem>>) src(%arg3 : memref<20000xf32, #tpu.memory_space<vmem>>) dst(%dma_wait3A_127 : memref<20000xf32, #tpu.memory_space<hbm>>)
    %dma_wait3A_128 = arith.constant 80000 : i32
    %dma_wait3A_129 = tpu.memref_slice %arg2[%add3A_115, %dma_wait3A_128] : memref<64x100000xf32, #tpu.memory_space<hbm>> -> memref<1x20000xf32, #tpu.memory_space<hbm>>
    %dma_wait3A_130 = tpu.memref_squeeze %dma_wait3A_129 : memref<1x20000xf32, #tpu.memory_space<hbm>> -> memref<20000xf32, #tpu.memory_space<hbm>>
    %dma_wait3A_131 = arith.constant 80000 : i32
    %dma_wait3A_132 = tpu.memref_slice %arg2[%add3A_115, %dma_wait3A_131] : memref<64x100000xf32, #tpu.memory_space<hbm>> -> memref<1x20000xf32, #tpu.memory_space<hbm>>
    %dma_wait3A_133 = tpu.memref_squeeze %dma_wait3A_132 : memref<1x20000xf32, #tpu.memory_space<hbm>> -> memref<20000xf32, #tpu.memory_space<hbm>>
    tpu.wait_dma2 semaphore(%arg5 : memref<!tpu.dma_semaphore, #tpu.memory_space<semaphore_mem>>) src(%arg3 : memref<20000xf32, #tpu.memory_space<vmem>>) dst(%dma_wait3A_133 : memref<20000xf32, #tpu.memory_space<hbm>>)
    %dma_wait3A_134 = arith.constant 20000 : i32
    %dma_wait3A_135 = tpu.memref_slice %arg2[%add3A_73, %dma_wait3A_134] : memref<64x100000xf32, #tpu.memory_space<hbm>> -> memref<1x20000xf32, #tpu.memory_space<hbm>>
    %dma_wait3A_136 = tpu.memref_squeeze %dma_wait3A_135 : memref<1x20000xf32, #tpu.memory_space<hbm>> -> memref<20000xf32, #tpu.memory_space<hbm>>
    %dma_wait3A_137 = arith.constant 20000 : i32
    %dma_wait3A_138 = tpu.memref_slice %arg2[%add3A_73, %dma_wait3A_137] : memref<64x100000xf32, #tpu.memory_space<hbm>> -> memref<1x20000xf32, #tpu.memory_space<hbm>>
    %dma_wait3A_139 = tpu.memref_squeeze %dma_wait3A_138 : memref<1x20000xf32, #tpu.memory_space<hbm>> -> memref<20000xf32, #tpu.memory_space<hbm>>
    tpu.wait_dma2 semaphore(%arg6 : memref<!tpu.dma_semaphore, #tpu.memory_space<semaphore_mem>>) src(%arg3 : memref<20000xf32, #tpu.memory_space<vmem>>) dst(%dma_wait3A_139 : memref<20000xf32, #tpu.memory_space<hbm>>)
    %dma_wait3A_140 = arith.constant 40000 : i32
    %dma_wait3A_141 = tpu.memref_slice %arg2[%add3A_87, %dma_wait3A_140] : memref<64x100000xf32, #tpu.memory_space<hbm>> -> memref<1x20000xf32, #tpu.memory_space<hbm>>
    %dma_wait3A_142 = tpu.memref_squeeze %dma_wait3A_141 : memref<1x20000xf32, #tpu.memory_space<hbm>> -> memref<20000xf32, #tpu.memory_space<hbm>>
    %dma_wait3A_143 = arith.constant 40000 : i32
    %dma_wait3A_144 = tpu.memref_slice %arg2[%add3A_87, %dma_wait3A_143] : memref<64x100000xf32, #tpu.memory_space<hbm>> -> memref<1x20000xf32, #tpu.memory_space<hbm>>
    %dma_wait3A_145 = tpu.memref_squeeze %dma_wait3A_144 : memref<1x20000xf32, #tpu.memory_space<hbm>> -> memref<20000xf32, #tpu.memory_space<hbm>>
    tpu.wait_dma2 semaphore(%arg7 : memref<!tpu.dma_semaphore, #tpu.memory_space<semaphore_mem>>) src(%arg3 : memref<20000xf32, #tpu.memory_space<vmem>>) dst(%dma_wait3A_145 : memref<20000xf32, #tpu.memory_space<hbm>>)
    return
  }
}

module attributes {stable_mosaic.version = 14 : i64} {
  func.func @_stage1(%arg0: i32, %arg1: memref<64x12800xf32, #tpu.memory_space<vmem>>, %arg2: memref<64x8xf32, #tpu.memory_space<vmem>>, %arg3: memref<64x8xi32, #tpu.memory_space<vmem>>, %arg4: memref<64x32xf32, #tpu.memory_space<vmem>>, %arg5: memref<64x1xf32, #tpu.memory_space<vmem>>, %arg6: memref<64x8xf32, #tpu.memory_space<vmem>>, %arg7: memref<64x8xi32, #tpu.memory_space<vmem>>) attributes {dimension_semantics = [#tpu.dimension_semantics<arbitrary>], iteration_bounds = array<i64: 8>, scalar_prefetch = 0 : i64, scratch_operands = 3 : i64, tpu.core_type = #tpu.core_type<tc>, window_params = [{transform_indices = @transform_0, window_bounds = array<i64: 64, 12800>}, {pipeline_mode = #tpu.pipeline_mode<synchronous>, transform_indices = @transform_1, window_bounds = array<i64: 64, 8>}, {pipeline_mode = #tpu.pipeline_mode<synchronous>, transform_indices = @transform_2, window_bounds = array<i64: 64, 8>}, {pipeline_mode = #tpu.pipeline_mode<synchronous>, transform_indices = @transform_3, window_bounds = array<i64: 64, 32>}]} {
    %eq3A = arith.constant 0 : i32
    %eq3A_0 = arith.cmpi eq, %arg0, %eq3A : i32
    %convert_element_type3A = arith.extui %eq3A_0 : i1 to i32
    %cond3A = arith.constant 0 : i32
    %cond3A_1 = arith.cmpi ne, %convert_element_type3A, %cond3A : i32
    scf.if %cond3A_1 {
      %broadcast_in_dim3A_296 = arith.constant 0.000000e+00 : f32
      %broadcast_in_dim3A_297 = vector.broadcast %broadcast_in_dim3A_296 : f32 to vector<64x1xf32>
      %swap3A_298 = arith.constant 0 : index
      %swap3A_299 = arith.constant 0 : index
      %swap3A_300 = vector.load %arg5[%swap3A_298, %swap3A_299] : memref<64x1xf32, #tpu.memory_space<vmem>>, vector<64x1xf32>
      tpu.vector_store %arg5[%swap3A_298, %swap3A_299], %broadcast_in_dim3A_297 {strides = array<i32>} : memref<64x1xf32, #tpu.memory_space<vmem>>, vector<64x1xf32>,
      %broadcast_in_dim3A_301 = arith.constant 0xFF800000 : f32
      %broadcast_in_dim3A_302 = vector.broadcast %broadcast_in_dim3A_301 : f32 to vector<64x8xf32>
      %swap3A_303 = arith.constant 0 : index
      %swap3A_304 = arith.constant 0 : index
      %swap3A_305 = vector.load %arg6[%swap3A_303, %swap3A_304] : memref<64x8xf32, #tpu.memory_space<vmem>>, vector<64x8xf32>
      tpu.vector_store %arg6[%swap3A_303, %swap3A_304], %broadcast_in_dim3A_302 {strides = array<i32>} : memref<64x8xf32, #tpu.memory_space<vmem>>, vector<64x8xf32>,
      %broadcast_in_dim3A_306 = arith.constant 2147483647 : i32
      %broadcast_in_dim3A_307 = vector.broadcast %broadcast_in_dim3A_306 : i32 to vector<64x8xi32>
      %swap3A_308 = arith.constant 0 : index
      %swap3A_309 = arith.constant 0 : index
      %swap3A_310 = vector.load %arg7[%swap3A_308, %swap3A_309] : memref<64x8xi32, #tpu.memory_space<vmem>>, vector<64x8xi32>
      tpu.vector_store %arg7[%swap3A_308, %swap3A_309], %broadcast_in_dim3A_307 {strides = array<i32>} : memref<64x8xi32, #tpu.memory_space<vmem>>, vector<64x8xi32>,
    } else {
    }
    %get3A = arith.constant 0 : index
    %get3A_2 = arith.constant 0 : index
    %get3A_3 = vector.load %arg1[%get3A, %get3A_2] : memref<64x12800xf32, #tpu.memory_space<vmem>>, vector<64x12800xf32>
    %iota3A = tpu.iota {dimensions = array<i32: 1>} : vector<64x12800xi32>
    %mul3A = arith.constant 12800 : i32
    %mul3A_4 = arith.muli %arg0, %mul3A : i32
    %add3A = vector.broadcast %mul3A_4 : i32 to vector<64x12800xi32>
    %add3A_5 = arith.addi %iota3A, %add3A : vector<64x12800xi32>
    %lt3A = arith.constant 100000 : i32
    %lt3A_6 = vector.broadcast %lt3A : i32 to vector<64x12800xi32>
    %lt3A_7 = arith.cmpi slt, %add3A_5, %lt3A_6 : vector<64x12800xi32>
    %jit3A = arith.constant 0xFF800000 : f32
    %broadcast_in_dim3A = vector.broadcast %jit3A : f32 to vector<64x12800xf32>
    %select_n3A = arith.select %lt3A_7, %get3A_3, %broadcast_in_dim3A : vector<64x12800xi1>, vector<64x12800xf32>
    %mul3A_8 = arith.constant 5.000000e-01 : f32
    %mul3A_9 = vector.broadcast %mul3A_8 : f32 to vector<64x12800xf32>
    %mul3A_10 = arith.mulf %select_n3A, %mul3A_9 : vector<64x12800xf32>
    %exp3A = math.exp %mul3A_10 : vector<64x12800xf32>
    %get3A_11 = arith.constant 0 : index
    %get3A_12 = arith.constant 0 : index
    %get3A_13 = vector.load %arg5[%get3A_11, %get3A_12] : memref<64x1xf32, #tpu.memory_space<vmem>>, vector<64x1xf32>
    %reduce_sum3A = arith.constant dense<0.000000e+00> : vector<64xf32>
    %reduce_sum3A_14 = vector.multi_reduction <add>, %exp3A, %reduce_sum3A [1] : vector<64x12800xf32> to vector<64xf32>
    %broadcast_in_dim3A_15 = vector.shape_cast %reduce_sum3A_14 : vector<64xf32> to vector<64x1xf32>
    %add3A_16 = arith.addf %get3A_13, %broadcast_in_dim3A_15 : vector<64x1xf32>
    %swap3A = arith.constant 0 : index
    %swap3A_17 = arith.constant 0 : index
    %swap3A_18 = vector.load %arg5[%swap3A, %swap3A_17] : memref<64x1xf32, #tpu.memory_space<vmem>>, vector<64x1xf32>
    tpu.vector_store %arg5[%swap3A, %swap3A_17], %add3A_16 {strides = array<i32>} : memref<64x1xf32, #tpu.memory_space<vmem>>, vector<64x1xf32>,
    %reduce_max3A = arith.constant dense<0xFF800000> : vector<64xf32>
    %reduce_max3A_19 = vector.multi_reduction <maximumf>, %select_n3A, %reduce_max3A [1] : vector<64x12800xf32> to vector<64xf32>
    %broadcast_in_dim3A_20 = vector.shape_cast %reduce_max3A_19 : vector<64xf32> to vector<64x1xf32>
    %eq3A_21 = vector.broadcast %broadcast_in_dim3A_20 : vector<64x1xf32> to vector<64x12800xf32>
    %eq3A_22 = arith.cmpf oeq, %select_n3A, %eq3A_21 : vector<64x12800xf32>
    %jit3A_23 = arith.constant 2147483647 : i32
    %broadcast_in_dim3A_24 = vector.broadcast %jit3A_23 : i32 to vector<64x12800xi32>
    %select_n3A_25 = arith.select %eq3A_22, %add3A_5, %broadcast_in_dim3A_24 : vector<64x12800xi1>, vector<64x12800xi32>
    %reduce_min3A = arith.constant dense<2147483647> : vector<64xi32>
    %reduce_min3A_26 = vector.multi_reduction <minsi>, %select_n3A_25, %reduce_min3A [1] : vector<64x12800xi32> to vector<64xi32>
    %broadcast_in_dim3A_27 = vector.shape_cast %reduce_min3A_26 : vector<64xi32> to vector<64x1xi32>
    %eq3A_28 = vector.broadcast %broadcast_in_dim3A_27 : vector<64x1xi32> to vector<64x12800xi32>
    %eq3A_29 = arith.cmpi eq, %add3A_5, %eq3A_28 : vector<64x12800xi32>
    %and3A = arith.andi %eq3A_22, %eq3A_29 : vector<64x12800xi1>
    %jit3A_30 = arith.constant 0xFF800000 : f32
    %broadcast_in_dim3A_31 = vector.broadcast %jit3A_30 : f32 to vector<64x12800xf32>
    %select_n3A_32 = arith.select %and3A, %broadcast_in_dim3A_31, %select_n3A : vector<64x12800xi1>, vector<64x12800xf32>
    %reduce_max3A_33 = arith.constant dense<0xFF800000> : vector<64xf32>
    %reduce_max3A_34 = vector.multi_reduction <maximumf>, %select_n3A_32, %reduce_max3A_33 [1] : vector<64x12800xf32> to vector<64xf32>
    %broadcast_in_dim3A_35 = vector.shape_cast %reduce_max3A_34 : vector<64xf32> to vector<64x1xf32>
    %eq3A_36 = vector.broadcast %broadcast_in_dim3A_35 : vector<64x1xf32> to vector<64x12800xf32>
    %eq3A_37 = arith.cmpf oeq, %select_n3A_32, %eq3A_36 : vector<64x12800xf32>
    %jit3A_38 = arith.constant 2147483647 : i32
    %broadcast_in_dim3A_39 = vector.broadcast %jit3A_38 : i32 to vector<64x12800xi32>
    %select_n3A_40 = arith.select %eq3A_37, %add3A_5, %broadcast_in_dim3A_39 : vector<64x12800xi1>, vector<64x12800xi32>
    %reduce_min3A_41 = arith.constant dense<2147483647> : vector<64xi32>
    %reduce_min3A_42 = vector.multi_reduction <minsi>, %select_n3A_40, %reduce_min3A_41 [1] : vector<64x12800xi32> to vector<64xi32>
    %broadcast_in_dim3A_43 = vector.shape_cast %reduce_min3A_42 : vector<64xi32> to vector<64x1xi32>
    %eq3A_44 = vector.broadcast %broadcast_in_dim3A_43 : vector<64x1xi32> to vector<64x12800xi32>
    %eq3A_45 = arith.cmpi eq, %add3A_5, %eq3A_44 : vector<64x12800xi32>
    %and3A_46 = arith.andi %eq3A_37, %eq3A_45 : vector<64x12800xi1>
    %jit3A_47 = arith.constant 0xFF800000 : f32
    %broadcast_in_dim3A_48 = vector.broadcast %jit3A_47 : f32 to vector<64x12800xf32>
    %select_n3A_49 = arith.select %and3A_46, %broadcast_in_dim3A_48, %select_n3A_32 : vector<64x12800xi1>, vector<64x12800xf32>
    %reduce_max3A_50 = arith.constant dense<0xFF800000> : vector<64xf32>
    %reduce_max3A_51 = vector.multi_reduction <maximumf>, %select_n3A_49, %reduce_max3A_50 [1] : vector<64x12800xf32> to vector<64xf32>
    %broadcast_in_dim3A_52 = vector.shape_cast %reduce_max3A_51 : vector<64xf32> to vector<64x1xf32>
    %eq3A_53 = vector.broadcast %broadcast_in_dim3A_52 : vector<64x1xf32> to vector<64x12800xf32>
    %eq3A_54 = arith.cmpf oeq, %select_n3A_49, %eq3A_53 : vector<64x12800xf32>
    %jit3A_55 = arith.constant 2147483647 : i32
    %broadcast_in_dim3A_56 = vector.broadcast %jit3A_55 : i32 to vector<64x12800xi32>
    %select_n3A_57 = arith.select %eq3A_54, %add3A_5, %broadcast_in_dim3A_56 : vector<64x12800xi1>, vector<64x12800xi32>
    %reduce_min3A_58 = arith.constant dense<2147483647> : vector<64xi32>
    %reduce_min3A_59 = vector.multi_reduction <minsi>, %select_n3A_57, %reduce_min3A_58 [1] : vector<64x12800xi32> to vector<64xi32>
    %broadcast_in_dim3A_60 = vector.shape_cast %reduce_min3A_59 : vector<64xi32> to vector<64x1xi32>
    %eq3A_61 = vector.broadcast %broadcast_in_dim3A_60 : vector<64x1xi32> to vector<64x12800xi32>
    %eq3A_62 = arith.cmpi eq, %add3A_5, %eq3A_61 : vector<64x12800xi32>
    %and3A_63 = arith.andi %eq3A_54, %eq3A_62 : vector<64x12800xi1>
    %jit3A_64 = arith.constant 0xFF800000 : f32
    %broadcast_in_dim3A_65 = vector.broadcast %jit3A_64 : f32 to vector<64x12800xf32>
    %select_n3A_66 = arith.select %and3A_63, %broadcast_in_dim3A_65, %select_n3A_49 : vector<64x12800xi1>, vector<64x12800xf32>
    %reduce_max3A_67 = arith.constant dense<0xFF800000> : vector<64xf32>
    %reduce_max3A_68 = vector.multi_reduction <maximumf>, %select_n3A_66, %reduce_max3A_67 [1] : vector<64x12800xf32> to vector<64xf32>
    %broadcast_in_dim3A_69 = vector.shape_cast %reduce_max3A_68 : vector<64xf32> to vector<64x1xf32>
    %eq3A_70 = vector.broadcast %broadcast_in_dim3A_69 : vector<64x1xf32> to vector<64x12800xf32>
    %eq3A_71 = arith.cmpf oeq, %select_n3A_66, %eq3A_70 : vector<64x12800xf32>
    %jit3A_72 = arith.constant 2147483647 : i32
    %broadcast_in_dim3A_73 = vector.broadcast %jit3A_72 : i32 to vector<64x12800xi32>
    %select_n3A_74 = arith.select %eq3A_71, %add3A_5, %broadcast_in_dim3A_73 : vector<64x12800xi1>, vector<64x12800xi32>
    %reduce_min3A_75 = arith.constant dense<2147483647> : vector<64xi32>
    %reduce_min3A_76 = vector.multi_reduction <minsi>, %select_n3A_74, %reduce_min3A_75 [1] : vector<64x12800xi32> to vector<64xi32>
    %broadcast_in_dim3A_77 = vector.shape_cast %reduce_min3A_76 : vector<64xi32> to vector<64x1xi32>
    %eq3A_78 = vector.broadcast %broadcast_in_dim3A_77 : vector<64x1xi32> to vector<64x12800xi32>
    %eq3A_79 = arith.cmpi eq, %add3A_5, %eq3A_78 : vector<64x12800xi32>
    %and3A_80 = arith.andi %eq3A_71, %eq3A_79 : vector<64x12800xi1>
    %jit3A_81 = arith.constant 0xFF800000 : f32
    %broadcast_in_dim3A_82 = vector.broadcast %jit3A_81 : f32 to vector<64x12800xf32>
    %select_n3A_83 = arith.select %and3A_80, %broadcast_in_dim3A_82, %select_n3A_66 : vector<64x12800xi1>, vector<64x12800xf32>
    %reduce_max3A_84 = arith.constant dense<0xFF800000> : vector<64xf32>
    %reduce_max3A_85 = vector.multi_reduction <maximumf>, %select_n3A_83, %reduce_max3A_84 [1] : vector<64x12800xf32> to vector<64xf32>
    %broadcast_in_dim3A_86 = vector.shape_cast %reduce_max3A_85 : vector<64xf32> to vector<64x1xf32>
    %eq3A_87 = vector.broadcast %broadcast_in_dim3A_86 : vector<64x1xf32> to vector<64x12800xf32>
    %eq3A_88 = arith.cmpf oeq, %select_n3A_83, %eq3A_87 : vector<64x12800xf32>
    %jit3A_89 = arith.constant 2147483647 : i32
    %broadcast_in_dim3A_90 = vector.broadcast %jit3A_89 : i32 to vector<64x12800xi32>
    %select_n3A_91 = arith.select %eq3A_88, %add3A_5, %broadcast_in_dim3A_90 : vector<64x12800xi1>, vector<64x12800xi32>
    %reduce_min3A_92 = arith.constant dense<2147483647> : vector<64xi32>
    %reduce_min3A_93 = vector.multi_reduction <minsi>, %select_n3A_91, %reduce_min3A_92 [1] : vector<64x12800xi32> to vector<64xi32>
    %broadcast_in_dim3A_94 = vector.shape_cast %reduce_min3A_93 : vector<64xi32> to vector<64x1xi32>
    %eq3A_95 = vector.broadcast %broadcast_in_dim3A_94 : vector<64x1xi32> to vector<64x12800xi32>
    %eq3A_96 = arith.cmpi eq, %add3A_5, %eq3A_95 : vector<64x12800xi32>
    %and3A_97 = arith.andi %eq3A_88, %eq3A_96 : vector<64x12800xi1>
    %jit3A_98 = arith.constant 0xFF800000 : f32
    %broadcast_in_dim3A_99 = vector.broadcast %jit3A_98 : f32 to vector<64x12800xf32>
    %select_n3A_100 = arith.select %and3A_97, %broadcast_in_dim3A_99, %select_n3A_83 : vector<64x12800xi1>, vector<64x12800xf32>
    %reduce_max3A_101 = arith.constant dense<0xFF800000> : vector<64xf32>
    %reduce_max3A_102 = vector.multi_reduction <maximumf>, %select_n3A_100, %reduce_max3A_101 [1] : vector<64x12800xf32> to vector<64xf32>
    %broadcast_in_dim3A_103 = vector.shape_cast %reduce_max3A_102 : vector<64xf32> to vector<64x1xf32>
    %eq3A_104 = vector.broadcast %broadcast_in_dim3A_103 : vector<64x1xf32> to vector<64x12800xf32>
    %eq3A_105 = arith.cmpf oeq, %select_n3A_100, %eq3A_104 : vector<64x12800xf32>
    %jit3A_106 = arith.constant 2147483647 : i32
    %broadcast_in_dim3A_107 = vector.broadcast %jit3A_106 : i32 to vector<64x12800xi32>
    %select_n3A_108 = arith.select %eq3A_105, %add3A_5, %broadcast_in_dim3A_107 : vector<64x12800xi1>, vector<64x12800xi32>
    %reduce_min3A_109 = arith.constant dense<2147483647> : vector<64xi32>
    %reduce_min3A_110 = vector.multi_reduction <minsi>, %select_n3A_108, %reduce_min3A_109 [1] : vector<64x12800xi32> to vector<64xi32>
    %broadcast_in_dim3A_111 = vector.shape_cast %reduce_min3A_110 : vector<64xi32> to vector<64x1xi32>
    %eq3A_112 = vector.broadcast %broadcast_in_dim3A_111 : vector<64x1xi32> to vector<64x12800xi32>
    %eq3A_113 = arith.cmpi eq, %add3A_5, %eq3A_112 : vector<64x12800xi32>
    %and3A_114 = arith.andi %eq3A_105, %eq3A_113 : vector<64x12800xi1>
    %jit3A_115 = arith.constant 0xFF800000 : f32
    %broadcast_in_dim3A_116 = vector.broadcast %jit3A_115 : f32 to vector<64x12800xf32>
    %select_n3A_117 = arith.select %and3A_114, %broadcast_in_dim3A_116, %select_n3A_100 : vector<64x12800xi1>, vector<64x12800xf32>
    %reduce_max3A_118 = arith.constant dense<0xFF800000> : vector<64xf32>
    %reduce_max3A_119 = vector.multi_reduction <maximumf>, %select_n3A_117, %reduce_max3A_118 [1] : vector<64x12800xf32> to vector<64xf32>
    %broadcast_in_dim3A_120 = vector.shape_cast %reduce_max3A_119 : vector<64xf32> to vector<64x1xf32>
    %eq3A_121 = vector.broadcast %broadcast_in_dim3A_120 : vector<64x1xf32> to vector<64x12800xf32>
    %eq3A_122 = arith.cmpf oeq, %select_n3A_117, %eq3A_121 : vector<64x12800xf32>
    %jit3A_123 = arith.constant 2147483647 : i32
    %broadcast_in_dim3A_124 = vector.broadcast %jit3A_123 : i32 to vector<64x12800xi32>
    %select_n3A_125 = arith.select %eq3A_122, %add3A_5, %broadcast_in_dim3A_124 : vector<64x12800xi1>, vector<64x12800xi32>
    %reduce_min3A_126 = arith.constant dense<2147483647> : vector<64xi32>
    %reduce_min3A_127 = vector.multi_reduction <minsi>, %select_n3A_125, %reduce_min3A_126 [1] : vector<64x12800xi32> to vector<64xi32>
    %broadcast_in_dim3A_128 = vector.shape_cast %reduce_min3A_127 : vector<64xi32> to vector<64x1xi32>
    %eq3A_129 = vector.broadcast %broadcast_in_dim3A_128 : vector<64x1xi32> to vector<64x12800xi32>
    %eq3A_130 = arith.cmpi eq, %add3A_5, %eq3A_129 : vector<64x12800xi32>
    %and3A_131 = arith.andi %eq3A_122, %eq3A_130 : vector<64x12800xi1>
    %jit3A_132 = arith.constant 0xFF800000 : f32
    %broadcast_in_dim3A_133 = vector.broadcast %jit3A_132 : f32 to vector<64x12800xf32>
    %select_n3A_134 = arith.select %and3A_131, %broadcast_in_dim3A_133, %select_n3A_117 : vector<64x12800xi1>, vector<64x12800xf32>
    %reduce_max3A_135 = arith.constant dense<0xFF800000> : vector<64xf32>
    %reduce_max3A_136 = vector.multi_reduction <maximumf>, %select_n3A_134, %reduce_max3A_135 [1] : vector<64x12800xf32> to vector<64xf32>
    %broadcast_in_dim3A_137 = vector.shape_cast %reduce_max3A_136 : vector<64xf32> to vector<64x1xf32>
    %eq3A_138 = vector.broadcast %broadcast_in_dim3A_137 : vector<64x1xf32> to vector<64x12800xf32>
    %eq3A_139 = arith.cmpf oeq, %select_n3A_134, %eq3A_138 : vector<64x12800xf32>
    %jit3A_140 = arith.constant 2147483647 : i32
    %broadcast_in_dim3A_141 = vector.broadcast %jit3A_140 : i32 to vector<64x12800xi32>
    %select_n3A_142 = arith.select %eq3A_139, %add3A_5, %broadcast_in_dim3A_141 : vector<64x12800xi1>, vector<64x12800xi32>
    %reduce_min3A_143 = arith.constant dense<2147483647> : vector<64xi32>
    %reduce_min3A_144 = vector.multi_reduction <minsi>, %select_n3A_142, %reduce_min3A_143 [1] : vector<64x12800xi32> to vector<64xi32>
    %broadcast_in_dim3A_145 = vector.shape_cast %reduce_min3A_144 : vector<64xi32> to vector<64x1xi32>
    %get3A_146 = arith.constant 0 : index
    %get3A_147 = arith.constant 0 : index
    %get3A_148 = vector.load %arg6[%get3A_146, %get3A_147] : memref<64x8xf32, #tpu.memory_space<vmem>>, vector<64x8xf32>
    %concatenate3A = tpu.concatenate %get3A_148, %broadcast_in_dim3A_20, %broadcast_in_dim3A_35, %broadcast_in_dim3A_52, %broadcast_in_dim3A_69, %broadcast_in_dim3A_86, %broadcast_in_dim3A_103, %broadcast_in_dim3A_120, %broadcast_in_dim3A_137 in 1 : vector<64x8xf32>, vector<64x1xf32>, vector<64x1xf32>, vector<64x1xf32>, vector<64x1xf32>, vector<64x1xf32>, vector<64x1xf32>, vector<64x1xf32>, vector<64x1xf32> -> vector<64x16xf32>
    %get3A_149 = arith.constant 0 : index
    %get3A_150 = arith.constant 0 : index
    %get3A_151 = vector.load %arg7[%get3A_149, %get3A_150] : memref<64x8xi32, #tpu.memory_space<vmem>>, vector<64x8xi32>
    %concatenate3A_152 = tpu.concatenate %get3A_151, %broadcast_in_dim3A_27, %broadcast_in_dim3A_43, %broadcast_in_dim3A_60, %broadcast_in_dim3A_77, %broadcast_in_dim3A_94, %broadcast_in_dim3A_111, %broadcast_in_dim3A_128, %broadcast_in_dim3A_145 in 1 : vector<64x8xi32>, vector<64x1xi32>, vector<64x1xi32>, vector<64x1xi32>, vector<64x1xi32>, vector<64x1xi32>, vector<64x1xi32>, vector<64x1xi32>, vector<64x1xi32> -> vector<64x16xi32>
    %reduce_max3A_153 = arith.constant dense<0xFF800000> : vector<64xf32>
    %reduce_max3A_154 = vector.multi_reduction <maximumf>, %concatenate3A, %reduce_max3A_153 [1] : vector<64x16xf32> to vector<64xf32>
    %broadcast_in_dim3A_155 = vector.shape_cast %reduce_max3A_154 : vector<64xf32> to vector<64x1xf32>
    %eq3A_156 = vector.broadcast %broadcast_in_dim3A_155 : vector<64x1xf32> to vector<64x16xf32>
    %eq3A_157 = arith.cmpf oeq, %concatenate3A, %eq3A_156 : vector<64x16xf32>
    %jit3A_158 = arith.constant 2147483647 : i32
    %broadcast_in_dim3A_159 = vector.broadcast %jit3A_158 : i32 to vector<64x16xi32>
    %select_n3A_160 = arith.select %eq3A_157, %concatenate3A_152, %broadcast_in_dim3A_159 : vector<64x16xi1>, vector<64x16xi32>
    %reduce_min3A_161 = arith.constant dense<2147483647> : vector<64xi32>
    %reduce_min3A_162 = vector.multi_reduction <minsi>, %select_n3A_160, %reduce_min3A_161 [1] : vector<64x16xi32> to vector<64xi32>
    %broadcast_in_dim3A_163 = vector.shape_cast %reduce_min3A_162 : vector<64xi32> to vector<64x1xi32>
    %eq3A_164 = vector.broadcast %broadcast_in_dim3A_163 : vector<64x1xi32> to vector<64x16xi32>
    %eq3A_165 = arith.cmpi eq, %concatenate3A_152, %eq3A_164 : vector<64x16xi32>
    %and3A_166 = arith.andi %eq3A_157, %eq3A_165 : vector<64x16xi1>
    %jit3A_167 = arith.constant 0xFF800000 : f32
    %broadcast_in_dim3A_168 = vector.broadcast %jit3A_167 : f32 to vector<64x16xf32>
    %select_n3A_169 = arith.select %and3A_166, %broadcast_in_dim3A_168, %concatenate3A : vector<64x16xi1>, vector<64x16xf32>
    %reduce_max3A_170 = arith.constant dense<0xFF800000> : vector<64xf32>
    %reduce_max3A_171 = vector.multi_reduction <maximumf>, %select_n3A_169, %reduce_max3A_170 [1] : vector<64x16xf32> to vector<64xf32>
    %broadcast_in_dim3A_172 = vector.shape_cast %reduce_max3A_171 : vector<64xf32> to vector<64x1xf32>
    %eq3A_173 = vector.broadcast %broadcast_in_dim3A_172 : vector<64x1xf32> to vector<64x16xf32>
    %eq3A_174 = arith.cmpf oeq, %select_n3A_169, %eq3A_173 : vector<64x16xf32>
    %jit3A_175 = arith.constant 2147483647 : i32
    %broadcast_in_dim3A_176 = vector.broadcast %jit3A_175 : i32 to vector<64x16xi32>
    %select_n3A_177 = arith.select %eq3A_174, %concatenate3A_152, %broadcast_in_dim3A_176 : vector<64x16xi1>, vector<64x16xi32>
    %reduce_min3A_178 = arith.constant dense<2147483647> : vector<64xi32>
    %reduce_min3A_179 = vector.multi_reduction <minsi>, %select_n3A_177, %reduce_min3A_178 [1] : vector<64x16xi32> to vector<64xi32>
    %broadcast_in_dim3A_180 = vector.shape_cast %reduce_min3A_179 : vector<64xi32> to vector<64x1xi32>
    %eq3A_181 = vector.broadcast %broadcast_in_dim3A_180 : vector<64x1xi32> to vector<64x16xi32>
    %eq3A_182 = arith.cmpi eq, %concatenate3A_152, %eq3A_181 : vector<64x16xi32>
    %and3A_183 = arith.andi %eq3A_174, %eq3A_182 : vector<64x16xi1>
    %jit3A_184 = arith.constant 0xFF800000 : f32
    %broadcast_in_dim3A_185 = vector.broadcast %jit3A_184 : f32 to vector<64x16xf32>
    %select_n3A_186 = arith.select %and3A_183, %broadcast_in_dim3A_185, %select_n3A_169 : vector<64x16xi1>, vector<64x16xf32>
    %reduce_max3A_187 = arith.constant dense<0xFF800000> : vector<64xf32>
    %reduce_max3A_188 = vector.multi_reduction <maximumf>, %select_n3A_186, %reduce_max3A_187 [1] : vector<64x16xf32> to vector<64xf32>
    %broadcast_in_dim3A_189 = vector.shape_cast %reduce_max3A_188 : vector<64xf32> to vector<64x1xf32>
    %eq3A_190 = vector.broadcast %broadcast_in_dim3A_189 : vector<64x1xf32> to vector<64x16xf32>
    %eq3A_191 = arith.cmpf oeq, %select_n3A_186, %eq3A_190 : vector<64x16xf32>
    %jit3A_192 = arith.constant 2147483647 : i32
    %broadcast_in_dim3A_193 = vector.broadcast %jit3A_192 : i32 to vector<64x16xi32>
    %select_n3A_194 = arith.select %eq3A_191, %concatenate3A_152, %broadcast_in_dim3A_193 : vector<64x16xi1>, vector<64x16xi32>
    %reduce_min3A_195 = arith.constant dense<2147483647> : vector<64xi32>
    %reduce_min3A_196 = vector.multi_reduction <minsi>, %select_n3A_194, %reduce_min3A_195 [1] : vector<64x16xi32> to vector<64xi32>
    %broadcast_in_dim3A_197 = vector.shape_cast %reduce_min3A_196 : vector<64xi32> to vector<64x1xi32>
    %eq3A_198 = vector.broadcast %broadcast_in_dim3A_197 : vector<64x1xi32> to vector<64x16xi32>
    %eq3A_199 = arith.cmpi eq, %concatenate3A_152, %eq3A_198 : vector<64x16xi32>
    %and3A_200 = arith.andi %eq3A_191, %eq3A_199 : vector<64x16xi1>
    %jit3A_201 = arith.constant 0xFF800000 : f32
    %broadcast_in_dim3A_202 = vector.broadcast %jit3A_201 : f32 to vector<64x16xf32>
    %select_n3A_203 = arith.select %and3A_200, %broadcast_in_dim3A_202, %select_n3A_186 : vector<64x16xi1>, vector<64x16xf32>
    %reduce_max3A_204 = arith.constant dense<0xFF800000> : vector<64xf32>
    %reduce_max3A_205 = vector.multi_reduction <maximumf>, %select_n3A_203, %reduce_max3A_204 [1] : vector<64x16xf32> to vector<64xf32>
    %broadcast_in_dim3A_206 = vector.shape_cast %reduce_max3A_205 : vector<64xf32> to vector<64x1xf32>
    %eq3A_207 = vector.broadcast %broadcast_in_dim3A_206 : vector<64x1xf32> to vector<64x16xf32>
    %eq3A_208 = arith.cmpf oeq, %select_n3A_203, %eq3A_207 : vector<64x16xf32>
    %jit3A_209 = arith.constant 2147483647 : i32
    %broadcast_in_dim3A_210 = vector.broadcast %jit3A_209 : i32 to vector<64x16xi32>
    %select_n3A_211 = arith.select %eq3A_208, %concatenate3A_152, %broadcast_in_dim3A_210 : vector<64x16xi1>, vector<64x16xi32>
    %reduce_min3A_212 = arith.constant dense<2147483647> : vector<64xi32>
    %reduce_min3A_213 = vector.multi_reduction <minsi>, %select_n3A_211, %reduce_min3A_212 [1] : vector<64x16xi32> to vector<64xi32>
    %broadcast_in_dim3A_214 = vector.shape_cast %reduce_min3A_213 : vector<64xi32> to vector<64x1xi32>
    %eq3A_215 = vector.broadcast %broadcast_in_dim3A_214 : vector<64x1xi32> to vector<64x16xi32>
    %eq3A_216 = arith.cmpi eq, %concatenate3A_152, %eq3A_215 : vector<64x16xi32>
    %and3A_217 = arith.andi %eq3A_208, %eq3A_216 : vector<64x16xi1>
    %jit3A_218 = arith.constant 0xFF800000 : f32
    %broadcast_in_dim3A_219 = vector.broadcast %jit3A_218 : f32 to vector<64x16xf32>
    %select_n3A_220 = arith.select %and3A_217, %broadcast_in_dim3A_219, %select_n3A_203 : vector<64x16xi1>, vector<64x16xf32>
    %reduce_max3A_221 = arith.constant dense<0xFF800000> : vector<64xf32>
    %reduce_max3A_222 = vector.multi_reduction <maximumf>, %select_n3A_220, %reduce_max3A_221 [1] : vector<64x16xf32> to vector<64xf32>
    %broadcast_in_dim3A_223 = vector.shape_cast %reduce_max3A_222 : vector<64xf32> to vector<64x1xf32>
    %eq3A_224 = vector.broadcast %broadcast_in_dim3A_223 : vector<64x1xf32> to vector<64x16xf32>
    %eq3A_225 = arith.cmpf oeq, %select_n3A_220, %eq3A_224 : vector<64x16xf32>
    %jit3A_226 = arith.constant 2147483647 : i32
    %broadcast_in_dim3A_227 = vector.broadcast %jit3A_226 : i32 to vector<64x16xi32>
    %select_n3A_228 = arith.select %eq3A_225, %concatenate3A_152, %broadcast_in_dim3A_227 : vector<64x16xi1>, vector<64x16xi32>
    %reduce_min3A_229 = arith.constant dense<2147483647> : vector<64xi32>
    %reduce_min3A_230 = vector.multi_reduction <minsi>, %select_n3A_228, %reduce_min3A_229 [1] : vector<64x16xi32> to vector<64xi32>
    %broadcast_in_dim3A_231 = vector.shape_cast %reduce_min3A_230 : vector<64xi32> to vector<64x1xi32>
    %eq3A_232 = vector.broadcast %broadcast_in_dim3A_231 : vector<64x1xi32> to vector<64x16xi32>
    %eq3A_233 = arith.cmpi eq, %concatenate3A_152, %eq3A_232 : vector<64x16xi32>
    %and3A_234 = arith.andi %eq3A_225, %eq3A_233 : vector<64x16xi1>
    %jit3A_235 = arith.constant 0xFF800000 : f32
    %broadcast_in_dim3A_236 = vector.broadcast %jit3A_235 : f32 to vector<64x16xf32>
    %select_n3A_237 = arith.select %and3A_234, %broadcast_in_dim3A_236, %select_n3A_220 : vector<64x16xi1>, vector<64x16xf32>
    %reduce_max3A_238 = arith.constant dense<0xFF800000> : vector<64xf32>
    %reduce_max3A_239 = vector.multi_reduction <maximumf>, %select_n3A_237, %reduce_max3A_238 [1] : vector<64x16xf32> to vector<64xf32>
    %broadcast_in_dim3A_240 = vector.shape_cast %reduce_max3A_239 : vector<64xf32> to vector<64x1xf32>
    %eq3A_241 = vector.broadcast %broadcast_in_dim3A_240 : vector<64x1xf32> to vector<64x16xf32>
    %eq3A_242 = arith.cmpf oeq, %select_n3A_237, %eq3A_241 : vector<64x16xf32>
    %jit3A_243 = arith.constant 2147483647 : i32
    %broadcast_in_dim3A_244 = vector.broadcast %jit3A_243 : i32 to vector<64x16xi32>
    %select_n3A_245 = arith.select %eq3A_242, %concatenate3A_152, %broadcast_in_dim3A_244 : vector<64x16xi1>, vector<64x16xi32>
    %reduce_min3A_246 = arith.constant dense<2147483647> : vector<64xi32>
    %reduce_min3A_247 = vector.multi_reduction <minsi>, %select_n3A_245, %reduce_min3A_246 [1] : vector<64x16xi32> to vector<64xi32>
    %broadcast_in_dim3A_248 = vector.shape_cast %reduce_min3A_247 : vector<64xi32> to vector<64x1xi32>
    %eq3A_249 = vector.broadcast %broadcast_in_dim3A_248 : vector<64x1xi32> to vector<64x16xi32>
    %eq3A_250 = arith.cmpi eq, %concatenate3A_152, %eq3A_249 : vector<64x16xi32>
    %and3A_251 = arith.andi %eq3A_242, %eq3A_250 : vector<64x16xi1>
    %jit3A_252 = arith.constant 0xFF800000 : f32
    %broadcast_in_dim3A_253 = vector.broadcast %jit3A_252 : f32 to vector<64x16xf32>
    %select_n3A_254 = arith.select %and3A_251, %broadcast_in_dim3A_253, %select_n3A_237 : vector<64x16xi1>, vector<64x16xf32>
    %reduce_max3A_255 = arith.constant dense<0xFF800000> : vector<64xf32>
    %reduce_max3A_256 = vector.multi_reduction <maximumf>, %select_n3A_254, %reduce_max3A_255 [1] : vector<64x16xf32> to vector<64xf32>
    %broadcast_in_dim3A_257 = vector.shape_cast %reduce_max3A_256 : vector<64xf32> to vector<64x1xf32>
    %eq3A_258 = vector.broadcast %broadcast_in_dim3A_257 : vector<64x1xf32> to vector<64x16xf32>
    %eq3A_259 = arith.cmpf oeq, %select_n3A_254, %eq3A_258 : vector<64x16xf32>
    %jit3A_260 = arith.constant 2147483647 : i32
    %broadcast_in_dim3A_261 = vector.broadcast %jit3A_260 : i32 to vector<64x16xi32>
    %select_n3A_262 = arith.select %eq3A_259, %concatenate3A_152, %broadcast_in_dim3A_261 : vector<64x16xi1>, vector<64x16xi32>
    %reduce_min3A_263 = arith.constant dense<2147483647> : vector<64xi32>
    %reduce_min3A_264 = vector.multi_reduction <minsi>, %select_n3A_262, %reduce_min3A_263 [1] : vector<64x16xi32> to vector<64xi32>
    %broadcast_in_dim3A_265 = vector.shape_cast %reduce_min3A_264 : vector<64xi32> to vector<64x1xi32>
    %eq3A_266 = vector.broadcast %broadcast_in_dim3A_265 : vector<64x1xi32> to vector<64x16xi32>
    %eq3A_267 = arith.cmpi eq, %concatenate3A_152, %eq3A_266 : vector<64x16xi32>
    %and3A_268 = arith.andi %eq3A_259, %eq3A_267 : vector<64x16xi1>
    %jit3A_269 = arith.constant 0xFF800000 : f32
    %broadcast_in_dim3A_270 = vector.broadcast %jit3A_269 : f32 to vector<64x16xf32>
    %select_n3A_271 = arith.select %and3A_268, %broadcast_in_dim3A_270, %select_n3A_254 : vector<64x16xi1>, vector<64x16xf32>
    %reduce_max3A_272 = arith.constant dense<0xFF800000> : vector<64xf32>
    %reduce_max3A_273 = vector.multi_reduction <maximumf>, %select_n3A_271, %reduce_max3A_272 [1] : vector<64x16xf32> to vector<64xf32>
    %broadcast_in_dim3A_274 = vector.shape_cast %reduce_max3A_273 : vector<64xf32> to vector<64x1xf32>
    %eq3A_275 = vector.broadcast %broadcast_in_dim3A_274 : vector<64x1xf32> to vector<64x16xf32>
    %eq3A_276 = arith.cmpf oeq, %select_n3A_271, %eq3A_275 : vector<64x16xf32>
    %jit3A_277 = arith.constant 2147483647 : i32
    %broadcast_in_dim3A_278 = vector.broadcast %jit3A_277 : i32 to vector<64x16xi32>
    %select_n3A_279 = arith.select %eq3A_276, %concatenate3A_152, %broadcast_in_dim3A_278 : vector<64x16xi1>, vector<64x16xi32>
    %reduce_min3A_280 = arith.constant dense<2147483647> : vector<64xi32>
    %reduce_min3A_281 = vector.multi_reduction <minsi>, %select_n3A_279, %reduce_min3A_280 [1] : vector<64x16xi32> to vector<64xi32>
    %broadcast_in_dim3A_282 = vector.shape_cast %reduce_min3A_281 : vector<64xi32> to vector<64x1xi32>
    %concatenate3A_283 = tpu.concatenate %broadcast_in_dim3A_155, %broadcast_in_dim3A_172, %broadcast_in_dim3A_189, %broadcast_in_dim3A_206, %broadcast_in_dim3A_223, %broadcast_in_dim3A_240, %broadcast_in_dim3A_257, %broadcast_in_dim3A_274 in 1 : vector<64x1xf32>, vector<64x1xf32>, vector<64x1xf32>, vector<64x1xf32>, vector<64x1xf32>, vector<64x1xf32>, vector<64x1xf32>, vector<64x1xf32> -> vector<64x8xf32>
    %swap3A_284 = arith.constant 0 : index
    %swap3A_285 = arith.constant 0 : index
    %swap3A_286 = vector.load %arg6[%swap3A_284, %swap3A_285] : memref<64x8xf32, #tpu.memory_space<vmem>>, vector<64x8xf32>
    tpu.vector_store %arg6[%swap3A_284, %swap3A_285], %concatenate3A_283 {strides = array<i32>} : memref<64x8xf32, #tpu.memory_space<vmem>>, vector<64x8xf32>,
    %concatenate3A_287 = tpu.concatenate %broadcast_in_dim3A_163, %broadcast_in_dim3A_180, %broadcast_in_dim3A_197, %broadcast_in_dim3A_214, %broadcast_in_dim3A_231, %broadcast_in_dim3A_248, %broadcast_in_dim3A_265, %broadcast_in_dim3A_282 in 1 : vector<64x1xi32>, vector<64x1xi32>, vector<64x1xi32>, vector<64x1xi32>, vector<64x1xi32>, vector<64x1xi32>, vector<64x1xi32>, vector<64x1xi32> -> vector<64x8xi32>
    %swap3A_288 = arith.constant 0 : index
    %swap3A_289 = arith.constant 0 : index
    %swap3A_290 = vector.load %arg7[%swap3A_288, %swap3A_289] : memref<64x8xi32, #tpu.memory_space<vmem>>, vector<64x8xi32>
    tpu.vector_store %arg7[%swap3A_288, %swap3A_289], %concatenate3A_287 {strides = array<i32>} : memref<64x8xi32, #tpu.memory_space<vmem>>, vector<64x8xi32>,
    %eq3A_291 = arith.constant 7 : i32
    %eq3A_292 = arith.cmpi eq, %arg0, %eq3A_291 : i32
    %convert_element_type3A_293 = arith.extui %eq3A_292 : i1 to i32
    %cond3A_294 = arith.constant 0 : i32
    %cond3A_295 = arith.cmpi ne, %convert_element_type3A_293, %cond3A_294 : i32
    scf.if %cond3A_295 {
      %get3A_296 = arith.constant 0 : index
      %get3A_297 = arith.constant 0 : index
      %get3A_298 = vector.load %arg6[%get3A_296, %get3A_297] : memref<64x8xf32, #tpu.memory_space<vmem>>, vector<64x8xf32>
      %get3A_299 = arith.constant 0 : index
      %get3A_300 = arith.constant 0 : index
      %get3A_301 = vector.load %arg7[%get3A_299, %get3A_300] : memref<64x8xi32, #tpu.memory_space<vmem>>, vector<64x8xi32>
      %get3A_302 = arith.constant 0 : index
      %get3A_303 = arith.constant 0 : index
      %get3A_304 = vector.load %arg5[%get3A_302, %get3A_303] : memref<64x1xf32, #tpu.memory_space<vmem>>, vector<64x1xf32>
      %slice3A = vector.extract_strided_slice %get3A_298 {offsets = [0, 0], sizes = [64, 1], strides = [1, 1]} : vector<64x8xf32> to vector<64x1xf32>
      %mul3A_305 = arith.constant 5.000000e-01 : f32
      %mul3A_306 = vector.broadcast %mul3A_305 : f32 to vector<64x1xf32>
      %mul3A_307 = arith.mulf %slice3A, %mul3A_306 : vector<64x1xf32>
      %exp3A_308 = math.exp %mul3A_307 : vector<64x1xf32>
      %div3A = arith.divf %exp3A_308, %get3A_304 : vector<64x1xf32>
      %swap3A_309 = arith.constant 0 : index
      %swap3A_310 = arith.constant 0 : index
      %swap3A_311 = vector.load %arg2[%swap3A_309, %swap3A_310] : memref<64x8xf32, #tpu.memory_space<vmem>>, vector<64x1xf32>
      tpu.vector_store %arg2[%swap3A_309, %swap3A_310], %div3A {strides = array<i32>} : memref<64x8xf32, #tpu.memory_space<vmem>>, vector<64x1xf32>,
      %sub3A = arith.subf %get3A_304, %exp3A_308 : vector<64x1xf32>
      %slice3A_312 = vector.extract_strided_slice %get3A_298 {offsets = [0, 1], sizes = [64, 1], strides = [1, 1]} : vector<64x8xf32> to vector<64x1xf32>
      %mul3A_313 = arith.constant 5.000000e-01 : f32
      %mul3A_314 = vector.broadcast %mul3A_313 : f32 to vector<64x1xf32>
      %mul3A_315 = arith.mulf %slice3A_312, %mul3A_314 : vector<64x1xf32>
      %exp3A_316 = math.exp %mul3A_315 : vector<64x1xf32>
      %div3A_317 = arith.divf %exp3A_316, %sub3A : vector<64x1xf32>
      %swap3A_318 = arith.constant 0 : index
      %swap3A_319 = arith.constant 1 : index
      %swap3A_320 = vector.load %arg2[%swap3A_318, %swap3A_319] : memref<64x8xf32, #tpu.memory_space<vmem>>, vector<64x1xf32>
      tpu.vector_store %arg2[%swap3A_318, %swap3A_319], %div3A_317 {strides = array<i32>} : memref<64x8xf32, #tpu.memory_space<vmem>>, vector<64x1xf32>,
      %sub3A_321 = arith.subf %sub3A, %exp3A_316 : vector<64x1xf32>
      %slice3A_322 = vector.extract_strided_slice %get3A_298 {offsets = [0, 2], sizes = [64, 1], strides = [1, 1]} : vector<64x8xf32> to vector<64x1xf32>
      %mul3A_323 = arith.constant 5.000000e-01 : f32
      %mul3A_324 = vector.broadcast %mul3A_323 : f32 to vector<64x1xf32>
      %mul3A_325 = arith.mulf %slice3A_322, %mul3A_324 : vector<64x1xf32>
      %exp3A_326 = math.exp %mul3A_325 : vector<64x1xf32>
      %div3A_327 = arith.divf %exp3A_326, %sub3A_321 : vector<64x1xf32>
      %swap3A_328 = arith.constant 0 : index
      %swap3A_329 = arith.constant 2 : index
      %swap3A_330 = vector.load %arg2[%swap3A_328, %swap3A_329] : memref<64x8xf32, #tpu.memory_space<vmem>>, vector<64x1xf32>
      tpu.vector_store %arg2[%swap3A_328, %swap3A_329], %div3A_327 {strides = array<i32>} : memref<64x8xf32, #tpu.memory_space<vmem>>, vector<64x1xf32>,
      %sub3A_331 = arith.subf %sub3A_321, %exp3A_326 : vector<64x1xf32>
      %slice3A_332 = vector.extract_strided_slice %get3A_298 {offsets = [0, 3], sizes = [64, 1], strides = [1, 1]} : vector<64x8xf32> to vector<64x1xf32>
      %mul3A_333 = arith.constant 5.000000e-01 : f32
      %mul3A_334 = vector.broadcast %mul3A_333 : f32 to vector<64x1xf32>
      %mul3A_335 = arith.mulf %slice3A_332, %mul3A_334 : vector<64x1xf32>
      %exp3A_336 = math.exp %mul3A_335 : vector<64x1xf32>
      %div3A_337 = arith.divf %exp3A_336, %sub3A_331 : vector<64x1xf32>
      %swap3A_338 = arith.constant 0 : index
      %swap3A_339 = arith.constant 3 : index
      %swap3A_340 = vector.load %arg2[%swap3A_338, %swap3A_339] : memref<64x8xf32, #tpu.memory_space<vmem>>, vector<64x1xf32>
      tpu.vector_store %arg2[%swap3A_338, %swap3A_339], %div3A_337 {strides = array<i32>} : memref<64x8xf32, #tpu.memory_space<vmem>>, vector<64x1xf32>,
      %sub3A_341 = arith.subf %sub3A_331, %exp3A_336 : vector<64x1xf32>
      %slice3A_342 = vector.extract_strided_slice %get3A_298 {offsets = [0, 4], sizes = [64, 1], strides = [1, 1]} : vector<64x8xf32> to vector<64x1xf32>
      %mul3A_343 = arith.constant 5.000000e-01 : f32
      %mul3A_344 = vector.broadcast %mul3A_343 : f32 to vector<64x1xf32>
      %mul3A_345 = arith.mulf %slice3A_342, %mul3A_344 : vector<64x1xf32>
      %exp3A_346 = math.exp %mul3A_345 : vector<64x1xf32>
      %div3A_347 = arith.divf %exp3A_346, %sub3A_341 : vector<64x1xf32>
      %swap3A_348 = arith.constant 0 : index
      %swap3A_349 = arith.constant 4 : index
      %swap3A_350 = vector.load %arg2[%swap3A_348, %swap3A_349] : memref<64x8xf32, #tpu.memory_space<vmem>>, vector<64x1xf32>
      tpu.vector_store %arg2[%swap3A_348, %swap3A_349], %div3A_347 {strides = array<i32>} : memref<64x8xf32, #tpu.memory_space<vmem>>, vector<64x1xf32>,
      %sub3A_351 = arith.subf %sub3A_341, %exp3A_346 : vector<64x1xf32>
      %slice3A_352 = vector.extract_strided_slice %get3A_298 {offsets = [0, 5], sizes = [64, 1], strides = [1, 1]} : vector<64x8xf32> to vector<64x1xf32>
      %mul3A_353 = arith.constant 5.000000e-01 : f32
      %mul3A_354 = vector.broadcast %mul3A_353 : f32 to vector<64x1xf32>
      %mul3A_355 = arith.mulf %slice3A_352, %mul3A_354 : vector<64x1xf32>
      %exp3A_356 = math.exp %mul3A_355 : vector<64x1xf32>
      %div3A_357 = arith.divf %exp3A_356, %sub3A_351 : vector<64x1xf32>
      %swap3A_358 = arith.constant 0 : index
      %swap3A_359 = arith.constant 5 : index
      %swap3A_360 = vector.load %arg2[%swap3A_358, %swap3A_359] : memref<64x8xf32, #tpu.memory_space<vmem>>, vector<64x1xf32>
      tpu.vector_store %arg2[%swap3A_358, %swap3A_359], %div3A_357 {strides = array<i32>} : memref<64x8xf32, #tpu.memory_space<vmem>>, vector<64x1xf32>,
      %sub3A_361 = arith.subf %sub3A_351, %exp3A_356 : vector<64x1xf32>
      %slice3A_362 = vector.extract_strided_slice %get3A_298 {offsets = [0, 6], sizes = [64, 1], strides = [1, 1]} : vector<64x8xf32> to vector<64x1xf32>
      %mul3A_363 = arith.constant 5.000000e-01 : f32
      %mul3A_364 = vector.broadcast %mul3A_363 : f32 to vector<64x1xf32>
      %mul3A_365 = arith.mulf %slice3A_362, %mul3A_364 : vector<64x1xf32>
      %exp3A_366 = math.exp %mul3A_365 : vector<64x1xf32>
      %div3A_367 = arith.divf %exp3A_366, %sub3A_361 : vector<64x1xf32>
      %swap3A_368 = arith.constant 0 : index
      %swap3A_369 = arith.constant 6 : index
      %swap3A_370 = vector.load %arg2[%swap3A_368, %swap3A_369] : memref<64x8xf32, #tpu.memory_space<vmem>>, vector<64x1xf32>
      tpu.vector_store %arg2[%swap3A_368, %swap3A_369], %div3A_367 {strides = array<i32>} : memref<64x8xf32, #tpu.memory_space<vmem>>, vector<64x1xf32>,
      %sub3A_371 = arith.subf %sub3A_361, %exp3A_366 : vector<64x1xf32>
      %slice3A_372 = vector.extract_strided_slice %get3A_298 {offsets = [0, 7], sizes = [64, 1], strides = [1, 1]} : vector<64x8xf32> to vector<64x1xf32>
      %mul3A_373 = arith.constant 5.000000e-01 : f32
      %mul3A_374 = vector.broadcast %mul3A_373 : f32 to vector<64x1xf32>
      %mul3A_375 = arith.mulf %slice3A_372, %mul3A_374 : vector<64x1xf32>
      %exp3A_376 = math.exp %mul3A_375 : vector<64x1xf32>
      %div3A_377 = arith.divf %exp3A_376, %sub3A_371 : vector<64x1xf32>
      %swap3A_378 = arith.constant 0 : index
      %swap3A_379 = arith.constant 7 : index
      %swap3A_380 = vector.load %arg2[%swap3A_378, %swap3A_379] : memref<64x8xf32, #tpu.memory_space<vmem>>, vector<64x1xf32>
      tpu.vector_store %arg2[%swap3A_378, %swap3A_379], %div3A_377 {strides = array<i32>} : memref<64x8xf32, #tpu.memory_space<vmem>>, vector<64x1xf32>,
      %swap3A_381 = arith.constant 0 : index
      %swap3A_382 = arith.constant 0 : index
      %swap3A_383 = vector.load %arg3[%swap3A_381, %swap3A_382] : memref<64x8xi32, #tpu.memory_space<vmem>>, vector<64x8xi32>
      tpu.vector_store %arg3[%swap3A_381, %swap3A_382], %get3A_301 {strides = array<i32>} : memref<64x8xi32, #tpu.memory_space<vmem>>, vector<64x8xi32>,
      %iota3A_384 = tpu.iota {dimensions = array<i32: 1>} : vector<64x32xi32>
      %add3A_385 = arith.constant 99968 : i32
      %add3A_386 = vector.broadcast %add3A_385 : i32 to vector<64x32xi32>
      %add3A_387 = arith.addi %iota3A_384, %add3A_386 : vector<64x32xi32>
      %broadcast_in_dim3A_388 = arith.constant 0.000000e+00 : f32
      %broadcast_in_dim3A_389 = vector.broadcast %broadcast_in_dim3A_388 : f32 to vector<64x32xf32>
      %slice3A_390 = vector.extract_strided_slice %get3A_301 {offsets = [0, 0], sizes = [64, 1], strides = [1, 1]} : vector<64x8xi32> to vector<64x1xi32>
      %eq3A_391 = vector.broadcast %slice3A_390 : vector<64x1xi32> to vector<64x32xi32>
      %eq3A_392 = arith.cmpi eq, %eq3A_391, %add3A_387 : vector<64x32xi32>
      %broadcast_in_dim3A_393 = vector.shape_cast %div3A : vector<64x1xf32> to vector<64x1xf32>
      %broadcast_in_dim3A_394 = vector.broadcast %broadcast_in_dim3A_393 : vector<64x1xf32> to vector<64x32xf32>
      %select_n3A_395 = arith.select %eq3A_392, %broadcast_in_dim3A_394, %broadcast_in_dim3A_389 : vector<64x32xi1>, vector<64x32xf32>
      %slice3A_396 = vector.extract_strided_slice %get3A_301 {offsets = [0, 1], sizes = [64, 1], strides = [1, 1]} : vector<64x8xi32> to vector<64x1xi32>
      %eq3A_397 = vector.broadcast %slice3A_396 : vector<64x1xi32> to vector<64x32xi32>
      %eq3A_398 = arith.cmpi eq, %eq3A_397, %add3A_387 : vector<64x32xi32>
      %broadcast_in_dim3A_399 = vector.shape_cast %div3A_317 : vector<64x1xf32> to vector<64x1xf32>
      %broadcast_in_dim3A_400 = vector.broadcast %broadcast_in_dim3A_399 : vector<64x1xf32> to vector<64x32xf32>
      %select_n3A_401 = arith.select %eq3A_398, %broadcast_in_dim3A_400, %select_n3A_395 : vector<64x32xi1>, vector<64x32xf32>
      %slice3A_402 = vector.extract_strided_slice %get3A_301 {offsets = [0, 2], sizes = [64, 1], strides = [1, 1]} : vector<64x8xi32> to vector<64x1xi32>
      %eq3A_403 = vector.broadcast %slice3A_402 : vector<64x1xi32> to vector<64x32xi32>
      %eq3A_404 = arith.cmpi eq, %eq3A_403, %add3A_387 : vector<64x32xi32>
      %broadcast_in_dim3A_405 = vector.shape_cast %div3A_327 : vector<64x1xf32> to vector<64x1xf32>
      %broadcast_in_dim3A_406 = vector.broadcast %broadcast_in_dim3A_405 : vector<64x1xf32> to vector<64x32xf32>
      %select_n3A_407 = arith.select %eq3A_404, %broadcast_in_dim3A_406, %select_n3A_401 : vector<64x32xi1>, vector<64x32xf32>
      %slice3A_408 = vector.extract_strided_slice %get3A_301 {offsets = [0, 3], sizes = [64, 1], strides = [1, 1]} : vector<64x8xi32> to vector<64x1xi32>
      %eq3A_409 = vector.broadcast %slice3A_408 : vector<64x1xi32> to vector<64x32xi32>
      %eq3A_410 = arith.cmpi eq, %eq3A_409, %add3A_387 : vector<64x32xi32>
      %broadcast_in_dim3A_411 = vector.shape_cast %div3A_337 : vector<64x1xf32> to vector<64x1xf32>
      %broadcast_in_dim3A_412 = vector.broadcast %broadcast_in_dim3A_411 : vector<64x1xf32> to vector<64x32xf32>
      %select_n3A_413 = arith.select %eq3A_410, %broadcast_in_dim3A_412, %select_n3A_407 : vector<64x32xi1>, vector<64x32xf32>
      %slice3A_414 = vector.extract_strided_slice %get3A_301 {offsets = [0, 4], sizes = [64, 1], strides = [1, 1]} : vector<64x8xi32> to vector<64x1xi32>
      %eq3A_415 = vector.broadcast %slice3A_414 : vector<64x1xi32> to vector<64x32xi32>
      %eq3A_416 = arith.cmpi eq, %eq3A_415, %add3A_387 : vector<64x32xi32>
      %broadcast_in_dim3A_417 = vector.shape_cast %div3A_347 : vector<64x1xf32> to vector<64x1xf32>
      %broadcast_in_dim3A_418 = vector.broadcast %broadcast_in_dim3A_417 : vector<64x1xf32> to vector<64x32xf32>
      %select_n3A_419 = arith.select %eq3A_416, %broadcast_in_dim3A_418, %select_n3A_413 : vector<64x32xi1>, vector<64x32xf32>
      %slice3A_420 = vector.extract_strided_slice %get3A_301 {offsets = [0, 5], sizes = [64, 1], strides = [1, 1]} : vector<64x8xi32> to vector<64x1xi32>
      %eq3A_421 = vector.broadcast %slice3A_420 : vector<64x1xi32> to vector<64x32xi32>
      %eq3A_422 = arith.cmpi eq, %eq3A_421, %add3A_387 : vector<64x32xi32>
      %broadcast_in_dim3A_423 = vector.shape_cast %div3A_357 : vector<64x1xf32> to vector<64x1xf32>
      %broadcast_in_dim3A_424 = vector.broadcast %broadcast_in_dim3A_423 : vector<64x1xf32> to vector<64x32xf32>
      %select_n3A_425 = arith.select %eq3A_422, %broadcast_in_dim3A_424, %select_n3A_419 : vector<64x32xi1>, vector<64x32xf32>
      %slice3A_426 = vector.extract_strided_slice %get3A_301 {offsets = [0, 6], sizes = [64, 1], strides = [1, 1]} : vector<64x8xi32> to vector<64x1xi32>
      %eq3A_427 = vector.broadcast %slice3A_426 : vector<64x1xi32> to vector<64x32xi32>
      %eq3A_428 = arith.cmpi eq, %eq3A_427, %add3A_387 : vector<64x32xi32>
      %broadcast_in_dim3A_429 = vector.shape_cast %div3A_367 : vector<64x1xf32> to vector<64x1xf32>
      %broadcast_in_dim3A_430 = vector.broadcast %broadcast_in_dim3A_429 : vector<64x1xf32> to vector<64x32xf32>
      %select_n3A_431 = arith.select %eq3A_428, %broadcast_in_dim3A_430, %select_n3A_425 : vector<64x32xi1>, vector<64x32xf32>
      %slice3A_432 = vector.extract_strided_slice %get3A_301 {offsets = [0, 7], sizes = [64, 1], strides = [1, 1]} : vector<64x8xi32> to vector<64x1xi32>
      %eq3A_433 = vector.broadcast %slice3A_432 : vector<64x1xi32> to vector<64x32xi32>
      %eq3A_434 = arith.cmpi eq, %eq3A_433, %add3A_387 : vector<64x32xi32>
      %broadcast_in_dim3A_435 = vector.shape_cast %div3A_377 : vector<64x1xf32> to vector<64x1xf32>
      %broadcast_in_dim3A_436 = vector.broadcast %broadcast_in_dim3A_435 : vector<64x1xf32> to vector<64x32xf32>
      %select_n3A_437 = arith.select %eq3A_434, %broadcast_in_dim3A_436, %select_n3A_431 : vector<64x32xi1>, vector<64x32xf32>
      %swap3A_438 = arith.constant 0 : index
      %swap3A_439 = arith.constant 0 : index
      %swap3A_440 = vector.load %arg4[%swap3A_438, %swap3A_439] : memref<64x32xf32, #tpu.memory_space<vmem>>, vector<64x32xf32>
      tpu.vector_store %arg4[%swap3A_438, %swap3A_439], %select_n3A_437 {strides = array<i32>} : memref<64x32xf32, #tpu.memory_space<vmem>>, vector<64x32xf32>,
    } else {
    }
    return
  }
  func.func @transform_0(%arg0: i32) -> (i32, i32) {
    %c0_i32 = arith.constant 0 : i32
    %c0_i32_0 = arith.constant 0 : i32
    return %c0_i32, %arg0 : i32, i32
  }
  func.func @transform_1(%arg0: i32) -> (i32, i32) {
    %c0_i32 = arith.constant 0 : i32
    %c0_i32_0 = arith.constant 0 : i32
    %c0_i32_1 = arith.constant 0 : i32
    return %c0_i32, %c0_i32_0 : i32, i32
  }
  func.func @transform_2(%arg0: i32) -> (i32, i32) {
    %c0_i32 = arith.constant 0 : i32
    %c0_i32_0 = arith.constant 0 : i32
    %c0_i32_1 = arith.constant 0 : i32
    return %c0_i32, %c0_i32_0 : i32, i32
  }
  func.func @transform_3(%arg0: i32) -> (i32, i32) {
    %c0_i32 = arith.constant 0 : i32
    %c0_i32_0 = arith.constant 0 : i32
    %c0_i32_1 = arith.constant 0 : i32
    return %c0_i32, %c0_i32_0 : i32, i32
  }
}

module attributes {stable_mosaic.version = 14 : i64} {
  func.func @_scatter_body(%arg0: i32, %arg1: memref<64x8xi32, #tpu.memory_space<smem>>, %arg2: memref<64x8xi32, #tpu.memory_space<vmem>>, %arg3: memref<64x8xf32, #tpu.memory_space<vmem>>, %arg4: memref<64x100000xf32, #tpu.memory_space<any>>, %arg5: memref<64x100000xf32, #tpu.memory_space<any>>, %arg6: memref<64x128xf32, #tpu.memory_space<vmem>>, %arg7: memref<64x128xf32, #tpu.memory_space<vmem>>, %arg8: memref<!tpu.dma_semaphore, #tpu.memory_space<semaphore_mem>>, %arg9: memref<!tpu.dma_semaphore, #tpu.memory_space<semaphore_mem>>) attributes {dimension_semantics = [#tpu.dimension_semantics<arbitrary>], iteration_bounds = array<i64: 1>, scalar_prefetch = 1 : i64, scratch_operands = 4 : i64, tpu.core_type = #tpu.core_type<tc>, window_params = [{pipeline_mode = #tpu.pipeline_mode<synchronous>, transform_indices = @transform_0, window_bounds = array<i64: 64, 8>}, {pipeline_mode = #tpu.pipeline_mode<synchronous>, transform_indices = @transform_1, window_bounds = array<i64: 64, 8>}, {}, {}]} {
    %get3A = arith.constant 0 : index
    %get3A_0 = arith.constant 0 : index
    %get3A_1 = vector.load %arg2[%get3A, %get3A_0] : memref<64x8xi32, #tpu.memory_space<vmem>>, vector<64x8xi32>
    %get3A_2 = arith.constant 0 : index
    %get3A_3 = arith.constant 0 : index
    %get3A_4 = vector.load %arg3[%get3A_2, %get3A_3] : memref<64x8xf32, #tpu.memory_space<vmem>>, vector<64x8xf32>
    %iota3A = tpu.iota {dimensions = array<i32: 1>} : vector<8x128xi32>
    %get3A_5 = arith.constant 0 : index
    %get3A_6 = arith.constant 0 : index
    %get3A_7 = memref.load %arg1[%get3A_5, %get3A_6] : memref<64x8xi32, #tpu.memory_space<smem>>
    %jit3A = arith.constant 128 : i32
    %div3A = arith.divsi %get3A_7, %jit3A : i32
    %sign3A = arith.constant 0 : i32
    %sign3A_8 = arith.cmpi sgt, %get3A_7, %sign3A : i32
    %sign3A_9 = arith.extui %sign3A_8 : i1 to i32
    %sign3A_10 = arith.constant 0 : i32
    %sign3A_11 = arith.cmpi slt, %get3A_7, %sign3A_10 : i32
    %sign3A_12 = arith.extui %sign3A_11 : i1 to i32
    %sign3A_13 = arith.subi %sign3A_9, %sign3A_12 : i32
    %sign3A_14 = arith.constant 0 : i32
    %sign3A_15 = arith.cmpi sgt, %jit3A, %sign3A_14 : i32
    %sign3A_16 = arith.extui %sign3A_15 : i1 to i32
    %sign3A_17 = arith.constant 0 : i32
    %sign3A_18 = arith.cmpi slt, %jit3A, %sign3A_17 : i32
    %sign3A_19 = arith.extui %sign3A_18 : i1 to i32
    %sign3A_20 = arith.subi %sign3A_16, %sign3A_19 : i32
    %ne3A = arith.cmpi ne, %sign3A_13, %sign3A_20 : i32
    %rem3A = arith.remsi %get3A_7, %jit3A : i32
    %ne3A_21 = arith.constant 0 : i32
    %ne3A_22 = arith.cmpi ne, %rem3A, %ne3A_21 : i32
    %and3A = arith.andi %ne3A, %ne3A_22 : i1
    %sub3A = arith.constant 1 : i32
    %sub3A_23 = arith.subi %div3A, %sub3A : i32
    %select_n3A = arith.select %and3A, %sub3A_23, %div3A : i32
    %min3A = arith.constant 780 : i32
    %min3A_24 = arith.minsi %select_n3A, %min3A : i32
    %mul3A = arith.constant 128 : i32
    %mul3A_25 = arith.muli %min3A_24, %mul3A : i32
    %add3A = vector.broadcast %mul3A_25 : i32 to vector<8x128xi32>
    %add3A_26 = arith.addi %add3A, %iota3A : vector<8x128xi32>
    %broadcast_in_dim3A = arith.constant 0.000000e+00 : f32
    %broadcast_in_dim3A_27 = vector.broadcast %broadcast_in_dim3A : f32 to vector<8x128xf32>
    %slice3A = vector.extract_strided_slice %get3A_1 {offsets = [0, 0], sizes = [8, 1], strides = [1, 1]} : vector<64x8xi32> to vector<8x1xi32>
    %eq3A = vector.broadcast %slice3A : vector<8x1xi32> to vector<8x128xi32>
    %eq3A_28 = arith.cmpi eq, %eq3A, %add3A_26 : vector<8x128xi32>
    %slice3A_29 = vector.extract_strided_slice %get3A_4 {offsets = [0, 0], sizes = [8, 1], strides = [1, 1]} : vector<64x8xf32> to vector<8x1xf32>
    %broadcast_in_dim3A_30 = vector.shape_cast %slice3A_29 : vector<8x1xf32> to vector<8x1xf32>
    %broadcast_in_dim3A_31 = vector.broadcast %broadcast_in_dim3A_30 : vector<8x1xf32> to vector<8x128xf32>
    %select_n3A_32 = arith.select %eq3A_28, %broadcast_in_dim3A_31, %broadcast_in_dim3A_27 : vector<8x128xi1>, vector<8x128xf32>
    %slice3A_33 = vector.extract_strided_slice %get3A_1 {offsets = [0, 1], sizes = [8, 1], strides = [1, 1]} : vector<64x8xi32> to vector<8x1xi32>
    %eq3A_34 = vector.broadcast %slice3A_33 : vector<8x1xi32> to vector<8x128xi32>
    %eq3A_35 = arith.cmpi eq, %eq3A_34, %add3A_26 : vector<8x128xi32>
    %slice3A_36 = vector.extract_strided_slice %get3A_4 {offsets = [0, 1], sizes = [8, 1], strides = [1, 1]} : vector<64x8xf32> to vector<8x1xf32>
    %broadcast_in_dim3A_37 = vector.shape_cast %slice3A_36 : vector<8x1xf32> to vector<8x1xf32>
    %broadcast_in_dim3A_38 = vector.broadcast %broadcast_in_dim3A_37 : vector<8x1xf32> to vector<8x128xf32>
    %select_n3A_39 = arith.select %eq3A_35, %broadcast_in_dim3A_38, %select_n3A_32 : vector<8x128xi1>, vector<8x128xf32>
    %slice3A_40 = vector.extract_strided_slice %get3A_1 {offsets = [0, 2], sizes = [8, 1], strides = [1, 1]} : vector<64x8xi32> to vector<8x1xi32>
    %eq3A_41 = vector.broadcast %slice3A_40 : vector<8x1xi32> to vector<8x128xi32>
    %eq3A_42 = arith.cmpi eq, %eq3A_41, %add3A_26 : vector<8x128xi32>
    %slice3A_43 = vector.extract_strided_slice %get3A_4 {offsets = [0, 2], sizes = [8, 1], strides = [1, 1]} : vector<64x8xf32> to vector<8x1xf32>
    %broadcast_in_dim3A_44 = vector.shape_cast %slice3A_43 : vector<8x1xf32> to vector<8x1xf32>
    %broadcast_in_dim3A_45 = vector.broadcast %broadcast_in_dim3A_44 : vector<8x1xf32> to vector<8x128xf32>
    %select_n3A_46 = arith.select %eq3A_42, %broadcast_in_dim3A_45, %select_n3A_39 : vector<8x128xi1>, vector<8x128xf32>
    %slice3A_47 = vector.extract_strided_slice %get3A_1 {offsets = [0, 3], sizes = [8, 1], strides = [1, 1]} : vector<64x8xi32> to vector<8x1xi32>
    %eq3A_48 = vector.broadcast %slice3A_47 : vector<8x1xi32> to vector<8x128xi32>
    %eq3A_49 = arith.cmpi eq, %eq3A_48, %add3A_26 : vector<8x128xi32>
    %slice3A_50 = vector.extract_strided_slice %get3A_4 {offsets = [0, 3], sizes = [8, 1], strides = [1, 1]} : vector<64x8xf32> to vector<8x1xf32>
    %broadcast_in_dim3A_51 = vector.shape_cast %slice3A_50 : vector<8x1xf32> to vector<8x1xf32>
    %broadcast_in_dim3A_52 = vector.broadcast %broadcast_in_dim3A_51 : vector<8x1xf32> to vector<8x128xf32>
    %select_n3A_53 = arith.select %eq3A_49, %broadcast_in_dim3A_52, %select_n3A_46 : vector<8x128xi1>, vector<8x128xf32>
    %slice3A_54 = vector.extract_strided_slice %get3A_1 {offsets = [0, 4], sizes = [8, 1], strides = [1, 1]} : vector<64x8xi32> to vector<8x1xi32>
    %eq3A_55 = vector.broadcast %slice3A_54 : vector<8x1xi32> to vector<8x128xi32>
    %eq3A_56 = arith.cmpi eq, %eq3A_55, %add3A_26 : vector<8x128xi32>
    %slice3A_57 = vector.extract_strided_slice %get3A_4 {offsets = [0, 4], sizes = [8, 1], strides = [1, 1]} : vector<64x8xf32> to vector<8x1xf32>
    %broadcast_in_dim3A_58 = vector.shape_cast %slice3A_57 : vector<8x1xf32> to vector<8x1xf32>
    %broadcast_in_dim3A_59 = vector.broadcast %broadcast_in_dim3A_58 : vector<8x1xf32> to vector<8x128xf32>
    %select_n3A_60 = arith.select %eq3A_56, %broadcast_in_dim3A_59, %select_n3A_53 : vector<8x128xi1>, vector<8x128xf32>
    %slice3A_61 = vector.extract_strided_slice %get3A_1 {offsets = [0, 5], sizes = [8, 1], strides = [1, 1]} : vector<64x8xi32> to vector<8x1xi32>
    %eq3A_62 = vector.broadcast %slice3A_61 : vector<8x1xi32> to vector<8x128xi32>
    %eq3A_63 = arith.cmpi eq, %eq3A_62, %add3A_26 : vector<8x128xi32>
    %slice3A_64 = vector.extract_strided_slice %get3A_4 {offsets = [0, 5], sizes = [8, 1], strides = [1, 1]} : vector<64x8xf32> to vector<8x1xf32>
    %broadcast_in_dim3A_65 = vector.shape_cast %slice3A_64 : vector<8x1xf32> to vector<8x1xf32>
    %broadcast_in_dim3A_66 = vector.broadcast %broadcast_in_dim3A_65 : vector<8x1xf32> to vector<8x128xf32>
    %select_n3A_67 = arith.select %eq3A_63, %broadcast_in_dim3A_66, %select_n3A_60 : vector<8x128xi1>, vector<8x128xf32>
    %slice3A_68 = vector.extract_strided_slice %get3A_1 {offsets = [0, 6], sizes = [8, 1], strides = [1, 1]} : vector<64x8xi32> to vector<8x1xi32>
    %eq3A_69 = vector.broadcast %slice3A_68 : vector<8x1xi32> to vector<8x128xi32>
    %eq3A_70 = arith.cmpi eq, %eq3A_69, %add3A_26 : vector<8x128xi32>
    %slice3A_71 = vector.extract_strided_slice %get3A_4 {offsets = [0, 6], sizes = [8, 1], strides = [1, 1]} : vector<64x8xf32> to vector<8x1xf32>
    %broadcast_in_dim3A_72 = vector.shape_cast %slice3A_71 : vector<8x1xf32> to vector<8x1xf32>
    %broadcast_in_dim3A_73 = vector.broadcast %broadcast_in_dim3A_72 : vector<8x1xf32> to vector<8x128xf32>
    %select_n3A_74 = arith.select %eq3A_70, %broadcast_in_dim3A_73, %select_n3A_67 : vector<8x128xi1>, vector<8x128xf32>
    %slice3A_75 = vector.extract_strided_slice %get3A_1 {offsets = [0, 7], sizes = [8, 1], strides = [1, 1]} : vector<64x8xi32> to vector<8x1xi32>
    %eq3A_76 = vector.broadcast %slice3A_75 : vector<8x1xi32> to vector<8x128xi32>
    %eq3A_77 = arith.cmpi eq, %eq3A_76, %add3A_26 : vector<8x128xi32>
    %slice3A_78 = vector.extract_strided_slice %get3A_4 {offsets = [0, 7], sizes = [8, 1], strides = [1, 1]} : vector<64x8xf32> to vector<8x1xf32>
    %broadcast_in_dim3A_79 = vector.shape_cast %slice3A_78 : vector<8x1xf32> to vector<8x1xf32>
    %broadcast_in_dim3A_80 = vector.broadcast %broadcast_in_dim3A_79 : vector<8x1xf32> to vector<8x128xf32>
    %select_n3A_81 = arith.select %eq3A_77, %broadcast_in_dim3A_80, %select_n3A_74 : vector<8x128xi1>, vector<8x128xf32>
    %swap3A = arith.constant 0 : index
    %swap3A_82 = arith.constant 0 : index
    %swap3A_83 = vector.load %arg6[%swap3A, %swap3A_82] : memref<64x128xf32, #tpu.memory_space<vmem>>, vector<8x128xf32>
    tpu.vector_store %arg6[%swap3A, %swap3A_82], %select_n3A_81 {strides = array<i32>} : memref<64x128xf32, #tpu.memory_space<vmem>>, vector<8x128xf32>,
    %get3A_84 = arith.constant 8 : index
    %get3A_85 = arith.constant 0 : index
    %get3A_86 = memref.load %arg1[%get3A_84, %get3A_85] : memref<64x8xi32, #tpu.memory_space<smem>>
    %jit3A_87 = arith.constant 128 : i32
    %div3A_88 = arith.divsi %get3A_86, %jit3A_87 : i32
    %sign3A_89 = arith.constant 0 : i32
    %sign3A_90 = arith.cmpi sgt, %get3A_86, %sign3A_89 : i32
    %sign3A_91 = arith.extui %sign3A_90 : i1 to i32
    %sign3A_92 = arith.constant 0 : i32
    %sign3A_93 = arith.cmpi slt, %get3A_86, %sign3A_92 : i32
    %sign3A_94 = arith.extui %sign3A_93 : i1 to i32
    %sign3A_95 = arith.subi %sign3A_91, %sign3A_94 : i32
    %sign3A_96 = arith.constant 0 : i32
    %sign3A_97 = arith.cmpi sgt, %jit3A_87, %sign3A_96 : i32
    %sign3A_98 = arith.extui %sign3A_97 : i1 to i32
    %sign3A_99 = arith.constant 0 : i32
    %sign3A_100 = arith.cmpi slt, %jit3A_87, %sign3A_99 : i32
    %sign3A_101 = arith.extui %sign3A_100 : i1 to i32
    %sign3A_102 = arith.subi %sign3A_98, %sign3A_101 : i32
    %ne3A_103 = arith.cmpi ne, %sign3A_95, %sign3A_102 : i32
    %rem3A_104 = arith.remsi %get3A_86, %jit3A_87 : i32
    %ne3A_105 = arith.constant 0 : i32
    %ne3A_106 = arith.cmpi ne, %rem3A_104, %ne3A_105 : i32
    %and3A_107 = arith.andi %ne3A_103, %ne3A_106 : i1
    %sub3A_108 = arith.constant 1 : i32
    %sub3A_109 = arith.subi %div3A_88, %sub3A_108 : i32
    %select_n3A_110 = arith.select %and3A_107, %sub3A_109, %div3A_88 : i32
    %min3A_111 = arith.constant 780 : i32
    %min3A_112 = arith.minsi %select_n3A_110, %min3A_111 : i32
    %mul3A_113 = arith.constant 128 : i32
    %mul3A_114 = arith.muli %min3A_112, %mul3A_113 : i32
    %add3A_115 = vector.broadcast %mul3A_114 : i32 to vector<8x128xi32>
    %add3A_116 = arith.addi %add3A_115, %iota3A : vector<8x128xi32>
    %broadcast_in_dim3A_117 = arith.constant 0.000000e+00 : f32
    %broadcast_in_dim3A_118 = vector.broadcast %broadcast_in_dim3A_117 : f32 to vector<8x128xf32>
    %slice3A_119 = vector.extract_strided_slice %get3A_1 {offsets = [8, 0], sizes = [8, 1], strides = [1, 1]} : vector<64x8xi32> to vector<8x1xi32>
    %eq3A_120 = vector.broadcast %slice3A_119 : vector<8x1xi32> to vector<8x128xi32>
    %eq3A_121 = arith.cmpi eq, %eq3A_120, %add3A_116 : vector<8x128xi32>
    %slice3A_122 = vector.extract_strided_slice %get3A_4 {offsets = [8, 0], sizes = [8, 1], strides = [1, 1]} : vector<64x8xf32> to vector<8x1xf32>
    %broadcast_in_dim3A_123 = vector.shape_cast %slice3A_122 : vector<8x1xf32> to vector<8x1xf32>
    %broadcast_in_dim3A_124 = vector.broadcast %broadcast_in_dim3A_123 : vector<8x1xf32> to vector<8x128xf32>
    %select_n3A_125 = arith.select %eq3A_121, %broadcast_in_dim3A_124, %broadcast_in_dim3A_118 : vector<8x128xi1>, vector<8x128xf32>
    %slice3A_126 = vector.extract_strided_slice %get3A_1 {offsets = [8, 1], sizes = [8, 1], strides = [1, 1]} : vector<64x8xi32> to vector<8x1xi32>
    %eq3A_127 = vector.broadcast %slice3A_126 : vector<8x1xi32> to vector<8x128xi32>
    %eq3A_128 = arith.cmpi eq, %eq3A_127, %add3A_116 : vector<8x128xi32>
    %slice3A_129 = vector.extract_strided_slice %get3A_4 {offsets = [8, 1], sizes = [8, 1], strides = [1, 1]} : vector<64x8xf32> to vector<8x1xf32>
    %broadcast_in_dim3A_130 = vector.shape_cast %slice3A_129 : vector<8x1xf32> to vector<8x1xf32>
    %broadcast_in_dim3A_131 = vector.broadcast %broadcast_in_dim3A_130 : vector<8x1xf32> to vector<8x128xf32>
    %select_n3A_132 = arith.select %eq3A_128, %broadcast_in_dim3A_131, %select_n3A_125 : vector<8x128xi1>, vector<8x128xf32>
    %slice3A_133 = vector.extract_strided_slice %get3A_1 {offsets = [8, 2], sizes = [8, 1], strides = [1, 1]} : vector<64x8xi32> to vector<8x1xi32>
    %eq3A_134 = vector.broadcast %slice3A_133 : vector<8x1xi32> to vector<8x128xi32>
    %eq3A_135 = arith.cmpi eq, %eq3A_134, %add3A_116 : vector<8x128xi32>
    %slice3A_136 = vector.extract_strided_slice %get3A_4 {offsets = [8, 2], sizes = [8, 1], strides = [1, 1]} : vector<64x8xf32> to vector<8x1xf32>
    %broadcast_in_dim3A_137 = vector.shape_cast %slice3A_136 : vector<8x1xf32> to vector<8x1xf32>
    %broadcast_in_dim3A_138 = vector.broadcast %broadcast_in_dim3A_137 : vector<8x1xf32> to vector<8x128xf32>
    %select_n3A_139 = arith.select %eq3A_135, %broadcast_in_dim3A_138, %select_n3A_132 : vector<8x128xi1>, vector<8x128xf32>
    %slice3A_140 = vector.extract_strided_slice %get3A_1 {offsets = [8, 3], sizes = [8, 1], strides = [1, 1]} : vector<64x8xi32> to vector<8x1xi32>
    %eq3A_141 = vector.broadcast %slice3A_140 : vector<8x1xi32> to vector<8x128xi32>
    %eq3A_142 = arith.cmpi eq, %eq3A_141, %add3A_116 : vector<8x128xi32>
    %slice3A_143 = vector.extract_strided_slice %get3A_4 {offsets = [8, 3], sizes = [8, 1], strides = [1, 1]} : vector<64x8xf32> to vector<8x1xf32>
    %broadcast_in_dim3A_144 = vector.shape_cast %slice3A_143 : vector<8x1xf32> to vector<8x1xf32>
    %broadcast_in_dim3A_145 = vector.broadcast %broadcast_in_dim3A_144 : vector<8x1xf32> to vector<8x128xf32>
    %select_n3A_146 = arith.select %eq3A_142, %broadcast_in_dim3A_145, %select_n3A_139 : vector<8x128xi1>, vector<8x128xf32>
    %slice3A_147 = vector.extract_strided_slice %get3A_1 {offsets = [8, 4], sizes = [8, 1], strides = [1, 1]} : vector<64x8xi32> to vector<8x1xi32>
    %eq3A_148 = vector.broadcast %slice3A_147 : vector<8x1xi32> to vector<8x128xi32>
    %eq3A_149 = arith.cmpi eq, %eq3A_148, %add3A_116 : vector<8x128xi32>
    %slice3A_150 = vector.extract_strided_slice %get3A_4 {offsets = [8, 4], sizes = [8, 1], strides = [1, 1]} : vector<64x8xf32> to vector<8x1xf32>
    %broadcast_in_dim3A_151 = vector.shape_cast %slice3A_150 : vector<8x1xf32> to vector<8x1xf32>
    %broadcast_in_dim3A_152 = vector.broadcast %broadcast_in_dim3A_151 : vector<8x1xf32> to vector<8x128xf32>
    %select_n3A_153 = arith.select %eq3A_149, %broadcast_in_dim3A_152, %select_n3A_146 : vector<8x128xi1>, vector<8x128xf32>
    %slice3A_154 = vector.extract_strided_slice %get3A_1 {offsets = [8, 5], sizes = [8, 1], strides = [1, 1]} : vector<64x8xi32> to vector<8x1xi32>
    %eq3A_155 = vector.broadcast %slice3A_154 : vector<8x1xi32> to vector<8x128xi32>
    %eq3A_156 = arith.cmpi eq, %eq3A_155, %add3A_116 : vector<8x128xi32>
    %slice3A_157 = vector.extract_strided_slice %get3A_4 {offsets = [8, 5], sizes = [8, 1], strides = [1, 1]} : vector<64x8xf32> to vector<8x1xf32>
    %broadcast_in_dim3A_158 = vector.shape_cast %slice3A_157 : vector<8x1xf32> to vector<8x1xf32>
    %broadcast_in_dim3A_159 = vector.broadcast %broadcast_in_dim3A_158 : vector<8x1xf32> to vector<8x128xf32>
    %select_n3A_160 = arith.select %eq3A_156, %broadcast_in_dim3A_159, %select_n3A_153 : vector<8x128xi1>, vector<8x128xf32>
    %slice3A_161 = vector.extract_strided_slice %get3A_1 {offsets = [8, 6], sizes = [8, 1], strides = [1, 1]} : vector<64x8xi32> to vector<8x1xi32>
    %eq3A_162 = vector.broadcast %slice3A_161 : vector<8x1xi32> to vector<8x128xi32>
    %eq3A_163 = arith.cmpi eq, %eq3A_162, %add3A_116 : vector<8x128xi32>
    %slice3A_164 = vector.extract_strided_slice %get3A_4 {offsets = [8, 6], sizes = [8, 1], strides = [1, 1]} : vector<64x8xf32> to vector<8x1xf32>
    %broadcast_in_dim3A_165 = vector.shape_cast %slice3A_164 : vector<8x1xf32> to vector<8x1xf32>
    %broadcast_in_dim3A_166 = vector.broadcast %broadcast_in_dim3A_165 : vector<8x1xf32> to vector<8x128xf32>
    %select_n3A_167 = arith.select %eq3A_163, %broadcast_in_dim3A_166, %select_n3A_160 : vector<8x128xi1>, vector<8x128xf32>
    %slice3A_168 = vector.extract_strided_slice %get3A_1 {offsets = [8, 7], sizes = [8, 1], strides = [1, 1]} : vector<64x8xi32> to vector<8x1xi32>
    %eq3A_169 = vector.broadcast %slice3A_168 : vector<8x1xi32> to vector<8x128xi32>
    %eq3A_170 = arith.cmpi eq, %eq3A_169, %add3A_116 : vector<8x128xi32>
    %slice3A_171 = vector.extract_strided_slice %get3A_4 {offsets = [8, 7], sizes = [8, 1], strides = [1, 1]} : vector<64x8xf32> to vector<8x1xf32>
    %broadcast_in_dim3A_172 = vector.shape_cast %slice3A_171 : vector<8x1xf32> to vector<8x1xf32>
    %broadcast_in_dim3A_173 = vector.broadcast %broadcast_in_dim3A_172 : vector<8x1xf32> to vector<8x128xf32>
    %select_n3A_174 = arith.select %eq3A_170, %broadcast_in_dim3A_173, %select_n3A_167 : vector<8x128xi1>, vector<8x128xf32>
    %swap3A_175 = arith.constant 8 : index
    %swap3A_176 = arith.constant 0 : index
    %swap3A_177 = vector.load %arg6[%swap3A_175, %swap3A_176] : memref<64x128xf32, #tpu.memory_space<vmem>>, vector<8x128xf32>
    tpu.vector_store %arg6[%swap3A_175, %swap3A_176], %select_n3A_174 {strides = array<i32>} : memref<64x128xf32, #tpu.memory_space<vmem>>, vector<8x128xf32>,
    %get3A_178 = arith.constant 16 : index
    %get3A_179 = arith.constant 0 : index
    %get3A_180 = memref.load %arg1[%get3A_178, %get3A_179] : memref<64x8xi32, #tpu.memory_space<smem>>
    %jit3A_181 = arith.constant 128 : i32
    %div3A_182 = arith.divsi %get3A_180, %jit3A_181 : i32
    %sign3A_183 = arith.constant 0 : i32
    %sign3A_184 = arith.cmpi sgt, %get3A_180, %sign3A_183 : i32
    %sign3A_185 = arith.extui %sign3A_184 : i1 to i32
    %sign3A_186 = arith.constant 0 : i32
    %sign3A_187 = arith.cmpi slt, %get3A_180, %sign3A_186 : i32
    %sign3A_188 = arith.extui %sign3A_187 : i1 to i32
    %sign3A_189 = arith.subi %sign3A_185, %sign3A_188 : i32
    %sign3A_190 = arith.constant 0 : i32
    %sign3A_191 = arith.cmpi sgt, %jit3A_181, %sign3A_190 : i32
    %sign3A_192 = arith.extui %sign3A_191 : i1 to i32
    %sign3A_193 = arith.constant 0 : i32
    %sign3A_194 = arith.cmpi slt, %jit3A_181, %sign3A_193 : i32
    %sign3A_195 = arith.extui %sign3A_194 : i1 to i32
    %sign3A_196 = arith.subi %sign3A_192, %sign3A_195 : i32
    %ne3A_197 = arith.cmpi ne, %sign3A_189, %sign3A_196 : i32
    %rem3A_198 = arith.remsi %get3A_180, %jit3A_181 : i32
    %ne3A_199 = arith.constant 0 : i32
    %ne3A_200 = arith.cmpi ne, %rem3A_198, %ne3A_199 : i32
    %and3A_201 = arith.andi %ne3A_197, %ne3A_200 : i1
    %sub3A_202 = arith.constant 1 : i32
    %sub3A_203 = arith.subi %div3A_182, %sub3A_202 : i32
    %select_n3A_204 = arith.select %and3A_201, %sub3A_203, %div3A_182 : i32
    %min3A_205 = arith.constant 780 : i32
    %min3A_206 = arith.minsi %select_n3A_204, %min3A_205 : i32
    %mul3A_207 = arith.constant 128 : i32
    %mul3A_208 = arith.muli %min3A_206, %mul3A_207 : i32
    %add3A_209 = vector.broadcast %mul3A_208 : i32 to vector<8x128xi32>
    %add3A_210 = arith.addi %add3A_209, %iota3A : vector<8x128xi32>
    %broadcast_in_dim3A_211 = arith.constant 0.000000e+00 : f32
    %broadcast_in_dim3A_212 = vector.broadcast %broadcast_in_dim3A_211 : f32 to vector<8x128xf32>
    %slice3A_213 = vector.extract_strided_slice %get3A_1 {offsets = [16, 0], sizes = [8, 1], strides = [1, 1]} : vector<64x8xi32> to vector<8x1xi32>
    %eq3A_214 = vector.broadcast %slice3A_213 : vector<8x1xi32> to vector<8x128xi32>
    %eq3A_215 = arith.cmpi eq, %eq3A_214, %add3A_210 : vector<8x128xi32>
    %slice3A_216 = vector.extract_strided_slice %get3A_4 {offsets = [16, 0], sizes = [8, 1], strides = [1, 1]} : vector<64x8xf32> to vector<8x1xf32>
    %broadcast_in_dim3A_217 = vector.shape_cast %slice3A_216 : vector<8x1xf32> to vector<8x1xf32>
    %broadcast_in_dim3A_218 = vector.broadcast %broadcast_in_dim3A_217 : vector<8x1xf32> to vector<8x128xf32>
    %select_n3A_219 = arith.select %eq3A_215, %broadcast_in_dim3A_218, %broadcast_in_dim3A_212 : vector<8x128xi1>, vector<8x128xf32>
    %slice3A_220 = vector.extract_strided_slice %get3A_1 {offsets = [16, 1], sizes = [8, 1], strides = [1, 1]} : vector<64x8xi32> to vector<8x1xi32>
    %eq3A_221 = vector.broadcast %slice3A_220 : vector<8x1xi32> to vector<8x128xi32>
    %eq3A_222 = arith.cmpi eq, %eq3A_221, %add3A_210 : vector<8x128xi32>
    %slice3A_223 = vector.extract_strided_slice %get3A_4 {offsets = [16, 1], sizes = [8, 1], strides = [1, 1]} : vector<64x8xf32> to vector<8x1xf32>
    %broadcast_in_dim3A_224 = vector.shape_cast %slice3A_223 : vector<8x1xf32> to vector<8x1xf32>
    %broadcast_in_dim3A_225 = vector.broadcast %broadcast_in_dim3A_224 : vector<8x1xf32> to vector<8x128xf32>
    %select_n3A_226 = arith.select %eq3A_222, %broadcast_in_dim3A_225, %select_n3A_219 : vector<8x128xi1>, vector<8x128xf32>
    %slice3A_227 = vector.extract_strided_slice %get3A_1 {offsets = [16, 2], sizes = [8, 1], strides = [1, 1]} : vector<64x8xi32> to vector<8x1xi32>
    %eq3A_228 = vector.broadcast %slice3A_227 : vector<8x1xi32> to vector<8x128xi32>
    %eq3A_229 = arith.cmpi eq, %eq3A_228, %add3A_210 : vector<8x128xi32>
    %slice3A_230 = vector.extract_strided_slice %get3A_4 {offsets = [16, 2], sizes = [8, 1], strides = [1, 1]} : vector<64x8xf32> to vector<8x1xf32>
    %broadcast_in_dim3A_231 = vector.shape_cast %slice3A_230 : vector<8x1xf32> to vector<8x1xf32>
    %broadcast_in_dim3A_232 = vector.broadcast %broadcast_in_dim3A_231 : vector<8x1xf32> to vector<8x128xf32>
    %select_n3A_233 = arith.select %eq3A_229, %broadcast_in_dim3A_232, %select_n3A_226 : vector<8x128xi1>, vector<8x128xf32>
    %slice3A_234 = vector.extract_strided_slice %get3A_1 {offsets = [16, 3], sizes = [8, 1], strides = [1, 1]} : vector<64x8xi32> to vector<8x1xi32>
    %eq3A_235 = vector.broadcast %slice3A_234 : vector<8x1xi32> to vector<8x128xi32>
    %eq3A_236 = arith.cmpi eq, %eq3A_235, %add3A_210 : vector<8x128xi32>
    %slice3A_237 = vector.extract_strided_slice %get3A_4 {offsets = [16, 3], sizes = [8, 1], strides = [1, 1]} : vector<64x8xf32> to vector<8x1xf32>
    %broadcast_in_dim3A_238 = vector.shape_cast %slice3A_237 : vector<8x1xf32> to vector<8x1xf32>
    %broadcast_in_dim3A_239 = vector.broadcast %broadcast_in_dim3A_238 : vector<8x1xf32> to vector<8x128xf32>
    %select_n3A_240 = arith.select %eq3A_236, %broadcast_in_dim3A_239, %select_n3A_233 : vector<8x128xi1>, vector<8x128xf32>
    %slice3A_241 = vector.extract_strided_slice %get3A_1 {offsets = [16, 4], sizes = [8, 1], strides = [1, 1]} : vector<64x8xi32> to vector<8x1xi32>
    %eq3A_242 = vector.broadcast %slice3A_241 : vector<8x1xi32> to vector<8x128xi32>
    %eq3A_243 = arith.cmpi eq, %eq3A_242, %add3A_210 : vector<8x128xi32>
    %slice3A_244 = vector.extract_strided_slice %get3A_4 {offsets = [16, 4], sizes = [8, 1], strides = [1, 1]} : vector<64x8xf32> to vector<8x1xf32>
    %broadcast_in_dim3A_245 = vector.shape_cast %slice3A_244 : vector<8x1xf32> to vector<8x1xf32>
    %broadcast_in_dim3A_246 = vector.broadcast %broadcast_in_dim3A_245 : vector<8x1xf32> to vector<8x128xf32>
    %select_n3A_247 = arith.select %eq3A_243, %broadcast_in_dim3A_246, %select_n3A_240 : vector<8x128xi1>, vector<8x128xf32>
    %slice3A_248 = vector.extract_strided_slice %get3A_1 {offsets = [16, 5], sizes = [8, 1], strides = [1, 1]} : vector<64x8xi32> to vector<8x1xi32>
    %eq3A_249 = vector.broadcast %slice3A_248 : vector<8x1xi32> to vector<8x128xi32>
    %eq3A_250 = arith.cmpi eq, %eq3A_249, %add3A_210 : vector<8x128xi32>
    %slice3A_251 = vector.extract_strided_slice %get3A_4 {offsets = [16, 5], sizes = [8, 1], strides = [1, 1]} : vector<64x8xf32> to vector<8x1xf32>
    %broadcast_in_dim3A_252 = vector.shape_cast %slice3A_251 : vector<8x1xf32> to vector<8x1xf32>
    %broadcast_in_dim3A_253 = vector.broadcast %broadcast_in_dim3A_252 : vector<8x1xf32> to vector<8x128xf32>
    %select_n3A_254 = arith.select %eq3A_250, %broadcast_in_dim3A_253, %select_n3A_247 : vector<8x128xi1>, vector<8x128xf32>
    %slice3A_255 = vector.extract_strided_slice %get3A_1 {offsets = [16, 6], sizes = [8, 1], strides = [1, 1]} : vector<64x8xi32> to vector<8x1xi32>
    %eq3A_256 = vector.broadcast %slice3A_255 : vector<8x1xi32> to vector<8x128xi32>
    %eq3A_257 = arith.cmpi eq, %eq3A_256, %add3A_210 : vector<8x128xi32>
    %slice3A_258 = vector.extract_strided_slice %get3A_4 {offsets = [16, 6], sizes = [8, 1], strides = [1, 1]} : vector<64x8xf32> to vector<8x1xf32>
    %broadcast_in_dim3A_259 = vector.shape_cast %slice3A_258 : vector<8x1xf32> to vector<8x1xf32>
    %broadcast_in_dim3A_260 = vector.broadcast %broadcast_in_dim3A_259 : vector<8x1xf32> to vector<8x128xf32>
    %select_n3A_261 = arith.select %eq3A_257, %broadcast_in_dim3A_260, %select_n3A_254 : vector<8x128xi1>, vector<8x128xf32>
    %slice3A_262 = vector.extract_strided_slice %get3A_1 {offsets = [16, 7], sizes = [8, 1], strides = [1, 1]} : vector<64x8xi32> to vector<8x1xi32>
    %eq3A_263 = vector.broadcast %slice3A_262 : vector<8x1xi32> to vector<8x128xi32>
    %eq3A_264 = arith.cmpi eq, %eq3A_263, %add3A_210 : vector<8x128xi32>
    %slice3A_265 = vector.extract_strided_slice %get3A_4 {offsets = [16, 7], sizes = [8, 1], strides = [1, 1]} : vector<64x8xf32> to vector<8x1xf32>
    %broadcast_in_dim3A_266 = vector.shape_cast %slice3A_265 : vector<8x1xf32> to vector<8x1xf32>
    %broadcast_in_dim3A_267 = vector.broadcast %broadcast_in_dim3A_266 : vector<8x1xf32> to vector<8x128xf32>
    %select_n3A_268 = arith.select %eq3A_264, %broadcast_in_dim3A_267, %select_n3A_261 : vector<8x128xi1>, vector<8x128xf32>
    %swap3A_269 = arith.constant 16 : index
    %swap3A_270 = arith.constant 0 : index
    %swap3A_271 = vector.load %arg6[%swap3A_269, %swap3A_270] : memref<64x128xf32, #tpu.memory_space<vmem>>, vector<8x128xf32>
    tpu.vector_store %arg6[%swap3A_269, %swap3A_270], %select_n3A_268 {strides = array<i32>} : memref<64x128xf32, #tpu.memory_space<vmem>>, vector<8x128xf32>,
    %get3A_272 = arith.constant 24 : index
    %get3A_273 = arith.constant 0 : index
    %get3A_274 = memref.load %arg1[%get3A_272, %get3A_273] : memref<64x8xi32, #tpu.memory_space<smem>>
    %jit3A_275 = arith.constant 128 : i32
    %div3A_276 = arith.divsi %get3A_274, %jit3A_275 : i32
    %sign3A_277 = arith.constant 0 : i32
    %sign3A_278 = arith.cmpi sgt, %get3A_274, %sign3A_277 : i32
    %sign3A_279 = arith.extui %sign3A_278 : i1 to i32
    %sign3A_280 = arith.constant 0 : i32
    %sign3A_281 = arith.cmpi slt, %get3A_274, %sign3A_280 : i32
    %sign3A_282 = arith.extui %sign3A_281 : i1 to i32
    %sign3A_283 = arith.subi %sign3A_279, %sign3A_282 : i32
    %sign3A_284 = arith.constant 0 : i32
    %sign3A_285 = arith.cmpi sgt, %jit3A_275, %sign3A_284 : i32
    %sign3A_286 = arith.extui %sign3A_285 : i1 to i32
    %sign3A_287 = arith.constant 0 : i32
    %sign3A_288 = arith.cmpi slt, %jit3A_275, %sign3A_287 : i32
    %sign3A_289 = arith.extui %sign3A_288 : i1 to i32
    %sign3A_290 = arith.subi %sign3A_286, %sign3A_289 : i32
    %ne3A_291 = arith.cmpi ne, %sign3A_283, %sign3A_290 : i32
    %rem3A_292 = arith.remsi %get3A_274, %jit3A_275 : i32
    %ne3A_293 = arith.constant 0 : i32
    %ne3A_294 = arith.cmpi ne, %rem3A_292, %ne3A_293 : i32
    %and3A_295 = arith.andi %ne3A_291, %ne3A_294 : i1
    %sub3A_296 = arith.constant 1 : i32
    %sub3A_297 = arith.subi %div3A_276, %sub3A_296 : i32
    %select_n3A_298 = arith.select %and3A_295, %sub3A_297, %div3A_276 : i32
    %min3A_299 = arith.constant 780 : i32
    %min3A_300 = arith.minsi %select_n3A_298, %min3A_299 : i32
    %mul3A_301 = arith.constant 128 : i32
    %mul3A_302 = arith.muli %min3A_300, %mul3A_301 : i32
    %add3A_303 = vector.broadcast %mul3A_302 : i32 to vector<8x128xi32>
    %add3A_304 = arith.addi %add3A_303, %iota3A : vector<8x128xi32>
    %broadcast_in_dim3A_305 = arith.constant 0.000000e+00 : f32
    %broadcast_in_dim3A_306 = vector.broadcast %broadcast_in_dim3A_305 : f32 to vector<8x128xf32>
    %slice3A_307 = vector.extract_strided_slice %get3A_1 {offsets = [24, 0], sizes = [8, 1], strides = [1, 1]} : vector<64x8xi32> to vector<8x1xi32>
    %eq3A_308 = vector.broadcast %slice3A_307 : vector<8x1xi32> to vector<8x128xi32>
    %eq3A_309 = arith.cmpi eq, %eq3A_308, %add3A_304 : vector<8x128xi32>
    %slice3A_310 = vector.extract_strided_slice %get3A_4 {offsets = [24, 0], sizes = [8, 1], strides = [1, 1]} : vector<64x8xf32> to vector<8x1xf32>
    %broadcast_in_dim3A_311 = vector.shape_cast %slice3A_310 : vector<8x1xf32> to vector<8x1xf32>
    %broadcast_in_dim3A_312 = vector.broadcast %broadcast_in_dim3A_311 : vector<8x1xf32> to vector<8x128xf32>
    %select_n3A_313 = arith.select %eq3A_309, %broadcast_in_dim3A_312, %broadcast_in_dim3A_306 : vector<8x128xi1>, vector<8x128xf32>
    %slice3A_314 = vector.extract_strided_slice %get3A_1 {offsets = [24, 1], sizes = [8, 1], strides = [1, 1]} : vector<64x8xi32> to vector<8x1xi32>
    %eq3A_315 = vector.broadcast %slice3A_314 : vector<8x1xi32> to vector<8x128xi32>
    %eq3A_316 = arith.cmpi eq, %eq3A_315, %add3A_304 : vector<8x128xi32>
    %slice3A_317 = vector.extract_strided_slice %get3A_4 {offsets = [24, 1], sizes = [8, 1], strides = [1, 1]} : vector<64x8xf32> to vector<8x1xf32>
    %broadcast_in_dim3A_318 = vector.shape_cast %slice3A_317 : vector<8x1xf32> to vector<8x1xf32>
    %broadcast_in_dim3A_319 = vector.broadcast %broadcast_in_dim3A_318 : vector<8x1xf32> to vector<8x128xf32>
    %select_n3A_320 = arith.select %eq3A_316, %broadcast_in_dim3A_319, %select_n3A_313 : vector<8x128xi1>, vector<8x128xf32>
    %slice3A_321 = vector.extract_strided_slice %get3A_1 {offsets = [24, 2], sizes = [8, 1], strides = [1, 1]} : vector<64x8xi32> to vector<8x1xi32>
    %eq3A_322 = vector.broadcast %slice3A_321 : vector<8x1xi32> to vector<8x128xi32>
    %eq3A_323 = arith.cmpi eq, %eq3A_322, %add3A_304 : vector<8x128xi32>
    %slice3A_324 = vector.extract_strided_slice %get3A_4 {offsets = [24, 2], sizes = [8, 1], strides = [1, 1]} : vector<64x8xf32> to vector<8x1xf32>
    %broadcast_in_dim3A_325 = vector.shape_cast %slice3A_324 : vector<8x1xf32> to vector<8x1xf32>
    %broadcast_in_dim3A_326 = vector.broadcast %broadcast_in_dim3A_325 : vector<8x1xf32> to vector<8x128xf32>
    %select_n3A_327 = arith.select %eq3A_323, %broadcast_in_dim3A_326, %select_n3A_320 : vector<8x128xi1>, vector<8x128xf32>
    %slice3A_328 = vector.extract_strided_slice %get3A_1 {offsets = [24, 3], sizes = [8, 1], strides = [1, 1]} : vector<64x8xi32> to vector<8x1xi32>
    %eq3A_329 = vector.broadcast %slice3A_328 : vector<8x1xi32> to vector<8x128xi32>
    %eq3A_330 = arith.cmpi eq, %eq3A_329, %add3A_304 : vector<8x128xi32>
    %slice3A_331 = vector.extract_strided_slice %get3A_4 {offsets = [24, 3], sizes = [8, 1], strides = [1, 1]} : vector<64x8xf32> to vector<8x1xf32>
    %broadcast_in_dim3A_332 = vector.shape_cast %slice3A_331 : vector<8x1xf32> to vector<8x1xf32>
    %broadcast_in_dim3A_333 = vector.broadcast %broadcast_in_dim3A_332 : vector<8x1xf32> to vector<8x128xf32>
    %select_n3A_334 = arith.select %eq3A_330, %broadcast_in_dim3A_333, %select_n3A_327 : vector<8x128xi1>, vector<8x128xf32>
    %slice3A_335 = vector.extract_strided_slice %get3A_1 {offsets = [24, 4], sizes = [8, 1], strides = [1, 1]} : vector<64x8xi32> to vector<8x1xi32>
    %eq3A_336 = vector.broadcast %slice3A_335 : vector<8x1xi32> to vector<8x128xi32>
    %eq3A_337 = arith.cmpi eq, %eq3A_336, %add3A_304 : vector<8x128xi32>
    %slice3A_338 = vector.extract_strided_slice %get3A_4 {offsets = [24, 4], sizes = [8, 1], strides = [1, 1]} : vector<64x8xf32> to vector<8x1xf32>
    %broadcast_in_dim3A_339 = vector.shape_cast %slice3A_338 : vector<8x1xf32> to vector<8x1xf32>
    %broadcast_in_dim3A_340 = vector.broadcast %broadcast_in_dim3A_339 : vector<8x1xf32> to vector<8x128xf32>
    %select_n3A_341 = arith.select %eq3A_337, %broadcast_in_dim3A_340, %select_n3A_334 : vector<8x128xi1>, vector<8x128xf32>
    %slice3A_342 = vector.extract_strided_slice %get3A_1 {offsets = [24, 5], sizes = [8, 1], strides = [1, 1]} : vector<64x8xi32> to vector<8x1xi32>
    %eq3A_343 = vector.broadcast %slice3A_342 : vector<8x1xi32> to vector<8x128xi32>
    %eq3A_344 = arith.cmpi eq, %eq3A_343, %add3A_304 : vector<8x128xi32>
    %slice3A_345 = vector.extract_strided_slice %get3A_4 {offsets = [24, 5], sizes = [8, 1], strides = [1, 1]} : vector<64x8xf32> to vector<8x1xf32>
    %broadcast_in_dim3A_346 = vector.shape_cast %slice3A_345 : vector<8x1xf32> to vector<8x1xf32>
    %broadcast_in_dim3A_347 = vector.broadcast %broadcast_in_dim3A_346 : vector<8x1xf32> to vector<8x128xf32>
    %select_n3A_348 = arith.select %eq3A_344, %broadcast_in_dim3A_347, %select_n3A_341 : vector<8x128xi1>, vector<8x128xf32>
    %slice3A_349 = vector.extract_strided_slice %get3A_1 {offsets = [24, 6], sizes = [8, 1], strides = [1, 1]} : vector<64x8xi32> to vector<8x1xi32>
    %eq3A_350 = vector.broadcast %slice3A_349 : vector<8x1xi32> to vector<8x128xi32>
    %eq3A_351 = arith.cmpi eq, %eq3A_350, %add3A_304 : vector<8x128xi32>
    %slice3A_352 = vector.extract_strided_slice %get3A_4 {offsets = [24, 6], sizes = [8, 1], strides = [1, 1]} : vector<64x8xf32> to vector<8x1xf32>
    %broadcast_in_dim3A_353 = vector.shape_cast %slice3A_352 : vector<8x1xf32> to vector<8x1xf32>
    %broadcast_in_dim3A_354 = vector.broadcast %broadcast_in_dim3A_353 : vector<8x1xf32> to vector<8x128xf32>
    %select_n3A_355 = arith.select %eq3A_351, %broadcast_in_dim3A_354, %select_n3A_348 : vector<8x128xi1>, vector<8x128xf32>
    %slice3A_356 = vector.extract_strided_slice %get3A_1 {offsets = [24, 7], sizes = [8, 1], strides = [1, 1]} : vector<64x8xi32> to vector<8x1xi32>
    %eq3A_357 = vector.broadcast %slice3A_356 : vector<8x1xi32> to vector<8x128xi32>
    %eq3A_358 = arith.cmpi eq, %eq3A_357, %add3A_304 : vector<8x128xi32>
    %slice3A_359 = vector.extract_strided_slice %get3A_4 {offsets = [24, 7], sizes = [8, 1], strides = [1, 1]} : vector<64x8xf32> to vector<8x1xf32>
    %broadcast_in_dim3A_360 = vector.shape_cast %slice3A_359 : vector<8x1xf32> to vector<8x1xf32>
    %broadcast_in_dim3A_361 = vector.broadcast %broadcast_in_dim3A_360 : vector<8x1xf32> to vector<8x128xf32>
    %select_n3A_362 = arith.select %eq3A_358, %broadcast_in_dim3A_361, %select_n3A_355 : vector<8x128xi1>, vector<8x128xf32>
    %swap3A_363 = arith.constant 24 : index
    %swap3A_364 = arith.constant 0 : index
    %swap3A_365 = vector.load %arg6[%swap3A_363, %swap3A_364] : memref<64x128xf32, #tpu.memory_space<vmem>>, vector<8x128xf32>
    tpu.vector_store %arg6[%swap3A_363, %swap3A_364], %select_n3A_362 {strides = array<i32>} : memref<64x128xf32, #tpu.memory_space<vmem>>, vector<8x128xf32>,
    %get3A_366 = arith.constant 32 : index
    %get3A_367 = arith.constant 0 : index
    %get3A_368 = memref.load %arg1[%get3A_366, %get3A_367] : memref<64x8xi32, #tpu.memory_space<smem>>
    %jit3A_369 = arith.constant 128 : i32
    %div3A_370 = arith.divsi %get3A_368, %jit3A_369 : i32
    %sign3A_371 = arith.constant 0 : i32
    %sign3A_372 = arith.cmpi sgt, %get3A_368, %sign3A_371 : i32
    %sign3A_373 = arith.extui %sign3A_372 : i1 to i32
    %sign3A_374 = arith.constant 0 : i32
    %sign3A_375 = arith.cmpi slt, %get3A_368, %sign3A_374 : i32
    %sign3A_376 = arith.extui %sign3A_375 : i1 to i32
    %sign3A_377 = arith.subi %sign3A_373, %sign3A_376 : i32
    %sign3A_378 = arith.constant 0 : i32
    %sign3A_379 = arith.cmpi sgt, %jit3A_369, %sign3A_378 : i32
    %sign3A_380 = arith.extui %sign3A_379 : i1 to i32
    %sign3A_381 = arith.constant 0 : i32
    %sign3A_382 = arith.cmpi slt, %jit3A_369, %sign3A_381 : i32
    %sign3A_383 = arith.extui %sign3A_382 : i1 to i32
    %sign3A_384 = arith.subi %sign3A_380, %sign3A_383 : i32
    %ne3A_385 = arith.cmpi ne, %sign3A_377, %sign3A_384 : i32
    %rem3A_386 = arith.remsi %get3A_368, %jit3A_369 : i32
    %ne3A_387 = arith.constant 0 : i32
    %ne3A_388 = arith.cmpi ne, %rem3A_386, %ne3A_387 : i32
    %and3A_389 = arith.andi %ne3A_385, %ne3A_388 : i1
    %sub3A_390 = arith.constant 1 : i32
    %sub3A_391 = arith.subi %div3A_370, %sub3A_390 : i32
    %select_n3A_392 = arith.select %and3A_389, %sub3A_391, %div3A_370 : i32
    %min3A_393 = arith.constant 780 : i32
    %min3A_394 = arith.minsi %select_n3A_392, %min3A_393 : i32
    %mul3A_395 = arith.constant 128 : i32
    %mul3A_396 = arith.muli %min3A_394, %mul3A_395 : i32
    %add3A_397 = vector.broadcast %mul3A_396 : i32 to vector<8x128xi32>
    %add3A_398 = arith.addi %add3A_397, %iota3A : vector<8x128xi32>
    %broadcast_in_dim3A_399 = arith.constant 0.000000e+00 : f32
    %broadcast_in_dim3A_400 = vector.broadcast %broadcast_in_dim3A_399 : f32 to vector<8x128xf32>
    %slice3A_401 = vector.extract_strided_slice %get3A_1 {offsets = [32, 0], sizes = [8, 1], strides = [1, 1]} : vector<64x8xi32> to vector<8x1xi32>
    %eq3A_402 = vector.broadcast %slice3A_401 : vector<8x1xi32> to vector<8x128xi32>
    %eq3A_403 = arith.cmpi eq, %eq3A_402, %add3A_398 : vector<8x128xi32>
    %slice3A_404 = vector.extract_strided_slice %get3A_4 {offsets = [32, 0], sizes = [8, 1], strides = [1, 1]} : vector<64x8xf32> to vector<8x1xf32>
    %broadcast_in_dim3A_405 = vector.shape_cast %slice3A_404 : vector<8x1xf32> to vector<8x1xf32>
    %broadcast_in_dim3A_406 = vector.broadcast %broadcast_in_dim3A_405 : vector<8x1xf32> to vector<8x128xf32>
    %select_n3A_407 = arith.select %eq3A_403, %broadcast_in_dim3A_406, %broadcast_in_dim3A_400 : vector<8x128xi1>, vector<8x128xf32>
    %slice3A_408 = vector.extract_strided_slice %get3A_1 {offsets = [32, 1], sizes = [8, 1], strides = [1, 1]} : vector<64x8xi32> to vector<8x1xi32>
    %eq3A_409 = vector.broadcast %slice3A_408 : vector<8x1xi32> to vector<8x128xi32>
    %eq3A_410 = arith.cmpi eq, %eq3A_409, %add3A_398 : vector<8x128xi32>
    %slice3A_411 = vector.extract_strided_slice %get3A_4 {offsets = [32, 1], sizes = [8, 1], strides = [1, 1]} : vector<64x8xf32> to vector<8x1xf32>
    %broadcast_in_dim3A_412 = vector.shape_cast %slice3A_411 : vector<8x1xf32> to vector<8x1xf32>
    %broadcast_in_dim3A_413 = vector.broadcast %broadcast_in_dim3A_412 : vector<8x1xf32> to vector<8x128xf32>
    %select_n3A_414 = arith.select %eq3A_410, %broadcast_in_dim3A_413, %select_n3A_407 : vector<8x128xi1>, vector<8x128xf32>
    %slice3A_415 = vector.extract_strided_slice %get3A_1 {offsets = [32, 2], sizes = [8, 1], strides = [1, 1]} : vector<64x8xi32> to vector<8x1xi32>
    %eq3A_416 = vector.broadcast %slice3A_415 : vector<8x1xi32> to vector<8x128xi32>
    %eq3A_417 = arith.cmpi eq, %eq3A_416, %add3A_398 : vector<8x128xi32>
    %slice3A_418 = vector.extract_strided_slice %get3A_4 {offsets = [32, 2], sizes = [8, 1], strides = [1, 1]} : vector<64x8xf32> to vector<8x1xf32>
    %broadcast_in_dim3A_419 = vector.shape_cast %slice3A_418 : vector<8x1xf32> to vector<8x1xf32>
    %broadcast_in_dim3A_420 = vector.broadcast %broadcast_in_dim3A_419 : vector<8x1xf32> to vector<8x128xf32>
    %select_n3A_421 = arith.select %eq3A_417, %broadcast_in_dim3A_420, %select_n3A_414 : vector<8x128xi1>, vector<8x128xf32>
    %slice3A_422 = vector.extract_strided_slice %get3A_1 {offsets = [32, 3], sizes = [8, 1], strides = [1, 1]} : vector<64x8xi32> to vector<8x1xi32>
    %eq3A_423 = vector.broadcast %slice3A_422 : vector<8x1xi32> to vector<8x128xi32>
    %eq3A_424 = arith.cmpi eq, %eq3A_423, %add3A_398 : vector<8x128xi32>
    %slice3A_425 = vector.extract_strided_slice %get3A_4 {offsets = [32, 3], sizes = [8, 1], strides = [1, 1]} : vector<64x8xf32> to vector<8x1xf32>
    %broadcast_in_dim3A_426 = vector.shape_cast %slice3A_425 : vector<8x1xf32> to vector<8x1xf32>
    %broadcast_in_dim3A_427 = vector.broadcast %broadcast_in_dim3A_426 : vector<8x1xf32> to vector<8x128xf32>
    %select_n3A_428 = arith.select %eq3A_424, %broadcast_in_dim3A_427, %select_n3A_421 : vector<8x128xi1>, vector<8x128xf32>
    %slice3A_429 = vector.extract_strided_slice %get3A_1 {offsets = [32, 4], sizes = [8, 1], strides = [1, 1]} : vector<64x8xi32> to vector<8x1xi32>
    %eq3A_430 = vector.broadcast %slice3A_429 : vector<8x1xi32> to vector<8x128xi32>
    %eq3A_431 = arith.cmpi eq, %eq3A_430, %add3A_398 : vector<8x128xi32>
    %slice3A_432 = vector.extract_strided_slice %get3A_4 {offsets = [32, 4], sizes = [8, 1], strides = [1, 1]} : vector<64x8xf32> to vector<8x1xf32>
    %broadcast_in_dim3A_433 = vector.shape_cast %slice3A_432 : vector<8x1xf32> to vector<8x1xf32>
    %broadcast_in_dim3A_434 = vector.broadcast %broadcast_in_dim3A_433 : vector<8x1xf32> to vector<8x128xf32>
    %select_n3A_435 = arith.select %eq3A_431, %broadcast_in_dim3A_434, %select_n3A_428 : vector<8x128xi1>, vector<8x128xf32>
    %slice3A_436 = vector.extract_strided_slice %get3A_1 {offsets = [32, 5], sizes = [8, 1], strides = [1, 1]} : vector<64x8xi32> to vector<8x1xi32>
    %eq3A_437 = vector.broadcast %slice3A_436 : vector<8x1xi32> to vector<8x128xi32>
    %eq3A_438 = arith.cmpi eq, %eq3A_437, %add3A_398 : vector<8x128xi32>
    %slice3A_439 = vector.extract_strided_slice %get3A_4 {offsets = [32, 5], sizes = [8, 1], strides = [1, 1]} : vector<64x8xf32> to vector<8x1xf32>
    %broadcast_in_dim3A_440 = vector.shape_cast %slice3A_439 : vector<8x1xf32> to vector<8x1xf32>
    %broadcast_in_dim3A_441 = vector.broadcast %broadcast_in_dim3A_440 : vector<8x1xf32> to vector<8x128xf32>
    %select_n3A_442 = arith.select %eq3A_438, %broadcast_in_dim3A_441, %select_n3A_435 : vector<8x128xi1>, vector<8x128xf32>
    %slice3A_443 = vector.extract_strided_slice %get3A_1 {offsets = [32, 6], sizes = [8, 1], strides = [1, 1]} : vector<64x8xi32> to vector<8x1xi32>
    %eq3A_444 = vector.broadcast %slice3A_443 : vector<8x1xi32> to vector<8x128xi32>
    %eq3A_445 = arith.cmpi eq, %eq3A_444, %add3A_398 : vector<8x128xi32>
    %slice3A_446 = vector.extract_strided_slice %get3A_4 {offsets = [32, 6], sizes = [8, 1], strides = [1, 1]} : vector<64x8xf32> to vector<8x1xf32>
    %broadcast_in_dim3A_447 = vector.shape_cast %slice3A_446 : vector<8x1xf32> to vector<8x1xf32>
    %broadcast_in_dim3A_448 = vector.broadcast %broadcast_in_dim3A_447 : vector<8x1xf32> to vector<8x128xf32>
    %select_n3A_449 = arith.select %eq3A_445, %broadcast_in_dim3A_448, %select_n3A_442 : vector<8x128xi1>, vector<8x128xf32>
    %slice3A_450 = vector.extract_strided_slice %get3A_1 {offsets = [32, 7], sizes = [8, 1], strides = [1, 1]} : vector<64x8xi32> to vector<8x1xi32>
    %eq3A_451 = vector.broadcast %slice3A_450 : vector<8x1xi32> to vector<8x128xi32>
    %eq3A_452 = arith.cmpi eq, %eq3A_451, %add3A_398 : vector<8x128xi32>
    %slice3A_453 = vector.extract_strided_slice %get3A_4 {offsets = [32, 7], sizes = [8, 1], strides = [1, 1]} : vector<64x8xf32> to vector<8x1xf32>
    %broadcast_in_dim3A_454 = vector.shape_cast %slice3A_453 : vector<8x1xf32> to vector<8x1xf32>
    %broadcast_in_dim3A_455 = vector.broadcast %broadcast_in_dim3A_454 : vector<8x1xf32> to vector<8x128xf32>
    %select_n3A_456 = arith.select %eq3A_452, %broadcast_in_dim3A_455, %select_n3A_449 : vector<8x128xi1>, vector<8x128xf32>
    %swap3A_457 = arith.constant 32 : index
    %swap3A_458 = arith.constant 0 : index
    %swap3A_459 = vector.load %arg6[%swap3A_457, %swap3A_458] : memref<64x128xf32, #tpu.memory_space<vmem>>, vector<8x128xf32>
    tpu.vector_store %arg6[%swap3A_457, %swap3A_458], %select_n3A_456 {strides = array<i32>} : memref<64x128xf32, #tpu.memory_space<vmem>>, vector<8x128xf32>,
    %get3A_460 = arith.constant 40 : index
    %get3A_461 = arith.constant 0 : index
    %get3A_462 = memref.load %arg1[%get3A_460, %get3A_461] : memref<64x8xi32, #tpu.memory_space<smem>>
    %jit3A_463 = arith.constant 128 : i32
    %div3A_464 = arith.divsi %get3A_462, %jit3A_463 : i32
    %sign3A_465 = arith.constant 0 : i32
    %sign3A_466 = arith.cmpi sgt, %get3A_462, %sign3A_465 : i32
    %sign3A_467 = arith.extui %sign3A_466 : i1 to i32
    %sign3A_468 = arith.constant 0 : i32
    %sign3A_469 = arith.cmpi slt, %get3A_462, %sign3A_468 : i32
    %sign3A_470 = arith.extui %sign3A_469 : i1 to i32
    %sign3A_471 = arith.subi %sign3A_467, %sign3A_470 : i32
    %sign3A_472 = arith.constant 0 : i32
    %sign3A_473 = arith.cmpi sgt, %jit3A_463, %sign3A_472 : i32
    %sign3A_474 = arith.extui %sign3A_473 : i1 to i32
    %sign3A_475 = arith.constant 0 : i32
    %sign3A_476 = arith.cmpi slt, %jit3A_463, %sign3A_475 : i32
    %sign3A_477 = arith.extui %sign3A_476 : i1 to i32
    %sign3A_478 = arith.subi %sign3A_474, %sign3A_477 : i32
    %ne3A_479 = arith.cmpi ne, %sign3A_471, %sign3A_478 : i32
    %rem3A_480 = arith.remsi %get3A_462, %jit3A_463 : i32
    %ne3A_481 = arith.constant 0 : i32
    %ne3A_482 = arith.cmpi ne, %rem3A_480, %ne3A_481 : i32
    %and3A_483 = arith.andi %ne3A_479, %ne3A_482 : i1
    %sub3A_484 = arith.constant 1 : i32
    %sub3A_485 = arith.subi %div3A_464, %sub3A_484 : i32
    %select_n3A_486 = arith.select %and3A_483, %sub3A_485, %div3A_464 : i32
    %min3A_487 = arith.constant 780 : i32
    %min3A_488 = arith.minsi %select_n3A_486, %min3A_487 : i32
    %mul3A_489 = arith.constant 128 : i32
    %mul3A_490 = arith.muli %min3A_488, %mul3A_489 : i32
    %add3A_491 = vector.broadcast %mul3A_490 : i32 to vector<8x128xi32>
    %add3A_492 = arith.addi %add3A_491, %iota3A : vector<8x128xi32>
    %broadcast_in_dim3A_493 = arith.constant 0.000000e+00 : f32
    %broadcast_in_dim3A_494 = vector.broadcast %broadcast_in_dim3A_493 : f32 to vector<8x128xf32>
    %slice3A_495 = vector.extract_strided_slice %get3A_1 {offsets = [40, 0], sizes = [8, 1], strides = [1, 1]} : vector<64x8xi32> to vector<8x1xi32>
    %eq3A_496 = vector.broadcast %slice3A_495 : vector<8x1xi32> to vector<8x128xi32>
    %eq3A_497 = arith.cmpi eq, %eq3A_496, %add3A_492 : vector<8x128xi32>
    %slice3A_498 = vector.extract_strided_slice %get3A_4 {offsets = [40, 0], sizes = [8, 1], strides = [1, 1]} : vector<64x8xf32> to vector<8x1xf32>
    %broadcast_in_dim3A_499 = vector.shape_cast %slice3A_498 : vector<8x1xf32> to vector<8x1xf32>
    %broadcast_in_dim3A_500 = vector.broadcast %broadcast_in_dim3A_499 : vector<8x1xf32> to vector<8x128xf32>
    %select_n3A_501 = arith.select %eq3A_497, %broadcast_in_dim3A_500, %broadcast_in_dim3A_494 : vector<8x128xi1>, vector<8x128xf32>
    %slice3A_502 = vector.extract_strided_slice %get3A_1 {offsets = [40, 1], sizes = [8, 1], strides = [1, 1]} : vector<64x8xi32> to vector<8x1xi32>
    %eq3A_503 = vector.broadcast %slice3A_502 : vector<8x1xi32> to vector<8x128xi32>
    %eq3A_504 = arith.cmpi eq, %eq3A_503, %add3A_492 : vector<8x128xi32>
    %slice3A_505 = vector.extract_strided_slice %get3A_4 {offsets = [40, 1], sizes = [8, 1], strides = [1, 1]} : vector<64x8xf32> to vector<8x1xf32>
    %broadcast_in_dim3A_506 = vector.shape_cast %slice3A_505 : vector<8x1xf32> to vector<8x1xf32>
    %broadcast_in_dim3A_507 = vector.broadcast %broadcast_in_dim3A_506 : vector<8x1xf32> to vector<8x128xf32>
    %select_n3A_508 = arith.select %eq3A_504, %broadcast_in_dim3A_507, %select_n3A_501 : vector<8x128xi1>, vector<8x128xf32>
    %slice3A_509 = vector.extract_strided_slice %get3A_1 {offsets = [40, 2], sizes = [8, 1], strides = [1, 1]} : vector<64x8xi32> to vector<8x1xi32>
    %eq3A_510 = vector.broadcast %slice3A_509 : vector<8x1xi32> to vector<8x128xi32>
    %eq3A_511 = arith.cmpi eq, %eq3A_510, %add3A_492 : vector<8x128xi32>
    %slice3A_512 = vector.extract_strided_slice %get3A_4 {offsets = [40, 2], sizes = [8, 1], strides = [1, 1]} : vector<64x8xf32> to vector<8x1xf32>
    %broadcast_in_dim3A_513 = vector.shape_cast %slice3A_512 : vector<8x1xf32> to vector<8x1xf32>
    %broadcast_in_dim3A_514 = vector.broadcast %broadcast_in_dim3A_513 : vector<8x1xf32> to vector<8x128xf32>
    %select_n3A_515 = arith.select %eq3A_511, %broadcast_in_dim3A_514, %select_n3A_508 : vector<8x128xi1>, vector<8x128xf32>
    %slice3A_516 = vector.extract_strided_slice %get3A_1 {offsets = [40, 3], sizes = [8, 1], strides = [1, 1]} : vector<64x8xi32> to vector<8x1xi32>
    %eq3A_517 = vector.broadcast %slice3A_516 : vector<8x1xi32> to vector<8x128xi32>
    %eq3A_518 = arith.cmpi eq, %eq3A_517, %add3A_492 : vector<8x128xi32>
    %slice3A_519 = vector.extract_strided_slice %get3A_4 {offsets = [40, 3], sizes = [8, 1], strides = [1, 1]} : vector<64x8xf32> to vector<8x1xf32>
    %broadcast_in_dim3A_520 = vector.shape_cast %slice3A_519 : vector<8x1xf32> to vector<8x1xf32>
    %broadcast_in_dim3A_521 = vector.broadcast %broadcast_in_dim3A_520 : vector<8x1xf32> to vector<8x128xf32>
    %select_n3A_522 = arith.select %eq3A_518, %broadcast_in_dim3A_521, %select_n3A_515 : vector<8x128xi1>, vector<8x128xf32>
    %slice3A_523 = vector.extract_strided_slice %get3A_1 {offsets = [40, 4], sizes = [8, 1], strides = [1, 1]} : vector<64x8xi32> to vector<8x1xi32>
    %eq3A_524 = vector.broadcast %slice3A_523 : vector<8x1xi32> to vector<8x128xi32>
    %eq3A_525 = arith.cmpi eq, %eq3A_524, %add3A_492 : vector<8x128xi32>
    %slice3A_526 = vector.extract_strided_slice %get3A_4 {offsets = [40, 4], sizes = [8, 1], strides = [1, 1]} : vector<64x8xf32> to vector<8x1xf32>
    %broadcast_in_dim3A_527 = vector.shape_cast %slice3A_526 : vector<8x1xf32> to vector<8x1xf32>
    %broadcast_in_dim3A_528 = vector.broadcast %broadcast_in_dim3A_527 : vector<8x1xf32> to vector<8x128xf32>
    %select_n3A_529 = arith.select %eq3A_525, %broadcast_in_dim3A_528, %select_n3A_522 : vector<8x128xi1>, vector<8x128xf32>
    %slice3A_530 = vector.extract_strided_slice %get3A_1 {offsets = [40, 5], sizes = [8, 1], strides = [1, 1]} : vector<64x8xi32> to vector<8x1xi32>
    %eq3A_531 = vector.broadcast %slice3A_530 : vector<8x1xi32> to vector<8x128xi32>
    %eq3A_532 = arith.cmpi eq, %eq3A_531, %add3A_492 : vector<8x128xi32>
    %slice3A_533 = vector.extract_strided_slice %get3A_4 {offsets = [40, 5], sizes = [8, 1], strides = [1, 1]} : vector<64x8xf32> to vector<8x1xf32>
    %broadcast_in_dim3A_534 = vector.shape_cast %slice3A_533 : vector<8x1xf32> to vector<8x1xf32>
    %broadcast_in_dim3A_535 = vector.broadcast %broadcast_in_dim3A_534 : vector<8x1xf32> to vector<8x128xf32>
    %select_n3A_536 = arith.select %eq3A_532, %broadcast_in_dim3A_535, %select_n3A_529 : vector<8x128xi1>, vector<8x128xf32>
    %slice3A_537 = vector.extract_strided_slice %get3A_1 {offsets = [40, 6], sizes = [8, 1], strides = [1, 1]} : vector<64x8xi32> to vector<8x1xi32>
    %eq3A_538 = vector.broadcast %slice3A_537 : vector<8x1xi32> to vector<8x128xi32>
    %eq3A_539 = arith.cmpi eq, %eq3A_538, %add3A_492 : vector<8x128xi32>
    %slice3A_540 = vector.extract_strided_slice %get3A_4 {offsets = [40, 6], sizes = [8, 1], strides = [1, 1]} : vector<64x8xf32> to vector<8x1xf32>
    %broadcast_in_dim3A_541 = vector.shape_cast %slice3A_540 : vector<8x1xf32> to vector<8x1xf32>
    %broadcast_in_dim3A_542 = vector.broadcast %broadcast_in_dim3A_541 : vector<8x1xf32> to vector<8x128xf32>
    %select_n3A_543 = arith.select %eq3A_539, %broadcast_in_dim3A_542, %select_n3A_536 : vector<8x128xi1>, vector<8x128xf32>
    %slice3A_544 = vector.extract_strided_slice %get3A_1 {offsets = [40, 7], sizes = [8, 1], strides = [1, 1]} : vector<64x8xi32> to vector<8x1xi32>
    %eq3A_545 = vector.broadcast %slice3A_544 : vector<8x1xi32> to vector<8x128xi32>
    %eq3A_546 = arith.cmpi eq, %eq3A_545, %add3A_492 : vector<8x128xi32>
    %slice3A_547 = vector.extract_strided_slice %get3A_4 {offsets = [40, 7], sizes = [8, 1], strides = [1, 1]} : vector<64x8xf32> to vector<8x1xf32>
    %broadcast_in_dim3A_548 = vector.shape_cast %slice3A_547 : vector<8x1xf32> to vector<8x1xf32>
    %broadcast_in_dim3A_549 = vector.broadcast %broadcast_in_dim3A_548 : vector<8x1xf32> to vector<8x128xf32>
    %select_n3A_550 = arith.select %eq3A_546, %broadcast_in_dim3A_549, %select_n3A_543 : vector<8x128xi1>, vector<8x128xf32>
    %swap3A_551 = arith.constant 40 : index
    %swap3A_552 = arith.constant 0 : index
    %swap3A_553 = vector.load %arg6[%swap3A_551, %swap3A_552] : memref<64x128xf32, #tpu.memory_space<vmem>>, vector<8x128xf32>
    tpu.vector_store %arg6[%swap3A_551, %swap3A_552], %select_n3A_550 {strides = array<i32>} : memref<64x128xf32, #tpu.memory_space<vmem>>, vector<8x128xf32>,
    %get3A_554 = arith.constant 48 : index
    %get3A_555 = arith.constant 0 : index
    %get3A_556 = memref.load %arg1[%get3A_554, %get3A_555] : memref<64x8xi32, #tpu.memory_space<smem>>
    %jit3A_557 = arith.constant 128 : i32
    %div3A_558 = arith.divsi %get3A_556, %jit3A_557 : i32
    %sign3A_559 = arith.constant 0 : i32
    %sign3A_560 = arith.cmpi sgt, %get3A_556, %sign3A_559 : i32
    %sign3A_561 = arith.extui %sign3A_560 : i1 to i32
    %sign3A_562 = arith.constant 0 : i32
    %sign3A_563 = arith.cmpi slt, %get3A_556, %sign3A_562 : i32
    %sign3A_564 = arith.extui %sign3A_563 : i1 to i32
    %sign3A_565 = arith.subi %sign3A_561, %sign3A_564 : i32
    %sign3A_566 = arith.constant 0 : i32
    %sign3A_567 = arith.cmpi sgt, %jit3A_557, %sign3A_566 : i32
    %sign3A_568 = arith.extui %sign3A_567 : i1 to i32
    %sign3A_569 = arith.constant 0 : i32
    %sign3A_570 = arith.cmpi slt, %jit3A_557, %sign3A_569 : i32
    %sign3A_571 = arith.extui %sign3A_570 : i1 to i32
    %sign3A_572 = arith.subi %sign3A_568, %sign3A_571 : i32
    %ne3A_573 = arith.cmpi ne, %sign3A_565, %sign3A_572 : i32
    %rem3A_574 = arith.remsi %get3A_556, %jit3A_557 : i32
    %ne3A_575 = arith.constant 0 : i32
    %ne3A_576 = arith.cmpi ne, %rem3A_574, %ne3A_575 : i32
    %and3A_577 = arith.andi %ne3A_573, %ne3A_576 : i1
    %sub3A_578 = arith.constant 1 : i32
    %sub3A_579 = arith.subi %div3A_558, %sub3A_578 : i32
    %select_n3A_580 = arith.select %and3A_577, %sub3A_579, %div3A_558 : i32
    %min3A_581 = arith.constant 780 : i32
    %min3A_582 = arith.minsi %select_n3A_580, %min3A_581 : i32
    %mul3A_583 = arith.constant 128 : i32
    %mul3A_584 = arith.muli %min3A_582, %mul3A_583 : i32
    %add3A_585 = vector.broadcast %mul3A_584 : i32 to vector<8x128xi32>
    %add3A_586 = arith.addi %add3A_585, %iota3A : vector<8x128xi32>
    %broadcast_in_dim3A_587 = arith.constant 0.000000e+00 : f32
    %broadcast_in_dim3A_588 = vector.broadcast %broadcast_in_dim3A_587 : f32 to vector<8x128xf32>
    %slice3A_589 = vector.extract_strided_slice %get3A_1 {offsets = [48, 0], sizes = [8, 1], strides = [1, 1]} : vector<64x8xi32> to vector<8x1xi32>
    %eq3A_590 = vector.broadcast %slice3A_589 : vector<8x1xi32> to vector<8x128xi32>
    %eq3A_591 = arith.cmpi eq, %eq3A_590, %add3A_586 : vector<8x128xi32>
    %slice3A_592 = vector.extract_strided_slice %get3A_4 {offsets = [48, 0], sizes = [8, 1], strides = [1, 1]} : vector<64x8xf32> to vector<8x1xf32>
    %broadcast_in_dim3A_593 = vector.shape_cast %slice3A_592 : vector<8x1xf32> to vector<8x1xf32>
    %broadcast_in_dim3A_594 = vector.broadcast %broadcast_in_dim3A_593 : vector<8x1xf32> to vector<8x128xf32>
    %select_n3A_595 = arith.select %eq3A_591, %broadcast_in_dim3A_594, %broadcast_in_dim3A_588 : vector<8x128xi1>, vector<8x128xf32>
    %slice3A_596 = vector.extract_strided_slice %get3A_1 {offsets = [48, 1], sizes = [8, 1], strides = [1, 1]} : vector<64x8xi32> to vector<8x1xi32>
    %eq3A_597 = vector.broadcast %slice3A_596 : vector<8x1xi32> to vector<8x128xi32>
    %eq3A_598 = arith.cmpi eq, %eq3A_597, %add3A_586 : vector<8x128xi32>
    %slice3A_599 = vector.extract_strided_slice %get3A_4 {offsets = [48, 1], sizes = [8, 1], strides = [1, 1]} : vector<64x8xf32> to vector<8x1xf32>
    %broadcast_in_dim3A_600 = vector.shape_cast %slice3A_599 : vector<8x1xf32> to vector<8x1xf32>
    %broadcast_in_dim3A_601 = vector.broadcast %broadcast_in_dim3A_600 : vector<8x1xf32> to vector<8x128xf32>
    %select_n3A_602 = arith.select %eq3A_598, %broadcast_in_dim3A_601, %select_n3A_595 : vector<8x128xi1>, vector<8x128xf32>
    %slice3A_603 = vector.extract_strided_slice %get3A_1 {offsets = [48, 2], sizes = [8, 1], strides = [1, 1]} : vector<64x8xi32> to vector<8x1xi32>
    %eq3A_604 = vector.broadcast %slice3A_603 : vector<8x1xi32> to vector<8x128xi32>
    %eq3A_605 = arith.cmpi eq, %eq3A_604, %add3A_586 : vector<8x128xi32>
    %slice3A_606 = vector.extract_strided_slice %get3A_4 {offsets = [48, 2], sizes = [8, 1], strides = [1, 1]} : vector<64x8xf32> to vector<8x1xf32>
    %broadcast_in_dim3A_607 = vector.shape_cast %slice3A_606 : vector<8x1xf32> to vector<8x1xf32>
    %broadcast_in_dim3A_608 = vector.broadcast %broadcast_in_dim3A_607 : vector<8x1xf32> to vector<8x128xf32>
    %select_n3A_609 = arith.select %eq3A_605, %broadcast_in_dim3A_608, %select_n3A_602 : vector<8x128xi1>, vector<8x128xf32>
    %slice3A_610 = vector.extract_strided_slice %get3A_1 {offsets = [48, 3], sizes = [8, 1], strides = [1, 1]} : vector<64x8xi32> to vector<8x1xi32>
    %eq3A_611 = vector.broadcast %slice3A_610 : vector<8x1xi32> to vector<8x128xi32>
    %eq3A_612 = arith.cmpi eq, %eq3A_611, %add3A_586 : vector<8x128xi32>
    %slice3A_613 = vector.extract_strided_slice %get3A_4 {offsets = [48, 3], sizes = [8, 1], strides = [1, 1]} : vector<64x8xf32> to vector<8x1xf32>
    %broadcast_in_dim3A_614 = vector.shape_cast %slice3A_613 : vector<8x1xf32> to vector<8x1xf32>
    %broadcast_in_dim3A_615 = vector.broadcast %broadcast_in_dim3A_614 : vector<8x1xf32> to vector<8x128xf32>
    %select_n3A_616 = arith.select %eq3A_612, %broadcast_in_dim3A_615, %select_n3A_609 : vector<8x128xi1>, vector<8x128xf32>
    %slice3A_617 = vector.extract_strided_slice %get3A_1 {offsets = [48, 4], sizes = [8, 1], strides = [1, 1]} : vector<64x8xi32> to vector<8x1xi32>
    %eq3A_618 = vector.broadcast %slice3A_617 : vector<8x1xi32> to vector<8x128xi32>
    %eq3A_619 = arith.cmpi eq, %eq3A_618, %add3A_586 : vector<8x128xi32>
    %slice3A_620 = vector.extract_strided_slice %get3A_4 {offsets = [48, 4], sizes = [8, 1], strides = [1, 1]} : vector<64x8xf32> to vector<8x1xf32>
    %broadcast_in_dim3A_621 = vector.shape_cast %slice3A_620 : vector<8x1xf32> to vector<8x1xf32>
    %broadcast_in_dim3A_622 = vector.broadcast %broadcast_in_dim3A_621 : vector<8x1xf32> to vector<8x128xf32>
    %select_n3A_623 = arith.select %eq3A_619, %broadcast_in_dim3A_622, %select_n3A_616 : vector<8x128xi1>, vector<8x128xf32>
    %slice3A_624 = vector.extract_strided_slice %get3A_1 {offsets = [48, 5], sizes = [8, 1], strides = [1, 1]} : vector<64x8xi32> to vector<8x1xi32>
    %eq3A_625 = vector.broadcast %slice3A_624 : vector<8x1xi32> to vector<8x128xi32>
    %eq3A_626 = arith.cmpi eq, %eq3A_625, %add3A_586 : vector<8x128xi32>
    %slice3A_627 = vector.extract_strided_slice %get3A_4 {offsets = [48, 5], sizes = [8, 1], strides = [1, 1]} : vector<64x8xf32> to vector<8x1xf32>
    %broadcast_in_dim3A_628 = vector.shape_cast %slice3A_627 : vector<8x1xf32> to vector<8x1xf32>
    %broadcast_in_dim3A_629 = vector.broadcast %broadcast_in_dim3A_628 : vector<8x1xf32> to vector<8x128xf32>
    %select_n3A_630 = arith.select %eq3A_626, %broadcast_in_dim3A_629, %select_n3A_623 : vector<8x128xi1>, vector<8x128xf32>
    %slice3A_631 = vector.extract_strided_slice %get3A_1 {offsets = [48, 6], sizes = [8, 1], strides = [1, 1]} : vector<64x8xi32> to vector<8x1xi32>
    %eq3A_632 = vector.broadcast %slice3A_631 : vector<8x1xi32> to vector<8x128xi32>
    %eq3A_633 = arith.cmpi eq, %eq3A_632, %add3A_586 : vector<8x128xi32>
    %slice3A_634 = vector.extract_strided_slice %get3A_4 {offsets = [48, 6], sizes = [8, 1], strides = [1, 1]} : vector<64x8xf32> to vector<8x1xf32>
    %broadcast_in_dim3A_635 = vector.shape_cast %slice3A_634 : vector<8x1xf32> to vector<8x1xf32>
    %broadcast_in_dim3A_636 = vector.broadcast %broadcast_in_dim3A_635 : vector<8x1xf32> to vector<8x128xf32>
    %select_n3A_637 = arith.select %eq3A_633, %broadcast_in_dim3A_636, %select_n3A_630 : vector<8x128xi1>, vector<8x128xf32>
    %slice3A_638 = vector.extract_strided_slice %get3A_1 {offsets = [48, 7], sizes = [8, 1], strides = [1, 1]} : vector<64x8xi32> to vector<8x1xi32>
    %eq3A_639 = vector.broadcast %slice3A_638 : vector<8x1xi32> to vector<8x128xi32>
    %eq3A_640 = arith.cmpi eq, %eq3A_639, %add3A_586 : vector<8x128xi32>
    %slice3A_641 = vector.extract_strided_slice %get3A_4 {offsets = [48, 7], sizes = [8, 1], strides = [1, 1]} : vector<64x8xf32> to vector<8x1xf32>
    %broadcast_in_dim3A_642 = vector.shape_cast %slice3A_641 : vector<8x1xf32> to vector<8x1xf32>
    %broadcast_in_dim3A_643 = vector.broadcast %broadcast_in_dim3A_642 : vector<8x1xf32> to vector<8x128xf32>
    %select_n3A_644 = arith.select %eq3A_640, %broadcast_in_dim3A_643, %select_n3A_637 : vector<8x128xi1>, vector<8x128xf32>
    %swap3A_645 = arith.constant 48 : index
    %swap3A_646 = arith.constant 0 : index
    %swap3A_647 = vector.load %arg6[%swap3A_645, %swap3A_646] : memref<64x128xf32, #tpu.memory_space<vmem>>, vector<8x128xf32>
    tpu.vector_store %arg6[%swap3A_645, %swap3A_646], %select_n3A_644 {strides = array<i32>} : memref<64x128xf32, #tpu.memory_space<vmem>>, vector<8x128xf32>,
    %get3A_648 = arith.constant 56 : index
    %get3A_649 = arith.constant 0 : index
    %get3A_650 = memref.load %arg1[%get3A_648, %get3A_649] : memref<64x8xi32, #tpu.memory_space<smem>>
    %jit3A_651 = arith.constant 128 : i32
    %div3A_652 = arith.divsi %get3A_650, %jit3A_651 : i32
    %sign3A_653 = arith.constant 0 : i32
    %sign3A_654 = arith.cmpi sgt, %get3A_650, %sign3A_653 : i32
    %sign3A_655 = arith.extui %sign3A_654 : i1 to i32
    %sign3A_656 = arith.constant 0 : i32
    %sign3A_657 = arith.cmpi slt, %get3A_650, %sign3A_656 : i32
    %sign3A_658 = arith.extui %sign3A_657 : i1 to i32
    %sign3A_659 = arith.subi %sign3A_655, %sign3A_658 : i32
    %sign3A_660 = arith.constant 0 : i32
    %sign3A_661 = arith.cmpi sgt, %jit3A_651, %sign3A_660 : i32
    %sign3A_662 = arith.extui %sign3A_661 : i1 to i32
    %sign3A_663 = arith.constant 0 : i32
    %sign3A_664 = arith.cmpi slt, %jit3A_651, %sign3A_663 : i32
    %sign3A_665 = arith.extui %sign3A_664 : i1 to i32
    %sign3A_666 = arith.subi %sign3A_662, %sign3A_665 : i32
    %ne3A_667 = arith.cmpi ne, %sign3A_659, %sign3A_666 : i32
    %rem3A_668 = arith.remsi %get3A_650, %jit3A_651 : i32
    %ne3A_669 = arith.constant 0 : i32
    %ne3A_670 = arith.cmpi ne, %rem3A_668, %ne3A_669 : i32
    %and3A_671 = arith.andi %ne3A_667, %ne3A_670 : i1
    %sub3A_672 = arith.constant 1 : i32
    %sub3A_673 = arith.subi %div3A_652, %sub3A_672 : i32
    %select_n3A_674 = arith.select %and3A_671, %sub3A_673, %div3A_652 : i32
    %min3A_675 = arith.constant 780 : i32
    %min3A_676 = arith.minsi %select_n3A_674, %min3A_675 : i32
    %mul3A_677 = arith.constant 128 : i32
    %mul3A_678 = arith.muli %min3A_676, %mul3A_677 : i32
    %add3A_679 = vector.broadcast %mul3A_678 : i32 to vector<8x128xi32>
    %add3A_680 = arith.addi %add3A_679, %iota3A : vector<8x128xi32>
    %broadcast_in_dim3A_681 = arith.constant 0.000000e+00 : f32
    %broadcast_in_dim3A_682 = vector.broadcast %broadcast_in_dim3A_681 : f32 to vector<8x128xf32>
    %slice3A_683 = vector.extract_strided_slice %get3A_1 {offsets = [56, 0], sizes = [8, 1], strides = [1, 1]} : vector<64x8xi32> to vector<8x1xi32>
    %eq3A_684 = vector.broadcast %slice3A_683 : vector<8x1xi32> to vector<8x128xi32>
    %eq3A_685 = arith.cmpi eq, %eq3A_684, %add3A_680 : vector<8x128xi32>
    %slice3A_686 = vector.extract_strided_slice %get3A_4 {offsets = [56, 0], sizes = [8, 1], strides = [1, 1]} : vector<64x8xf32> to vector<8x1xf32>
    %broadcast_in_dim3A_687 = vector.shape_cast %slice3A_686 : vector<8x1xf32> to vector<8x1xf32>
    %broadcast_in_dim3A_688 = vector.broadcast %broadcast_in_dim3A_687 : vector<8x1xf32> to vector<8x128xf32>
    %select_n3A_689 = arith.select %eq3A_685, %broadcast_in_dim3A_688, %broadcast_in_dim3A_682 : vector<8x128xi1>, vector<8x128xf32>
    %slice3A_690 = vector.extract_strided_slice %get3A_1 {offsets = [56, 1], sizes = [8, 1], strides = [1, 1]} : vector<64x8xi32> to vector<8x1xi32>
    %eq3A_691 = vector.broadcast %slice3A_690 : vector<8x1xi32> to vector<8x128xi32>
    %eq3A_692 = arith.cmpi eq, %eq3A_691, %add3A_680 : vector<8x128xi32>
    %slice3A_693 = vector.extract_strided_slice %get3A_4 {offsets = [56, 1], sizes = [8, 1], strides = [1, 1]} : vector<64x8xf32> to vector<8x1xf32>
    %broadcast_in_dim3A_694 = vector.shape_cast %slice3A_693 : vector<8x1xf32> to vector<8x1xf32>
    %broadcast_in_dim3A_695 = vector.broadcast %broadcast_in_dim3A_694 : vector<8x1xf32> to vector<8x128xf32>
    %select_n3A_696 = arith.select %eq3A_692, %broadcast_in_dim3A_695, %select_n3A_689 : vector<8x128xi1>, vector<8x128xf32>
    %slice3A_697 = vector.extract_strided_slice %get3A_1 {offsets = [56, 2], sizes = [8, 1], strides = [1, 1]} : vector<64x8xi32> to vector<8x1xi32>
    %eq3A_698 = vector.broadcast %slice3A_697 : vector<8x1xi32> to vector<8x128xi32>
    %eq3A_699 = arith.cmpi eq, %eq3A_698, %add3A_680 : vector<8x128xi32>
    %slice3A_700 = vector.extract_strided_slice %get3A_4 {offsets = [56, 2], sizes = [8, 1], strides = [1, 1]} : vector<64x8xf32> to vector<8x1xf32>
    %broadcast_in_dim3A_701 = vector.shape_cast %slice3A_700 : vector<8x1xf32> to vector<8x1xf32>
    %broadcast_in_dim3A_702 = vector.broadcast %broadcast_in_dim3A_701 : vector<8x1xf32> to vector<8x128xf32>
    %select_n3A_703 = arith.select %eq3A_699, %broadcast_in_dim3A_702, %select_n3A_696 : vector<8x128xi1>, vector<8x128xf32>
    %slice3A_704 = vector.extract_strided_slice %get3A_1 {offsets = [56, 3], sizes = [8, 1], strides = [1, 1]} : vector<64x8xi32> to vector<8x1xi32>
    %eq3A_705 = vector.broadcast %slice3A_704 : vector<8x1xi32> to vector<8x128xi32>
    %eq3A_706 = arith.cmpi eq, %eq3A_705, %add3A_680 : vector<8x128xi32>
    %slice3A_707 = vector.extract_strided_slice %get3A_4 {offsets = [56, 3], sizes = [8, 1], strides = [1, 1]} : vector<64x8xf32> to vector<8x1xf32>
    %broadcast_in_dim3A_708 = vector.shape_cast %slice3A_707 : vector<8x1xf32> to vector<8x1xf32>
    %broadcast_in_dim3A_709 = vector.broadcast %broadcast_in_dim3A_708 : vector<8x1xf32> to vector<8x128xf32>
    %select_n3A_710 = arith.select %eq3A_706, %broadcast_in_dim3A_709, %select_n3A_703 : vector<8x128xi1>, vector<8x128xf32>
    %slice3A_711 = vector.extract_strided_slice %get3A_1 {offsets = [56, 4], sizes = [8, 1], strides = [1, 1]} : vector<64x8xi32> to vector<8x1xi32>
    %eq3A_712 = vector.broadcast %slice3A_711 : vector<8x1xi32> to vector<8x128xi32>
    %eq3A_713 = arith.cmpi eq, %eq3A_712, %add3A_680 : vector<8x128xi32>
    %slice3A_714 = vector.extract_strided_slice %get3A_4 {offsets = [56, 4], sizes = [8, 1], strides = [1, 1]} : vector<64x8xf32> to vector<8x1xf32>
    %broadcast_in_dim3A_715 = vector.shape_cast %slice3A_714 : vector<8x1xf32> to vector<8x1xf32>
    %broadcast_in_dim3A_716 = vector.broadcast %broadcast_in_dim3A_715 : vector<8x1xf32> to vector<8x128xf32>
    %select_n3A_717 = arith.select %eq3A_713, %broadcast_in_dim3A_716, %select_n3A_710 : vector<8x128xi1>, vector<8x128xf32>
    %slice3A_718 = vector.extract_strided_slice %get3A_1 {offsets = [56, 5], sizes = [8, 1], strides = [1, 1]} : vector<64x8xi32> to vector<8x1xi32>
    %eq3A_719 = vector.broadcast %slice3A_718 : vector<8x1xi32> to vector<8x128xi32>
    %eq3A_720 = arith.cmpi eq, %eq3A_719, %add3A_680 : vector<8x128xi32>
    %slice3A_721 = vector.extract_strided_slice %get3A_4 {offsets = [56, 5], sizes = [8, 1], strides = [1, 1]} : vector<64x8xf32> to vector<8x1xf32>
    %broadcast_in_dim3A_722 = vector.shape_cast %slice3A_721 : vector<8x1xf32> to vector<8x1xf32>
    %broadcast_in_dim3A_723 = vector.broadcast %broadcast_in_dim3A_722 : vector<8x1xf32> to vector<8x128xf32>
    %select_n3A_724 = arith.select %eq3A_720, %broadcast_in_dim3A_723, %select_n3A_717 : vector<8x128xi1>, vector<8x128xf32>
    %slice3A_725 = vector.extract_strided_slice %get3A_1 {offsets = [56, 6], sizes = [8, 1], strides = [1, 1]} : vector<64x8xi32> to vector<8x1xi32>
    %eq3A_726 = vector.broadcast %slice3A_725 : vector<8x1xi32> to vector<8x128xi32>
    %eq3A_727 = arith.cmpi eq, %eq3A_726, %add3A_680 : vector<8x128xi32>
    %slice3A_728 = vector.extract_strided_slice %get3A_4 {offsets = [56, 6], sizes = [8, 1], strides = [1, 1]} : vector<64x8xf32> to vector<8x1xf32>
    %broadcast_in_dim3A_729 = vector.shape_cast %slice3A_728 : vector<8x1xf32> to vector<8x1xf32>
    %broadcast_in_dim3A_730 = vector.broadcast %broadcast_in_dim3A_729 : vector<8x1xf32> to vector<8x128xf32>
    %select_n3A_731 = arith.select %eq3A_727, %broadcast_in_dim3A_730, %select_n3A_724 : vector<8x128xi1>, vector<8x128xf32>
    %slice3A_732 = vector.extract_strided_slice %get3A_1 {offsets = [56, 7], sizes = [8, 1], strides = [1, 1]} : vector<64x8xi32> to vector<8x1xi32>
    %eq3A_733 = vector.broadcast %slice3A_732 : vector<8x1xi32> to vector<8x128xi32>
    %eq3A_734 = arith.cmpi eq, %eq3A_733, %add3A_680 : vector<8x128xi32>
    %slice3A_735 = vector.extract_strided_slice %get3A_4 {offsets = [56, 7], sizes = [8, 1], strides = [1, 1]} : vector<64x8xf32> to vector<8x1xf32>
    %broadcast_in_dim3A_736 = vector.shape_cast %slice3A_735 : vector<8x1xf32> to vector<8x1xf32>
    %broadcast_in_dim3A_737 = vector.broadcast %broadcast_in_dim3A_736 : vector<8x1xf32> to vector<8x128xf32>
    %select_n3A_738 = arith.select %eq3A_734, %broadcast_in_dim3A_737, %select_n3A_731 : vector<8x128xi1>, vector<8x128xf32>
    %swap3A_739 = arith.constant 56 : index
    %swap3A_740 = arith.constant 0 : index
    %swap3A_741 = vector.load %arg6[%swap3A_739, %swap3A_740] : memref<64x128xf32, #tpu.memory_space<vmem>>, vector<8x128xf32>
    tpu.vector_store %arg6[%swap3A_739, %swap3A_740], %select_n3A_738 {strides = array<i32>} : memref<64x128xf32, #tpu.memory_space<vmem>>, vector<8x128xf32>,
    %dma_start3A = arith.constant 0 : i32
    %dma_start3A_742 = tpu.memref_slice %arg5[%dma_start3A, %mul3A_25] : memref<64x100000xf32, #tpu.memory_space<any>> -> memref<8x128xf32, #tpu.memory_space<any>>
    %dma_start3A_743 = arith.constant 0 : i32
    %dma_start3A_744 = arith.constant 0 : i32
    %dma_start3A_745 = tpu.memref_slice %arg6[%dma_start3A_743, %dma_start3A_744] : memref<64x128xf32, #tpu.memory_space<vmem>> -> memref<8x128xf32, #tpu.memory_space<vmem>>
    tpu.enqueue_dma source(%dma_start3A_745 : memref<8x128xf32, #tpu.memory_space<vmem>>) target(%dma_start3A_742 : memref<8x128xf32, #tpu.memory_space<any>>) target_semaphore(%arg8 : memref<!tpu.dma_semaphore, #tpu.memory_space<semaphore_mem>>)
    %dma_start3A_746 = arith.constant 8 : i32
    %dma_start3A_747 = tpu.memref_slice %arg5[%dma_start3A_746, %mul3A_114] : memref<64x100000xf32, #tpu.memory_space<any>> -> memref<8x128xf32, #tpu.memory_space<any>>
    %dma_start3A_748 = arith.constant 8 : i32
    %dma_start3A_749 = arith.constant 0 : i32
    %dma_start3A_750 = tpu.memref_slice %arg6[%dma_start3A_748, %dma_start3A_749] : memref<64x128xf32, #tpu.memory_space<vmem>> -> memref<8x128xf32, #tpu.memory_space<vmem>>
    tpu.enqueue_dma source(%dma_start3A_750 : memref<8x128xf32, #tpu.memory_space<vmem>>) target(%dma_start3A_747 : memref<8x128xf32, #tpu.memory_space<any>>) target_semaphore(%arg8 : memref<!tpu.dma_semaphore, #tpu.memory_space<semaphore_mem>>)
    %dma_start3A_751 = arith.constant 16 : i32
    %dma_start3A_752 = tpu.memref_slice %arg5[%dma_start3A_751, %mul3A_208] : memref<64x100000xf32, #tpu.memory_space<any>> -> memref<8x128xf32, #tpu.memory_space<any>>
    %dma_start3A_753 = arith.constant 16 : i32
    %dma_start3A_754 = arith.constant 0 : i32
    %dma_start3A_755 = tpu.memref_slice %arg6[%dma_start3A_753, %dma_start3A_754] : memref<64x128xf32, #tpu.memory_space<vmem>> -> memref<8x128xf32, #tpu.memory_space<vmem>>
    tpu.enqueue_dma source(%dma_start3A_755 : memref<8x128xf32, #tpu.memory_space<vmem>>) target(%dma_start3A_752 : memref<8x128xf32, #tpu.memory_space<any>>) target_semaphore(%arg8 : memref<!tpu.dma_semaphore, #tpu.memory_space<semaphore_mem>>)
    %dma_start3A_756 = arith.constant 24 : i32
    %dma_start3A_757 = tpu.memref_slice %arg5[%dma_start3A_756, %mul3A_302] : memref<64x100000xf32, #tpu.memory_space<any>> -> memref<8x128xf32, #tpu.memory_space<any>>
    %dma_start3A_758 = arith.constant 24 : i32
    %dma_start3A_759 = arith.constant 0 : i32
    %dma_start3A_760 = tpu.memref_slice %arg6[%dma_start3A_758, %dma_start3A_759] : memref<64x128xf32, #tpu.memory_space<vmem>> -> memref<8x128xf32, #tpu.memory_space<vmem>>
    tpu.enqueue_dma source(%dma_start3A_760 : memref<8x128xf32, #tpu.memory_space<vmem>>) target(%dma_start3A_757 : memref<8x128xf32, #tpu.memory_space<any>>) target_semaphore(%arg8 : memref<!tpu.dma_semaphore, #tpu.memory_space<semaphore_mem>>)
    %dma_start3A_761 = arith.constant 32 : i32
    %dma_start3A_762 = tpu.memref_slice %arg5[%dma_start3A_761, %mul3A_396] : memref<64x100000xf32, #tpu.memory_space<any>> -> memref<8x128xf32, #tpu.memory_space<any>>
    %dma_start3A_763 = arith.constant 32 : i32
    %dma_start3A_764 = arith.constant 0 : i32
    %dma_start3A_765 = tpu.memref_slice %arg6[%dma_start3A_763, %dma_start3A_764] : memref<64x128xf32, #tpu.memory_space<vmem>> -> memref<8x128xf32, #tpu.memory_space<vmem>>
    tpu.enqueue_dma source(%dma_start3A_765 : memref<8x128xf32, #tpu.memory_space<vmem>>) target(%dma_start3A_762 : memref<8x128xf32, #tpu.memory_space<any>>) target_semaphore(%arg8 : memref<!tpu.dma_semaphore, #tpu.memory_space<semaphore_mem>>)
    %dma_start3A_766 = arith.constant 40 : i32
    %dma_start3A_767 = tpu.memref_slice %arg5[%dma_start3A_766, %mul3A_490] : memref<64x100000xf32, #tpu.memory_space<any>> -> memref<8x128xf32, #tpu.memory_space<any>>
    %dma_start3A_768 = arith.constant 40 : i32
    %dma_start3A_769 = arith.constant 0 : i32
    %dma_start3A_770 = tpu.memref_slice %arg6[%dma_start3A_768, %dma_start3A_769] : memref<64x128xf32, #tpu.memory_space<vmem>> -> memref<8x128xf32, #tpu.memory_space<vmem>>
    tpu.enqueue_dma source(%dma_start3A_770 : memref<8x128xf32, #tpu.memory_space<vmem>>) target(%dma_start3A_767 : memref<8x128xf32, #tpu.memory_space<any>>) target_semaphore(%arg8 : memref<!tpu.dma_semaphore, #tpu.memory_space<semaphore_mem>>)
    %dma_start3A_771 = arith.constant 48 : i32
    %dma_start3A_772 = tpu.memref_slice %arg5[%dma_start3A_771, %mul3A_584] : memref<64x100000xf32, #tpu.memory_space<any>> -> memref<8x128xf32, #tpu.memory_space<any>>
    %dma_start3A_773 = arith.constant 48 : i32
    %dma_start3A_774 = arith.constant 0 : i32
    %dma_start3A_775 = tpu.memref_slice %arg6[%dma_start3A_773, %dma_start3A_774] : memref<64x128xf32, #tpu.memory_space<vmem>> -> memref<8x128xf32, #tpu.memory_space<vmem>>
    tpu.enqueue_dma source(%dma_start3A_775 : memref<8x128xf32, #tpu.memory_space<vmem>>) target(%dma_start3A_772 : memref<8x128xf32, #tpu.memory_space<any>>) target_semaphore(%arg8 : memref<!tpu.dma_semaphore, #tpu.memory_space<semaphore_mem>>)
    %dma_start3A_776 = arith.constant 56 : i32
    %dma_start3A_777 = tpu.memref_slice %arg5[%dma_start3A_776, %mul3A_678] : memref<64x100000xf32, #tpu.memory_space<any>> -> memref<8x128xf32, #tpu.memory_space<any>>
    %dma_start3A_778 = arith.constant 56 : i32
    %dma_start3A_779 = arith.constant 0 : i32
    %dma_start3A_780 = tpu.memref_slice %arg6[%dma_start3A_778, %dma_start3A_779] : memref<64x128xf32, #tpu.memory_space<vmem>> -> memref<8x128xf32, #tpu.memory_space<vmem>>
    tpu.enqueue_dma source(%dma_start3A_780 : memref<8x128xf32, #tpu.memory_space<vmem>>) target(%dma_start3A_777 : memref<8x128xf32, #tpu.memory_space<any>>) target_semaphore(%arg8 : memref<!tpu.dma_semaphore, #tpu.memory_space<semaphore_mem>>)
    %get3A_781 = arith.constant 0 : index
    %get3A_782 = arith.constant 1 : index
    %get3A_783 = memref.load %arg1[%get3A_781, %get3A_782] : memref<64x8xi32, #tpu.memory_space<smem>>
    %jit3A_784 = arith.constant 128 : i32
    %div3A_785 = arith.divsi %get3A_783, %jit3A_784 : i32
    %sign3A_786 = arith.constant 0 : i32
    %sign3A_787 = arith.cmpi sgt, %get3A_783, %sign3A_786 : i32
    %sign3A_788 = arith.extui %sign3A_787 : i1 to i32
    %sign3A_789 = arith.constant 0 : i32
    %sign3A_790 = arith.cmpi slt, %get3A_783, %sign3A_789 : i32
    %sign3A_791 = arith.extui %sign3A_790 : i1 to i32
    %sign3A_792 = arith.subi %sign3A_788, %sign3A_791 : i32
    %sign3A_793 = arith.constant 0 : i32
    %sign3A_794 = arith.cmpi sgt, %jit3A_784, %sign3A_793 : i32
    %sign3A_795 = arith.extui %sign3A_794 : i1 to i32
    %sign3A_796 = arith.constant 0 : i32
    %sign3A_797 = arith.cmpi slt, %jit3A_784, %sign3A_796 : i32
    %sign3A_798 = arith.extui %sign3A_797 : i1 to i32
    %sign3A_799 = arith.subi %sign3A_795, %sign3A_798 : i32
    %ne3A_800 = arith.cmpi ne, %sign3A_792, %sign3A_799 : i32
    %rem3A_801 = arith.remsi %get3A_783, %jit3A_784 : i32
    %ne3A_802 = arith.constant 0 : i32
    %ne3A_803 = arith.cmpi ne, %rem3A_801, %ne3A_802 : i32
    %and3A_804 = arith.andi %ne3A_800, %ne3A_803 : i1
    %sub3A_805 = arith.constant 1 : i32
    %sub3A_806 = arith.subi %div3A_785, %sub3A_805 : i32
    %select_n3A_807 = arith.select %and3A_804, %sub3A_806, %div3A_785 : i32
    %min3A_808 = arith.constant 780 : i32
    %min3A_809 = arith.minsi %select_n3A_807, %min3A_808 : i32
    %mul3A_810 = arith.constant 128 : i32
    %mul3A_811 = arith.muli %min3A_809, %mul3A_810 : i32
    %add3A_812 = vector.broadcast %mul3A_811 : i32 to vector<8x128xi32>
    %add3A_813 = arith.addi %add3A_812, %iota3A : vector<8x128xi32>
    %broadcast_in_dim3A_814 = arith.constant 0.000000e+00 : f32
    %broadcast_in_dim3A_815 = vector.broadcast %broadcast_in_dim3A_814 : f32 to vector<8x128xf32>
    %slice3A_816 = vector.extract_strided_slice %get3A_1 {offsets = [0, 0], sizes = [8, 1], strides = [1, 1]} : vector<64x8xi32> to vector<8x1xi32>
    %eq3A_817 = vector.broadcast %slice3A_816 : vector<8x1xi32> to vector<8x128xi32>
    %eq3A_818 = arith.cmpi eq, %eq3A_817, %add3A_813 : vector<8x128xi32>
    %slice3A_819 = vector.extract_strided_slice %get3A_4 {offsets = [0, 0], sizes = [8, 1], strides = [1, 1]} : vector<64x8xf32> to vector<8x1xf32>
    %broadcast_in_dim3A_820 = vector.shape_cast %slice3A_819 : vector<8x1xf32> to vector<8x1xf32>
    %broadcast_in_dim3A_821 = vector.broadcast %broadcast_in_dim3A_820 : vector<8x1xf32> to vector<8x128xf32>
    %select_n3A_822 = arith.select %eq3A_818, %broadcast_in_dim3A_821, %broadcast_in_dim3A_815 : vector<8x128xi1>, vector<8x128xf32>
    %slice3A_823 = vector.extract_strided_slice %get3A_1 {offsets = [0, 1], sizes = [8, 1], strides = [1, 1]} : vector<64x8xi32> to vector<8x1xi32>
    %eq3A_824 = vector.broadcast %slice3A_823 : vector<8x1xi32> to vector<8x128xi32>
    %eq3A_825 = arith.cmpi eq, %eq3A_824, %add3A_813 : vector<8x128xi32>
    %slice3A_826 = vector.extract_strided_slice %get3A_4 {offsets = [0, 1], sizes = [8, 1], strides = [1, 1]} : vector<64x8xf32> to vector<8x1xf32>
    %broadcast_in_dim3A_827 = vector.shape_cast %slice3A_826 : vector<8x1xf32> to vector<8x1xf32>
    %broadcast_in_dim3A_828 = vector.broadcast %broadcast_in_dim3A_827 : vector<8x1xf32> to vector<8x128xf32>
    %select_n3A_829 = arith.select %eq3A_825, %broadcast_in_dim3A_828, %select_n3A_822 : vector<8x128xi1>, vector<8x128xf32>
    %slice3A_830 = vector.extract_strided_slice %get3A_1 {offsets = [0, 2], sizes = [8, 1], strides = [1, 1]} : vector<64x8xi32> to vector<8x1xi32>
    %eq3A_831 = vector.broadcast %slice3A_830 : vector<8x1xi32> to vector<8x128xi32>
    %eq3A_832 = arith.cmpi eq, %eq3A_831, %add3A_813 : vector<8x128xi32>
    %slice3A_833 = vector.extract_strided_slice %get3A_4 {offsets = [0, 2], sizes = [8, 1], strides = [1, 1]} : vector<64x8xf32> to vector<8x1xf32>
    %broadcast_in_dim3A_834 = vector.shape_cast %slice3A_833 : vector<8x1xf32> to vector<8x1xf32>
    %broadcast_in_dim3A_835 = vector.broadcast %broadcast_in_dim3A_834 : vector<8x1xf32> to vector<8x128xf32>
    %select_n3A_836 = arith.select %eq3A_832, %broadcast_in_dim3A_835, %select_n3A_829 : vector<8x128xi1>, vector<8x128xf32>
    %slice3A_837 = vector.extract_strided_slice %get3A_1 {offsets = [0, 3], sizes = [8, 1], strides = [1, 1]} : vector<64x8xi32> to vector<8x1xi32>
    %eq3A_838 = vector.broadcast %slice3A_837 : vector<8x1xi32> to vector<8x128xi32>
    %eq3A_839 = arith.cmpi eq, %eq3A_838, %add3A_813 : vector<8x128xi32>
    %slice3A_840 = vector.extract_strided_slice %get3A_4 {offsets = [0, 3], sizes = [8, 1], strides = [1, 1]} : vector<64x8xf32> to vector<8x1xf32>
    %broadcast_in_dim3A_841 = vector.shape_cast %slice3A_840 : vector<8x1xf32> to vector<8x1xf32>
    %broadcast_in_dim3A_842 = vector.broadcast %broadcast_in_dim3A_841 : vector<8x1xf32> to vector<8x128xf32>
    %select_n3A_843 = arith.select %eq3A_839, %broadcast_in_dim3A_842, %select_n3A_836 : vector<8x128xi1>, vector<8x128xf32>
    %slice3A_844 = vector.extract_strided_slice %get3A_1 {offsets = [0, 4], sizes = [8, 1], strides = [1, 1]} : vector<64x8xi32> to vector<8x1xi32>
    %eq3A_845 = vector.broadcast %slice3A_844 : vector<8x1xi32> to vector<8x128xi32>
    %eq3A_846 = arith.cmpi eq, %eq3A_845, %add3A_813 : vector<8x128xi32>
    %slice3A_847 = vector.extract_strided_slice %get3A_4 {offsets = [0, 4], sizes = [8, 1], strides = [1, 1]} : vector<64x8xf32> to vector<8x1xf32>
    %broadcast_in_dim3A_848 = vector.shape_cast %slice3A_847 : vector<8x1xf32> to vector<8x1xf32>
    %broadcast_in_dim3A_849 = vector.broadcast %broadcast_in_dim3A_848 : vector<8x1xf32> to vector<8x128xf32>
    %select_n3A_850 = arith.select %eq3A_846, %broadcast_in_dim3A_849, %select_n3A_843 : vector<8x128xi1>, vector<8x128xf32>
    %slice3A_851 = vector.extract_strided_slice %get3A_1 {offsets = [0, 5], sizes = [8, 1], strides = [1, 1]} : vector<64x8xi32> to vector<8x1xi32>
    %eq3A_852 = vector.broadcast %slice3A_851 : vector<8x1xi32> to vector<8x128xi32>
    %eq3A_853 = arith.cmpi eq, %eq3A_852, %add3A_813 : vector<8x128xi32>
    %slice3A_854 = vector.extract_strided_slice %get3A_4 {offsets = [0, 5], sizes = [8, 1], strides = [1, 1]} : vector<64x8xf32> to vector<8x1xf32>
    %broadcast_in_dim3A_855 = vector.shape_cast %slice3A_854 : vector<8x1xf32> to vector<8x1xf32>
    %broadcast_in_dim3A_856 = vector.broadcast %broadcast_in_dim3A_855 : vector<8x1xf32> to vector<8x128xf32>
    %select_n3A_857 = arith.select %eq3A_853, %broadcast_in_dim3A_856, %select_n3A_850 : vector<8x128xi1>, vector<8x128xf32>
    %slice3A_858 = vector.extract_strided_slice %get3A_1 {offsets = [0, 6], sizes = [8, 1], strides = [1, 1]} : vector<64x8xi32> to vector<8x1xi32>
    %eq3A_859 = vector.broadcast %slice3A_858 : vector<8x1xi32> to vector<8x128xi32>
    %eq3A_860 = arith.cmpi eq, %eq3A_859, %add3A_813 : vector<8x128xi32>
    %slice3A_861 = vector.extract_strided_slice %get3A_4 {offsets = [0, 6], sizes = [8, 1], strides = [1, 1]} : vector<64x8xf32> to vector<8x1xf32>
    %broadcast_in_dim3A_862 = vector.shape_cast %slice3A_861 : vector<8x1xf32> to vector<8x1xf32>
    %broadcast_in_dim3A_863 = vector.broadcast %broadcast_in_dim3A_862 : vector<8x1xf32> to vector<8x128xf32>
    %select_n3A_864 = arith.select %eq3A_860, %broadcast_in_dim3A_863, %select_n3A_857 : vector<8x128xi1>, vector<8x128xf32>
    %slice3A_865 = vector.extract_strided_slice %get3A_1 {offsets = [0, 7], sizes = [8, 1], strides = [1, 1]} : vector<64x8xi32> to vector<8x1xi32>
    %eq3A_866 = vector.broadcast %slice3A_865 : vector<8x1xi32> to vector<8x128xi32>
    %eq3A_867 = arith.cmpi eq, %eq3A_866, %add3A_813 : vector<8x128xi32>
    %slice3A_868 = vector.extract_strided_slice %get3A_4 {offsets = [0, 7], sizes = [8, 1], strides = [1, 1]} : vector<64x8xf32> to vector<8x1xf32>
    %broadcast_in_dim3A_869 = vector.shape_cast %slice3A_868 : vector<8x1xf32> to vector<8x1xf32>
    %broadcast_in_dim3A_870 = vector.broadcast %broadcast_in_dim3A_869 : vector<8x1xf32> to vector<8x128xf32>
    %select_n3A_871 = arith.select %eq3A_867, %broadcast_in_dim3A_870, %select_n3A_864 : vector<8x128xi1>, vector<8x128xf32>
    %swap3A_872 = arith.constant 0 : index
    %swap3A_873 = arith.constant 0 : index
    %swap3A_874 = vector.load %arg7[%swap3A_872, %swap3A_873] : memref<64x128xf32, #tpu.memory_space<vmem>>, vector<8x128xf32>
    tpu.vector_store %arg7[%swap3A_872, %swap3A_873], %select_n3A_871 {strides = array<i32>} : memref<64x128xf32, #tpu.memory_space<vmem>>, vector<8x128xf32>,
    %get3A_875 = arith.constant 8 : index
    %get3A_876 = arith.constant 1 : index
    %get3A_877 = memref.load %arg1[%get3A_875, %get3A_876] : memref<64x8xi32, #tpu.memory_space<smem>>
    %jit3A_878 = arith.constant 128 : i32
    %div3A_879 = arith.divsi %get3A_877, %jit3A_878 : i32
    %sign3A_880 = arith.constant 0 : i32
    %sign3A_881 = arith.cmpi sgt, %get3A_877, %sign3A_880 : i32
    %sign3A_882 = arith.extui %sign3A_881 : i1 to i32
    %sign3A_883 = arith.constant 0 : i32
    %sign3A_884 = arith.cmpi slt, %get3A_877, %sign3A_883 : i32
    %sign3A_885 = arith.extui %sign3A_884 : i1 to i32
    %sign3A_886 = arith.subi %sign3A_882, %sign3A_885 : i32
    %sign3A_887 = arith.constant 0 : i32
    %sign3A_888 = arith.cmpi sgt, %jit3A_878, %sign3A_887 : i32
    %sign3A_889 = arith.extui %sign3A_888 : i1 to i32
    %sign3A_890 = arith.constant 0 : i32
    %sign3A_891 = arith.cmpi slt, %jit3A_878, %sign3A_890 : i32
    %sign3A_892 = arith.extui %sign3A_891 : i1 to i32
    %sign3A_893 = arith.subi %sign3A_889, %sign3A_892 : i32
    %ne3A_894 = arith.cmpi ne, %sign3A_886, %sign3A_893 : i32
    %rem3A_895 = arith.remsi %get3A_877, %jit3A_878 : i32
    %ne3A_896 = arith.constant 0 : i32
    %ne3A_897 = arith.cmpi ne, %rem3A_895, %ne3A_896 : i32
    %and3A_898 = arith.andi %ne3A_894, %ne3A_897 : i1
    %sub3A_899 = arith.constant 1 : i32
    %sub3A_900 = arith.subi %div3A_879, %sub3A_899 : i32
    %select_n3A_901 = arith.select %and3A_898, %sub3A_900, %div3A_879 : i32
    %min3A_902 = arith.constant 780 : i32
    %min3A_903 = arith.minsi %select_n3A_901, %min3A_902 : i32
    %mul3A_904 = arith.constant 128 : i32
    %mul3A_905 = arith.muli %min3A_903, %mul3A_904 : i32
    %add3A_906 = vector.broadcast %mul3A_905 : i32 to vector<8x128xi32>
    %add3A_907 = arith.addi %add3A_906, %iota3A : vector<8x128xi32>
    %broadcast_in_dim3A_908 = arith.constant 0.000000e+00 : f32
    %broadcast_in_dim3A_909 = vector.broadcast %broadcast_in_dim3A_908 : f32 to vector<8x128xf32>
    %slice3A_910 = vector.extract_strided_slice %get3A_1 {offsets = [8, 0], sizes = [8, 1], strides = [1, 1]} : vector<64x8xi32> to vector<8x1xi32>
    %eq3A_911 = vector.broadcast %slice3A_910 : vector<8x1xi32> to vector<8x128xi32>
    %eq3A_912 = arith.cmpi eq, %eq3A_911, %add3A_907 : vector<8x128xi32>
    %slice3A_913 = vector.extract_strided_slice %get3A_4 {offsets = [8, 0], sizes = [8, 1], strides = [1, 1]} : vector<64x8xf32> to vector<8x1xf32>
    %broadcast_in_dim3A_914 = vector.shape_cast %slice3A_913 : vector<8x1xf32> to vector<8x1xf32>
    %broadcast_in_dim3A_915 = vector.broadcast %broadcast_in_dim3A_914 : vector<8x1xf32> to vector<8x128xf32>
    %select_n3A_916 = arith.select %eq3A_912, %broadcast_in_dim3A_915, %broadcast_in_dim3A_909 : vector<8x128xi1>, vector<8x128xf32>
    %slice3A_917 = vector.extract_strided_slice %get3A_1 {offsets = [8, 1], sizes = [8, 1], strides = [1, 1]} : vector<64x8xi32> to vector<8x1xi32>
    %eq3A_918 = vector.broadcast %slice3A_917 : vector<8x1xi32> to vector<8x128xi32>
    %eq3A_919 = arith.cmpi eq, %eq3A_918, %add3A_907 : vector<8x128xi32>
    %slice3A_920 = vector.extract_strided_slice %get3A_4 {offsets = [8, 1], sizes = [8, 1], strides = [1, 1]} : vector<64x8xf32> to vector<8x1xf32>
    %broadcast_in_dim3A_921 = vector.shape_cast %slice3A_920 : vector<8x1xf32> to vector<8x1xf32>
    %broadcast_in_dim3A_922 = vector.broadcast %broadcast_in_dim3A_921 : vector<8x1xf32> to vector<8x128xf32>
    %select_n3A_923 = arith.select %eq3A_919, %broadcast_in_dim3A_922, %select_n3A_916 : vector<8x128xi1>, vector<8x128xf32>
    %slice3A_924 = vector.extract_strided_slice %get3A_1 {offsets = [8, 2], sizes = [8, 1], strides = [1, 1]} : vector<64x8xi32> to vector<8x1xi32>
    %eq3A_925 = vector.broadcast %slice3A_924 : vector<8x1xi32> to vector<8x128xi32>
    %eq3A_926 = arith.cmpi eq, %eq3A_925, %add3A_907 : vector<8x128xi32>
    %slice3A_927 = vector.extract_strided_slice %get3A_4 {offsets = [8, 2], sizes = [8, 1], strides = [1, 1]} : vector<64x8xf32> to vector<8x1xf32>
    %broadcast_in_dim3A_928 = vector.shape_cast %slice3A_927 : vector<8x1xf32> to vector<8x1xf32>
    %broadcast_in_dim3A_929 = vector.broadcast %broadcast_in_dim3A_928 : vector<8x1xf32> to vector<8x128xf32>
    %select_n3A_930 = arith.select %eq3A_926, %broadcast_in_dim3A_929, %select_n3A_923 : vector<8x128xi1>, vector<8x128xf32>
    %slice3A_931 = vector.extract_strided_slice %get3A_1 {offsets = [8, 3], sizes = [8, 1], strides = [1, 1]} : vector<64x8xi32> to vector<8x1xi32>
    %eq3A_932 = vector.broadcast %slice3A_931 : vector<8x1xi32> to vector<8x128xi32>
    %eq3A_933 = arith.cmpi eq, %eq3A_932, %add3A_907 : vector<8x128xi32>
    %slice3A_934 = vector.extract_strided_slice %get3A_4 {offsets = [8, 3], sizes = [8, 1], strides = [1, 1]} : vector<64x8xf32> to vector<8x1xf32>
    %broadcast_in_dim3A_935 = vector.shape_cast %slice3A_934 : vector<8x1xf32> to vector<8x1xf32>
    %broadcast_in_dim3A_936 = vector.broadcast %broadcast_in_dim3A_935 : vector<8x1xf32> to vector<8x128xf32>
    %select_n3A_937 = arith.select %eq3A_933, %broadcast_in_dim3A_936, %select_n3A_930 : vector<8x128xi1>, vector<8x128xf32>
    %slice3A_938 = vector.extract_strided_slice %get3A_1 {offsets = [8, 4], sizes = [8, 1], strides = [1, 1]} : vector<64x8xi32> to vector<8x1xi32>
    %eq3A_939 = vector.broadcast %slice3A_938 : vector<8x1xi32> to vector<8x128xi32>
    %eq3A_940 = arith.cmpi eq, %eq3A_939, %add3A_907 : vector<8x128xi32>
    %slice3A_941 = vector.extract_strided_slice %get3A_4 {offsets = [8, 4], sizes = [8, 1], strides = [1, 1]} : vector<64x8xf32> to vector<8x1xf32>
    %broadcast_in_dim3A_942 = vector.shape_cast %slice3A_941 : vector<8x1xf32> to vector<8x1xf32>
    %broadcast_in_dim3A_943 = vector.broadcast %broadcast_in_dim3A_942 : vector<8x1xf32> to vector<8x128xf32>
    %select_n3A_944 = arith.select %eq3A_940, %broadcast_in_dim3A_943, %select_n3A_937 : vector<8x128xi1>, vector<8x128xf32>
    %slice3A_945 = vector.extract_strided_slice %get3A_1 {offsets = [8, 5], sizes = [8, 1], strides = [1, 1]} : vector<64x8xi32> to vector<8x1xi32>
    %eq3A_946 = vector.broadcast %slice3A_945 : vector<8x1xi32> to vector<8x128xi32>
    %eq3A_947 = arith.cmpi eq, %eq3A_946, %add3A_907 : vector<8x128xi32>
    %slice3A_948 = vector.extract_strided_slice %get3A_4 {offsets = [8, 5], sizes = [8, 1], strides = [1, 1]} : vector<64x8xf32> to vector<8x1xf32>
    %broadcast_in_dim3A_949 = vector.shape_cast %slice3A_948 : vector<8x1xf32> to vector<8x1xf32>
    %broadcast_in_dim3A_950 = vector.broadcast %broadcast_in_dim3A_949 : vector<8x1xf32> to vector<8x128xf32>
    %select_n3A_951 = arith.select %eq3A_947, %broadcast_in_dim3A_950, %select_n3A_944 : vector<8x128xi1>, vector<8x128xf32>
    %slice3A_952 = vector.extract_strided_slice %get3A_1 {offsets = [8, 6], sizes = [8, 1], strides = [1, 1]} : vector<64x8xi32> to vector<8x1xi32>
    %eq3A_953 = vector.broadcast %slice3A_952 : vector<8x1xi32> to vector<8x128xi32>
    %eq3A_954 = arith.cmpi eq, %eq3A_953, %add3A_907 : vector<8x128xi32>
    %slice3A_955 = vector.extract_strided_slice %get3A_4 {offsets = [8, 6], sizes = [8, 1], strides = [1, 1]} : vector<64x8xf32> to vector<8x1xf32>
    %broadcast_in_dim3A_956 = vector.shape_cast %slice3A_955 : vector<8x1xf32> to vector<8x1xf32>
    %broadcast_in_dim3A_957 = vector.broadcast %broadcast_in_dim3A_956 : vector<8x1xf32> to vector<8x128xf32>
    %select_n3A_958 = arith.select %eq3A_954, %broadcast_in_dim3A_957, %select_n3A_951 : vector<8x128xi1>, vector<8x128xf32>
    %slice3A_959 = vector.extract_strided_slice %get3A_1 {offsets = [8, 7], sizes = [8, 1], strides = [1, 1]} : vector<64x8xi32> to vector<8x1xi32>
    %eq3A_960 = vector.broadcast %slice3A_959 : vector<8x1xi32> to vector<8x128xi32>
    %eq3A_961 = arith.cmpi eq, %eq3A_960, %add3A_907 : vector<8x128xi32>
    %slice3A_962 = vector.extract_strided_slice %get3A_4 {offsets = [8, 7], sizes = [8, 1], strides = [1, 1]} : vector<64x8xf32> to vector<8x1xf32>
    %broadcast_in_dim3A_963 = vector.shape_cast %slice3A_962 : vector<8x1xf32> to vector<8x1xf32>
    %broadcast_in_dim3A_964 = vector.broadcast %broadcast_in_dim3A_963 : vector<8x1xf32> to vector<8x128xf32>
    %select_n3A_965 = arith.select %eq3A_961, %broadcast_in_dim3A_964, %select_n3A_958 : vector<8x128xi1>, vector<8x128xf32>
    %swap3A_966 = arith.constant 8 : index
    %swap3A_967 = arith.constant 0 : index
    %swap3A_968 = vector.load %arg7[%swap3A_966, %swap3A_967] : memref<64x128xf32, #tpu.memory_space<vmem>>, vector<8x128xf32>
    tpu.vector_store %arg7[%swap3A_966, %swap3A_967], %select_n3A_965 {strides = array<i32>} : memref<64x128xf32, #tpu.memory_space<vmem>>, vector<8x128xf32>,
    %get3A_969 = arith.constant 16 : index
    %get3A_970 = arith.constant 1 : index
    %get3A_971 = memref.load %arg1[%get3A_969, %get3A_970] : memref<64x8xi32, #tpu.memory_space<smem>>
    %jit3A_972 = arith.constant 128 : i32
    %div3A_973 = arith.divsi %get3A_971, %jit3A_972 : i32
    %sign3A_974 = arith.constant 0 : i32
    %sign3A_975 = arith.cmpi sgt, %get3A_971, %sign3A_974 : i32
    %sign3A_976 = arith.extui %sign3A_975 : i1 to i32
    %sign3A_977 = arith.constant 0 : i32
    %sign3A_978 = arith.cmpi slt, %get3A_971, %sign3A_977 : i32
    %sign3A_979 = arith.extui %sign3A_978 : i1 to i32
    %sign3A_980 = arith.subi %sign3A_976, %sign3A_979 : i32
    %sign3A_981 = arith.constant 0 : i32
    %sign3A_982 = arith.cmpi sgt, %jit3A_972, %sign3A_981 : i32
    %sign3A_983 = arith.extui %sign3A_982 : i1 to i32
    %sign3A_984 = arith.constant 0 : i32
    %sign3A_985 = arith.cmpi slt, %jit3A_972, %sign3A_984 : i32
    %sign3A_986 = arith.extui %sign3A_985 : i1 to i32
    %sign3A_987 = arith.subi %sign3A_983, %sign3A_986 : i32
    %ne3A_988 = arith.cmpi ne, %sign3A_980, %sign3A_987 : i32
    %rem3A_989 = arith.remsi %get3A_971, %jit3A_972 : i32
    %ne3A_990 = arith.constant 0 : i32
    %ne3A_991 = arith.cmpi ne, %rem3A_989, %ne3A_990 : i32
    %and3A_992 = arith.andi %ne3A_988, %ne3A_991 : i1
    %sub3A_993 = arith.constant 1 : i32
    %sub3A_994 = arith.subi %div3A_973, %sub3A_993 : i32
    %select_n3A_995 = arith.select %and3A_992, %sub3A_994, %div3A_973 : i32
    %min3A_996 = arith.constant 780 : i32
    %min3A_997 = arith.minsi %select_n3A_995, %min3A_996 : i32
    %mul3A_998 = arith.constant 128 : i32
    %mul3A_999 = arith.muli %min3A_997, %mul3A_998 : i32
    %add3A_1000 = vector.broadcast %mul3A_999 : i32 to vector<8x128xi32>
    %add3A_1001 = arith.addi %add3A_1000, %iota3A : vector<8x128xi32>
    %broadcast_in_dim3A_1002 = arith.constant 0.000000e+00 : f32
    %broadcast_in_dim3A_1003 = vector.broadcast %broadcast_in_dim3A_1002 : f32 to vector<8x128xf32>
    %slice3A_1004 = vector.extract_strided_slice %get3A_1 {offsets = [16, 0], sizes = [8, 1], strides = [1, 1]} : vector<64x8xi32> to vector<8x1xi32>
    %eq3A_1005 = vector.broadcast %slice3A_1004 : vector<8x1xi32> to vector<8x128xi32>
    %eq3A_1006 = arith.cmpi eq, %eq3A_1005, %add3A_1001 : vector<8x128xi32>
    %slice3A_1007 = vector.extract_strided_slice %get3A_4 {offsets = [16, 0], sizes = [8, 1], strides = [1, 1]} : vector<64x8xf32> to vector<8x1xf32>
    %broadcast_in_dim3A_1008 = vector.shape_cast %slice3A_1007 : vector<8x1xf32> to vector<8x1xf32>
    %broadcast_in_dim3A_1009 = vector.broadcast %broadcast_in_dim3A_1008 : vector<8x1xf32> to vector<8x128xf32>
    %select_n3A_1010 = arith.select %eq3A_1006, %broadcast_in_dim3A_1009, %broadcast_in_dim3A_1003 : vector<8x128xi1>, vector<8x128xf32>
    %slice3A_1011 = vector.extract_strided_slice %get3A_1 {offsets = [16, 1], sizes = [8, 1], strides = [1, 1]} : vector<64x8xi32> to vector<8x1xi32>
    %eq3A_1012 = vector.broadcast %slice3A_1011 : vector<8x1xi32> to vector<8x128xi32>
    %eq3A_1013 = arith.cmpi eq, %eq3A_1012, %add3A_1001 : vector<8x128xi32>
    %slice3A_1014 = vector.extract_strided_slice %get3A_4 {offsets = [16, 1], sizes = [8, 1], strides = [1, 1]} : vector<64x8xf32> to vector<8x1xf32>
    %broadcast_in_dim3A_1015 = vector.shape_cast %slice3A_1014 : vector<8x1xf32> to vector<8x1xf32>
    %broadcast_in_dim3A_1016 = vector.broadcast %broadcast_in_dim3A_1015 : vector<8x1xf32> to vector<8x128xf32>
    %select_n3A_1017 = arith.select %eq3A_1013, %broadcast_in_dim3A_1016, %select_n3A_1010 : vector<8x128xi1>, vector<8x128xf32>
    %slice3A_1018 = vector.extract_strided_slice %get3A_1 {offsets = [16, 2], sizes = [8, 1], strides = [1, 1]} : vector<64x8xi32> to vector<8x1xi32>
    %eq3A_1019 = vector.broadcast %slice3A_1018 : vector<8x1xi32> to vector<8x128xi32>
    %eq3A_1020 = arith.cmpi eq, %eq3A_1019, %add3A_1001 : vector<8x128xi32>
    %slice3A_1021 = vector.extract_strided_slice %get3A_4 {offsets = [16, 2], sizes = [8, 1], strides = [1, 1]} : vector<64x8xf32> to vector<8x1xf32>
    %broadcast_in_dim3A_1022 = vector.shape_cast %slice3A_1021 : vector<8x1xf32> to vector<8x1xf32>
    %broadcast_in_dim3A_1023 = vector.broadcast %broadcast_in_dim3A_1022 : vector<8x1xf32> to vector<8x128xf32>
    %select_n3A_1024 = arith.select %eq3A_1020, %broadcast_in_dim3A_1023, %select_n3A_1017 : vector<8x128xi1>, vector<8x128xf32>
    %slice3A_1025 = vector.extract_strided_slice %get3A_1 {offsets = [16, 3], sizes = [8, 1], strides = [1, 1]} : vector<64x8xi32> to vector<8x1xi32>
    %eq3A_1026 = vector.broadcast %slice3A_1025 : vector<8x1xi32> to vector<8x128xi32>
    %eq3A_1027 = arith.cmpi eq, %eq3A_1026, %add3A_1001 : vector<8x128xi32>
    %slice3A_1028 = vector.extract_strided_slice %get3A_4 {offsets = [16, 3], sizes = [8, 1], strides = [1, 1]} : vector<64x8xf32> to vector<8x1xf32>
    %broadcast_in_dim3A_1029 = vector.shape_cast %slice3A_1028 : vector<8x1xf32> to vector<8x1xf32>
    %broadcast_in_dim3A_1030 = vector.broadcast %broadcast_in_dim3A_1029 : vector<8x1xf32> to vector<8x128xf32>
    %select_n3A_1031 = arith.select %eq3A_1027, %broadcast_in_dim3A_1030, %select_n3A_1024 : vector<8x128xi1>, vector<8x128xf32>
    %slice3A_1032 = vector.extract_strided_slice %get3A_1 {offsets = [16, 4], sizes = [8, 1], strides = [1, 1]} : vector<64x8xi32> to vector<8x1xi32>
    %eq3A_1033 = vector.broadcast %slice3A_1032 : vector<8x1xi32> to vector<8x128xi32>
    %eq3A_1034 = arith.cmpi eq, %eq3A_1033, %add3A_1001 : vector<8x128xi32>
    %slice3A_1035 = vector.extract_strided_slice %get3A_4 {offsets = [16, 4], sizes = [8, 1], strides = [1, 1]} : vector<64x8xf32> to vector<8x1xf32>
    %broadcast_in_dim3A_1036 = vector.shape_cast %slice3A_1035 : vector<8x1xf32> to vector<8x1xf32>
    %broadcast_in_dim3A_1037 = vector.broadcast %broadcast_in_dim3A_1036 : vector<8x1xf32> to vector<8x128xf32>
    %select_n3A_1038 = arith.select %eq3A_1034, %broadcast_in_dim3A_1037, %select_n3A_1031 : vector<8x128xi1>, vector<8x128xf32>
    %slice3A_1039 = vector.extract_strided_slice %get3A_1 {offsets = [16, 5], sizes = [8, 1], strides = [1, 1]} : vector<64x8xi32> to vector<8x1xi32>
    %eq3A_1040 = vector.broadcast %slice3A_1039 : vector<8x1xi32> to vector<8x128xi32>
    %eq3A_1041 = arith.cmpi eq, %eq3A_1040, %add3A_1001 : vector<8x128xi32>
    %slice3A_1042 = vector.extract_strided_slice %get3A_4 {offsets = [16, 5], sizes = [8, 1], strides = [1, 1]} : vector<64x8xf32> to vector<8x1xf32>
    %broadcast_in_dim3A_1043 = vector.shape_cast %slice3A_1042 : vector<8x1xf32> to vector<8x1xf32>
    %broadcast_in_dim3A_1044 = vector.broadcast %broadcast_in_dim3A_1043 : vector<8x1xf32> to vector<8x128xf32>
    %select_n3A_1045 = arith.select %eq3A_1041, %broadcast_in_dim3A_1044, %select_n3A_1038 : vector<8x128xi1>, vector<8x128xf32>
    %slice3A_1046 = vector.extract_strided_slice %get3A_1 {offsets = [16, 6], sizes = [8, 1], strides = [1, 1]} : vector<64x8xi32> to vector<8x1xi32>
    %eq3A_1047 = vector.broadcast %slice3A_1046 : vector<8x1xi32> to vector<8x128xi32>
    %eq3A_1048 = arith.cmpi eq, %eq3A_1047, %add3A_1001 : vector<8x128xi32>
    %slice3A_1049 = vector.extract_strided_slice %get3A_4 {offsets = [16, 6], sizes = [8, 1], strides = [1, 1]} : vector<64x8xf32> to vector<8x1xf32>
    %broadcast_in_dim3A_1050 = vector.shape_cast %slice3A_1049 : vector<8x1xf32> to vector<8x1xf32>
    %broadcast_in_dim3A_1051 = vector.broadcast %broadcast_in_dim3A_1050 : vector<8x1xf32> to vector<8x128xf32>
    %select_n3A_1052 = arith.select %eq3A_1048, %broadcast_in_dim3A_1051, %select_n3A_1045 : vector<8x128xi1>, vector<8x128xf32>
    %slice3A_1053 = vector.extract_strided_slice %get3A_1 {offsets = [16, 7], sizes = [8, 1], strides = [1, 1]} : vector<64x8xi32> to vector<8x1xi32>
    %eq3A_1054 = vector.broadcast %slice3A_1053 : vector<8x1xi32> to vector<8x128xi32>
    %eq3A_1055 = arith.cmpi eq, %eq3A_1054, %add3A_1001 : vector<8x128xi32>
    %slice3A_1056 = vector.extract_strided_slice %get3A_4 {offsets = [16, 7], sizes = [8, 1], strides = [1, 1]} : vector<64x8xf32> to vector<8x1xf32>
    %broadcast_in_dim3A_1057 = vector.shape_cast %slice3A_1056 : vector<8x1xf32> to vector<8x1xf32>
    %broadcast_in_dim3A_1058 = vector.broadcast %broadcast_in_dim3A_1057 : vector<8x1xf32> to vector<8x128xf32>
    %select_n3A_1059 = arith.select %eq3A_1055, %broadcast_in_dim3A_1058, %select_n3A_1052 : vector<8x128xi1>, vector<8x128xf32>
    %swap3A_1060 = arith.constant 16 : index
    %swap3A_1061 = arith.constant 0 : index
    %swap3A_1062 = vector.load %arg7[%swap3A_1060, %swap3A_1061] : memref<64x128xf32, #tpu.memory_space<vmem>>, vector<8x128xf32>
    tpu.vector_store %arg7[%swap3A_1060, %swap3A_1061], %select_n3A_1059 {strides = array<i32>} : memref<64x128xf32, #tpu.memory_space<vmem>>, vector<8x128xf32>,
    %get3A_1063 = arith.constant 24 : index
    %get3A_1064 = arith.constant 1 : index
    %get3A_1065 = memref.load %arg1[%get3A_1063, %get3A_1064] : memref<64x8xi32, #tpu.memory_space<smem>>
    %jit3A_1066 = arith.constant 128 : i32
    %div3A_1067 = arith.divsi %get3A_1065, %jit3A_1066 : i32
    %sign3A_1068 = arith.constant 0 : i32
    %sign3A_1069 = arith.cmpi sgt, %get3A_1065, %sign3A_1068 : i32
    %sign3A_1070 = arith.extui %sign3A_1069 : i1 to i32
    %sign3A_1071 = arith.constant 0 : i32
    %sign3A_1072 = arith.cmpi slt, %get3A_1065, %sign3A_1071 : i32
    %sign3A_1073 = arith.extui %sign3A_1072 : i1 to i32
    %sign3A_1074 = arith.subi %sign3A_1070, %sign3A_1073 : i32
    %sign3A_1075 = arith.constant 0 : i32
    %sign3A_1076 = arith.cmpi sgt, %jit3A_1066, %sign3A_1075 : i32
    %sign3A_1077 = arith.extui %sign3A_1076 : i1 to i32
    %sign3A_1078 = arith.constant 0 : i32
    %sign3A_1079 = arith.cmpi slt, %jit3A_1066, %sign3A_1078 : i32
    %sign3A_1080 = arith.extui %sign3A_1079 : i1 to i32
    %sign3A_1081 = arith.subi %sign3A_1077, %sign3A_1080 : i32
    %ne3A_1082 = arith.cmpi ne, %sign3A_1074, %sign3A_1081 : i32
    %rem3A_1083 = arith.remsi %get3A_1065, %jit3A_1066 : i32
    %ne3A_1084 = arith.constant 0 : i32
    %ne3A_1085 = arith.cmpi ne, %rem3A_1083, %ne3A_1084 : i32
    %and3A_1086 = arith.andi %ne3A_1082, %ne3A_1085 : i1
    %sub3A_1087 = arith.constant 1 : i32
    %sub3A_1088 = arith.subi %div3A_1067, %sub3A_1087 : i32
    %select_n3A_1089 = arith.select %and3A_1086, %sub3A_1088, %div3A_1067 : i32
    %min3A_1090 = arith.constant 780 : i32
    %min3A_1091 = arith.minsi %select_n3A_1089, %min3A_1090 : i32
    %mul3A_1092 = arith.constant 128 : i32
    %mul3A_1093 = arith.muli %min3A_1091, %mul3A_1092 : i32
    %add3A_1094 = vector.broadcast %mul3A_1093 : i32 to vector<8x128xi32>
    %add3A_1095 = arith.addi %add3A_1094, %iota3A : vector<8x128xi32>
    %broadcast_in_dim3A_1096 = arith.constant 0.000000e+00 : f32
    %broadcast_in_dim3A_1097 = vector.broadcast %broadcast_in_dim3A_1096 : f32 to vector<8x128xf32>
    %slice3A_1098 = vector.extract_strided_slice %get3A_1 {offsets = [24, 0], sizes = [8, 1], strides = [1, 1]} : vector<64x8xi32> to vector<8x1xi32>
    %eq3A_1099 = vector.broadcast %slice3A_1098 : vector<8x1xi32> to vector<8x128xi32>
    %eq3A_1100 = arith.cmpi eq, %eq3A_1099, %add3A_1095 : vector<8x128xi32>
    %slice3A_1101 = vector.extract_strided_slice %get3A_4 {offsets = [24, 0], sizes = [8, 1], strides = [1, 1]} : vector<64x8xf32> to vector<8x1xf32>
    %broadcast_in_dim3A_1102 = vector.shape_cast %slice3A_1101 : vector<8x1xf32> to vector<8x1xf32>
    %broadcast_in_dim3A_1103 = vector.broadcast %broadcast_in_dim3A_1102 : vector<8x1xf32> to vector<8x128xf32>
    %select_n3A_1104 = arith.select %eq3A_1100, %broadcast_in_dim3A_1103, %broadcast_in_dim3A_1097 : vector<8x128xi1>, vector<8x128xf32>
    %slice3A_1105 = vector.extract_strided_slice %get3A_1 {offsets = [24, 1], sizes = [8, 1], strides = [1, 1]} : vector<64x8xi32> to vector<8x1xi32>
    %eq3A_1106 = vector.broadcast %slice3A_1105 : vector<8x1xi32> to vector<8x128xi32>
    %eq3A_1107 = arith.cmpi eq, %eq3A_1106, %add3A_1095 : vector<8x128xi32>
    %slice3A_1108 = vector.extract_strided_slice %get3A_4 {offsets = [24, 1], sizes = [8, 1], strides = [1, 1]} : vector<64x8xf32> to vector<8x1xf32>
    %broadcast_in_dim3A_1109 = vector.shape_cast %slice3A_1108 : vector<8x1xf32> to vector<8x1xf32>
    %broadcast_in_dim3A_1110 = vector.broadcast %broadcast_in_dim3A_1109 : vector<8x1xf32> to vector<8x128xf32>
    %select_n3A_1111 = arith.select %eq3A_1107, %broadcast_in_dim3A_1110, %select_n3A_1104 : vector<8x128xi1>, vector<8x128xf32>
    %slice3A_1112 = vector.extract_strided_slice %get3A_1 {offsets = [24, 2], sizes = [8, 1], strides = [1, 1]} : vector<64x8xi32> to vector<8x1xi32>
    %eq3A_1113 = vector.broadcast %slice3A_1112 : vector<8x1xi32> to vector<8x128xi32>
    %eq3A_1114 = arith.cmpi eq, %eq3A_1113, %add3A_1095 : vector<8x128xi32>
    %slice3A_1115 = vector.extract_strided_slice %get3A_4 {offsets = [24, 2], sizes = [8, 1], strides = [1, 1]} : vector<64x8xf32> to vector<8x1xf32>
    %broadcast_in_dim3A_1116 = vector.shape_cast %slice3A_1115 : vector<8x1xf32> to vector<8x1xf32>
    %broadcast_in_dim3A_1117 = vector.broadcast %broadcast_in_dim3A_1116 : vector<8x1xf32> to vector<8x128xf32>
    %select_n3A_1118 = arith.select %eq3A_1114, %broadcast_in_dim3A_1117, %select_n3A_1111 : vector<8x128xi1>, vector<8x128xf32>
    %slice3A_1119 = vector.extract_strided_slice %get3A_1 {offsets = [24, 3], sizes = [8, 1], strides = [1, 1]} : vector<64x8xi32> to vector<8x1xi32>
    %eq3A_1120 = vector.broadcast %slice3A_1119 : vector<8x1xi32> to vector<8x128xi32>
    %eq3A_1121 = arith.cmpi eq, %eq3A_1120, %add3A_1095 : vector<8x128xi32>
    %slice3A_1122 = vector.extract_strided_slice %get3A_4 {offsets = [24, 3], sizes = [8, 1], strides = [1, 1]} : vector<64x8xf32> to vector<8x1xf32>
    %broadcast_in_dim3A_1123 = vector.shape_cast %slice3A_1122 : vector<8x1xf32> to vector<8x1xf32>
    %broadcast_in_dim3A_1124 = vector.broadcast %broadcast_in_dim3A_1123 : vector<8x1xf32> to vector<8x128xf32>
    %select_n3A_1125 = arith.select %eq3A_1121, %broadcast_in_dim3A_1124, %select_n3A_1118 : vector<8x128xi1>, vector<8x128xf32>
    %slice3A_1126 = vector.extract_strided_slice %get3A_1 {offsets = [24, 4], sizes = [8, 1], strides = [1, 1]} : vector<64x8xi32> to vector<8x1xi32>
    %eq3A_1127 = vector.broadcast %slice3A_1126 : vector<8x1xi32> to vector<8x128xi32>
    %eq3A_1128 = arith.cmpi eq, %eq3A_1127, %add3A_1095 : vector<8x128xi32>
    %slice3A_1129 = vector.extract_strided_slice %get3A_4 {offsets = [24, 4], sizes = [8, 1], strides = [1, 1]} : vector<64x8xf32> to vector<8x1xf32>
    %broadcast_in_dim3A_1130 = vector.shape_cast %slice3A_1129 : vector<8x1xf32> to vector<8x1xf32>
    %broadcast_in_dim3A_1131 = vector.broadcast %broadcast_in_dim3A_1130 : vector<8x1xf32> to vector<8x128xf32>
    %select_n3A_1132 = arith.select %eq3A_1128, %broadcast_in_dim3A_1131, %select_n3A_1125 : vector<8x128xi1>, vector<8x128xf32>
    %slice3A_1133 = vector.extract_strided_slice %get3A_1 {offsets = [24, 5], sizes = [8, 1], strides = [1, 1]} : vector<64x8xi32> to vector<8x1xi32>
    %eq3A_1134 = vector.broadcast %slice3A_1133 : vector<8x1xi32> to vector<8x128xi32>
    %eq3A_1135 = arith.cmpi eq, %eq3A_1134, %add3A_1095 : vector<8x128xi32>
    %slice3A_1136 = vector.extract_strided_slice %get3A_4 {offsets = [24, 5], sizes = [8, 1], strides = [1, 1]} : vector<64x8xf32> to vector<8x1xf32>
    %broadcast_in_dim3A_1137 = vector.shape_cast %slice3A_1136 : vector<8x1xf32> to vector<8x1xf32>
    %broadcast_in_dim3A_1138 = vector.broadcast %broadcast_in_dim3A_1137 : vector<8x1xf32> to vector<8x128xf32>
    %select_n3A_1139 = arith.select %eq3A_1135, %broadcast_in_dim3A_1138, %select_n3A_1132 : vector<8x128xi1>, vector<8x128xf32>
    %slice3A_1140 = vector.extract_strided_slice %get3A_1 {offsets = [24, 6], sizes = [8, 1], strides = [1, 1]} : vector<64x8xi32> to vector<8x1xi32>
    %eq3A_1141 = vector.broadcast %slice3A_1140 : vector<8x1xi32> to vector<8x128xi32>
    %eq3A_1142 = arith.cmpi eq, %eq3A_1141, %add3A_1095 : vector<8x128xi32>
    %slice3A_1143 = vector.extract_strided_slice %get3A_4 {offsets = [24, 6], sizes = [8, 1], strides = [1, 1]} : vector<64x8xf32> to vector<8x1xf32>
    %broadcast_in_dim3A_1144 = vector.shape_cast %slice3A_1143 : vector<8x1xf32> to vector<8x1xf32>
    %broadcast_in_dim3A_1145 = vector.broadcast %broadcast_in_dim3A_1144 : vector<8x1xf32> to vector<8x128xf32>
    %select_n3A_1146 = arith.select %eq3A_1142, %broadcast_in_dim3A_1145, %select_n3A_1139 : vector<8x128xi1>, vector<8x128xf32>
    %slice3A_1147 = vector.extract_strided_slice %get3A_1 {offsets = [24, 7], sizes = [8, 1], strides = [1, 1]} : vector<64x8xi32> to vector<8x1xi32>
    %eq3A_1148 = vector.broadcast %slice3A_1147 : vector<8x1xi32> to vector<8x128xi32>
    %eq3A_1149 = arith.cmpi eq, %eq3A_1148, %add3A_1095 : vector<8x128xi32>
    %slice3A_1150 = vector.extract_strided_slice %get3A_4 {offsets = [24, 7], sizes = [8, 1], strides = [1, 1]} : vector<64x8xf32> to vector<8x1xf32>
    %broadcast_in_dim3A_1151 = vector.shape_cast %slice3A_1150 : vector<8x1xf32> to vector<8x1xf32>
    %broadcast_in_dim3A_1152 = vector.broadcast %broadcast_in_dim3A_1151 : vector<8x1xf32> to vector<8x128xf32>
    %select_n3A_1153 = arith.select %eq3A_1149, %broadcast_in_dim3A_1152, %select_n3A_1146 : vector<8x128xi1>, vector<8x128xf32>
    %swap3A_1154 = arith.constant 24 : index
    %swap3A_1155 = arith.constant 0 : index
    %swap3A_1156 = vector.load %arg7[%swap3A_1154, %swap3A_1155] : memref<64x128xf32, #tpu.memory_space<vmem>>, vector<8x128xf32>
    tpu.vector_store %arg7[%swap3A_1154, %swap3A_1155], %select_n3A_1153 {strides = array<i32>} : memref<64x128xf32, #tpu.memory_space<vmem>>, vector<8x128xf32>,
    %get3A_1157 = arith.constant 32 : index
    %get3A_1158 = arith.constant 1 : index
    %get3A_1159 = memref.load %arg1[%get3A_1157, %get3A_1158] : memref<64x8xi32, #tpu.memory_space<smem>>
    %jit3A_1160 = arith.constant 128 : i32
    %div3A_1161 = arith.divsi %get3A_1159, %jit3A_1160 : i32
    %sign3A_1162 = arith.constant 0 : i32
    %sign3A_1163 = arith.cmpi sgt, %get3A_1159, %sign3A_1162 : i32
    %sign3A_1164 = arith.extui %sign3A_1163 : i1 to i32
    %sign3A_1165 = arith.constant 0 : i32
    %sign3A_1166 = arith.cmpi slt, %get3A_1159, %sign3A_1165 : i32
    %sign3A_1167 = arith.extui %sign3A_1166 : i1 to i32
    %sign3A_1168 = arith.subi %sign3A_1164, %sign3A_1167 : i32
    %sign3A_1169 = arith.constant 0 : i32
    %sign3A_1170 = arith.cmpi sgt, %jit3A_1160, %sign3A_1169 : i32
    %sign3A_1171 = arith.extui %sign3A_1170 : i1 to i32
    %sign3A_1172 = arith.constant 0 : i32
    %sign3A_1173 = arith.cmpi slt, %jit3A_1160, %sign3A_1172 : i32
    %sign3A_1174 = arith.extui %sign3A_1173 : i1 to i32
    %sign3A_1175 = arith.subi %sign3A_1171, %sign3A_1174 : i32
    %ne3A_1176 = arith.cmpi ne, %sign3A_1168, %sign3A_1175 : i32
    %rem3A_1177 = arith.remsi %get3A_1159, %jit3A_1160 : i32
    %ne3A_1178 = arith.constant 0 : i32
    %ne3A_1179 = arith.cmpi ne, %rem3A_1177, %ne3A_1178 : i32
    %and3A_1180 = arith.andi %ne3A_1176, %ne3A_1179 : i1
    %sub3A_1181 = arith.constant 1 : i32
    %sub3A_1182 = arith.subi %div3A_1161, %sub3A_1181 : i32
    %select_n3A_1183 = arith.select %and3A_1180, %sub3A_1182, %div3A_1161 : i32
    %min3A_1184 = arith.constant 780 : i32
    %min3A_1185 = arith.minsi %select_n3A_1183, %min3A_1184 : i32
    %mul3A_1186 = arith.constant 128 : i32
    %mul3A_1187 = arith.muli %min3A_1185, %mul3A_1186 : i32
    %add3A_1188 = vector.broadcast %mul3A_1187 : i32 to vector<8x128xi32>
    %add3A_1189 = arith.addi %add3A_1188, %iota3A : vector<8x128xi32>
    %broadcast_in_dim3A_1190 = arith.constant 0.000000e+00 : f32
    %broadcast_in_dim3A_1191 = vector.broadcast %broadcast_in_dim3A_1190 : f32 to vector<8x128xf32>
    %slice3A_1192 = vector.extract_strided_slice %get3A_1 {offsets = [32, 0], sizes = [8, 1], strides = [1, 1]} : vector<64x8xi32> to vector<8x1xi32>
    %eq3A_1193 = vector.broadcast %slice3A_1192 : vector<8x1xi32> to vector<8x128xi32>
    %eq3A_1194 = arith.cmpi eq, %eq3A_1193, %add3A_1189 : vector<8x128xi32>
    %slice3A_1195 = vector.extract_strided_slice %get3A_4 {offsets = [32, 0], sizes = [8, 1], strides = [1, 1]} : vector<64x8xf32> to vector<8x1xf32>
    %broadcast_in_dim3A_1196 = vector.shape_cast %slice3A_1195 : vector<8x1xf32> to vector<8x1xf32>
    %broadcast_in_dim3A_1197 = vector.broadcast %broadcast_in_dim3A_1196 : vector<8x1xf32> to vector<8x128xf32>
    %select_n3A_1198 = arith.select %eq3A_1194, %broadcast_in_dim3A_1197, %broadcast_in_dim3A_1191 : vector<8x128xi1>, vector<8x128xf32>
    %slice3A_1199 = vector.extract_strided_slice %get3A_1 {offsets = [32, 1], sizes = [8, 1], strides = [1, 1]} : vector<64x8xi32> to vector<8x1xi32>
    %eq3A_1200 = vector.broadcast %slice3A_1199 : vector<8x1xi32> to vector<8x128xi32>
    %eq3A_1201 = arith.cmpi eq, %eq3A_1200, %add3A_1189 : vector<8x128xi32>
    %slice3A_1202 = vector.extract_strided_slice %get3A_4 {offsets = [32, 1], sizes = [8, 1], strides = [1, 1]} : vector<64x8xf32> to vector<8x1xf32>
    %broadcast_in_dim3A_1203 = vector.shape_cast %slice3A_1202 : vector<8x1xf32> to vector<8x1xf32>
    %broadcast_in_dim3A_1204 = vector.broadcast %broadcast_in_dim3A_1203 : vector<8x1xf32> to vector<8x128xf32>
    %select_n3A_1205 = arith.select %eq3A_1201, %broadcast_in_dim3A_1204, %select_n3A_1198 : vector<8x128xi1>, vector<8x128xf32>
    %slice3A_1206 = vector.extract_strided_slice %get3A_1 {offsets = [32, 2], sizes = [8, 1], strides = [1, 1]} : vector<64x8xi32> to vector<8x1xi32>
    %eq3A_1207 = vector.broadcast %slice3A_1206 : vector<8x1xi32> to vector<8x128xi32>
    %eq3A_1208 = arith.cmpi eq, %eq3A_1207, %add3A_1189 : vector<8x128xi32>
    %slice3A_1209 = vector.extract_strided_slice %get3A_4 {offsets = [32, 2], sizes = [8, 1], strides = [1, 1]} : vector<64x8xf32> to vector<8x1xf32>
    %broadcast_in_dim3A_1210 = vector.shape_cast %slice3A_1209 : vector<8x1xf32> to vector<8x1xf32>
    %broadcast_in_dim3A_1211 = vector.broadcast %broadcast_in_dim3A_1210 : vector<8x1xf32> to vector<8x128xf32>
    %select_n3A_1212 = arith.select %eq3A_1208, %broadcast_in_dim3A_1211, %select_n3A_1205 : vector<8x128xi1>, vector<8x128xf32>
    %slice3A_1213 = vector.extract_strided_slice %get3A_1 {offsets = [32, 3], sizes = [8, 1], strides = [1, 1]} : vector<64x8xi32> to vector<8x1xi32>
    %eq3A_1214 = vector.broadcast %slice3A_1213 : vector<8x1xi32> to vector<8x128xi32>
    %eq3A_1215 = arith.cmpi eq, %eq3A_1214, %add3A_1189 : vector<8x128xi32>
    %slice3A_1216 = vector.extract_strided_slice %get3A_4 {offsets = [32, 3], sizes = [8, 1], strides = [1, 1]} : vector<64x8xf32> to vector<8x1xf32>
    %broadcast_in_dim3A_1217 = vector.shape_cast %slice3A_1216 : vector<8x1xf32> to vector<8x1xf32>
    %broadcast_in_dim3A_1218 = vector.broadcast %broadcast_in_dim3A_1217 : vector<8x1xf32> to vector<8x128xf32>
    %select_n3A_1219 = arith.select %eq3A_1215, %broadcast_in_dim3A_1218, %select_n3A_1212 : vector<8x128xi1>, vector<8x128xf32>
    %slice3A_1220 = vector.extract_strided_slice %get3A_1 {offsets = [32, 4], sizes = [8, 1], strides = [1, 1]} : vector<64x8xi32> to vector<8x1xi32>
    %eq3A_1221 = vector.broadcast %slice3A_1220 : vector<8x1xi32> to vector<8x128xi32>
    %eq3A_1222 = arith.cmpi eq, %eq3A_1221, %add3A_1189 : vector<8x128xi32>
    %slice3A_1223 = vector.extract_strided_slice %get3A_4 {offsets = [32, 4], sizes = [8, 1], strides = [1, 1]} : vector<64x8xf32> to vector<8x1xf32>
    %broadcast_in_dim3A_1224 = vector.shape_cast %slice3A_1223 : vector<8x1xf32> to vector<8x1xf32>
    %broadcast_in_dim3A_1225 = vector.broadcast %broadcast_in_dim3A_1224 : vector<8x1xf32> to vector<8x128xf32>
    %select_n3A_1226 = arith.select %eq3A_1222, %broadcast_in_dim3A_1225, %select_n3A_1219 : vector<8x128xi1>, vector<8x128xf32>
    %slice3A_1227 = vector.extract_strided_slice %get3A_1 {offsets = [32, 5], sizes = [8, 1], strides = [1, 1]} : vector<64x8xi32> to vector<8x1xi32>
    %eq3A_1228 = vector.broadcast %slice3A_1227 : vector<8x1xi32> to vector<8x128xi32>
    %eq3A_1229 = arith.cmpi eq, %eq3A_1228, %add3A_1189 : vector<8x128xi32>
    %slice3A_1230 = vector.extract_strided_slice %get3A_4 {offsets = [32, 5], sizes = [8, 1], strides = [1, 1]} : vector<64x8xf32> to vector<8x1xf32>
    %broadcast_in_dim3A_1231 = vector.shape_cast %slice3A_1230 : vector<8x1xf32> to vector<8x1xf32>
    %broadcast_in_dim3A_1232 = vector.broadcast %broadcast_in_dim3A_1231 : vector<8x1xf32> to vector<8x128xf32>
    %select_n3A_1233 = arith.select %eq3A_1229, %broadcast_in_dim3A_1232, %select_n3A_1226 : vector<8x128xi1>, vector<8x128xf32>
    %slice3A_1234 = vector.extract_strided_slice %get3A_1 {offsets = [32, 6], sizes = [8, 1], strides = [1, 1]} : vector<64x8xi32> to vector<8x1xi32>
    %eq3A_1235 = vector.broadcast %slice3A_1234 : vector<8x1xi32> to vector<8x128xi32>
    %eq3A_1236 = arith.cmpi eq, %eq3A_1235, %add3A_1189 : vector<8x128xi32>
    %slice3A_1237 = vector.extract_strided_slice %get3A_4 {offsets = [32, 6], sizes = [8, 1], strides = [1, 1]} : vector<64x8xf32> to vector<8x1xf32>
    %broadcast_in_dim3A_1238 = vector.shape_cast %slice3A_1237 : vector<8x1xf32> to vector<8x1xf32>
    %broadcast_in_dim3A_1239 = vector.broadcast %broadcast_in_dim3A_1238 : vector<8x1xf32> to vector<8x128xf32>
    %select_n3A_1240 = arith.select %eq3A_1236, %broadcast_in_dim3A_1239, %select_n3A_1233 : vector<8x128xi1>, vector<8x128xf32>
    %slice3A_1241 = vector.extract_strided_slice %get3A_1 {offsets = [32, 7], sizes = [8, 1], strides = [1, 1]} : vector<64x8xi32> to vector<8x1xi32>
    %eq3A_1242 = vector.broadcast %slice3A_1241 : vector<8x1xi32> to vector<8x128xi32>
    %eq3A_1243 = arith.cmpi eq, %eq3A_1242, %add3A_1189 : vector<8x128xi32>
    %slice3A_1244 = vector.extract_strided_slice %get3A_4 {offsets = [32, 7], sizes = [8, 1], strides = [1, 1]} : vector<64x8xf32> to vector<8x1xf32>
    %broadcast_in_dim3A_1245 = vector.shape_cast %slice3A_1244 : vector<8x1xf32> to vector<8x1xf32>
    %broadcast_in_dim3A_1246 = vector.broadcast %broadcast_in_dim3A_1245 : vector<8x1xf32> to vector<8x128xf32>
    %select_n3A_1247 = arith.select %eq3A_1243, %broadcast_in_dim3A_1246, %select_n3A_1240 : vector<8x128xi1>, vector<8x128xf32>
    %swap3A_1248 = arith.constant 32 : index
    %swap3A_1249 = arith.constant 0 : index
    %swap3A_1250 = vector.load %arg7[%swap3A_1248, %swap3A_1249] : memref<64x128xf32, #tpu.memory_space<vmem>>, vector<8x128xf32>
    tpu.vector_store %arg7[%swap3A_1248, %swap3A_1249], %select_n3A_1247 {strides = array<i32>} : memref<64x128xf32, #tpu.memory_space<vmem>>, vector<8x128xf32>,
    %get3A_1251 = arith.constant 40 : index
    %get3A_1252 = arith.constant 1 : index
    %get3A_1253 = memref.load %arg1[%get3A_1251, %get3A_1252] : memref<64x8xi32, #tpu.memory_space<smem>>
    %jit3A_1254 = arith.constant 128 : i32
    %div3A_1255 = arith.divsi %get3A_1253, %jit3A_1254 : i32
    %sign3A_1256 = arith.constant 0 : i32
    %sign3A_1257 = arith.cmpi sgt, %get3A_1253, %sign3A_1256 : i32
    %sign3A_1258 = arith.extui %sign3A_1257 : i1 to i32
    %sign3A_1259 = arith.constant 0 : i32
    %sign3A_1260 = arith.cmpi slt, %get3A_1253, %sign3A_1259 : i32
    %sign3A_1261 = arith.extui %sign3A_1260 : i1 to i32
    %sign3A_1262 = arith.subi %sign3A_1258, %sign3A_1261 : i32
    %sign3A_1263 = arith.constant 0 : i32
    %sign3A_1264 = arith.cmpi sgt, %jit3A_1254, %sign3A_1263 : i32
    %sign3A_1265 = arith.extui %sign3A_1264 : i1 to i32
    %sign3A_1266 = arith.constant 0 : i32
    %sign3A_1267 = arith.cmpi slt, %jit3A_1254, %sign3A_1266 : i32
    %sign3A_1268 = arith.extui %sign3A_1267 : i1 to i32
    %sign3A_1269 = arith.subi %sign3A_1265, %sign3A_1268 : i32
    %ne3A_1270 = arith.cmpi ne, %sign3A_1262, %sign3A_1269 : i32
    %rem3A_1271 = arith.remsi %get3A_1253, %jit3A_1254 : i32
    %ne3A_1272 = arith.constant 0 : i32
    %ne3A_1273 = arith.cmpi ne, %rem3A_1271, %ne3A_1272 : i32
    %and3A_1274 = arith.andi %ne3A_1270, %ne3A_1273 : i1
    %sub3A_1275 = arith.constant 1 : i32
    %sub3A_1276 = arith.subi %div3A_1255, %sub3A_1275 : i32
    %select_n3A_1277 = arith.select %and3A_1274, %sub3A_1276, %div3A_1255 : i32
    %min3A_1278 = arith.constant 780 : i32
    %min3A_1279 = arith.minsi %select_n3A_1277, %min3A_1278 : i32
    %mul3A_1280 = arith.constant 128 : i32
    %mul3A_1281 = arith.muli %min3A_1279, %mul3A_1280 : i32
    %add3A_1282 = vector.broadcast %mul3A_1281 : i32 to vector<8x128xi32>
    %add3A_1283 = arith.addi %add3A_1282, %iota3A : vector<8x128xi32>
    %broadcast_in_dim3A_1284 = arith.constant 0.000000e+00 : f32
    %broadcast_in_dim3A_1285 = vector.broadcast %broadcast_in_dim3A_1284 : f32 to vector<8x128xf32>
    %slice3A_1286 = vector.extract_strided_slice %get3A_1 {offsets = [40, 0], sizes = [8, 1], strides = [1, 1]} : vector<64x8xi32> to vector<8x1xi32>
    %eq3A_1287 = vector.broadcast %slice3A_1286 : vector<8x1xi32> to vector<8x128xi32>
    %eq3A_1288 = arith.cmpi eq, %eq3A_1287, %add3A_1283 : vector<8x128xi32>
    %slice3A_1289 = vector.extract_strided_slice %get3A_4 {offsets = [40, 0], sizes = [8, 1], strides = [1, 1]} : vector<64x8xf32> to vector<8x1xf32>
    %broadcast_in_dim3A_1290 = vector.shape_cast %slice3A_1289 : vector<8x1xf32> to vector<8x1xf32>
    %broadcast_in_dim3A_1291 = vector.broadcast %broadcast_in_dim3A_1290 : vector<8x1xf32> to vector<8x128xf32>
    %select_n3A_1292 = arith.select %eq3A_1288, %broadcast_in_dim3A_1291, %broadcast_in_dim3A_1285 : vector<8x128xi1>, vector<8x128xf32>
    %slice3A_1293 = vector.extract_strided_slice %get3A_1 {offsets = [40, 1], sizes = [8, 1], strides = [1, 1]} : vector<64x8xi32> to vector<8x1xi32>
    %eq3A_1294 = vector.broadcast %slice3A_1293 : vector<8x1xi32> to vector<8x128xi32>
    %eq3A_1295 = arith.cmpi eq, %eq3A_1294, %add3A_1283 : vector<8x128xi32>
    %slice3A_1296 = vector.extract_strided_slice %get3A_4 {offsets = [40, 1], sizes = [8, 1], strides = [1, 1]} : vector<64x8xf32> to vector<8x1xf32>
    %broadcast_in_dim3A_1297 = vector.shape_cast %slice3A_1296 : vector<8x1xf32> to vector<8x1xf32>
    %broadcast_in_dim3A_1298 = vector.broadcast %broadcast_in_dim3A_1297 : vector<8x1xf32> to vector<8x128xf32>
    %select_n3A_1299 = arith.select %eq3A_1295, %broadcast_in_dim3A_1298, %select_n3A_1292 : vector<8x128xi1>, vector<8x128xf32>
    %slice3A_1300 = vector.extract_strided_slice %get3A_1 {offsets = [40, 2], sizes = [8, 1], strides = [1, 1]} : vector<64x8xi32> to vector<8x1xi32>
    %eq3A_1301 = vector.broadcast %slice3A_1300 : vector<8x1xi32> to vector<8x128xi32>
    %eq3A_1302 = arith.cmpi eq, %eq3A_1301, %add3A_1283 : vector<8x128xi32>
    %slice3A_1303 = vector.extract_strided_slice %get3A_4 {offsets = [40, 2], sizes = [8, 1], strides = [1, 1]} : vector<64x8xf32> to vector<8x1xf32>
    %broadcast_in_dim3A_1304 = vector.shape_cast %slice3A_1303 : vector<8x1xf32> to vector<8x1xf32>
    %broadcast_in_dim3A_1305 = vector.broadcast %broadcast_in_dim3A_1304 : vector<8x1xf32> to vector<8x128xf32>
    %select_n3A_1306 = arith.select %eq3A_1302, %broadcast_in_dim3A_1305, %select_n3A_1299 : vector<8x128xi1>, vector<8x128xf32>
    %slice3A_1307 = vector.extract_strided_slice %get3A_1 {offsets = [40, 3], sizes = [8, 1], strides = [1, 1]} : vector<64x8xi32> to vector<8x1xi32>
    %eq3A_1308 = vector.broadcast %slice3A_1307 : vector<8x1xi32> to vector<8x128xi32>
    %eq3A_1309 = arith.cmpi eq, %eq3A_1308, %add3A_1283 : vector<8x128xi32>
    %slice3A_1310 = vector.extract_strided_slice %get3A_4 {offsets = [40, 3], sizes = [8, 1], strides = [1, 1]} : vector<64x8xf32> to vector<8x1xf32>
    %broadcast_in_dim3A_1311 = vector.shape_cast %slice3A_1310 : vector<8x1xf32> to vector<8x1xf32>
    %broadcast_in_dim3A_1312 = vector.broadcast %broadcast_in_dim3A_1311 : vector<8x1xf32> to vector<8x128xf32>
    %select_n3A_1313 = arith.select %eq3A_1309, %broadcast_in_dim3A_1312, %select_n3A_1306 : vector<8x128xi1>, vector<8x128xf32>
    %slice3A_1314 = vector.extract_strided_slice %get3A_1 {offsets = [40, 4], sizes = [8, 1], strides = [1, 1]} : vector<64x8xi32> to vector<8x1xi32>
    %eq3A_1315 = vector.broadcast %slice3A_1314 : vector<8x1xi32> to vector<8x128xi32>
    %eq3A_1316 = arith.cmpi eq, %eq3A_1315, %add3A_1283 : vector<8x128xi32>
    %slice3A_1317 = vector.extract_strided_slice %get3A_4 {offsets = [40, 4], sizes = [8, 1], strides = [1, 1]} : vector<64x8xf32> to vector<8x1xf32>
    %broadcast_in_dim3A_1318 = vector.shape_cast %slice3A_1317 : vector<8x1xf32> to vector<8x1xf32>
    %broadcast_in_dim3A_1319 = vector.broadcast %broadcast_in_dim3A_1318 : vector<8x1xf32> to vector<8x128xf32>
    %select_n3A_1320 = arith.select %eq3A_1316, %broadcast_in_dim3A_1319, %select_n3A_1313 : vector<8x128xi1>, vector<8x128xf32>
    %slice3A_1321 = vector.extract_strided_slice %get3A_1 {offsets = [40, 5], sizes = [8, 1], strides = [1, 1]} : vector<64x8xi32> to vector<8x1xi32>
    %eq3A_1322 = vector.broadcast %slice3A_1321 : vector<8x1xi32> to vector<8x128xi32>
    %eq3A_1323 = arith.cmpi eq, %eq3A_1322, %add3A_1283 : vector<8x128xi32>
    %slice3A_1324 = vector.extract_strided_slice %get3A_4 {offsets = [40, 5], sizes = [8, 1], strides = [1, 1]} : vector<64x8xf32> to vector<8x1xf32>
    %broadcast_in_dim3A_1325 = vector.shape_cast %slice3A_1324 : vector<8x1xf32> to vector<8x1xf32>
    %broadcast_in_dim3A_1326 = vector.broadcast %broadcast_in_dim3A_1325 : vector<8x1xf32> to vector<8x128xf32>
    %select_n3A_1327 = arith.select %eq3A_1323, %broadcast_in_dim3A_1326, %select_n3A_1320 : vector<8x128xi1>, vector<8x128xf32>
    %slice3A_1328 = vector.extract_strided_slice %get3A_1 {offsets = [40, 6], sizes = [8, 1], strides = [1, 1]} : vector<64x8xi32> to vector<8x1xi32>
    %eq3A_1329 = vector.broadcast %slice3A_1328 : vector<8x1xi32> to vector<8x128xi32>
    %eq3A_1330 = arith.cmpi eq, %eq3A_1329, %add3A_1283 : vector<8x128xi32>
    %slice3A_1331 = vector.extract_strided_slice %get3A_4 {offsets = [40, 6], sizes = [8, 1], strides = [1, 1]} : vector<64x8xf32> to vector<8x1xf32>
    %broadcast_in_dim3A_1332 = vector.shape_cast %slice3A_1331 : vector<8x1xf32> to vector<8x1xf32>
    %broadcast_in_dim3A_1333 = vector.broadcast %broadcast_in_dim3A_1332 : vector<8x1xf32> to vector<8x128xf32>
    %select_n3A_1334 = arith.select %eq3A_1330, %broadcast_in_dim3A_1333, %select_n3A_1327 : vector<8x128xi1>, vector<8x128xf32>
    %slice3A_1335 = vector.extract_strided_slice %get3A_1 {offsets = [40, 7], sizes = [8, 1], strides = [1, 1]} : vector<64x8xi32> to vector<8x1xi32>
    %eq3A_1336 = vector.broadcast %slice3A_1335 : vector<8x1xi32> to vector<8x128xi32>
    %eq3A_1337 = arith.cmpi eq, %eq3A_1336, %add3A_1283 : vector<8x128xi32>
    %slice3A_1338 = vector.extract_strided_slice %get3A_4 {offsets = [40, 7], sizes = [8, 1], strides = [1, 1]} : vector<64x8xf32> to vector<8x1xf32>
    %broadcast_in_dim3A_1339 = vector.shape_cast %slice3A_1338 : vector<8x1xf32> to vector<8x1xf32>
    %broadcast_in_dim3A_1340 = vector.broadcast %broadcast_in_dim3A_1339 : vector<8x1xf32> to vector<8x128xf32>
    %select_n3A_1341 = arith.select %eq3A_1337, %broadcast_in_dim3A_1340, %select_n3A_1334 : vector<8x128xi1>, vector<8x128xf32>
    %swap3A_1342 = arith.constant 40 : index
    %swap3A_1343 = arith.constant 0 : index
    %swap3A_1344 = vector.load %arg7[%swap3A_1342, %swap3A_1343] : memref<64x128xf32, #tpu.memory_space<vmem>>, vector<8x128xf32>
    tpu.vector_store %arg7[%swap3A_1342, %swap3A_1343], %select_n3A_1341 {strides = array<i32>} : memref<64x128xf32, #tpu.memory_space<vmem>>, vector<8x128xf32>,
    %get3A_1345 = arith.constant 48 : index
    %get3A_1346 = arith.constant 1 : index
    %get3A_1347 = memref.load %arg1[%get3A_1345, %get3A_1346] : memref<64x8xi32, #tpu.memory_space<smem>>
    %jit3A_1348 = arith.constant 128 : i32
    %div3A_1349 = arith.divsi %get3A_1347, %jit3A_1348 : i32
    %sign3A_1350 = arith.constant 0 : i32
    %sign3A_1351 = arith.cmpi sgt, %get3A_1347, %sign3A_1350 : i32
    %sign3A_1352 = arith.extui %sign3A_1351 : i1 to i32
    %sign3A_1353 = arith.constant 0 : i32
    %sign3A_1354 = arith.cmpi slt, %get3A_1347, %sign3A_1353 : i32
    %sign3A_1355 = arith.extui %sign3A_1354 : i1 to i32
    %sign3A_1356 = arith.subi %sign3A_1352, %sign3A_1355 : i32
    %sign3A_1357 = arith.constant 0 : i32
    %sign3A_1358 = arith.cmpi sgt, %jit3A_1348, %sign3A_1357 : i32
    %sign3A_1359 = arith.extui %sign3A_1358 : i1 to i32
    %sign3A_1360 = arith.constant 0 : i32
    %sign3A_1361 = arith.cmpi slt, %jit3A_1348, %sign3A_1360 : i32
    %sign3A_1362 = arith.extui %sign3A_1361 : i1 to i32
    %sign3A_1363 = arith.subi %sign3A_1359, %sign3A_1362 : i32
    %ne3A_1364 = arith.cmpi ne, %sign3A_1356, %sign3A_1363 : i32
    %rem3A_1365 = arith.remsi %get3A_1347, %jit3A_1348 : i32
    %ne3A_1366 = arith.constant 0 : i32
    %ne3A_1367 = arith.cmpi ne, %rem3A_1365, %ne3A_1366 : i32
    %and3A_1368 = arith.andi %ne3A_1364, %ne3A_1367 : i1
    %sub3A_1369 = arith.constant 1 : i32
    %sub3A_1370 = arith.subi %div3A_1349, %sub3A_1369 : i32
    %select_n3A_1371 = arith.select %and3A_1368, %sub3A_1370, %div3A_1349 : i32
    %min3A_1372 = arith.constant 780 : i32
    %min3A_1373 = arith.minsi %select_n3A_1371, %min3A_1372 : i32
    %mul3A_1374 = arith.constant 128 : i32
    %mul3A_1375 = arith.muli %min3A_1373, %mul3A_1374 : i32
    %add3A_1376 = vector.broadcast %mul3A_1375 : i32 to vector<8x128xi32>
    %add3A_1377 = arith.addi %add3A_1376, %iota3A : vector<8x128xi32>
    %broadcast_in_dim3A_1378 = arith.constant 0.000000e+00 : f32
    %broadcast_in_dim3A_1379 = vector.broadcast %broadcast_in_dim3A_1378 : f32 to vector<8x128xf32>
    %slice3A_1380 = vector.extract_strided_slice %get3A_1 {offsets = [48, 0], sizes = [8, 1], strides = [1, 1]} : vector<64x8xi32> to vector<8x1xi32>
    %eq3A_1381 = vector.broadcast %slice3A_1380 : vector<8x1xi32> to vector<8x128xi32>
    %eq3A_1382 = arith.cmpi eq, %eq3A_1381, %add3A_1377 : vector<8x128xi32>
    %slice3A_1383 = vector.extract_strided_slice %get3A_4 {offsets = [48, 0], sizes = [8, 1], strides = [1, 1]} : vector<64x8xf32> to vector<8x1xf32>
    %broadcast_in_dim3A_1384 = vector.shape_cast %slice3A_1383 : vector<8x1xf32> to vector<8x1xf32>
    %broadcast_in_dim3A_1385 = vector.broadcast %broadcast_in_dim3A_1384 : vector<8x1xf32> to vector<8x128xf32>
    %select_n3A_1386 = arith.select %eq3A_1382, %broadcast_in_dim3A_1385, %broadcast_in_dim3A_1379 : vector<8x128xi1>, vector<8x128xf32>
    %slice3A_1387 = vector.extract_strided_slice %get3A_1 {offsets = [48, 1], sizes = [8, 1], strides = [1, 1]} : vector<64x8xi32> to vector<8x1xi32>
    %eq3A_1388 = vector.broadcast %slice3A_1387 : vector<8x1xi32> to vector<8x128xi32>
    %eq3A_1389 = arith.cmpi eq, %eq3A_1388, %add3A_1377 : vector<8x128xi32>
    %slice3A_1390 = vector.extract_strided_slice %get3A_4 {offsets = [48, 1], sizes = [8, 1], strides = [1, 1]} : vector<64x8xf32> to vector<8x1xf32>
    %broadcast_in_dim3A_1391 = vector.shape_cast %slice3A_1390 : vector<8x1xf32> to vector<8x1xf32>
    %broadcast_in_dim3A_1392 = vector.broadcast %broadcast_in_dim3A_1391 : vector<8x1xf32> to vector<8x128xf32>
    %select_n3A_1393 = arith.select %eq3A_1389, %broadcast_in_dim3A_1392, %select_n3A_1386 : vector<8x128xi1>, vector<8x128xf32>
    %slice3A_1394 = vector.extract_strided_slice %get3A_1 {offsets = [48, 2], sizes = [8, 1], strides = [1, 1]} : vector<64x8xi32> to vector<8x1xi32>
    %eq3A_1395 = vector.broadcast %slice3A_1394 : vector<8x1xi32> to vector<8x128xi32>
    %eq3A_1396 = arith.cmpi eq, %eq3A_1395, %add3A_1377 : vector<8x128xi32>
    %slice3A_1397 = vector.extract_strided_slice %get3A_4 {offsets = [48, 2], sizes = [8, 1], strides = [1, 1]} : vector<64x8xf32> to vector<8x1xf32>
    %broadcast_in_dim3A_1398 = vector.shape_cast %slice3A_1397 : vector<8x1xf32> to vector<8x1xf32>
    %broadcast_in_dim3A_1399 = vector.broadcast %broadcast_in_dim3A_1398 : vector<8x1xf32> to vector<8x128xf32>
    %select_n3A_1400 = arith.select %eq3A_1396, %broadcast_in_dim3A_1399, %select_n3A_1393 : vector<8x128xi1>, vector<8x128xf32>
    %slice3A_1401 = vector.extract_strided_slice %get3A_1 {offsets = [48, 3], sizes = [8, 1], strides = [1, 1]} : vector<64x8xi32> to vector<8x1xi32>
    %eq3A_1402 = vector.broadcast %slice3A_1401 : vector<8x1xi32> to vector<8x128xi32>
    %eq3A_1403 = arith.cmpi eq, %eq3A_1402, %add3A_1377 : vector<8x128xi32>
    %slice3A_1404 = vector.extract_strided_slice %get3A_4 {offsets = [48, 3], sizes = [8, 1], strides = [1, 1]} : vector<64x8xf32> to vector<8x1xf32>
    %broadcast_in_dim3A_1405 = vector.shape_cast %slice3A_1404 : vector<8x1xf32> to vector<8x1xf32>
    %broadcast_in_dim3A_1406 = vector.broadcast %broadcast_in_dim3A_1405 : vector<8x1xf32> to vector<8x128xf32>
    %select_n3A_1407 = arith.select %eq3A_1403, %broadcast_in_dim3A_1406, %select_n3A_1400 : vector<8x128xi1>, vector<8x128xf32>
    %slice3A_1408 = vector.extract_strided_slice %get3A_1 {offsets = [48, 4], sizes = [8, 1], strides = [1, 1]} : vector<64x8xi32> to vector<8x1xi32>
    %eq3A_1409 = vector.broadcast %slice3A_1408 : vector<8x1xi32> to vector<8x128xi32>
    %eq3A_1410 = arith.cmpi eq, %eq3A_1409, %add3A_1377 : vector<8x128xi32>
    %slice3A_1411 = vector.extract_strided_slice %get3A_4 {offsets = [48, 4], sizes = [8, 1], strides = [1, 1]} : vector<64x8xf32> to vector<8x1xf32>
    %broadcast_in_dim3A_1412 = vector.shape_cast %slice3A_1411 : vector<8x1xf32> to vector<8x1xf32>
    %broadcast_in_dim3A_1413 = vector.broadcast %broadcast_in_dim3A_1412 : vector<8x1xf32> to vector<8x128xf32>
    %select_n3A_1414 = arith.select %eq3A_1410, %broadcast_in_dim3A_1413, %select_n3A_1407 : vector<8x128xi1>, vector<8x128xf32>
    %slice3A_1415 = vector.extract_strided_slice %get3A_1 {offsets = [48, 5], sizes = [8, 1], strides = [1, 1]} : vector<64x8xi32> to vector<8x1xi32>
    %eq3A_1416 = vector.broadcast %slice3A_1415 : vector<8x1xi32> to vector<8x128xi32>
    %eq3A_1417 = arith.cmpi eq, %eq3A_1416, %add3A_1377 : vector<8x128xi32>
    %slice3A_1418 = vector.extract_strided_slice %get3A_4 {offsets = [48, 5], sizes = [8, 1], strides = [1, 1]} : vector<64x8xf32> to vector<8x1xf32>
    %broadcast_in_dim3A_1419 = vector.shape_cast %slice3A_1418 : vector<8x1xf32> to vector<8x1xf32>
    %broadcast_in_dim3A_1420 = vector.broadcast %broadcast_in_dim3A_1419 : vector<8x1xf32> to vector<8x128xf32>
    %select_n3A_1421 = arith.select %eq3A_1417, %broadcast_in_dim3A_1420, %select_n3A_1414 : vector<8x128xi1>, vector<8x128xf32>
    %slice3A_1422 = vector.extract_strided_slice %get3A_1 {offsets = [48, 6], sizes = [8, 1], strides = [1, 1]} : vector<64x8xi32> to vector<8x1xi32>
    %eq3A_1423 = vector.broadcast %slice3A_1422 : vector<8x1xi32> to vector<8x128xi32>
    %eq3A_1424 = arith.cmpi eq, %eq3A_1423, %add3A_1377 : vector<8x128xi32>
    %slice3A_1425 = vector.extract_strided_slice %get3A_4 {offsets = [48, 6], sizes = [8, 1], strides = [1, 1]} : vector<64x8xf32> to vector<8x1xf32>
    %broadcast_in_dim3A_1426 = vector.shape_cast %slice3A_1425 : vector<8x1xf32> to vector<8x1xf32>
    %broadcast_in_dim3A_1427 = vector.broadcast %broadcast_in_dim3A_1426 : vector<8x1xf32> to vector<8x128xf32>
    %select_n3A_1428 = arith.select %eq3A_1424, %broadcast_in_dim3A_1427, %select_n3A_1421 : vector<8x128xi1>, vector<8x128xf32>
    %slice3A_1429 = vector.extract_strided_slice %get3A_1 {offsets = [48, 7], sizes = [8, 1], strides = [1, 1]} : vector<64x8xi32> to vector<8x1xi32>
    %eq3A_1430 = vector.broadcast %slice3A_1429 : vector<8x1xi32> to vector<8x128xi32>
    %eq3A_1431 = arith.cmpi eq, %eq3A_1430, %add3A_1377 : vector<8x128xi32>
    %slice3A_1432 = vector.extract_strided_slice %get3A_4 {offsets = [48, 7], sizes = [8, 1], strides = [1, 1]} : vector<64x8xf32> to vector<8x1xf32>
    %broadcast_in_dim3A_1433 = vector.shape_cast %slice3A_1432 : vector<8x1xf32> to vector<8x1xf32>
    %broadcast_in_dim3A_1434 = vector.broadcast %broadcast_in_dim3A_1433 : vector<8x1xf32> to vector<8x128xf32>
    %select_n3A_1435 = arith.select %eq3A_1431, %broadcast_in_dim3A_1434, %select_n3A_1428 : vector<8x128xi1>, vector<8x128xf32>
    %swap3A_1436 = arith.constant 48 : index
    %swap3A_1437 = arith.constant 0 : index
    %swap3A_1438 = vector.load %arg7[%swap3A_1436, %swap3A_1437] : memref<64x128xf32, #tpu.memory_space<vmem>>, vector<8x128xf32>
    tpu.vector_store %arg7[%swap3A_1436, %swap3A_1437], %select_n3A_1435 {strides = array<i32>} : memref<64x128xf32, #tpu.memory_space<vmem>>, vector<8x128xf32>,
    %get3A_1439 = arith.constant 56 : index
    %get3A_1440 = arith.constant 1 : index
    %get3A_1441 = memref.load %arg1[%get3A_1439, %get3A_1440] : memref<64x8xi32, #tpu.memory_space<smem>>
    %jit3A_1442 = arith.constant 128 : i32
    %div3A_1443 = arith.divsi %get3A_1441, %jit3A_1442 : i32
    %sign3A_1444 = arith.constant 0 : i32
    %sign3A_1445 = arith.cmpi sgt, %get3A_1441, %sign3A_1444 : i32
    %sign3A_1446 = arith.extui %sign3A_1445 : i1 to i32
    %sign3A_1447 = arith.constant 0 : i32
    %sign3A_1448 = arith.cmpi slt, %get3A_1441, %sign3A_1447 : i32
    %sign3A_1449 = arith.extui %sign3A_1448 : i1 to i32
    %sign3A_1450 = arith.subi %sign3A_1446, %sign3A_1449 : i32
    %sign3A_1451 = arith.constant 0 : i32
    %sign3A_1452 = arith.cmpi sgt, %jit3A_1442, %sign3A_1451 : i32
    %sign3A_1453 = arith.extui %sign3A_1452 : i1 to i32
    %sign3A_1454 = arith.constant 0 : i32
    %sign3A_1455 = arith.cmpi slt, %jit3A_1442, %sign3A_1454 : i32
    %sign3A_1456 = arith.extui %sign3A_1455 : i1 to i32
    %sign3A_1457 = arith.subi %sign3A_1453, %sign3A_1456 : i32
    %ne3A_1458 = arith.cmpi ne, %sign3A_1450, %sign3A_1457 : i32
    %rem3A_1459 = arith.remsi %get3A_1441, %jit3A_1442 : i32
    %ne3A_1460 = arith.constant 0 : i32
    %ne3A_1461 = arith.cmpi ne, %rem3A_1459, %ne3A_1460 : i32
    %and3A_1462 = arith.andi %ne3A_1458, %ne3A_1461 : i1
    %sub3A_1463 = arith.constant 1 : i32
    %sub3A_1464 = arith.subi %div3A_1443, %sub3A_1463 : i32
    %select_n3A_1465 = arith.select %and3A_1462, %sub3A_1464, %div3A_1443 : i32
    %min3A_1466 = arith.constant 780 : i32
    %min3A_1467 = arith.minsi %select_n3A_1465, %min3A_1466 : i32
    %mul3A_1468 = arith.constant 128 : i32
    %mul3A_1469 = arith.muli %min3A_1467, %mul3A_1468 : i32
    %add3A_1470 = vector.broadcast %mul3A_1469 : i32 to vector<8x128xi32>
    %add3A_1471 = arith.addi %add3A_1470, %iota3A : vector<8x128xi32>
    %broadcast_in_dim3A_1472 = arith.constant 0.000000e+00 : f32
    %broadcast_in_dim3A_1473 = vector.broadcast %broadcast_in_dim3A_1472 : f32 to vector<8x128xf32>
    %slice3A_1474 = vector.extract_strided_slice %get3A_1 {offsets = [56, 0], sizes = [8, 1], strides = [1, 1]} : vector<64x8xi32> to vector<8x1xi32>
    %eq3A_1475 = vector.broadcast %slice3A_1474 : vector<8x1xi32> to vector<8x128xi32>
    %eq3A_1476 = arith.cmpi eq, %eq3A_1475, %add3A_1471 : vector<8x128xi32>
    %slice3A_1477 = vector.extract_strided_slice %get3A_4 {offsets = [56, 0], sizes = [8, 1], strides = [1, 1]} : vector<64x8xf32> to vector<8x1xf32>
    %broadcast_in_dim3A_1478 = vector.shape_cast %slice3A_1477 : vector<8x1xf32> to vector<8x1xf32>
    %broadcast_in_dim3A_1479 = vector.broadcast %broadcast_in_dim3A_1478 : vector<8x1xf32> to vector<8x128xf32>
    %select_n3A_1480 = arith.select %eq3A_1476, %broadcast_in_dim3A_1479, %broadcast_in_dim3A_1473 : vector<8x128xi1>, vector<8x128xf32>
    %slice3A_1481 = vector.extract_strided_slice %get3A_1 {offsets = [56, 1], sizes = [8, 1], strides = [1, 1]} : vector<64x8xi32> to vector<8x1xi32>
    %eq3A_1482 = vector.broadcast %slice3A_1481 : vector<8x1xi32> to vector<8x128xi32>
    %eq3A_1483 = arith.cmpi eq, %eq3A_1482, %add3A_1471 : vector<8x128xi32>
    %slice3A_1484 = vector.extract_strided_slice %get3A_4 {offsets = [56, 1], sizes = [8, 1], strides = [1, 1]} : vector<64x8xf32> to vector<8x1xf32>
    %broadcast_in_dim3A_1485 = vector.shape_cast %slice3A_1484 : vector<8x1xf32> to vector<8x1xf32>
    %broadcast_in_dim3A_1486 = vector.broadcast %broadcast_in_dim3A_1485 : vector<8x1xf32> to vector<8x128xf32>
    %select_n3A_1487 = arith.select %eq3A_1483, %broadcast_in_dim3A_1486, %select_n3A_1480 : vector<8x128xi1>, vector<8x128xf32>
    %slice3A_1488 = vector.extract_strided_slice %get3A_1 {offsets = [56, 2], sizes = [8, 1], strides = [1, 1]} : vector<64x8xi32> to vector<8x1xi32>
    %eq3A_1489 = vector.broadcast %slice3A_1488 : vector<8x1xi32> to vector<8x128xi32>
    %eq3A_1490 = arith.cmpi eq, %eq3A_1489, %add3A_1471 : vector<8x128xi32>
    %slice3A_1491 = vector.extract_strided_slice %get3A_4 {offsets = [56, 2], sizes = [8, 1], strides = [1, 1]} : vector<64x8xf32> to vector<8x1xf32>
    %broadcast_in_dim3A_1492 = vector.shape_cast %slice3A_1491 : vector<8x1xf32> to vector<8x1xf32>
    %broadcast_in_dim3A_1493 = vector.broadcast %broadcast_in_dim3A_1492 : vector<8x1xf32> to vector<8x128xf32>
    %select_n3A_1494 = arith.select %eq3A_1490, %broadcast_in_dim3A_1493, %select_n3A_1487 : vector<8x128xi1>, vector<8x128xf32>
    %slice3A_1495 = vector.extract_strided_slice %get3A_1 {offsets = [56, 3], sizes = [8, 1], strides = [1, 1]} : vector<64x8xi32> to vector<8x1xi32>
    %eq3A_1496 = vector.broadcast %slice3A_1495 : vector<8x1xi32> to vector<8x128xi32>
    %eq3A_1497 = arith.cmpi eq, %eq3A_1496, %add3A_1471 : vector<8x128xi32>
    %slice3A_1498 = vector.extract_strided_slice %get3A_4 {offsets = [56, 3], sizes = [8, 1], strides = [1, 1]} : vector<64x8xf32> to vector<8x1xf32>
    %broadcast_in_dim3A_1499 = vector.shape_cast %slice3A_1498 : vector<8x1xf32> to vector<8x1xf32>
    %broadcast_in_dim3A_1500 = vector.broadcast %broadcast_in_dim3A_1499 : vector<8x1xf32> to vector<8x128xf32>
    %select_n3A_1501 = arith.select %eq3A_1497, %broadcast_in_dim3A_1500, %select_n3A_1494 : vector<8x128xi1>, vector<8x128xf32>
    %slice3A_1502 = vector.extract_strided_slice %get3A_1 {offsets = [56, 4], sizes = [8, 1], strides = [1, 1]} : vector<64x8xi32> to vector<8x1xi32>
    %eq3A_1503 = vector.broadcast %slice3A_1502 : vector<8x1xi32> to vector<8x128xi32>
    %eq3A_1504 = arith.cmpi eq, %eq3A_1503, %add3A_1471 : vector<8x128xi32>
    %slice3A_1505 = vector.extract_strided_slice %get3A_4 {offsets = [56, 4], sizes = [8, 1], strides = [1, 1]} : vector<64x8xf32> to vector<8x1xf32>
    %broadcast_in_dim3A_1506 = vector.shape_cast %slice3A_1505 : vector<8x1xf32> to vector<8x1xf32>
    %broadcast_in_dim3A_1507 = vector.broadcast %broadcast_in_dim3A_1506 : vector<8x1xf32> to vector<8x128xf32>
    %select_n3A_1508 = arith.select %eq3A_1504, %broadcast_in_dim3A_1507, %select_n3A_1501 : vector<8x128xi1>, vector<8x128xf32>
    %slice3A_1509 = vector.extract_strided_slice %get3A_1 {offsets = [56, 5], sizes = [8, 1], strides = [1, 1]} : vector<64x8xi32> to vector<8x1xi32>
    %eq3A_1510 = vector.broadcast %slice3A_1509 : vector<8x1xi32> to vector<8x128xi32>
    %eq3A_1511 = arith.cmpi eq, %eq3A_1510, %add3A_1471 : vector<8x128xi32>
    %slice3A_1512 = vector.extract_strided_slice %get3A_4 {offsets = [56, 5], sizes = [8, 1], strides = [1, 1]} : vector<64x8xf32> to vector<8x1xf32>
    %broadcast_in_dim3A_1513 = vector.shape_cast %slice3A_1512 : vector<8x1xf32> to vector<8x1xf32>
    %broadcast_in_dim3A_1514 = vector.broadcast %broadcast_in_dim3A_1513 : vector<8x1xf32> to vector<8x128xf32>
    %select_n3A_1515 = arith.select %eq3A_1511, %broadcast_in_dim3A_1514, %select_n3A_1508 : vector<8x128xi1>, vector<8x128xf32>
    %slice3A_1516 = vector.extract_strided_slice %get3A_1 {offsets = [56, 6], sizes = [8, 1], strides = [1, 1]} : vector<64x8xi32> to vector<8x1xi32>
    %eq3A_1517 = vector.broadcast %slice3A_1516 : vector<8x1xi32> to vector<8x128xi32>
    %eq3A_1518 = arith.cmpi eq, %eq3A_1517, %add3A_1471 : vector<8x128xi32>
    %slice3A_1519 = vector.extract_strided_slice %get3A_4 {offsets = [56, 6], sizes = [8, 1], strides = [1, 1]} : vector<64x8xf32> to vector<8x1xf32>
    %broadcast_in_dim3A_1520 = vector.shape_cast %slice3A_1519 : vector<8x1xf32> to vector<8x1xf32>
    %broadcast_in_dim3A_1521 = vector.broadcast %broadcast_in_dim3A_1520 : vector<8x1xf32> to vector<8x128xf32>
    %select_n3A_1522 = arith.select %eq3A_1518, %broadcast_in_dim3A_1521, %select_n3A_1515 : vector<8x128xi1>, vector<8x128xf32>
    %slice3A_1523 = vector.extract_strided_slice %get3A_1 {offsets = [56, 7], sizes = [8, 1], strides = [1, 1]} : vector<64x8xi32> to vector<8x1xi32>
    %eq3A_1524 = vector.broadcast %slice3A_1523 : vector<8x1xi32> to vector<8x128xi32>
    %eq3A_1525 = arith.cmpi eq, %eq3A_1524, %add3A_1471 : vector<8x128xi32>
    %slice3A_1526 = vector.extract_strided_slice %get3A_4 {offsets = [56, 7], sizes = [8, 1], strides = [1, 1]} : vector<64x8xf32> to vector<8x1xf32>
    %broadcast_in_dim3A_1527 = vector.shape_cast %slice3A_1526 : vector<8x1xf32> to vector<8x1xf32>
    %broadcast_in_dim3A_1528 = vector.broadcast %broadcast_in_dim3A_1527 : vector<8x1xf32> to vector<8x128xf32>
    %select_n3A_1529 = arith.select %eq3A_1525, %broadcast_in_dim3A_1528, %select_n3A_1522 : vector<8x128xi1>, vector<8x128xf32>
    %swap3A_1530 = arith.constant 56 : index
    %swap3A_1531 = arith.constant 0 : index
    %swap3A_1532 = vector.load %arg7[%swap3A_1530, %swap3A_1531] : memref<64x128xf32, #tpu.memory_space<vmem>>, vector<8x128xf32>
    tpu.vector_store %arg7[%swap3A_1530, %swap3A_1531], %select_n3A_1529 {strides = array<i32>} : memref<64x128xf32, #tpu.memory_space<vmem>>, vector<8x128xf32>,
    %dma_start3A_1533 = arith.constant 0 : i32
    %dma_start3A_1534 = tpu.memref_slice %arg5[%dma_start3A_1533, %mul3A_811] : memref<64x100000xf32, #tpu.memory_space<any>> -> memref<8x128xf32, #tpu.memory_space<any>>
    %dma_start3A_1535 = arith.constant 0 : i32
    %dma_start3A_1536 = arith.constant 0 : i32
    %dma_start3A_1537 = tpu.memref_slice %arg7[%dma_start3A_1535, %dma_start3A_1536] : memref<64x128xf32, #tpu.memory_space<vmem>> -> memref<8x128xf32, #tpu.memory_space<vmem>>
    tpu.enqueue_dma source(%dma_start3A_1537 : memref<8x128xf32, #tpu.memory_space<vmem>>) target(%dma_start3A_1534 : memref<8x128xf32, #tpu.memory_space<any>>) target_semaphore(%arg9 : memref<!tpu.dma_semaphore, #tpu.memory_space<semaphore_mem>>)
    %dma_start3A_1538 = arith.constant 8 : i32
    %dma_start3A_1539 = tpu.memref_slice %arg5[%dma_start3A_1538, %mul3A_905] : memref<64x100000xf32, #tpu.memory_space<any>> -> memref<8x128xf32, #tpu.memory_space<any>>
    %dma_start3A_1540 = arith.constant 8 : i32
    %dma_start3A_1541 = arith.constant 0 : i32
    %dma_start3A_1542 = tpu.memref_slice %arg7[%dma_start3A_1540, %dma_start3A_1541] : memref<64x128xf32, #tpu.memory_space<vmem>> -> memref<8x128xf32, #tpu.memory_space<vmem>>
    tpu.enqueue_dma source(%dma_start3A_1542 : memref<8x128xf32, #tpu.memory_space<vmem>>) target(%dma_start3A_1539 : memref<8x128xf32, #tpu.memory_space<any>>) target_semaphore(%arg9 : memref<!tpu.dma_semaphore, #tpu.memory_space<semaphore_mem>>)
    %dma_start3A_1543 = arith.constant 16 : i32
    %dma_start3A_1544 = tpu.memref_slice %arg5[%dma_start3A_1543, %mul3A_999] : memref<64x100000xf32, #tpu.memory_space<any>> -> memref<8x128xf32, #tpu.memory_space<any>>
    %dma_start3A_1545 = arith.constant 16 : i32
    %dma_start3A_1546 = arith.constant 0 : i32
    %dma_start3A_1547 = tpu.memref_slice %arg7[%dma_start3A_1545, %dma_start3A_1546] : memref<64x128xf32, #tpu.memory_space<vmem>> -> memref<8x128xf32, #tpu.memory_space<vmem>>
    tpu.enqueue_dma source(%dma_start3A_1547 : memref<8x128xf32, #tpu.memory_space<vmem>>) target(%dma_start3A_1544 : memref<8x128xf32, #tpu.memory_space<any>>) target_semaphore(%arg9 : memref<!tpu.dma_semaphore, #tpu.memory_space<semaphore_mem>>)
    %dma_start3A_1548 = arith.constant 24 : i32
    %dma_start3A_1549 = tpu.memref_slice %arg5[%dma_start3A_1548, %mul3A_1093] : memref<64x100000xf32, #tpu.memory_space<any>> -> memref<8x128xf32, #tpu.memory_space<any>>
    %dma_start3A_1550 = arith.constant 24 : i32
    %dma_start3A_1551 = arith.constant 0 : i32
    %dma_start3A_1552 = tpu.memref_slice %arg7[%dma_start3A_1550, %dma_start3A_1551] : memref<64x128xf32, #tpu.memory_space<vmem>> -> memref<8x128xf32, #tpu.memory_space<vmem>>
    tpu.enqueue_dma source(%dma_start3A_1552 : memref<8x128xf32, #tpu.memory_space<vmem>>) target(%dma_start3A_1549 : memref<8x128xf32, #tpu.memory_space<any>>) target_semaphore(%arg9 : memref<!tpu.dma_semaphore, #tpu.memory_space<semaphore_mem>>)
    %dma_start3A_1553 = arith.constant 32 : i32
    %dma_start3A_1554 = tpu.memref_slice %arg5[%dma_start3A_1553, %mul3A_1187] : memref<64x100000xf32, #tpu.memory_space<any>> -> memref<8x128xf32, #tpu.memory_space<any>>
    %dma_start3A_1555 = arith.constant 32 : i32
    %dma_start3A_1556 = arith.constant 0 : i32
    %dma_start3A_1557 = tpu.memref_slice %arg7[%dma_start3A_1555, %dma_start3A_1556] : memref<64x128xf32, #tpu.memory_space<vmem>> -> memref<8x128xf32, #tpu.memory_space<vmem>>
    tpu.enqueue_dma source(%dma_start3A_1557 : memref<8x128xf32, #tpu.memory_space<vmem>>) target(%dma_start3A_1554 : memref<8x128xf32, #tpu.memory_space<any>>) target_semaphore(%arg9 : memref<!tpu.dma_semaphore, #tpu.memory_space<semaphore_mem>>)
    %dma_start3A_1558 = arith.constant 40 : i32
    %dma_start3A_1559 = tpu.memref_slice %arg5[%dma_start3A_1558, %mul3A_1281] : memref<64x100000xf32, #tpu.memory_space<any>> -> memref<8x128xf32, #tpu.memory_space<any>>
    %dma_start3A_1560 = arith.constant 40 : i32
    %dma_start3A_1561 = arith.constant 0 : i32
    %dma_start3A_1562 = tpu.memref_slice %arg7[%dma_start3A_1560, %dma_start3A_1561] : memref<64x128xf32, #tpu.memory_space<vmem>> -> memref<8x128xf32, #tpu.memory_space<vmem>>
    tpu.enqueue_dma source(%dma_start3A_1562 : memref<8x128xf32, #tpu.memory_space<vmem>>) target(%dma_start3A_1559 : memref<8x128xf32, #tpu.memory_space<any>>) target_semaphore(%arg9 : memref<!tpu.dma_semaphore, #tpu.memory_space<semaphore_mem>>)
    %dma_start3A_1563 = arith.constant 48 : i32
    %dma_start3A_1564 = tpu.memref_slice %arg5[%dma_start3A_1563, %mul3A_1375] : memref<64x100000xf32, #tpu.memory_space<any>> -> memref<8x128xf32, #tpu.memory_space<any>>
    %dma_start3A_1565 = arith.constant 48 : i32
    %dma_start3A_1566 = arith.constant 0 : i32
    %dma_start3A_1567 = tpu.memref_slice %arg7[%dma_start3A_1565, %dma_start3A_1566] : memref<64x128xf32, #tpu.memory_space<vmem>> -> memref<8x128xf32, #tpu.memory_space<vmem>>
    tpu.enqueue_dma source(%dma_start3A_1567 : memref<8x128xf32, #tpu.memory_space<vmem>>) target(%dma_start3A_1564 : memref<8x128xf32, #tpu.memory_space<any>>) target_semaphore(%arg9 : memref<!tpu.dma_semaphore, #tpu.memory_space<semaphore_mem>>)
    %dma_start3A_1568 = arith.constant 56 : i32
    %dma_start3A_1569 = tpu.memref_slice %arg5[%dma_start3A_1568, %mul3A_1469] : memref<64x100000xf32, #tpu.memory_space<any>> -> memref<8x128xf32, #tpu.memory_space<any>>
    %dma_start3A_1570 = arith.constant 56 : i32
    %dma_start3A_1571 = arith.constant 0 : i32
    %dma_start3A_1572 = tpu.memref_slice %arg7[%dma_start3A_1570, %dma_start3A_1571] : memref<64x128xf32, #tpu.memory_space<vmem>> -> memref<8x128xf32, #tpu.memory_space<vmem>>
    tpu.enqueue_dma source(%dma_start3A_1572 : memref<8x128xf32, #tpu.memory_space<vmem>>) target(%dma_start3A_1569 : memref<8x128xf32, #tpu.memory_space<any>>) target_semaphore(%arg9 : memref<!tpu.dma_semaphore, #tpu.memory_space<semaphore_mem>>)
    %scan3A = arith.constant 1 : i32
    %scan3A_1573 = arith.constant 31 : i32
    %scan3A_1574 = arith.addi %scan3A, %scan3A_1573 : i32
    %scan3A_1575 = arith.constant 1 : i32
    scf.for %scan3A_1672 = %scan3A to %scan3A_1574 step %scan3A_1575  : i32 {
      %mul3A_1673 = arith.constant 2 : i32
      %mul3A_1674 = arith.muli %mul3A_1673, %scan3A_1672 : i32
      %dma_wait3A_1675 = arith.constant 0 : i32
      %dma_wait3A_1676 = arith.constant 0 : i32
      %dma_wait3A_1677 = tpu.memref_slice %arg5[%dma_wait3A_1675, %dma_wait3A_1676] : memref<64x100000xf32, #tpu.memory_space<any>> -> memref<8x128xf32, #tpu.memory_space<any>>
      %dma_wait3A_1678 = arith.constant 0 : i32
      %dma_wait3A_1679 = arith.constant 0 : i32
      %dma_wait3A_1680 = tpu.memref_slice %arg6[%dma_wait3A_1678, %dma_wait3A_1679] : memref<64x128xf32, #tpu.memory_space<vmem>> -> memref<8x128xf32, #tpu.memory_space<vmem>>
      tpu.wait_dma2 semaphore(%arg8 : memref<!tpu.dma_semaphore, #tpu.memory_space<semaphore_mem>>) src(%dma_wait3A_1680 : memref<8x128xf32, #tpu.memory_space<vmem>>) dst(%dma_wait3A_1677 : memref<8x128xf32, #tpu.memory_space<any>>)
      %dma_wait3A_1681 = arith.constant 8 : i32
      %dma_wait3A_1682 = arith.constant 0 : i32
      %dma_wait3A_1683 = tpu.memref_slice %arg5[%dma_wait3A_1681, %dma_wait3A_1682] : memref<64x100000xf32, #tpu.memory_space<any>> -> memref<8x128xf32, #tpu.memory_space<any>>
      %dma_wait3A_1684 = arith.constant 8 : i32
      %dma_wait3A_1685 = arith.constant 0 : i32
      %dma_wait3A_1686 = tpu.memref_slice %arg6[%dma_wait3A_1684, %dma_wait3A_1685] : memref<64x128xf32, #tpu.memory_space<vmem>> -> memref<8x128xf32, #tpu.memory_space<vmem>>
      tpu.wait_dma2 semaphore(%arg8 : memref<!tpu.dma_semaphore, #tpu.memory_space<semaphore_mem>>) src(%dma_wait3A_1686 : memref<8x128xf32, #tpu.memory_space<vmem>>) dst(%dma_wait3A_1683 : memref<8x128xf32, #tpu.memory_space<any>>)
      %dma_wait3A_1687 = arith.constant 16 : i32
      %dma_wait3A_1688 = arith.constant 0 : i32
      %dma_wait3A_1689 = tpu.memref_slice %arg5[%dma_wait3A_1687, %dma_wait3A_1688] : memref<64x100000xf32, #tpu.memory_space<any>> -> memref<8x128xf32, #tpu.memory_space<any>>
      %dma_wait3A_1690 = arith.constant 16 : i32
      %dma_wait3A_1691 = arith.constant 0 : i32
      %dma_wait3A_1692 = tpu.memref_slice %arg6[%dma_wait3A_1690, %dma_wait3A_1691] : memref<64x128xf32, #tpu.memory_space<vmem>> -> memref<8x128xf32, #tpu.memory_space<vmem>>
      tpu.wait_dma2 semaphore(%arg8 : memref<!tpu.dma_semaphore, #tpu.memory_space<semaphore_mem>>) src(%dma_wait3A_1692 : memref<8x128xf32, #tpu.memory_space<vmem>>) dst(%dma_wait3A_1689 : memref<8x128xf32, #tpu.memory_space<any>>)
      %dma_wait3A_1693 = arith.constant 24 : i32
      %dma_wait3A_1694 = arith.constant 0 : i32
      %dma_wait3A_1695 = tpu.memref_slice %arg5[%dma_wait3A_1693, %dma_wait3A_1694] : memref<64x100000xf32, #tpu.memory_space<any>> -> memref<8x128xf32, #tpu.memory_space<any>>
      %dma_wait3A_1696 = arith.constant 24 : i32
      %dma_wait3A_1697 = arith.constant 0 : i32
      %dma_wait3A_1698 = tpu.memref_slice %arg6[%dma_wait3A_1696, %dma_wait3A_1697] : memref<64x128xf32, #tpu.memory_space<vmem>> -> memref<8x128xf32, #tpu.memory_space<vmem>>
      tpu.wait_dma2 semaphore(%arg8 : memref<!tpu.dma_semaphore, #tpu.memory_space<semaphore_mem>>) src(%dma_wait3A_1698 : memref<8x128xf32, #tpu.memory_space<vmem>>) dst(%dma_wait3A_1695 : memref<8x128xf32, #tpu.memory_space<any>>)
      %dma_wait3A_1699 = arith.constant 32 : i32
      %dma_wait3A_1700 = arith.constant 0 : i32
      %dma_wait3A_1701 = tpu.memref_slice %arg5[%dma_wait3A_1699, %dma_wait3A_1700] : memref<64x100000xf32, #tpu.memory_space<any>> -> memref<8x128xf32, #tpu.memory_space<any>>
      %dma_wait3A_1702 = arith.constant 32 : i32
      %dma_wait3A_1703 = arith.constant 0 : i32
      %dma_wait3A_1704 = tpu.memref_slice %arg6[%dma_wait3A_1702, %dma_wait3A_1703] : memref<64x128xf32, #tpu.memory_space<vmem>> -> memref<8x128xf32, #tpu.memory_space<vmem>>
      tpu.wait_dma2 semaphore(%arg8 : memref<!tpu.dma_semaphore, #tpu.memory_space<semaphore_mem>>) src(%dma_wait3A_1704 : memref<8x128xf32, #tpu.memory_space<vmem>>) dst(%dma_wait3A_1701 : memref<8x128xf32, #tpu.memory_space<any>>)
      %dma_wait3A_1705 = arith.constant 40 : i32
      %dma_wait3A_1706 = arith.constant 0 : i32
      %dma_wait3A_1707 = tpu.memref_slice %arg5[%dma_wait3A_1705, %dma_wait3A_1706] : memref<64x100000xf32, #tpu.memory_space<any>> -> memref<8x128xf32, #tpu.memory_space<any>>
      %dma_wait3A_1708 = arith.constant 40 : i32
      %dma_wait3A_1709 = arith.constant 0 : i32
      %dma_wait3A_1710 = tpu.memref_slice %arg6[%dma_wait3A_1708, %dma_wait3A_1709] : memref<64x128xf32, #tpu.memory_space<vmem>> -> memref<8x128xf32, #tpu.memory_space<vmem>>
      tpu.wait_dma2 semaphore(%arg8 : memref<!tpu.dma_semaphore, #tpu.memory_space<semaphore_mem>>) src(%dma_wait3A_1710 : memref<8x128xf32, #tpu.memory_space<vmem>>) dst(%dma_wait3A_1707 : memref<8x128xf32, #tpu.memory_space<any>>)
      %dma_wait3A_1711 = arith.constant 48 : i32
      %dma_wait3A_1712 = arith.constant 0 : i32
      %dma_wait3A_1713 = tpu.memref_slice %arg5[%dma_wait3A_1711, %dma_wait3A_1712] : memref<64x100000xf32, #tpu.memory_space<any>> -> memref<8x128xf32, #tpu.memory_space<any>>
      %dma_wait3A_1714 = arith.constant 48 : i32
      %dma_wait3A_1715 = arith.constant 0 : i32
      %dma_wait3A_1716 = tpu.memref_slice %arg6[%dma_wait3A_1714, %dma_wait3A_1715] : memref<64x128xf32, #tpu.memory_space<vmem>> -> memref<8x128xf32, #tpu.memory_space<vmem>>
      tpu.wait_dma2 semaphore(%arg8 : memref<!tpu.dma_semaphore, #tpu.memory_space<semaphore_mem>>) src(%dma_wait3A_1716 : memref<8x128xf32, #tpu.memory_space<vmem>>) dst(%dma_wait3A_1713 : memref<8x128xf32, #tpu.memory_space<any>>)
      %dma_wait3A_1717 = arith.constant 56 : i32
      %dma_wait3A_1718 = arith.constant 0 : i32
      %dma_wait3A_1719 = tpu.memref_slice %arg5[%dma_wait3A_1717, %dma_wait3A_1718] : memref<64x100000xf32, #tpu.memory_space<any>> -> memref<8x128xf32, #tpu.memory_space<any>>
      %dma_wait3A_1720 = arith.constant 56 : i32
      %dma_wait3A_1721 = arith.constant 0 : i32
      %dma_wait3A_1722 = tpu.memref_slice %arg6[%dma_wait3A_1720, %dma_wait3A_1721] : memref<64x128xf32, #tpu.memory_space<vmem>> -> memref<8x128xf32, #tpu.memory_space<vmem>>
      tpu.wait_dma2 semaphore(%arg8 : memref<!tpu.dma_semaphore, #tpu.memory_space<semaphore_mem>>) src(%dma_wait3A_1722 : memref<8x128xf32, #tpu.memory_space<vmem>>) dst(%dma_wait3A_1719 : memref<8x128xf32, #tpu.memory_space<any>>)
      %jit3A_1723 = arith.constant 8 : i32
      %div3A_1724 = arith.divsi %mul3A_1674, %jit3A_1723 : i32
      %sign3A_1725 = arith.constant 0 : i32
      %sign3A_1726 = arith.cmpi sgt, %mul3A_1674, %sign3A_1725 : i32
      %sign3A_1727 = arith.extui %sign3A_1726 : i1 to i32
      %sign3A_1728 = arith.constant 0 : i32
      %sign3A_1729 = arith.cmpi slt, %mul3A_1674, %sign3A_1728 : i32
      %sign3A_1730 = arith.extui %sign3A_1729 : i1 to i32
      %sign3A_1731 = arith.subi %sign3A_1727, %sign3A_1730 : i32
      %sign3A_1732 = arith.constant 0 : i32
      %sign3A_1733 = arith.cmpi sgt, %jit3A_1723, %sign3A_1732 : i32
      %sign3A_1734 = arith.extui %sign3A_1733 : i1 to i32
      %sign3A_1735 = arith.constant 0 : i32
      %sign3A_1736 = arith.cmpi slt, %jit3A_1723, %sign3A_1735 : i32
      %sign3A_1737 = arith.extui %sign3A_1736 : i1 to i32
      %sign3A_1738 = arith.subi %sign3A_1734, %sign3A_1737 : i32
      %ne3A_1739 = arith.cmpi ne, %sign3A_1731, %sign3A_1738 : i32
      %rem3A_1740 = arith.remsi %mul3A_1674, %jit3A_1723 : i32
      %ne3A_1741 = arith.constant 0 : i32
      %ne3A_1742 = arith.cmpi ne, %rem3A_1740, %ne3A_1741 : i32
      %and3A_1743 = arith.andi %ne3A_1739, %ne3A_1742 : i1
      %sub3A_1744 = arith.constant 1 : i32
      %sub3A_1745 = arith.subi %div3A_1724, %sub3A_1744 : i32
      %select_n3A_1746 = arith.select %and3A_1743, %sub3A_1745, %div3A_1724 : i32
      %add3A_1747 = arith.constant 0 : i32
      %add3A_1748 = arith.addi %add3A_1747, %select_n3A_1746 : i32
      %jit3A_1749 = arith.constant 8 : i32
      %eq3A_1750 = arith.constant 0 : i32
      %eq3A_1751 = arith.cmpi eq, %jit3A_1749, %eq3A_1750 : i32
      %jit3A_1752 = arith.constant 1 : i32
      %select_n3A_1753 = arith.select %eq3A_1751, %jit3A_1752, %jit3A_1749 : i32
      %rem3A_1754 = arith.remsi %mul3A_1674, %select_n3A_1753 : i32
      %ne3A_1755 = arith.constant 0 : i32
      %ne3A_1756 = arith.cmpi ne, %rem3A_1754, %ne3A_1755 : i32
      %lt3A = arith.constant 0 : i32
      %lt3A_1757 = arith.cmpi slt, %rem3A_1754, %lt3A : i32
      %lt3A_1758 = arith.constant 0 : i32
      %lt3A_1759 = arith.cmpi slt, %select_n3A_1753, %lt3A_1758 : i32
      %ne3A_1760 = arith.xori %lt3A_1757, %lt3A_1759 : i1
      %and3A_1761 = arith.andi %ne3A_1760, %ne3A_1756 : i1
      %add3A_1762 = arith.addi %rem3A_1754, %select_n3A_1753 : i32
      %select_n3A_1763 = arith.select %and3A_1761, %add3A_1762, %rem3A_1754 : i32
      %get3A_1764 = arith.index_cast %add3A_1748 : i32 to index
      %get3A_1765 = arith.index_cast %select_n3A_1763 : i32 to index
      %get3A_1766 = memref.load %arg1[%get3A_1764, %get3A_1765] : memref<64x8xi32, #tpu.memory_space<smem>>
      %jit3A_1767 = arith.constant 128 : i32
      %div3A_1768 = arith.divsi %get3A_1766, %jit3A_1767 : i32
      %sign3A_1769 = arith.constant 0 : i32
      %sign3A_1770 = arith.cmpi sgt, %get3A_1766, %sign3A_1769 : i32
      %sign3A_1771 = arith.extui %sign3A_1770 : i1 to i32
      %sign3A_1772 = arith.constant 0 : i32
      %sign3A_1773 = arith.cmpi slt, %get3A_1766, %sign3A_1772 : i32
      %sign3A_1774 = arith.extui %sign3A_1773 : i1 to i32
      %sign3A_1775 = arith.subi %sign3A_1771, %sign3A_1774 : i32
      %sign3A_1776 = arith.constant 0 : i32
      %sign3A_1777 = arith.cmpi sgt, %jit3A_1767, %sign3A_1776 : i32
      %sign3A_1778 = arith.extui %sign3A_1777 : i1 to i32
      %sign3A_1779 = arith.constant 0 : i32
      %sign3A_1780 = arith.cmpi slt, %jit3A_1767, %sign3A_1779 : i32
      %sign3A_1781 = arith.extui %sign3A_1780 : i1 to i32
      %sign3A_1782 = arith.subi %sign3A_1778, %sign3A_1781 : i32
      %ne3A_1783 = arith.cmpi ne, %sign3A_1775, %sign3A_1782 : i32
      %rem3A_1784 = arith.remsi %get3A_1766, %jit3A_1767 : i32
      %ne3A_1785 = arith.constant 0 : i32
      %ne3A_1786 = arith.cmpi ne, %rem3A_1784, %ne3A_1785 : i32
      %and3A_1787 = arith.andi %ne3A_1783, %ne3A_1786 : i1
      %sub3A_1788 = arith.constant 1 : i32
      %sub3A_1789 = arith.subi %div3A_1768, %sub3A_1788 : i32
      %select_n3A_1790 = arith.select %and3A_1787, %sub3A_1789, %div3A_1768 : i32
      %min3A_1791 = arith.constant 780 : i32
      %min3A_1792 = arith.minsi %select_n3A_1790, %min3A_1791 : i32
      %mul3A_1793 = arith.constant 128 : i32
      %mul3A_1794 = arith.muli %min3A_1792, %mul3A_1793 : i32
      %add3A_1795 = vector.broadcast %mul3A_1794 : i32 to vector<8x128xi32>
      %add3A_1796 = arith.addi %add3A_1795, %iota3A : vector<8x128xi32>
      %broadcast_in_dim3A_1797 = arith.constant 0.000000e+00 : f32
      %broadcast_in_dim3A_1798 = vector.broadcast %broadcast_in_dim3A_1797 : f32 to vector<8x128xf32>
      %slice3A_1799 = vector.extract_strided_slice %get3A_1 {offsets = [0, 0], sizes = [8, 1], strides = [1, 1]} : vector<64x8xi32> to vector<8x1xi32>
      %eq3A_1800 = vector.broadcast %slice3A_1799 : vector<8x1xi32> to vector<8x128xi32>
      %eq3A_1801 = arith.cmpi eq, %eq3A_1800, %add3A_1796 : vector<8x128xi32>
      %slice3A_1802 = vector.extract_strided_slice %get3A_4 {offsets = [0, 0], sizes = [8, 1], strides = [1, 1]} : vector<64x8xf32> to vector<8x1xf32>
      %broadcast_in_dim3A_1803 = vector.shape_cast %slice3A_1802 : vector<8x1xf32> to vector<8x1xf32>
      %broadcast_in_dim3A_1804 = vector.broadcast %broadcast_in_dim3A_1803 : vector<8x1xf32> to vector<8x128xf32>
      %select_n3A_1805 = arith.select %eq3A_1801, %broadcast_in_dim3A_1804, %broadcast_in_dim3A_1798 : vector<8x128xi1>, vector<8x128xf32>
      %slice3A_1806 = vector.extract_strided_slice %get3A_1 {offsets = [0, 1], sizes = [8, 1], strides = [1, 1]} : vector<64x8xi32> to vector<8x1xi32>
      %eq3A_1807 = vector.broadcast %slice3A_1806 : vector<8x1xi32> to vector<8x128xi32>
      %eq3A_1808 = arith.cmpi eq, %eq3A_1807, %add3A_1796 : vector<8x128xi32>
      %slice3A_1809 = vector.extract_strided_slice %get3A_4 {offsets = [0, 1], sizes = [8, 1], strides = [1, 1]} : vector<64x8xf32> to vector<8x1xf32>
      %broadcast_in_dim3A_1810 = vector.shape_cast %slice3A_1809 : vector<8x1xf32> to vector<8x1xf32>
      %broadcast_in_dim3A_1811 = vector.broadcast %broadcast_in_dim3A_1810 : vector<8x1xf32> to vector<8x128xf32>
      %select_n3A_1812 = arith.select %eq3A_1808, %broadcast_in_dim3A_1811, %select_n3A_1805 : vector<8x128xi1>, vector<8x128xf32>
      %slice3A_1813 = vector.extract_strided_slice %get3A_1 {offsets = [0, 2], sizes = [8, 1], strides = [1, 1]} : vector<64x8xi32> to vector<8x1xi32>
      %eq3A_1814 = vector.broadcast %slice3A_1813 : vector<8x1xi32> to vector<8x128xi32>
      %eq3A_1815 = arith.cmpi eq, %eq3A_1814, %add3A_1796 : vector<8x128xi32>
      %slice3A_1816 = vector.extract_strided_slice %get3A_4 {offsets = [0, 2], sizes = [8, 1], strides = [1, 1]} : vector<64x8xf32> to vector<8x1xf32>
      %broadcast_in_dim3A_1817 = vector.shape_cast %slice3A_1816 : vector<8x1xf32> to vector<8x1xf32>
      %broadcast_in_dim3A_1818 = vector.broadcast %broadcast_in_dim3A_1817 : vector<8x1xf32> to vector<8x128xf32>
      %select_n3A_1819 = arith.select %eq3A_1815, %broadcast_in_dim3A_1818, %select_n3A_1812 : vector<8x128xi1>, vector<8x128xf32>
      %slice3A_1820 = vector.extract_strided_slice %get3A_1 {offsets = [0, 3], sizes = [8, 1], strides = [1, 1]} : vector<64x8xi32> to vector<8x1xi32>
      %eq3A_1821 = vector.broadcast %slice3A_1820 : vector<8x1xi32> to vector<8x128xi32>
      %eq3A_1822 = arith.cmpi eq, %eq3A_1821, %add3A_1796 : vector<8x128xi32>
      %slice3A_1823 = vector.extract_strided_slice %get3A_4 {offsets = [0, 3], sizes = [8, 1], strides = [1, 1]} : vector<64x8xf32> to vector<8x1xf32>
      %broadcast_in_dim3A_1824 = vector.shape_cast %slice3A_1823 : vector<8x1xf32> to vector<8x1xf32>
      %broadcast_in_dim3A_1825 = vector.broadcast %broadcast_in_dim3A_1824 : vector<8x1xf32> to vector<8x128xf32>
      %select_n3A_1826 = arith.select %eq3A_1822, %broadcast_in_dim3A_1825, %select_n3A_1819 : vector<8x128xi1>, vector<8x128xf32>
      %slice3A_1827 = vector.extract_strided_slice %get3A_1 {offsets = [0, 4], sizes = [8, 1], strides = [1, 1]} : vector<64x8xi32> to vector<8x1xi32>
      %eq3A_1828 = vector.broadcast %slice3A_1827 : vector<8x1xi32> to vector<8x128xi32>
      %eq3A_1829 = arith.cmpi eq, %eq3A_1828, %add3A_1796 : vector<8x128xi32>
      %slice3A_1830 = vector.extract_strided_slice %get3A_4 {offsets = [0, 4], sizes = [8, 1], strides = [1, 1]} : vector<64x8xf32> to vector<8x1xf32>
      %broadcast_in_dim3A_1831 = vector.shape_cast %slice3A_1830 : vector<8x1xf32> to vector<8x1xf32>
      %broadcast_in_dim3A_1832 = vector.broadcast %broadcast_in_dim3A_1831 : vector<8x1xf32> to vector<8x128xf32>
      %select_n3A_1833 = arith.select %eq3A_1829, %broadcast_in_dim3A_1832, %select_n3A_1826 : vector<8x128xi1>, vector<8x128xf32>
      %slice3A_1834 = vector.extract_strided_slice %get3A_1 {offsets = [0, 5], sizes = [8, 1], strides = [1, 1]} : vector<64x8xi32> to vector<8x1xi32>
      %eq3A_1835 = vector.broadcast %slice3A_1834 : vector<8x1xi32> to vector<8x128xi32>
      %eq3A_1836 = arith.cmpi eq, %eq3A_1835, %add3A_1796 : vector<8x128xi32>
      %slice3A_1837 = vector.extract_strided_slice %get3A_4 {offsets = [0, 5], sizes = [8, 1], strides = [1, 1]} : vector<64x8xf32> to vector<8x1xf32>
      %broadcast_in_dim3A_1838 = vector.shape_cast %slice3A_1837 : vector<8x1xf32> to vector<8x1xf32>
      %broadcast_in_dim3A_1839 = vector.broadcast %broadcast_in_dim3A_1838 : vector<8x1xf32> to vector<8x128xf32>
      %select_n3A_1840 = arith.select %eq3A_1836, %broadcast_in_dim3A_1839, %select_n3A_1833 : vector<8x128xi1>, vector<8x128xf32>
      %slice3A_1841 = vector.extract_strided_slice %get3A_1 {offsets = [0, 6], sizes = [8, 1], strides = [1, 1]} : vector<64x8xi32> to vector<8x1xi32>
      %eq3A_1842 = vector.broadcast %slice3A_1841 : vector<8x1xi32> to vector<8x128xi32>
      %eq3A_1843 = arith.cmpi eq, %eq3A_1842, %add3A_1796 : vector<8x128xi32>
      %slice3A_1844 = vector.extract_strided_slice %get3A_4 {offsets = [0, 6], sizes = [8, 1], strides = [1, 1]} : vector<64x8xf32> to vector<8x1xf32>
      %broadcast_in_dim3A_1845 = vector.shape_cast %slice3A_1844 : vector<8x1xf32> to vector<8x1xf32>
      %broadcast_in_dim3A_1846 = vector.broadcast %broadcast_in_dim3A_1845 : vector<8x1xf32> to vector<8x128xf32>
      %select_n3A_1847 = arith.select %eq3A_1843, %broadcast_in_dim3A_1846, %select_n3A_1840 : vector<8x128xi1>, vector<8x128xf32>
      %slice3A_1848 = vector.extract_strided_slice %get3A_1 {offsets = [0, 7], sizes = [8, 1], strides = [1, 1]} : vector<64x8xi32> to vector<8x1xi32>
      %eq3A_1849 = vector.broadcast %slice3A_1848 : vector<8x1xi32> to vector<8x128xi32>
      %eq3A_1850 = arith.cmpi eq, %eq3A_1849, %add3A_1796 : vector<8x128xi32>
      %slice3A_1851 = vector.extract_strided_slice %get3A_4 {offsets = [0, 7], sizes = [8, 1], strides = [1, 1]} : vector<64x8xf32> to vector<8x1xf32>
      %broadcast_in_dim3A_1852 = vector.shape_cast %slice3A_1851 : vector<8x1xf32> to vector<8x1xf32>
      %broadcast_in_dim3A_1853 = vector.broadcast %broadcast_in_dim3A_1852 : vector<8x1xf32> to vector<8x128xf32>
      %select_n3A_1854 = arith.select %eq3A_1850, %broadcast_in_dim3A_1853, %select_n3A_1847 : vector<8x128xi1>, vector<8x128xf32>
      %swap3A_1855 = arith.constant 0 : index
      %swap3A_1856 = arith.constant 0 : index
      %swap3A_1857 = vector.load %arg6[%swap3A_1855, %swap3A_1856] : memref<64x128xf32, #tpu.memory_space<vmem>>, vector<8x128xf32>
      tpu.vector_store %arg6[%swap3A_1855, %swap3A_1856], %select_n3A_1854 {strides = array<i32>} : memref<64x128xf32, #tpu.memory_space<vmem>>, vector<8x128xf32>,
      %jit3A_1858 = arith.constant 8 : i32
      %div3A_1859 = arith.divsi %mul3A_1674, %jit3A_1858 : i32
      %sign3A_1860 = arith.constant 0 : i32
      %sign3A_1861 = arith.cmpi sgt, %mul3A_1674, %sign3A_1860 : i32
      %sign3A_1862 = arith.extui %sign3A_1861 : i1 to i32
      %sign3A_1863 = arith.constant 0 : i32
      %sign3A_1864 = arith.cmpi slt, %mul3A_1674, %sign3A_1863 : i32
      %sign3A_1865 = arith.extui %sign3A_1864 : i1 to i32
      %sign3A_1866 = arith.subi %sign3A_1862, %sign3A_1865 : i32
      %sign3A_1867 = arith.constant 0 : i32
      %sign3A_1868 = arith.cmpi sgt, %jit3A_1858, %sign3A_1867 : i32
      %sign3A_1869 = arith.extui %sign3A_1868 : i1 to i32
      %sign3A_1870 = arith.constant 0 : i32
      %sign3A_1871 = arith.cmpi slt, %jit3A_1858, %sign3A_1870 : i32
      %sign3A_1872 = arith.extui %sign3A_1871 : i1 to i32
      %sign3A_1873 = arith.subi %sign3A_1869, %sign3A_1872 : i32
      %ne3A_1874 = arith.cmpi ne, %sign3A_1866, %sign3A_1873 : i32
      %rem3A_1875 = arith.remsi %mul3A_1674, %jit3A_1858 : i32
      %ne3A_1876 = arith.constant 0 : i32
      %ne3A_1877 = arith.cmpi ne, %rem3A_1875, %ne3A_1876 : i32
      %and3A_1878 = arith.andi %ne3A_1874, %ne3A_1877 : i1
      %sub3A_1879 = arith.constant 1 : i32
      %sub3A_1880 = arith.subi %div3A_1859, %sub3A_1879 : i32
      %select_n3A_1881 = arith.select %and3A_1878, %sub3A_1880, %div3A_1859 : i32
      %add3A_1882 = arith.constant 8 : i32
      %add3A_1883 = arith.addi %add3A_1882, %select_n3A_1881 : i32
      %jit3A_1884 = arith.constant 8 : i32
      %eq3A_1885 = arith.constant 0 : i32
      %eq3A_1886 = arith.cmpi eq, %jit3A_1884, %eq3A_1885 : i32
      %jit3A_1887 = arith.constant 1 : i32
      %select_n3A_1888 = arith.select %eq3A_1886, %jit3A_1887, %jit3A_1884 : i32
      %rem3A_1889 = arith.remsi %mul3A_1674, %select_n3A_1888 : i32
      %ne3A_1890 = arith.constant 0 : i32
      %ne3A_1891 = arith.cmpi ne, %rem3A_1889, %ne3A_1890 : i32
      %lt3A_1892 = arith.constant 0 : i32
      %lt3A_1893 = arith.cmpi slt, %rem3A_1889, %lt3A_1892 : i32
      %lt3A_1894 = arith.constant 0 : i32
      %lt3A_1895 = arith.cmpi slt, %select_n3A_1888, %lt3A_1894 : i32
      %ne3A_1896 = arith.xori %lt3A_1893, %lt3A_1895 : i1
      %and3A_1897 = arith.andi %ne3A_1896, %ne3A_1891 : i1
      %add3A_1898 = arith.addi %rem3A_1889, %select_n3A_1888 : i32
      %select_n3A_1899 = arith.select %and3A_1897, %add3A_1898, %rem3A_1889 : i32
      %get3A_1900 = arith.index_cast %add3A_1883 : i32 to index
      %get3A_1901 = arith.index_cast %select_n3A_1899 : i32 to index
      %get3A_1902 = memref.load %arg1[%get3A_1900, %get3A_1901] : memref<64x8xi32, #tpu.memory_space<smem>>
      %jit3A_1903 = arith.constant 128 : i32
      %div3A_1904 = arith.divsi %get3A_1902, %jit3A_1903 : i32
      %sign3A_1905 = arith.constant 0 : i32
      %sign3A_1906 = arith.cmpi sgt, %get3A_1902, %sign3A_1905 : i32
      %sign3A_1907 = arith.extui %sign3A_1906 : i1 to i32
      %sign3A_1908 = arith.constant 0 : i32
      %sign3A_1909 = arith.cmpi slt, %get3A_1902, %sign3A_1908 : i32
      %sign3A_1910 = arith.extui %sign3A_1909 : i1 to i32
      %sign3A_1911 = arith.subi %sign3A_1907, %sign3A_1910 : i32
      %sign3A_1912 = arith.constant 0 : i32
      %sign3A_1913 = arith.cmpi sgt, %jit3A_1903, %sign3A_1912 : i32
      %sign3A_1914 = arith.extui %sign3A_1913 : i1 to i32
      %sign3A_1915 = arith.constant 0 : i32
      %sign3A_1916 = arith.cmpi slt, %jit3A_1903, %sign3A_1915 : i32
      %sign3A_1917 = arith.extui %sign3A_1916 : i1 to i32
      %sign3A_1918 = arith.subi %sign3A_1914, %sign3A_1917 : i32
      %ne3A_1919 = arith.cmpi ne, %sign3A_1911, %sign3A_1918 : i32
      %rem3A_1920 = arith.remsi %get3A_1902, %jit3A_1903 : i32
      %ne3A_1921 = arith.constant 0 : i32
      %ne3A_1922 = arith.cmpi ne, %rem3A_1920, %ne3A_1921 : i32
      %and3A_1923 = arith.andi %ne3A_1919, %ne3A_1922 : i1
      %sub3A_1924 = arith.constant 1 : i32
      %sub3A_1925 = arith.subi %div3A_1904, %sub3A_1924 : i32
      %select_n3A_1926 = arith.select %and3A_1923, %sub3A_1925, %div3A_1904 : i32
      %min3A_1927 = arith.constant 780 : i32
      %min3A_1928 = arith.minsi %select_n3A_1926, %min3A_1927 : i32
      %mul3A_1929 = arith.constant 128 : i32
      %mul3A_1930 = arith.muli %min3A_1928, %mul3A_1929 : i32
      %add3A_1931 = vector.broadcast %mul3A_1930 : i32 to vector<8x128xi32>
      %add3A_1932 = arith.addi %add3A_1931, %iota3A : vector<8x128xi32>
      %broadcast_in_dim3A_1933 = arith.constant 0.000000e+00 : f32
      %broadcast_in_dim3A_1934 = vector.broadcast %broadcast_in_dim3A_1933 : f32 to vector<8x128xf32>
      %slice3A_1935 = vector.extract_strided_slice %get3A_1 {offsets = [8, 0], sizes = [8, 1], strides = [1, 1]} : vector<64x8xi32> to vector<8x1xi32>
      %eq3A_1936 = vector.broadcast %slice3A_1935 : vector<8x1xi32> to vector<8x128xi32>
      %eq3A_1937 = arith.cmpi eq, %eq3A_1936, %add3A_1932 : vector<8x128xi32>
      %slice3A_1938 = vector.extract_strided_slice %get3A_4 {offsets = [8, 0], sizes = [8, 1], strides = [1, 1]} : vector<64x8xf32> to vector<8x1xf32>
      %broadcast_in_dim3A_1939 = vector.shape_cast %slice3A_1938 : vector<8x1xf32> to vector<8x1xf32>
      %broadcast_in_dim3A_1940 = vector.broadcast %broadcast_in_dim3A_1939 : vector<8x1xf32> to vector<8x128xf32>
      %select_n3A_1941 = arith.select %eq3A_1937, %broadcast_in_dim3A_1940, %broadcast_in_dim3A_1934 : vector<8x128xi1>, vector<8x128xf32>
      %slice3A_1942 = vector.extract_strided_slice %get3A_1 {offsets = [8, 1], sizes = [8, 1], strides = [1, 1]} : vector<64x8xi32> to vector<8x1xi32>
      %eq3A_1943 = vector.broadcast %slice3A_1942 : vector<8x1xi32> to vector<8x128xi32>
      %eq3A_1944 = arith.cmpi eq, %eq3A_1943, %add3A_1932 : vector<8x128xi32>
      %slice3A_1945 = vector.extract_strided_slice %get3A_4 {offsets = [8, 1], sizes = [8, 1], strides = [1, 1]} : vector<64x8xf32> to vector<8x1xf32>
      %broadcast_in_dim3A_1946 = vector.shape_cast %slice3A_1945 : vector<8x1xf32> to vector<8x1xf32>
      %broadcast_in_dim3A_1947 = vector.broadcast %broadcast_in_dim3A_1946 : vector<8x1xf32> to vector<8x128xf32>
      %select_n3A_1948 = arith.select %eq3A_1944, %broadcast_in_dim3A_1947, %select_n3A_1941 : vector<8x128xi1>, vector<8x128xf32>
      %slice3A_1949 = vector.extract_strided_slice %get3A_1 {offsets = [8, 2], sizes = [8, 1], strides = [1, 1]} : vector<64x8xi32> to vector<8x1xi32>
      %eq3A_1950 = vector.broadcast %slice3A_1949 : vector<8x1xi32> to vector<8x128xi32>
      %eq3A_1951 = arith.cmpi eq, %eq3A_1950, %add3A_1932 : vector<8x128xi32>
      %slice3A_1952 = vector.extract_strided_slice %get3A_4 {offsets = [8, 2], sizes = [8, 1], strides = [1, 1]} : vector<64x8xf32> to vector<8x1xf32>
      %broadcast_in_dim3A_1953 = vector.shape_cast %slice3A_1952 : vector<8x1xf32> to vector<8x1xf32>
      %broadcast_in_dim3A_1954 = vector.broadcast %broadcast_in_dim3A_1953 : vector<8x1xf32> to vector<8x128xf32>
      %select_n3A_1955 = arith.select %eq3A_1951, %broadcast_in_dim3A_1954, %select_n3A_1948 : vector<8x128xi1>, vector<8x128xf32>
      %slice3A_1956 = vector.extract_strided_slice %get3A_1 {offsets = [8, 3], sizes = [8, 1], strides = [1, 1]} : vector<64x8xi32> to vector<8x1xi32>
      %eq3A_1957 = vector.broadcast %slice3A_1956 : vector<8x1xi32> to vector<8x128xi32>
      %eq3A_1958 = arith.cmpi eq, %eq3A_1957, %add3A_1932 : vector<8x128xi32>
      %slice3A_1959 = vector.extract_strided_slice %get3A_4 {offsets = [8, 3], sizes = [8, 1], strides = [1, 1]} : vector<64x8xf32> to vector<8x1xf32>
      %broadcast_in_dim3A_1960 = vector.shape_cast %slice3A_1959 : vector<8x1xf32> to vector<8x1xf32>
      %broadcast_in_dim3A_1961 = vector.broadcast %broadcast_in_dim3A_1960 : vector<8x1xf32> to vector<8x128xf32>
      %select_n3A_1962 = arith.select %eq3A_1958, %broadcast_in_dim3A_1961, %select_n3A_1955 : vector<8x128xi1>, vector<8x128xf32>
      %slice3A_1963 = vector.extract_strided_slice %get3A_1 {offsets = [8, 4], sizes = [8, 1], strides = [1, 1]} : vector<64x8xi32> to vector<8x1xi32>
      %eq3A_1964 = vector.broadcast %slice3A_1963 : vector<8x1xi32> to vector<8x128xi32>
      %eq3A_1965 = arith.cmpi eq, %eq3A_1964, %add3A_1932 : vector<8x128xi32>
      %slice3A_1966 = vector.extract_strided_slice %get3A_4 {offsets = [8, 4], sizes = [8, 1], strides = [1, 1]} : vector<64x8xf32> to vector<8x1xf32>
      %broadcast_in_dim3A_1967 = vector.shape_cast %slice3A_1966 : vector<8x1xf32> to vector<8x1xf32>
      %broadcast_in_dim3A_1968 = vector.broadcast %broadcast_in_dim3A_1967 : vector<8x1xf32> to vector<8x128xf32>
      %select_n3A_1969 = arith.select %eq3A_1965, %broadcast_in_dim3A_1968, %select_n3A_1962 : vector<8x128xi1>, vector<8x128xf32>
      %slice3A_1970 = vector.extract_strided_slice %get3A_1 {offsets = [8, 5], sizes = [8, 1], strides = [1, 1]} : vector<64x8xi32> to vector<8x1xi32>
      %eq3A_1971 = vector.broadcast %slice3A_1970 : vector<8x1xi32> to vector<8x128xi32>
      %eq3A_1972 = arith.cmpi eq, %eq3A_1971, %add3A_1932 : vector<8x128xi32>
      %slice3A_1973 = vector.extract_strided_slice %get3A_4 {offsets = [8, 5], sizes = [8, 1], strides = [1, 1]} : vector<64x8xf32> to vector<8x1xf32>
      %broadcast_in_dim3A_1974 = vector.shape_cast %slice3A_1973 : vector<8x1xf32> to vector<8x1xf32>
      %broadcast_in_dim3A_1975 = vector.broadcast %broadcast_in_dim3A_1974 : vector<8x1xf32> to vector<8x128xf32>
      %select_n3A_1976 = arith.select %eq3A_1972, %broadcast_in_dim3A_1975, %select_n3A_1969 : vector<8x128xi1>, vector<8x128xf32>
      %slice3A_1977 = vector.extract_strided_slice %get3A_1 {offsets = [8, 6], sizes = [8, 1], strides = [1, 1]} : vector<64x8xi32> to vector<8x1xi32>
      %eq3A_1978 = vector.broadcast %slice3A_1977 : vector<8x1xi32> to vector<8x128xi32>
      %eq3A_1979 = arith.cmpi eq, %eq3A_1978, %add3A_1932 : vector<8x128xi32>
      %slice3A_1980 = vector.extract_strided_slice %get3A_4 {offsets = [8, 6], sizes = [8, 1], strides = [1, 1]} : vector<64x8xf32> to vector<8x1xf32>
      %broadcast_in_dim3A_1981 = vector.shape_cast %slice3A_1980 : vector<8x1xf32> to vector<8x1xf32>
      %broadcast_in_dim3A_1982 = vector.broadcast %broadcast_in_dim3A_1981 : vector<8x1xf32> to vector<8x128xf32>
      %select_n3A_1983 = arith.select %eq3A_1979, %broadcast_in_dim3A_1982, %select_n3A_1976 : vector<8x128xi1>, vector<8x128xf32>
      %slice3A_1984 = vector.extract_strided_slice %get3A_1 {offsets = [8, 7], sizes = [8, 1], strides = [1, 1]} : vector<64x8xi32> to vector<8x1xi32>
      %eq3A_1985 = vector.broadcast %slice3A_1984 : vector<8x1xi32> to vector<8x128xi32>
      %eq3A_1986 = arith.cmpi eq, %eq3A_1985, %add3A_1932 : vector<8x128xi32>
      %slice3A_1987 = vector.extract_strided_slice %get3A_4 {offsets = [8, 7], sizes = [8, 1], strides = [1, 1]} : vector<64x8xf32> to vector<8x1xf32>
      %broadcast_in_dim3A_1988 = vector.shape_cast %slice3A_1987 : vector<8x1xf32> to vector<8x1xf32>
      %broadcast_in_dim3A_1989 = vector.broadcast %broadcast_in_dim3A_1988 : vector<8x1xf32> to vector<8x128xf32>
      %select_n3A_1990 = arith.select %eq3A_1986, %broadcast_in_dim3A_1989, %select_n3A_1983 : vector<8x128xi1>, vector<8x128xf32>
      %swap3A_1991 = arith.constant 8 : index
      %swap3A_1992 = arith.constant 0 : index
      %swap3A_1993 = vector.load %arg6[%swap3A_1991, %swap3A_1992] : memref<64x128xf32, #tpu.memory_space<vmem>>, vector<8x128xf32>
      tpu.vector_store %arg6[%swap3A_1991, %swap3A_1992], %select_n3A_1990 {strides = array<i32>} : memref<64x128xf32, #tpu.memory_space<vmem>>, vector<8x128xf32>,
      %jit3A_1994 = arith.constant 8 : i32
      %div3A_1995 = arith.divsi %mul3A_1674, %jit3A_1994 : i32
      %sign3A_1996 = arith.constant 0 : i32
      %sign3A_1997 = arith.cmpi sgt, %mul3A_1674, %sign3A_1996 : i32
      %sign3A_1998 = arith.extui %sign3A_1997 : i1 to i32
      %sign3A_1999 = arith.constant 0 : i32
      %sign3A_2000 = arith.cmpi slt, %mul3A_1674, %sign3A_1999 : i32
      %sign3A_2001 = arith.extui %sign3A_2000 : i1 to i32
      %sign3A_2002 = arith.subi %sign3A_1998, %sign3A_2001 : i32
      %sign3A_2003 = arith.constant 0 : i32
      %sign3A_2004 = arith.cmpi sgt, %jit3A_1994, %sign3A_2003 : i32
      %sign3A_2005 = arith.extui %sign3A_2004 : i1 to i32
      %sign3A_2006 = arith.constant 0 : i32
      %sign3A_2007 = arith.cmpi slt, %jit3A_1994, %sign3A_2006 : i32
      %sign3A_2008 = arith.extui %sign3A_2007 : i1 to i32
      %sign3A_2009 = arith.subi %sign3A_2005, %sign3A_2008 : i32
      %ne3A_2010 = arith.cmpi ne, %sign3A_2002, %sign3A_2009 : i32
      %rem3A_2011 = arith.remsi %mul3A_1674, %jit3A_1994 : i32
      %ne3A_2012 = arith.constant 0 : i32
      %ne3A_2013 = arith.cmpi ne, %rem3A_2011, %ne3A_2012 : i32
      %and3A_2014 = arith.andi %ne3A_2010, %ne3A_2013 : i1
      %sub3A_2015 = arith.constant 1 : i32
      %sub3A_2016 = arith.subi %div3A_1995, %sub3A_2015 : i32
      %select_n3A_2017 = arith.select %and3A_2014, %sub3A_2016, %div3A_1995 : i32
      %add3A_2018 = arith.constant 16 : i32
      %add3A_2019 = arith.addi %add3A_2018, %select_n3A_2017 : i32
      %jit3A_2020 = arith.constant 8 : i32
      %eq3A_2021 = arith.constant 0 : i32
      %eq3A_2022 = arith.cmpi eq, %jit3A_2020, %eq3A_2021 : i32
      %jit3A_2023 = arith.constant 1 : i32
      %select_n3A_2024 = arith.select %eq3A_2022, %jit3A_2023, %jit3A_2020 : i32
      %rem3A_2025 = arith.remsi %mul3A_1674, %select_n3A_2024 : i32
      %ne3A_2026 = arith.constant 0 : i32
      %ne3A_2027 = arith.cmpi ne, %rem3A_2025, %ne3A_2026 : i32
      %lt3A_2028 = arith.constant 0 : i32
      %lt3A_2029 = arith.cmpi slt, %rem3A_2025, %lt3A_2028 : i32
      %lt3A_2030 = arith.constant 0 : i32
      %lt3A_2031 = arith.cmpi slt, %select_n3A_2024, %lt3A_2030 : i32
      %ne3A_2032 = arith.xori %lt3A_2029, %lt3A_2031 : i1
      %and3A_2033 = arith.andi %ne3A_2032, %ne3A_2027 : i1
      %add3A_2034 = arith.addi %rem3A_2025, %select_n3A_2024 : i32
      %select_n3A_2035 = arith.select %and3A_2033, %add3A_2034, %rem3A_2025 : i32
      %get3A_2036 = arith.index_cast %add3A_2019 : i32 to index
      %get3A_2037 = arith.index_cast %select_n3A_2035 : i32 to index
      %get3A_2038 = memref.load %arg1[%get3A_2036, %get3A_2037] : memref<64x8xi32, #tpu.memory_space<smem>>
      %jit3A_2039 = arith.constant 128 : i32
      %div3A_2040 = arith.divsi %get3A_2038, %jit3A_2039 : i32
      %sign3A_2041 = arith.constant 0 : i32
      %sign3A_2042 = arith.cmpi sgt, %get3A_2038, %sign3A_2041 : i32
      %sign3A_2043 = arith.extui %sign3A_2042 : i1 to i32
      %sign3A_2044 = arith.constant 0 : i32
      %sign3A_2045 = arith.cmpi slt, %get3A_2038, %sign3A_2044 : i32
      %sign3A_2046 = arith.extui %sign3A_2045 : i1 to i32
      %sign3A_2047 = arith.subi %sign3A_2043, %sign3A_2046 : i32
      %sign3A_2048 = arith.constant 0 : i32
      %sign3A_2049 = arith.cmpi sgt, %jit3A_2039, %sign3A_2048 : i32
      %sign3A_2050 = arith.extui %sign3A_2049 : i1 to i32
      %sign3A_2051 = arith.constant 0 : i32
      %sign3A_2052 = arith.cmpi slt, %jit3A_2039, %sign3A_2051 : i32
      %sign3A_2053 = arith.extui %sign3A_2052 : i1 to i32
      %sign3A_2054 = arith.subi %sign3A_2050, %sign3A_2053 : i32
      %ne3A_2055 = arith.cmpi ne, %sign3A_2047, %sign3A_2054 : i32
      %rem3A_2056 = arith.remsi %get3A_2038, %jit3A_2039 : i32
      %ne3A_2057 = arith.constant 0 : i32
      %ne3A_2058 = arith.cmpi ne, %rem3A_2056, %ne3A_2057 : i32
      %and3A_2059 = arith.andi %ne3A_2055, %ne3A_2058 : i1
      %sub3A_2060 = arith.constant 1 : i32
      %sub3A_2061 = arith.subi %div3A_2040, %sub3A_2060 : i32
      %select_n3A_2062 = arith.select %and3A_2059, %sub3A_2061, %div3A_2040 : i32
      %min3A_2063 = arith.constant 780 : i32
      %min3A_2064 = arith.minsi %select_n3A_2062, %min3A_2063 : i32
      %mul3A_2065 = arith.constant 128 : i32
      %mul3A_2066 = arith.muli %min3A_2064, %mul3A_2065 : i32
      %add3A_2067 = vector.broadcast %mul3A_2066 : i32 to vector<8x128xi32>
      %add3A_2068 = arith.addi %add3A_2067, %iota3A : vector<8x128xi32>
      %broadcast_in_dim3A_2069 = arith.constant 0.000000e+00 : f32
      %broadcast_in_dim3A_2070 = vector.broadcast %broadcast_in_dim3A_2069 : f32 to vector<8x128xf32>
      %slice3A_2071 = vector.extract_strided_slice %get3A_1 {offsets = [16, 0], sizes = [8, 1], strides = [1, 1]} : vector<64x8xi32> to vector<8x1xi32>
      %eq3A_2072 = vector.broadcast %slice3A_2071 : vector<8x1xi32> to vector<8x128xi32>
      %eq3A_2073 = arith.cmpi eq, %eq3A_2072, %add3A_2068 : vector<8x128xi32>
      %slice3A_2074 = vector.extract_strided_slice %get3A_4 {offsets = [16, 0], sizes = [8, 1], strides = [1, 1]} : vector<64x8xf32> to vector<8x1xf32>
      %broadcast_in_dim3A_2075 = vector.shape_cast %slice3A_2074 : vector<8x1xf32> to vector<8x1xf32>
      %broadcast_in_dim3A_2076 = vector.broadcast %broadcast_in_dim3A_2075 : vector<8x1xf32> to vector<8x128xf32>
      %select_n3A_2077 = arith.select %eq3A_2073, %broadcast_in_dim3A_2076, %broadcast_in_dim3A_2070 : vector<8x128xi1>, vector<8x128xf32>
      %slice3A_2078 = vector.extract_strided_slice %get3A_1 {offsets = [16, 1], sizes = [8, 1], strides = [1, 1]} : vector<64x8xi32> to vector<8x1xi32>
      %eq3A_2079 = vector.broadcast %slice3A_2078 : vector<8x1xi32> to vector<8x128xi32>
      %eq3A_2080 = arith.cmpi eq, %eq3A_2079, %add3A_2068 : vector<8x128xi32>
      %slice3A_2081 = vector.extract_strided_slice %get3A_4 {offsets = [16, 1], sizes = [8, 1], strides = [1, 1]} : vector<64x8xf32> to vector<8x1xf32>
      %broadcast_in_dim3A_2082 = vector.shape_cast %slice3A_2081 : vector<8x1xf32> to vector<8x1xf32>
      %broadcast_in_dim3A_2083 = vector.broadcast %broadcast_in_dim3A_2082 : vector<8x1xf32> to vector<8x128xf32>
      %select_n3A_2084 = arith.select %eq3A_2080, %broadcast_in_dim3A_2083, %select_n3A_2077 : vector<8x128xi1>, vector<8x128xf32>
      %slice3A_2085 = vector.extract_strided_slice %get3A_1 {offsets = [16, 2], sizes = [8, 1], strides = [1, 1]} : vector<64x8xi32> to vector<8x1xi32>
      %eq3A_2086 = vector.broadcast %slice3A_2085 : vector<8x1xi32> to vector<8x128xi32>
      %eq3A_2087 = arith.cmpi eq, %eq3A_2086, %add3A_2068 : vector<8x128xi32>
      %slice3A_2088 = vector.extract_strided_slice %get3A_4 {offsets = [16, 2], sizes = [8, 1], strides = [1, 1]} : vector<64x8xf32> to vector<8x1xf32>
      %broadcast_in_dim3A_2089 = vector.shape_cast %slice3A_2088 : vector<8x1xf32> to vector<8x1xf32>
      %broadcast_in_dim3A_2090 = vector.broadcast %broadcast_in_dim3A_2089 : vector<8x1xf32> to vector<8x128xf32>
      %select_n3A_2091 = arith.select %eq3A_2087, %broadcast_in_dim3A_2090, %select_n3A_2084 : vector<8x128xi1>, vector<8x128xf32>
      %slice3A_2092 = vector.extract_strided_slice %get3A_1 {offsets = [16, 3], sizes = [8, 1], strides = [1, 1]} : vector<64x8xi32> to vector<8x1xi32>
      %eq3A_2093 = vector.broadcast %slice3A_2092 : vector<8x1xi32> to vector<8x128xi32>
      %eq3A_2094 = arith.cmpi eq, %eq3A_2093, %add3A_2068 : vector<8x128xi32>
      %slice3A_2095 = vector.extract_strided_slice %get3A_4 {offsets = [16, 3], sizes = [8, 1], strides = [1, 1]} : vector<64x8xf32> to vector<8x1xf32>
      %broadcast_in_dim3A_2096 = vector.shape_cast %slice3A_2095 : vector<8x1xf32> to vector<8x1xf32>
      %broadcast_in_dim3A_2097 = vector.broadcast %broadcast_in_dim3A_2096 : vector<8x1xf32> to vector<8x128xf32>
      %select_n3A_2098 = arith.select %eq3A_2094, %broadcast_in_dim3A_2097, %select_n3A_2091 : vector<8x128xi1>, vector<8x128xf32>
      %slice3A_2099 = vector.extract_strided_slice %get3A_1 {offsets = [16, 4], sizes = [8, 1], strides = [1, 1]} : vector<64x8xi32> to vector<8x1xi32>
      %eq3A_2100 = vector.broadcast %slice3A_2099 : vector<8x1xi32> to vector<8x128xi32>
      %eq3A_2101 = arith.cmpi eq, %eq3A_2100, %add3A_2068 : vector<8x128xi32>
      %slice3A_2102 = vector.extract_strided_slice %get3A_4 {offsets = [16, 4], sizes = [8, 1], strides = [1, 1]} : vector<64x8xf32> to vector<8x1xf32>
      %broadcast_in_dim3A_2103 = vector.shape_cast %slice3A_2102 : vector<8x1xf32> to vector<8x1xf32>
      %broadcast_in_dim3A_2104 = vector.broadcast %broadcast_in_dim3A_2103 : vector<8x1xf32> to vector<8x128xf32>
      %select_n3A_2105 = arith.select %eq3A_2101, %broadcast_in_dim3A_2104, %select_n3A_2098 : vector<8x128xi1>, vector<8x128xf32>
      %slice3A_2106 = vector.extract_strided_slice %get3A_1 {offsets = [16, 5], sizes = [8, 1], strides = [1, 1]} : vector<64x8xi32> to vector<8x1xi32>
      %eq3A_2107 = vector.broadcast %slice3A_2106 : vector<8x1xi32> to vector<8x128xi32>
      %eq3A_2108 = arith.cmpi eq, %eq3A_2107, %add3A_2068 : vector<8x128xi32>
      %slice3A_2109 = vector.extract_strided_slice %get3A_4 {offsets = [16, 5], sizes = [8, 1], strides = [1, 1]} : vector<64x8xf32> to vector<8x1xf32>
      %broadcast_in_dim3A_2110 = vector.shape_cast %slice3A_2109 : vector<8x1xf32> to vector<8x1xf32>
      %broadcast_in_dim3A_2111 = vector.broadcast %broadcast_in_dim3A_2110 : vector<8x1xf32> to vector<8x128xf32>
      %select_n3A_2112 = arith.select %eq3A_2108, %broadcast_in_dim3A_2111, %select_n3A_2105 : vector<8x128xi1>, vector<8x128xf32>
      %slice3A_2113 = vector.extract_strided_slice %get3A_1 {offsets = [16, 6], sizes = [8, 1], strides = [1, 1]} : vector<64x8xi32> to vector<8x1xi32>
      %eq3A_2114 = vector.broadcast %slice3A_2113 : vector<8x1xi32> to vector<8x128xi32>
      %eq3A_2115 = arith.cmpi eq, %eq3A_2114, %add3A_2068 : vector<8x128xi32>
      %slice3A_2116 = vector.extract_strided_slice %get3A_4 {offsets = [16, 6], sizes = [8, 1], strides = [1, 1]} : vector<64x8xf32> to vector<8x1xf32>
      %broadcast_in_dim3A_2117 = vector.shape_cast %slice3A_2116 : vector<8x1xf32> to vector<8x1xf32>
      %broadcast_in_dim3A_2118 = vector.broadcast %broadcast_in_dim3A_2117 : vector<8x1xf32> to vector<8x128xf32>
      %select_n3A_2119 = arith.select %eq3A_2115, %broadcast_in_dim3A_2118, %select_n3A_2112 : vector<8x128xi1>, vector<8x128xf32>
      %slice3A_2120 = vector.extract_strided_slice %get3A_1 {offsets = [16, 7], sizes = [8, 1], strides = [1, 1]} : vector<64x8xi32> to vector<8x1xi32>
      %eq3A_2121 = vector.broadcast %slice3A_2120 : vector<8x1xi32> to vector<8x128xi32>
      %eq3A_2122 = arith.cmpi eq, %eq3A_2121, %add3A_2068 : vector<8x128xi32>
      %slice3A_2123 = vector.extract_strided_slice %get3A_4 {offsets = [16, 7], sizes = [8, 1], strides = [1, 1]} : vector<64x8xf32> to vector<8x1xf32>
      %broadcast_in_dim3A_2124 = vector.shape_cast %slice3A_2123 : vector<8x1xf32> to vector<8x1xf32>
      %broadcast_in_dim3A_2125 = vector.broadcast %broadcast_in_dim3A_2124 : vector<8x1xf32> to vector<8x128xf32>
      %select_n3A_2126 = arith.select %eq3A_2122, %broadcast_in_dim3A_2125, %select_n3A_2119 : vector<8x128xi1>, vector<8x128xf32>
      %swap3A_2127 = arith.constant 16 : index
      %swap3A_2128 = arith.constant 0 : index
      %swap3A_2129 = vector.load %arg6[%swap3A_2127, %swap3A_2128] : memref<64x128xf32, #tpu.memory_space<vmem>>, vector<8x128xf32>
      tpu.vector_store %arg6[%swap3A_2127, %swap3A_2128], %select_n3A_2126 {strides = array<i32>} : memref<64x128xf32, #tpu.memory_space<vmem>>, vector<8x128xf32>,
      %jit3A_2130 = arith.constant 8 : i32
      %div3A_2131 = arith.divsi %mul3A_1674, %jit3A_2130 : i32
      %sign3A_2132 = arith.constant 0 : i32
      %sign3A_2133 = arith.cmpi sgt, %mul3A_1674, %sign3A_2132 : i32
      %sign3A_2134 = arith.extui %sign3A_2133 : i1 to i32
      %sign3A_2135 = arith.constant 0 : i32
      %sign3A_2136 = arith.cmpi slt, %mul3A_1674, %sign3A_2135 : i32
      %sign3A_2137 = arith.extui %sign3A_2136 : i1 to i32
      %sign3A_2138 = arith.subi %sign3A_2134, %sign3A_2137 : i32
      %sign3A_2139 = arith.constant 0 : i32
      %sign3A_2140 = arith.cmpi sgt, %jit3A_2130, %sign3A_2139 : i32
      %sign3A_2141 = arith.extui %sign3A_2140 : i1 to i32
      %sign3A_2142 = arith.constant 0 : i32
      %sign3A_2143 = arith.cmpi slt, %jit3A_2130, %sign3A_2142 : i32
      %sign3A_2144 = arith.extui %sign3A_2143 : i1 to i32
      %sign3A_2145 = arith.subi %sign3A_2141, %sign3A_2144 : i32
      %ne3A_2146 = arith.cmpi ne, %sign3A_2138, %sign3A_2145 : i32
      %rem3A_2147 = arith.remsi %mul3A_1674, %jit3A_2130 : i32
      %ne3A_2148 = arith.constant 0 : i32
      %ne3A_2149 = arith.cmpi ne, %rem3A_2147, %ne3A_2148 : i32
      %and3A_2150 = arith.andi %ne3A_2146, %ne3A_2149 : i1
      %sub3A_2151 = arith.constant 1 : i32
      %sub3A_2152 = arith.subi %div3A_2131, %sub3A_2151 : i32
      %select_n3A_2153 = arith.select %and3A_2150, %sub3A_2152, %div3A_2131 : i32
      %add3A_2154 = arith.constant 24 : i32
      %add3A_2155 = arith.addi %add3A_2154, %select_n3A_2153 : i32
      %jit3A_2156 = arith.constant 8 : i32
      %eq3A_2157 = arith.constant 0 : i32
      %eq3A_2158 = arith.cmpi eq, %jit3A_2156, %eq3A_2157 : i32
      %jit3A_2159 = arith.constant 1 : i32
      %select_n3A_2160 = arith.select %eq3A_2158, %jit3A_2159, %jit3A_2156 : i32
      %rem3A_2161 = arith.remsi %mul3A_1674, %select_n3A_2160 : i32
      %ne3A_2162 = arith.constant 0 : i32
      %ne3A_2163 = arith.cmpi ne, %rem3A_2161, %ne3A_2162 : i32
      %lt3A_2164 = arith.constant 0 : i32
      %lt3A_2165 = arith.cmpi slt, %rem3A_2161, %lt3A_2164 : i32
      %lt3A_2166 = arith.constant 0 : i32
      %lt3A_2167 = arith.cmpi slt, %select_n3A_2160, %lt3A_2166 : i32
      %ne3A_2168 = arith.xori %lt3A_2165, %lt3A_2167 : i1
      %and3A_2169 = arith.andi %ne3A_2168, %ne3A_2163 : i1
      %add3A_2170 = arith.addi %rem3A_2161, %select_n3A_2160 : i32
      %select_n3A_2171 = arith.select %and3A_2169, %add3A_2170, %rem3A_2161 : i32
      %get3A_2172 = arith.index_cast %add3A_2155 : i32 to index
      %get3A_2173 = arith.index_cast %select_n3A_2171 : i32 to index
      %get3A_2174 = memref.load %arg1[%get3A_2172, %get3A_2173] : memref<64x8xi32, #tpu.memory_space<smem>>
      %jit3A_2175 = arith.constant 128 : i32
      %div3A_2176 = arith.divsi %get3A_2174, %jit3A_2175 : i32
      %sign3A_2177 = arith.constant 0 : i32
      %sign3A_2178 = arith.cmpi sgt, %get3A_2174, %sign3A_2177 : i32
      %sign3A_2179 = arith.extui %sign3A_2178 : i1 to i32
      %sign3A_2180 = arith.constant 0 : i32
      %sign3A_2181 = arith.cmpi slt, %get3A_2174, %sign3A_2180 : i32
      %sign3A_2182 = arith.extui %sign3A_2181 : i1 to i32
      %sign3A_2183 = arith.subi %sign3A_2179, %sign3A_2182 : i32
      %sign3A_2184 = arith.constant 0 : i32
      %sign3A_2185 = arith.cmpi sgt, %jit3A_2175, %sign3A_2184 : i32
      %sign3A_2186 = arith.extui %sign3A_2185 : i1 to i32
      %sign3A_2187 = arith.constant 0 : i32
      %sign3A_2188 = arith.cmpi slt, %jit3A_2175, %sign3A_2187 : i32
      %sign3A_2189 = arith.extui %sign3A_2188 : i1 to i32
      %sign3A_2190 = arith.subi %sign3A_2186, %sign3A_2189 : i32
      %ne3A_2191 = arith.cmpi ne, %sign3A_2183, %sign3A_2190 : i32
      %rem3A_2192 = arith.remsi %get3A_2174, %jit3A_2175 : i32
      %ne3A_2193 = arith.constant 0 : i32
      %ne3A_2194 = arith.cmpi ne, %rem3A_2192, %ne3A_2193 : i32
      %and3A_2195 = arith.andi %ne3A_2191, %ne3A_2194 : i1
      %sub3A_2196 = arith.constant 1 : i32
      %sub3A_2197 = arith.subi %div3A_2176, %sub3A_2196 : i32
      %select_n3A_2198 = arith.select %and3A_2195, %sub3A_2197, %div3A_2176 : i32
      %min3A_2199 = arith.constant 780 : i32
      %min3A_2200 = arith.minsi %select_n3A_2198, %min3A_2199 : i32
      %mul3A_2201 = arith.constant 128 : i32
      %mul3A_2202 = arith.muli %min3A_2200, %mul3A_2201 : i32
      %add3A_2203 = vector.broadcast %mul3A_2202 : i32 to vector<8x128xi32>
      %add3A_2204 = arith.addi %add3A_2203, %iota3A : vector<8x128xi32>
      %broadcast_in_dim3A_2205 = arith.constant 0.000000e+00 : f32
      %broadcast_in_dim3A_2206 = vector.broadcast %broadcast_in_dim3A_2205 : f32 to vector<8x128xf32>
      %slice3A_2207 = vector.extract_strided_slice %get3A_1 {offsets = [24, 0], sizes = [8, 1], strides = [1, 1]} : vector<64x8xi32> to vector<8x1xi32>
      %eq3A_2208 = vector.broadcast %slice3A_2207 : vector<8x1xi32> to vector<8x128xi32>
      %eq3A_2209 = arith.cmpi eq, %eq3A_2208, %add3A_2204 : vector<8x128xi32>
      %slice3A_2210 = vector.extract_strided_slice %get3A_4 {offsets = [24, 0], sizes = [8, 1], strides = [1, 1]} : vector<64x8xf32> to vector<8x1xf32>
      %broadcast_in_dim3A_2211 = vector.shape_cast %slice3A_2210 : vector<8x1xf32> to vector<8x1xf32>
      %broadcast_in_dim3A_2212 = vector.broadcast %broadcast_in_dim3A_2211 : vector<8x1xf32> to vector<8x128xf32>
      %select_n3A_2213 = arith.select %eq3A_2209, %broadcast_in_dim3A_2212, %broadcast_in_dim3A_2206 : vector<8x128xi1>, vector<8x128xf32>
      %slice3A_2214 = vector.extract_strided_slice %get3A_1 {offsets = [24, 1], sizes = [8, 1], strides = [1, 1]} : vector<64x8xi32> to vector<8x1xi32>
      %eq3A_2215 = vector.broadcast %slice3A_2214 : vector<8x1xi32> to vector<8x128xi32>
      %eq3A_2216 = arith.cmpi eq, %eq3A_2215, %add3A_2204 : vector<8x128xi32>
      %slice3A_2217 = vector.extract_strided_slice %get3A_4 {offsets = [24, 1], sizes = [8, 1], strides = [1, 1]} : vector<64x8xf32> to vector<8x1xf32>
      %broadcast_in_dim3A_2218 = vector.shape_cast %slice3A_2217 : vector<8x1xf32> to vector<8x1xf32>
      %broadcast_in_dim3A_2219 = vector.broadcast %broadcast_in_dim3A_2218 : vector<8x1xf32> to vector<8x128xf32>
      %select_n3A_2220 = arith.select %eq3A_2216, %broadcast_in_dim3A_2219, %select_n3A_2213 : vector<8x128xi1>, vector<8x128xf32>
      %slice3A_2221 = vector.extract_strided_slice %get3A_1 {offsets = [24, 2], sizes = [8, 1], strides = [1, 1]} : vector<64x8xi32> to vector<8x1xi32>
      %eq3A_2222 = vector.broadcast %slice3A_2221 : vector<8x1xi32> to vector<8x128xi32>
      %eq3A_2223 = arith.cmpi eq, %eq3A_2222, %add3A_2204 : vector<8x128xi32>
      %slice3A_2224 = vector.extract_strided_slice %get3A_4 {offsets = [24, 2], sizes = [8, 1], strides = [1, 1]} : vector<64x8xf32> to vector<8x1xf32>
      %broadcast_in_dim3A_2225 = vector.shape_cast %slice3A_2224 : vector<8x1xf32> to vector<8x1xf32>
      %broadcast_in_dim3A_2226 = vector.broadcast %broadcast_in_dim3A_2225 : vector<8x1xf32> to vector<8x128xf32>
      %select_n3A_2227 = arith.select %eq3A_2223, %broadcast_in_dim3A_2226, %select_n3A_2220 : vector<8x128xi1>, vector<8x128xf32>
      %slice3A_2228 = vector.extract_strided_slice %get3A_1 {offsets = [24, 3], sizes = [8, 1], strides = [1, 1]} : vector<64x8xi32> to vector<8x1xi32>
      %eq3A_2229 = vector.broadcast %slice3A_2228 : vector<8x1xi32> to vector<8x128xi32>
      %eq3A_2230 = arith.cmpi eq, %eq3A_2229, %add3A_2204 : vector<8x128xi32>
      %slice3A_2231 = vector.extract_strided_slice %get3A_4 {offsets = [24, 3], sizes = [8, 1], strides = [1, 1]} : vector<64x8xf32> to vector<8x1xf32>
      %broadcast_in_dim3A_2232 = vector.shape_cast %slice3A_2231 : vector<8x1xf32> to vector<8x1xf32>
      %broadcast_in_dim3A_2233 = vector.broadcast %broadcast_in_dim3A_2232 : vector<8x1xf32> to vector<8x128xf32>
      %select_n3A_2234 = arith.select %eq3A_2230, %broadcast_in_dim3A_2233, %select_n3A_2227 : vector<8x128xi1>, vector<8x128xf32>
      %slice3A_2235 = vector.extract_strided_slice %get3A_1 {offsets = [24, 4], sizes = [8, 1], strides = [1, 1]} : vector<64x8xi32> to vector<8x1xi32>
      %eq3A_2236 = vector.broadcast %slice3A_2235 : vector<8x1xi32> to vector<8x128xi32>
      %eq3A_2237 = arith.cmpi eq, %eq3A_2236, %add3A_2204 : vector<8x128xi32>
      %slice3A_2238 = vector.extract_strided_slice %get3A_4 {offsets = [24, 4], sizes = [8, 1], strides = [1, 1]} : vector<64x8xf32> to vector<8x1xf32>
      %broadcast_in_dim3A_2239 = vector.shape_cast %slice3A_2238 : vector<8x1xf32> to vector<8x1xf32>
      %broadcast_in_dim3A_2240 = vector.broadcast %broadcast_in_dim3A_2239 : vector<8x1xf32> to vector<8x128xf32>
      %select_n3A_2241 = arith.select %eq3A_2237, %broadcast_in_dim3A_2240, %select_n3A_2234 : vector<8x128xi1>, vector<8x128xf32>
      %slice3A_2242 = vector.extract_strided_slice %get3A_1 {offsets = [24, 5], sizes = [8, 1], strides = [1, 1]} : vector<64x8xi32> to vector<8x1xi32>
      %eq3A_2243 = vector.broadcast %slice3A_2242 : vector<8x1xi32> to vector<8x128xi32>
      %eq3A_2244 = arith.cmpi eq, %eq3A_2243, %add3A_2204 : vector<8x128xi32>
      %slice3A_2245 = vector.extract_strided_slice %get3A_4 {offsets = [24, 5], sizes = [8, 1], strides = [1, 1]} : vector<64x8xf32> to vector<8x1xf32>
      %broadcast_in_dim3A_2246 = vector.shape_cast %slice3A_2245 : vector<8x1xf32> to vector<8x1xf32>
      %broadcast_in_dim3A_2247 = vector.broadcast %broadcast_in_dim3A_2246 : vector<8x1xf32> to vector<8x128xf32>
      %select_n3A_2248 = arith.select %eq3A_2244, %broadcast_in_dim3A_2247, %select_n3A_2241 : vector<8x128xi1>, vector<8x128xf32>
      %slice3A_2249 = vector.extract_strided_slice %get3A_1 {offsets = [24, 6], sizes = [8, 1], strides = [1, 1]} : vector<64x8xi32> to vector<8x1xi32>
      %eq3A_2250 = vector.broadcast %slice3A_2249 : vector<8x1xi32> to vector<8x128xi32>
      %eq3A_2251 = arith.cmpi eq, %eq3A_2250, %add3A_2204 : vector<8x128xi32>
      %slice3A_2252 = vector.extract_strided_slice %get3A_4 {offsets = [24, 6], sizes = [8, 1], strides = [1, 1]} : vector<64x8xf32> to vector<8x1xf32>
      %broadcast_in_dim3A_2253 = vector.shape_cast %slice3A_2252 : vector<8x1xf32> to vector<8x1xf32>
      %broadcast_in_dim3A_2254 = vector.broadcast %broadcast_in_dim3A_2253 : vector<8x1xf32> to vector<8x128xf32>
      %select_n3A_2255 = arith.select %eq3A_2251, %broadcast_in_dim3A_2254, %select_n3A_2248 : vector<8x128xi1>, vector<8x128xf32>
      %slice3A_2256 = vector.extract_strided_slice %get3A_1 {offsets = [24, 7], sizes = [8, 1], strides = [1, 1]} : vector<64x8xi32> to vector<8x1xi32>
      %eq3A_2257 = vector.broadcast %slice3A_2256 : vector<8x1xi32> to vector<8x128xi32>
      %eq3A_2258 = arith.cmpi eq, %eq3A_2257, %add3A_2204 : vector<8x128xi32>
      %slice3A_2259 = vector.extract_strided_slice %get3A_4 {offsets = [24, 7], sizes = [8, 1], strides = [1, 1]} : vector<64x8xf32> to vector<8x1xf32>
      %broadcast_in_dim3A_2260 = vector.shape_cast %slice3A_2259 : vector<8x1xf32> to vector<8x1xf32>
      %broadcast_in_dim3A_2261 = vector.broadcast %broadcast_in_dim3A_2260 : vector<8x1xf32> to vector<8x128xf32>
      %select_n3A_2262 = arith.select %eq3A_2258, %broadcast_in_dim3A_2261, %select_n3A_2255 : vector<8x128xi1>, vector<8x128xf32>
      %swap3A_2263 = arith.constant 24 : index
      %swap3A_2264 = arith.constant 0 : index
      %swap3A_2265 = vector.load %arg6[%swap3A_2263, %swap3A_2264] : memref<64x128xf32, #tpu.memory_space<vmem>>, vector<8x128xf32>
      tpu.vector_store %arg6[%swap3A_2263, %swap3A_2264], %select_n3A_2262 {strides = array<i32>} : memref<64x128xf32, #tpu.memory_space<vmem>>, vector<8x128xf32>,
      %jit3A_2266 = arith.constant 8 : i32
      %div3A_2267 = arith.divsi %mul3A_1674, %jit3A_2266 : i32
      %sign3A_2268 = arith.constant 0 : i32
      %sign3A_2269 = arith.cmpi sgt, %mul3A_1674, %sign3A_2268 : i32
      %sign3A_2270 = arith.extui %sign3A_2269 : i1 to i32
      %sign3A_2271 = arith.constant 0 : i32
      %sign3A_2272 = arith.cmpi slt, %mul3A_1674, %sign3A_2271 : i32
      %sign3A_2273 = arith.extui %sign3A_2272 : i1 to i32
      %sign3A_2274 = arith.subi %sign3A_2270, %sign3A_2273 : i32
      %sign3A_2275 = arith.constant 0 : i32
      %sign3A_2276 = arith.cmpi sgt, %jit3A_2266, %sign3A_2275 : i32
      %sign3A_2277 = arith.extui %sign3A_2276 : i1 to i32
      %sign3A_2278 = arith.constant 0 : i32
      %sign3A_2279 = arith.cmpi slt, %jit3A_2266, %sign3A_2278 : i32
      %sign3A_2280 = arith.extui %sign3A_2279 : i1 to i32
      %sign3A_2281 = arith.subi %sign3A_2277, %sign3A_2280 : i32
      %ne3A_2282 = arith.cmpi ne, %sign3A_2274, %sign3A_2281 : i32
      %rem3A_2283 = arith.remsi %mul3A_1674, %jit3A_2266 : i32
      %ne3A_2284 = arith.constant 0 : i32
      %ne3A_2285 = arith.cmpi ne, %rem3A_2283, %ne3A_2284 : i32
      %and3A_2286 = arith.andi %ne3A_2282, %ne3A_2285 : i1
      %sub3A_2287 = arith.constant 1 : i32
      %sub3A_2288 = arith.subi %div3A_2267, %sub3A_2287 : i32
      %select_n3A_2289 = arith.select %and3A_2286, %sub3A_2288, %div3A_2267 : i32
      %add3A_2290 = arith.constant 32 : i32
      %add3A_2291 = arith.addi %add3A_2290, %select_n3A_2289 : i32
      %jit3A_2292 = arith.constant 8 : i32
      %eq3A_2293 = arith.constant 0 : i32
      %eq3A_2294 = arith.cmpi eq, %jit3A_2292, %eq3A_2293 : i32
      %jit3A_2295 = arith.constant 1 : i32
      %select_n3A_2296 = arith.select %eq3A_2294, %jit3A_2295, %jit3A_2292 : i32
      %rem3A_2297 = arith.remsi %mul3A_1674, %select_n3A_2296 : i32
      %ne3A_2298 = arith.constant 0 : i32
      %ne3A_2299 = arith.cmpi ne, %rem3A_2297, %ne3A_2298 : i32
      %lt3A_2300 = arith.constant 0 : i32
      %lt3A_2301 = arith.cmpi slt, %rem3A_2297, %lt3A_2300 : i32
      %lt3A_2302 = arith.constant 0 : i32
      %lt3A_2303 = arith.cmpi slt, %select_n3A_2296, %lt3A_2302 : i32
      %ne3A_2304 = arith.xori %lt3A_2301, %lt3A_2303 : i1
      %and3A_2305 = arith.andi %ne3A_2304, %ne3A_2299 : i1
      %add3A_2306 = arith.addi %rem3A_2297, %select_n3A_2296 : i32
      %select_n3A_2307 = arith.select %and3A_2305, %add3A_2306, %rem3A_2297 : i32
      %get3A_2308 = arith.index_cast %add3A_2291 : i32 to index
      %get3A_2309 = arith.index_cast %select_n3A_2307 : i32 to index
      %get3A_2310 = memref.load %arg1[%get3A_2308, %get3A_2309] : memref<64x8xi32, #tpu.memory_space<smem>>
      %jit3A_2311 = arith.constant 128 : i32
      %div3A_2312 = arith.divsi %get3A_2310, %jit3A_2311 : i32
      %sign3A_2313 = arith.constant 0 : i32
      %sign3A_2314 = arith.cmpi sgt, %get3A_2310, %sign3A_2313 : i32
      %sign3A_2315 = arith.extui %sign3A_2314 : i1 to i32
      %sign3A_2316 = arith.constant 0 : i32
      %sign3A_2317 = arith.cmpi slt, %get3A_2310, %sign3A_2316 : i32
      %sign3A_2318 = arith.extui %sign3A_2317 : i1 to i32
      %sign3A_2319 = arith.subi %sign3A_2315, %sign3A_2318 : i32
      %sign3A_2320 = arith.constant 0 : i32
      %sign3A_2321 = arith.cmpi sgt, %jit3A_2311, %sign3A_2320 : i32
      %sign3A_2322 = arith.extui %sign3A_2321 : i1 to i32
      %sign3A_2323 = arith.constant 0 : i32
      %sign3A_2324 = arith.cmpi slt, %jit3A_2311, %sign3A_2323 : i32
      %sign3A_2325 = arith.extui %sign3A_2324 : i1 to i32
      %sign3A_2326 = arith.subi %sign3A_2322, %sign3A_2325 : i32
      %ne3A_2327 = arith.cmpi ne, %sign3A_2319, %sign3A_2326 : i32
      %rem3A_2328 = arith.remsi %get3A_2310, %jit3A_2311 : i32
      %ne3A_2329 = arith.constant 0 : i32
      %ne3A_2330 = arith.cmpi ne, %rem3A_2328, %ne3A_2329 : i32
      %and3A_2331 = arith.andi %ne3A_2327, %ne3A_2330 : i1
      %sub3A_2332 = arith.constant 1 : i32
      %sub3A_2333 = arith.subi %div3A_2312, %sub3A_2332 : i32
      %select_n3A_2334 = arith.select %and3A_2331, %sub3A_2333, %div3A_2312 : i32
      %min3A_2335 = arith.constant 780 : i32
      %min3A_2336 = arith.minsi %select_n3A_2334, %min3A_2335 : i32
      %mul3A_2337 = arith.constant 128 : i32
      %mul3A_2338 = arith.muli %min3A_2336, %mul3A_2337 : i32
      %add3A_2339 = vector.broadcast %mul3A_2338 : i32 to vector<8x128xi32>
      %add3A_2340 = arith.addi %add3A_2339, %iota3A : vector<8x128xi32>
      %broadcast_in_dim3A_2341 = arith.constant 0.000000e+00 : f32
      %broadcast_in_dim3A_2342 = vector.broadcast %broadcast_in_dim3A_2341 : f32 to vector<8x128xf32>
      %slice3A_2343 = vector.extract_strided_slice %get3A_1 {offsets = [32, 0], sizes = [8, 1], strides = [1, 1]} : vector<64x8xi32> to vector<8x1xi32>
      %eq3A_2344 = vector.broadcast %slice3A_2343 : vector<8x1xi32> to vector<8x128xi32>
      %eq3A_2345 = arith.cmpi eq, %eq3A_2344, %add3A_2340 : vector<8x128xi32>
      %slice3A_2346 = vector.extract_strided_slice %get3A_4 {offsets = [32, 0], sizes = [8, 1], strides = [1, 1]} : vector<64x8xf32> to vector<8x1xf32>
      %broadcast_in_dim3A_2347 = vector.shape_cast %slice3A_2346 : vector<8x1xf32> to vector<8x1xf32>
      %broadcast_in_dim3A_2348 = vector.broadcast %broadcast_in_dim3A_2347 : vector<8x1xf32> to vector<8x128xf32>
      %select_n3A_2349 = arith.select %eq3A_2345, %broadcast_in_dim3A_2348, %broadcast_in_dim3A_2342 : vector<8x128xi1>, vector<8x128xf32>
      %slice3A_2350 = vector.extract_strided_slice %get3A_1 {offsets = [32, 1], sizes = [8, 1], strides = [1, 1]} : vector<64x8xi32> to vector<8x1xi32>
      %eq3A_2351 = vector.broadcast %slice3A_2350 : vector<8x1xi32> to vector<8x128xi32>
      %eq3A_2352 = arith.cmpi eq, %eq3A_2351, %add3A_2340 : vector<8x128xi32>
      %slice3A_2353 = vector.extract_strided_slice %get3A_4 {offsets = [32, 1], sizes = [8, 1], strides = [1, 1]} : vector<64x8xf32> to vector<8x1xf32>
      %broadcast_in_dim3A_2354 = vector.shape_cast %slice3A_2353 : vector<8x1xf32> to vector<8x1xf32>
      %broadcast_in_dim3A_2355 = vector.broadcast %broadcast_in_dim3A_2354 : vector<8x1xf32> to vector<8x128xf32>
      %select_n3A_2356 = arith.select %eq3A_2352, %broadcast_in_dim3A_2355, %select_n3A_2349 : vector<8x128xi1>, vector<8x128xf32>
      %slice3A_2357 = vector.extract_strided_slice %get3A_1 {offsets = [32, 2], sizes = [8, 1], strides = [1, 1]} : vector<64x8xi32> to vector<8x1xi32>
      %eq3A_2358 = vector.broadcast %slice3A_2357 : vector<8x1xi32> to vector<8x128xi32>
      %eq3A_2359 = arith.cmpi eq, %eq3A_2358, %add3A_2340 : vector<8x128xi32>
      %slice3A_2360 = vector.extract_strided_slice %get3A_4 {offsets = [32, 2], sizes = [8, 1], strides = [1, 1]} : vector<64x8xf32> to vector<8x1xf32>
      %broadcast_in_dim3A_2361 = vector.shape_cast %slice3A_2360 : vector<8x1xf32> to vector<8x1xf32>
      %broadcast_in_dim3A_2362 = vector.broadcast %broadcast_in_dim3A_2361 : vector<8x1xf32> to vector<8x128xf32>
      %select_n3A_2363 = arith.select %eq3A_2359, %broadcast_in_dim3A_2362, %select_n3A_2356 : vector<8x128xi1>, vector<8x128xf32>
      %slice3A_2364 = vector.extract_strided_slice %get3A_1 {offsets = [32, 3], sizes = [8, 1], strides = [1, 1]} : vector<64x8xi32> to vector<8x1xi32>
      %eq3A_2365 = vector.broadcast %slice3A_2364 : vector<8x1xi32> to vector<8x128xi32>
      %eq3A_2366 = arith.cmpi eq, %eq3A_2365, %add3A_2340 : vector<8x128xi32>
      %slice3A_2367 = vector.extract_strided_slice %get3A_4 {offsets = [32, 3], sizes = [8, 1], strides = [1, 1]} : vector<64x8xf32> to vector<8x1xf32>
      %broadcast_in_dim3A_2368 = vector.shape_cast %slice3A_2367 : vector<8x1xf32> to vector<8x1xf32>
      %broadcast_in_dim3A_2369 = vector.broadcast %broadcast_in_dim3A_2368 : vector<8x1xf32> to vector<8x128xf32>
      %select_n3A_2370 = arith.select %eq3A_2366, %broadcast_in_dim3A_2369, %select_n3A_2363 : vector<8x128xi1>, vector<8x128xf32>
      %slice3A_2371 = vector.extract_strided_slice %get3A_1 {offsets = [32, 4], sizes = [8, 1], strides = [1, 1]} : vector<64x8xi32> to vector<8x1xi32>
      %eq3A_2372 = vector.broadcast %slice3A_2371 : vector<8x1xi32> to vector<8x128xi32>
      %eq3A_2373 = arith.cmpi eq, %eq3A_2372, %add3A_2340 : vector<8x128xi32>
      %slice3A_2374 = vector.extract_strided_slice %get3A_4 {offsets = [32, 4], sizes = [8, 1], strides = [1, 1]} : vector<64x8xf32> to vector<8x1xf32>
      %broadcast_in_dim3A_2375 = vector.shape_cast %slice3A_2374 : vector<8x1xf32> to vector<8x1xf32>
      %broadcast_in_dim3A_2376 = vector.broadcast %broadcast_in_dim3A_2375 : vector<8x1xf32> to vector<8x128xf32>
      %select_n3A_2377 = arith.select %eq3A_2373, %broadcast_in_dim3A_2376, %select_n3A_2370 : vector<8x128xi1>, vector<8x128xf32>
      %slice3A_2378 = vector.extract_strided_slice %get3A_1 {offsets = [32, 5], sizes = [8, 1], strides = [1, 1]} : vector<64x8xi32> to vector<8x1xi32>
      %eq3A_2379 = vector.broadcast %slice3A_2378 : vector<8x1xi32> to vector<8x128xi32>
      %eq3A_2380 = arith.cmpi eq, %eq3A_2379, %add3A_2340 : vector<8x128xi32>
      %slice3A_2381 = vector.extract_strided_slice %get3A_4 {offsets = [32, 5], sizes = [8, 1], strides = [1, 1]} : vector<64x8xf32> to vector<8x1xf32>
      %broadcast_in_dim3A_2382 = vector.shape_cast %slice3A_2381 : vector<8x1xf32> to vector<8x1xf32>
      %broadcast_in_dim3A_2383 = vector.broadcast %broadcast_in_dim3A_2382 : vector<8x1xf32> to vector<8x128xf32>
      %select_n3A_2384 = arith.select %eq3A_2380, %broadcast_in_dim3A_2383, %select_n3A_2377 : vector<8x128xi1>, vector<8x128xf32>
      %slice3A_2385 = vector.extract_strided_slice %get3A_1 {offsets = [32, 6], sizes = [8, 1], strides = [1, 1]} : vector<64x8xi32> to vector<8x1xi32>
      %eq3A_2386 = vector.broadcast %slice3A_2385 : vector<8x1xi32> to vector<8x128xi32>
      %eq3A_2387 = arith.cmpi eq, %eq3A_2386, %add3A_2340 : vector<8x128xi32>
      %slice3A_2388 = vector.extract_strided_slice %get3A_4 {offsets = [32, 6], sizes = [8, 1], strides = [1, 1]} : vector<64x8xf32> to vector<8x1xf32>
      %broadcast_in_dim3A_2389 = vector.shape_cast %slice3A_2388 : vector<8x1xf32> to vector<8x1xf32>
      %broadcast_in_dim3A_2390 = vector.broadcast %broadcast_in_dim3A_2389 : vector<8x1xf32> to vector<8x128xf32>
      %select_n3A_2391 = arith.select %eq3A_2387, %broadcast_in_dim3A_2390, %select_n3A_2384 : vector<8x128xi1>, vector<8x128xf32>
      %slice3A_2392 = vector.extract_strided_slice %get3A_1 {offsets = [32, 7], sizes = [8, 1], strides = [1, 1]} : vector<64x8xi32> to vector<8x1xi32>
      %eq3A_2393 = vector.broadcast %slice3A_2392 : vector<8x1xi32> to vector<8x128xi32>
      %eq3A_2394 = arith.cmpi eq, %eq3A_2393, %add3A_2340 : vector<8x128xi32>
      %slice3A_2395 = vector.extract_strided_slice %get3A_4 {offsets = [32, 7], sizes = [8, 1], strides = [1, 1]} : vector<64x8xf32> to vector<8x1xf32>
      %broadcast_in_dim3A_2396 = vector.shape_cast %slice3A_2395 : vector<8x1xf32> to vector<8x1xf32>
      %broadcast_in_dim3A_2397 = vector.broadcast %broadcast_in_dim3A_2396 : vector<8x1xf32> to vector<8x128xf32>
      %select_n3A_2398 = arith.select %eq3A_2394, %broadcast_in_dim3A_2397, %select_n3A_2391 : vector<8x128xi1>, vector<8x128xf32>
      %swap3A_2399 = arith.constant 32 : index
      %swap3A_2400 = arith.constant 0 : index
      %swap3A_2401 = vector.load %arg6[%swap3A_2399, %swap3A_2400] : memref<64x128xf32, #tpu.memory_space<vmem>>, vector<8x128xf32>
      tpu.vector_store %arg6[%swap3A_2399, %swap3A_2400], %select_n3A_2398 {strides = array<i32>} : memref<64x128xf32, #tpu.memory_space<vmem>>, vector<8x128xf32>,
      %jit3A_2402 = arith.constant 8 : i32
      %div3A_2403 = arith.divsi %mul3A_1674, %jit3A_2402 : i32
      %sign3A_2404 = arith.constant 0 : i32
      %sign3A_2405 = arith.cmpi sgt, %mul3A_1674, %sign3A_2404 : i32
      %sign3A_2406 = arith.extui %sign3A_2405 : i1 to i32
      %sign3A_2407 = arith.constant 0 : i32
      %sign3A_2408 = arith.cmpi slt, %mul3A_1674, %sign3A_2407 : i32
      %sign3A_2409 = arith.extui %sign3A_2408 : i1 to i32
      %sign3A_2410 = arith.subi %sign3A_2406, %sign3A_2409 : i32
      %sign3A_2411 = arith.constant 0 : i32
      %sign3A_2412 = arith.cmpi sgt, %jit3A_2402, %sign3A_2411 : i32
      %sign3A_2413 = arith.extui %sign3A_2412 : i1 to i32
      %sign3A_2414 = arith.constant 0 : i32
      %sign3A_2415 = arith.cmpi slt, %jit3A_2402, %sign3A_2414 : i32
      %sign3A_2416 = arith.extui %sign3A_2415 : i1 to i32
      %sign3A_2417 = arith.subi %sign3A_2413, %sign3A_2416 : i32
      %ne3A_2418 = arith.cmpi ne, %sign3A_2410, %sign3A_2417 : i32
      %rem3A_2419 = arith.remsi %mul3A_1674, %jit3A_2402 : i32
      %ne3A_2420 = arith.constant 0 : i32
      %ne3A_2421 = arith.cmpi ne, %rem3A_2419, %ne3A_2420 : i32
      %and3A_2422 = arith.andi %ne3A_2418, %ne3A_2421 : i1
      %sub3A_2423 = arith.constant 1 : i32
      %sub3A_2424 = arith.subi %div3A_2403, %sub3A_2423 : i32
      %select_n3A_2425 = arith.select %and3A_2422, %sub3A_2424, %div3A_2403 : i32
      %add3A_2426 = arith.constant 40 : i32
      %add3A_2427 = arith.addi %add3A_2426, %select_n3A_2425 : i32
      %jit3A_2428 = arith.constant 8 : i32
      %eq3A_2429 = arith.constant 0 : i32
      %eq3A_2430 = arith.cmpi eq, %jit3A_2428, %eq3A_2429 : i32
      %jit3A_2431 = arith.constant 1 : i32
      %select_n3A_2432 = arith.select %eq3A_2430, %jit3A_2431, %jit3A_2428 : i32
      %rem3A_2433 = arith.remsi %mul3A_1674, %select_n3A_2432 : i32
      %ne3A_2434 = arith.constant 0 : i32
      %ne3A_2435 = arith.cmpi ne, %rem3A_2433, %ne3A_2434 : i32
      %lt3A_2436 = arith.constant 0 : i32
      %lt3A_2437 = arith.cmpi slt, %rem3A_2433, %lt3A_2436 : i32
      %lt3A_2438 = arith.constant 0 : i32
      %lt3A_2439 = arith.cmpi slt, %select_n3A_2432, %lt3A_2438 : i32
      %ne3A_2440 = arith.xori %lt3A_2437, %lt3A_2439 : i1
      %and3A_2441 = arith.andi %ne3A_2440, %ne3A_2435 : i1
      %add3A_2442 = arith.addi %rem3A_2433, %select_n3A_2432 : i32
      %select_n3A_2443 = arith.select %and3A_2441, %add3A_2442, %rem3A_2433 : i32
      %get3A_2444 = arith.index_cast %add3A_2427 : i32 to index
      %get3A_2445 = arith.index_cast %select_n3A_2443 : i32 to index
      %get3A_2446 = memref.load %arg1[%get3A_2444, %get3A_2445] : memref<64x8xi32, #tpu.memory_space<smem>>
      %jit3A_2447 = arith.constant 128 : i32
      %div3A_2448 = arith.divsi %get3A_2446, %jit3A_2447 : i32
      %sign3A_2449 = arith.constant 0 : i32
      %sign3A_2450 = arith.cmpi sgt, %get3A_2446, %sign3A_2449 : i32
      %sign3A_2451 = arith.extui %sign3A_2450 : i1 to i32
      %sign3A_2452 = arith.constant 0 : i32
      %sign3A_2453 = arith.cmpi slt, %get3A_2446, %sign3A_2452 : i32
      %sign3A_2454 = arith.extui %sign3A_2453 : i1 to i32
      %sign3A_2455 = arith.subi %sign3A_2451, %sign3A_2454 : i32
      %sign3A_2456 = arith.constant 0 : i32
      %sign3A_2457 = arith.cmpi sgt, %jit3A_2447, %sign3A_2456 : i32
      %sign3A_2458 = arith.extui %sign3A_2457 : i1 to i32
      %sign3A_2459 = arith.constant 0 : i32
      %sign3A_2460 = arith.cmpi slt, %jit3A_2447, %sign3A_2459 : i32
      %sign3A_2461 = arith.extui %sign3A_2460 : i1 to i32
      %sign3A_2462 = arith.subi %sign3A_2458, %sign3A_2461 : i32
      %ne3A_2463 = arith.cmpi ne, %sign3A_2455, %sign3A_2462 : i32
      %rem3A_2464 = arith.remsi %get3A_2446, %jit3A_2447 : i32
      %ne3A_2465 = arith.constant 0 : i32
      %ne3A_2466 = arith.cmpi ne, %rem3A_2464, %ne3A_2465 : i32
      %and3A_2467 = arith.andi %ne3A_2463, %ne3A_2466 : i1
      %sub3A_2468 = arith.constant 1 : i32
      %sub3A_2469 = arith.subi %div3A_2448, %sub3A_2468 : i32
      %select_n3A_2470 = arith.select %and3A_2467, %sub3A_2469, %div3A_2448 : i32
      %min3A_2471 = arith.constant 780 : i32
      %min3A_2472 = arith.minsi %select_n3A_2470, %min3A_2471 : i32
      %mul3A_2473 = arith.constant 128 : i32
      %mul3A_2474 = arith.muli %min3A_2472, %mul3A_2473 : i32
      %add3A_2475 = vector.broadcast %mul3A_2474 : i32 to vector<8x128xi32>
      %add3A_2476 = arith.addi %add3A_2475, %iota3A : vector<8x128xi32>
      %broadcast_in_dim3A_2477 = arith.constant 0.000000e+00 : f32
      %broadcast_in_dim3A_2478 = vector.broadcast %broadcast_in_dim3A_2477 : f32 to vector<8x128xf32>
      %slice3A_2479 = vector.extract_strided_slice %get3A_1 {offsets = [40, 0], sizes = [8, 1], strides = [1, 1]} : vector<64x8xi32> to vector<8x1xi32>
      %eq3A_2480 = vector.broadcast %slice3A_2479 : vector<8x1xi32> to vector<8x128xi32>
      %eq3A_2481 = arith.cmpi eq, %eq3A_2480, %add3A_2476 : vector<8x128xi32>
      %slice3A_2482 = vector.extract_strided_slice %get3A_4 {offsets = [40, 0], sizes = [8, 1], strides = [1, 1]} : vector<64x8xf32> to vector<8x1xf32>
      %broadcast_in_dim3A_2483 = vector.shape_cast %slice3A_2482 : vector<8x1xf32> to vector<8x1xf32>
      %broadcast_in_dim3A_2484 = vector.broadcast %broadcast_in_dim3A_2483 : vector<8x1xf32> to vector<8x128xf32>
      %select_n3A_2485 = arith.select %eq3A_2481, %broadcast_in_dim3A_2484, %broadcast_in_dim3A_2478 : vector<8x128xi1>, vector<8x128xf32>
      %slice3A_2486 = vector.extract_strided_slice %get3A_1 {offsets = [40, 1], sizes = [8, 1], strides = [1, 1]} : vector<64x8xi32> to vector<8x1xi32>
      %eq3A_2487 = vector.broadcast %slice3A_2486 : vector<8x1xi32> to vector<8x128xi32>
      %eq3A_2488 = arith.cmpi eq, %eq3A_2487, %add3A_2476 : vector<8x128xi32>
      %slice3A_2489 = vector.extract_strided_slice %get3A_4 {offsets = [40, 1], sizes = [8, 1], strides = [1, 1]} : vector<64x8xf32> to vector<8x1xf32>
      %broadcast_in_dim3A_2490 = vector.shape_cast %slice3A_2489 : vector<8x1xf32> to vector<8x1xf32>
      %broadcast_in_dim3A_2491 = vector.broadcast %broadcast_in_dim3A_2490 : vector<8x1xf32> to vector<8x128xf32>
      %select_n3A_2492 = arith.select %eq3A_2488, %broadcast_in_dim3A_2491, %select_n3A_2485 : vector<8x128xi1>, vector<8x128xf32>
      %slice3A_2493 = vector.extract_strided_slice %get3A_1 {offsets = [40, 2], sizes = [8, 1], strides = [1, 1]} : vector<64x8xi32> to vector<8x1xi32>
      %eq3A_2494 = vector.broadcast %slice3A_2493 : vector<8x1xi32> to vector<8x128xi32>
      %eq3A_2495 = arith.cmpi eq, %eq3A_2494, %add3A_2476 : vector<8x128xi32>
      %slice3A_2496 = vector.extract_strided_slice %get3A_4 {offsets = [40, 2], sizes = [8, 1], strides = [1, 1]} : vector<64x8xf32> to vector<8x1xf32>
      %broadcast_in_dim3A_2497 = vector.shape_cast %slice3A_2496 : vector<8x1xf32> to vector<8x1xf32>
      %broadcast_in_dim3A_2498 = vector.broadcast %broadcast_in_dim3A_2497 : vector<8x1xf32> to vector<8x128xf32>
      %select_n3A_2499 = arith.select %eq3A_2495, %broadcast_in_dim3A_2498, %select_n3A_2492 : vector<8x128xi1>, vector<8x128xf32>
      %slice3A_2500 = vector.extract_strided_slice %get3A_1 {offsets = [40, 3], sizes = [8, 1], strides = [1, 1]} : vector<64x8xi32> to vector<8x1xi32>
      %eq3A_2501 = vector.broadcast %slice3A_2500 : vector<8x1xi32> to vector<8x128xi32>
      %eq3A_2502 = arith.cmpi eq, %eq3A_2501, %add3A_2476 : vector<8x128xi32>
      %slice3A_2503 = vector.extract_strided_slice %get3A_4 {offsets = [40, 3], sizes = [8, 1], strides = [1, 1]} : vector<64x8xf32> to vector<8x1xf32>
      %broadcast_in_dim3A_2504 = vector.shape_cast %slice3A_2503 : vector<8x1xf32> to vector<8x1xf32>
      %broadcast_in_dim3A_2505 = vector.broadcast %broadcast_in_dim3A_2504 : vector<8x1xf32> to vector<8x128xf32>
      %select_n3A_2506 = arith.select %eq3A_2502, %broadcast_in_dim3A_2505, %select_n3A_2499 : vector<8x128xi1>, vector<8x128xf32>
      %slice3A_2507 = vector.extract_strided_slice %get3A_1 {offsets = [40, 4], sizes = [8, 1], strides = [1, 1]} : vector<64x8xi32> to vector<8x1xi32>
      %eq3A_2508 = vector.broadcast %slice3A_2507 : vector<8x1xi32> to vector<8x128xi32>
      %eq3A_2509 = arith.cmpi eq, %eq3A_2508, %add3A_2476 : vector<8x128xi32>
      %slice3A_2510 = vector.extract_strided_slice %get3A_4 {offsets = [40, 4], sizes = [8, 1], strides = [1, 1]} : vector<64x8xf32> to vector<8x1xf32>
      %broadcast_in_dim3A_2511 = vector.shape_cast %slice3A_2510 : vector<8x1xf32> to vector<8x1xf32>
      %broadcast_in_dim3A_2512 = vector.broadcast %broadcast_in_dim3A_2511 : vector<8x1xf32> to vector<8x128xf32>
      %select_n3A_2513 = arith.select %eq3A_2509, %broadcast_in_dim3A_2512, %select_n3A_2506 : vector<8x128xi1>, vector<8x128xf32>
      %slice3A_2514 = vector.extract_strided_slice %get3A_1 {offsets = [40, 5], sizes = [8, 1], strides = [1, 1]} : vector<64x8xi32> to vector<8x1xi32>
      %eq3A_2515 = vector.broadcast %slice3A_2514 : vector<8x1xi32> to vector<8x128xi32>
      %eq3A_2516 = arith.cmpi eq, %eq3A_2515, %add3A_2476 : vector<8x128xi32>
      %slice3A_2517 = vector.extract_strided_slice %get3A_4 {offsets = [40, 5], sizes = [8, 1], strides = [1, 1]} : vector<64x8xf32> to vector<8x1xf32>
      %broadcast_in_dim3A_2518 = vector.shape_cast %slice3A_2517 : vector<8x1xf32> to vector<8x1xf32>
      %broadcast_in_dim3A_2519 = vector.broadcast %broadcast_in_dim3A_2518 : vector<8x1xf32> to vector<8x128xf32>
      %select_n3A_2520 = arith.select %eq3A_2516, %broadcast_in_dim3A_2519, %select_n3A_2513 : vector<8x128xi1>, vector<8x128xf32>
      %slice3A_2521 = vector.extract_strided_slice %get3A_1 {offsets = [40, 6], sizes = [8, 1], strides = [1, 1]} : vector<64x8xi32> to vector<8x1xi32>
      %eq3A_2522 = vector.broadcast %slice3A_2521 : vector<8x1xi32> to vector<8x128xi32>
      %eq3A_2523 = arith.cmpi eq, %eq3A_2522, %add3A_2476 : vector<8x128xi32>
      %slice3A_2524 = vector.extract_strided_slice %get3A_4 {offsets = [40, 6], sizes = [8, 1], strides = [1, 1]} : vector<64x8xf32> to vector<8x1xf32>
      %broadcast_in_dim3A_2525 = vector.shape_cast %slice3A_2524 : vector<8x1xf32> to vector<8x1xf32>
      %broadcast_in_dim3A_2526 = vector.broadcast %broadcast_in_dim3A_2525 : vector<8x1xf32> to vector<8x128xf32>
      %select_n3A_2527 = arith.select %eq3A_2523, %broadcast_in_dim3A_2526, %select_n3A_2520 : vector<8x128xi1>, vector<8x128xf32>
      %slice3A_2528 = vector.extract_strided_slice %get3A_1 {offsets = [40, 7], sizes = [8, 1], strides = [1, 1]} : vector<64x8xi32> to vector<8x1xi32>
      %eq3A_2529 = vector.broadcast %slice3A_2528 : vector<8x1xi32> to vector<8x128xi32>
      %eq3A_2530 = arith.cmpi eq, %eq3A_2529, %add3A_2476 : vector<8x128xi32>
      %slice3A_2531 = vector.extract_strided_slice %get3A_4 {offsets = [40, 7], sizes = [8, 1], strides = [1, 1]} : vector<64x8xf32> to vector<8x1xf32>
      %broadcast_in_dim3A_2532 = vector.shape_cast %slice3A_2531 : vector<8x1xf32> to vector<8x1xf32>
      %broadcast_in_dim3A_2533 = vector.broadcast %broadcast_in_dim3A_2532 : vector<8x1xf32> to vector<8x128xf32>
      %select_n3A_2534 = arith.select %eq3A_2530, %broadcast_in_dim3A_2533, %select_n3A_2527 : vector<8x128xi1>, vector<8x128xf32>
      %swap3A_2535 = arith.constant 40 : index
      %swap3A_2536 = arith.constant 0 : index
      %swap3A_2537 = vector.load %arg6[%swap3A_2535, %swap3A_2536] : memref<64x128xf32, #tpu.memory_space<vmem>>, vector<8x128xf32>
      tpu.vector_store %arg6[%swap3A_2535, %swap3A_2536], %select_n3A_2534 {strides = array<i32>} : memref<64x128xf32, #tpu.memory_space<vmem>>, vector<8x128xf32>,
      %jit3A_2538 = arith.constant 8 : i32
      %div3A_2539 = arith.divsi %mul3A_1674, %jit3A_2538 : i32
      %sign3A_2540 = arith.constant 0 : i32
      %sign3A_2541 = arith.cmpi sgt, %mul3A_1674, %sign3A_2540 : i32
      %sign3A_2542 = arith.extui %sign3A_2541 : i1 to i32
      %sign3A_2543 = arith.constant 0 : i32
      %sign3A_2544 = arith.cmpi slt, %mul3A_1674, %sign3A_2543 : i32
      %sign3A_2545 = arith.extui %sign3A_2544 : i1 to i32
      %sign3A_2546 = arith.subi %sign3A_2542, %sign3A_2545 : i32
      %sign3A_2547 = arith.constant 0 : i32
      %sign3A_2548 = arith.cmpi sgt, %jit3A_2538, %sign3A_2547 : i32
      %sign3A_2549 = arith.extui %sign3A_2548 : i1 to i32
      %sign3A_2550 = arith.constant 0 : i32
      %sign3A_2551 = arith.cmpi slt, %jit3A_2538, %sign3A_2550 : i32
      %sign3A_2552 = arith.extui %sign3A_2551 : i1 to i32
      %sign3A_2553 = arith.subi %sign3A_2549, %sign3A_2552 : i32
      %ne3A_2554 = arith.cmpi ne, %sign3A_2546, %sign3A_2553 : i32
      %rem3A_2555 = arith.remsi %mul3A_1674, %jit3A_2538 : i32
      %ne3A_2556 = arith.constant 0 : i32
      %ne3A_2557 = arith.cmpi ne, %rem3A_2555, %ne3A_2556 : i32
      %and3A_2558 = arith.andi %ne3A_2554, %ne3A_2557 : i1
      %sub3A_2559 = arith.constant 1 : i32
      %sub3A_2560 = arith.subi %div3A_2539, %sub3A_2559 : i32
      %select_n3A_2561 = arith.select %and3A_2558, %sub3A_2560, %div3A_2539 : i32
      %add3A_2562 = arith.constant 48 : i32
      %add3A_2563 = arith.addi %add3A_2562, %select_n3A_2561 : i32
      %jit3A_2564 = arith.constant 8 : i32
      %eq3A_2565 = arith.constant 0 : i32
      %eq3A_2566 = arith.cmpi eq, %jit3A_2564, %eq3A_2565 : i32
      %jit3A_2567 = arith.constant 1 : i32
      %select_n3A_2568 = arith.select %eq3A_2566, %jit3A_2567, %jit3A_2564 : i32
      %rem3A_2569 = arith.remsi %mul3A_1674, %select_n3A_2568 : i32
      %ne3A_2570 = arith.constant 0 : i32
      %ne3A_2571 = arith.cmpi ne, %rem3A_2569, %ne3A_2570 : i32
      %lt3A_2572 = arith.constant 0 : i32
      %lt3A_2573 = arith.cmpi slt, %rem3A_2569, %lt3A_2572 : i32
      %lt3A_2574 = arith.constant 0 : i32
      %lt3A_2575 = arith.cmpi slt, %select_n3A_2568, %lt3A_2574 : i32
      %ne3A_2576 = arith.xori %lt3A_2573, %lt3A_2575 : i1
      %and3A_2577 = arith.andi %ne3A_2576, %ne3A_2571 : i1
      %add3A_2578 = arith.addi %rem3A_2569, %select_n3A_2568 : i32
      %select_n3A_2579 = arith.select %and3A_2577, %add3A_2578, %rem3A_2569 : i32
      %get3A_2580 = arith.index_cast %add3A_2563 : i32 to index
      %get3A_2581 = arith.index_cast %select_n3A_2579 : i32 to index
      %get3A_2582 = memref.load %arg1[%get3A_2580, %get3A_2581] : memref<64x8xi32, #tpu.memory_space<smem>>
      %jit3A_2583 = arith.constant 128 : i32
      %div3A_2584 = arith.divsi %get3A_2582, %jit3A_2583 : i32
      %sign3A_2585 = arith.constant 0 : i32
      %sign3A_2586 = arith.cmpi sgt, %get3A_2582, %sign3A_2585 : i32
      %sign3A_2587 = arith.extui %sign3A_2586 : i1 to i32
      %sign3A_2588 = arith.constant 0 : i32
      %sign3A_2589 = arith.cmpi slt, %get3A_2582, %sign3A_2588 : i32
      %sign3A_2590 = arith.extui %sign3A_2589 : i1 to i32
      %sign3A_2591 = arith.subi %sign3A_2587, %sign3A_2590 : i32
      %sign3A_2592 = arith.constant 0 : i32
      %sign3A_2593 = arith.cmpi sgt, %jit3A_2583, %sign3A_2592 : i32
      %sign3A_2594 = arith.extui %sign3A_2593 : i1 to i32
      %sign3A_2595 = arith.constant 0 : i32
      %sign3A_2596 = arith.cmpi slt, %jit3A_2583, %sign3A_2595 : i32
      %sign3A_2597 = arith.extui %sign3A_2596 : i1 to i32
      %sign3A_2598 = arith.subi %sign3A_2594, %sign3A_2597 : i32
      %ne3A_2599 = arith.cmpi ne, %sign3A_2591, %sign3A_2598 : i32
      %rem3A_2600 = arith.remsi %get3A_2582, %jit3A_2583 : i32
      %ne3A_2601 = arith.constant 0 : i32
      %ne3A_2602 = arith.cmpi ne, %rem3A_2600, %ne3A_2601 : i32
      %and3A_2603 = arith.andi %ne3A_2599, %ne3A_2602 : i1
      %sub3A_2604 = arith.constant 1 : i32
      %sub3A_2605 = arith.subi %div3A_2584, %sub3A_2604 : i32
      %select_n3A_2606 = arith.select %and3A_2603, %sub3A_2605, %div3A_2584 : i32
      %min3A_2607 = arith.constant 780 : i32
      %min3A_2608 = arith.minsi %select_n3A_2606, %min3A_2607 : i32
      %mul3A_2609 = arith.constant 128 : i32
      %mul3A_2610 = arith.muli %min3A_2608, %mul3A_2609 : i32
      %add3A_2611 = vector.broadcast %mul3A_2610 : i32 to vector<8x128xi32>
      %add3A_2612 = arith.addi %add3A_2611, %iota3A : vector<8x128xi32>
      %broadcast_in_dim3A_2613 = arith.constant 0.000000e+00 : f32
      %broadcast_in_dim3A_2614 = vector.broadcast %broadcast_in_dim3A_2613 : f32 to vector<8x128xf32>
      %slice3A_2615 = vector.extract_strided_slice %get3A_1 {offsets = [48, 0], sizes = [8, 1], strides = [1, 1]} : vector<64x8xi32> to vector<8x1xi32>
      %eq3A_2616 = vector.broadcast %slice3A_2615 : vector<8x1xi32> to vector<8x128xi32>
      %eq3A_2617 = arith.cmpi eq, %eq3A_2616, %add3A_2612 : vector<8x128xi32>
      %slice3A_2618 = vector.extract_strided_slice %get3A_4 {offsets = [48, 0], sizes = [8, 1], strides = [1, 1]} : vector<64x8xf32> to vector<8x1xf32>
      %broadcast_in_dim3A_2619 = vector.shape_cast %slice3A_2618 : vector<8x1xf32> to vector<8x1xf32>
      %broadcast_in_dim3A_2620 = vector.broadcast %broadcast_in_dim3A_2619 : vector<8x1xf32> to vector<8x128xf32>
      %select_n3A_2621 = arith.select %eq3A_2617, %broadcast_in_dim3A_2620, %broadcast_in_dim3A_2614 : vector<8x128xi1>, vector<8x128xf32>
      %slice3A_2622 = vector.extract_strided_slice %get3A_1 {offsets = [48, 1], sizes = [8, 1], strides = [1, 1]} : vector<64x8xi32> to vector<8x1xi32>
      %eq3A_2623 = vector.broadcast %slice3A_2622 : vector<8x1xi32> to vector<8x128xi32>
      %eq3A_2624 = arith.cmpi eq, %eq3A_2623, %add3A_2612 : vector<8x128xi32>
      %slice3A_2625 = vector.extract_strided_slice %get3A_4 {offsets = [48, 1], sizes = [8, 1], strides = [1, 1]} : vector<64x8xf32> to vector<8x1xf32>
      %broadcast_in_dim3A_2626 = vector.shape_cast %slice3A_2625 : vector<8x1xf32> to vector<8x1xf32>
      %broadcast_in_dim3A_2627 = vector.broadcast %broadcast_in_dim3A_2626 : vector<8x1xf32> to vector<8x128xf32>
      %select_n3A_2628 = arith.select %eq3A_2624, %broadcast_in_dim3A_2627, %select_n3A_2621 : vector<8x128xi1>, vector<8x128xf32>
      %slice3A_2629 = vector.extract_strided_slice %get3A_1 {offsets = [48, 2], sizes = [8, 1], strides = [1, 1]} : vector<64x8xi32> to vector<8x1xi32>
      %eq3A_2630 = vector.broadcast %slice3A_2629 : vector<8x1xi32> to vector<8x128xi32>
      %eq3A_2631 = arith.cmpi eq, %eq3A_2630, %add3A_2612 : vector<8x128xi32>
      %slice3A_2632 = vector.extract_strided_slice %get3A_4 {offsets = [48, 2], sizes = [8, 1], strides = [1, 1]} : vector<64x8xf32> to vector<8x1xf32>
      %broadcast_in_dim3A_2633 = vector.shape_cast %slice3A_2632 : vector<8x1xf32> to vector<8x1xf32>
      %broadcast_in_dim3A_2634 = vector.broadcast %broadcast_in_dim3A_2633 : vector<8x1xf32> to vector<8x128xf32>
      %select_n3A_2635 = arith.select %eq3A_2631, %broadcast_in_dim3A_2634, %select_n3A_2628 : vector<8x128xi1>, vector<8x128xf32>
      %slice3A_2636 = vector.extract_strided_slice %get3A_1 {offsets = [48, 3], sizes = [8, 1], strides = [1, 1]} : vector<64x8xi32> to vector<8x1xi32>
      %eq3A_2637 = vector.broadcast %slice3A_2636 : vector<8x1xi32> to vector<8x128xi32>
      %eq3A_2638 = arith.cmpi eq, %eq3A_2637, %add3A_2612 : vector<8x128xi32>
      %slice3A_2639 = vector.extract_strided_slice %get3A_4 {offsets = [48, 3], sizes = [8, 1], strides = [1, 1]} : vector<64x8xf32> to vector<8x1xf32>
      %broadcast_in_dim3A_2640 = vector.shape_cast %slice3A_2639 : vector<8x1xf32> to vector<8x1xf32>
      %broadcast_in_dim3A_2641 = vector.broadcast %broadcast_in_dim3A_2640 : vector<8x1xf32> to vector<8x128xf32>
      %select_n3A_2642 = arith.select %eq3A_2638, %broadcast_in_dim3A_2641, %select_n3A_2635 : vector<8x128xi1>, vector<8x128xf32>
      %slice3A_2643 = vector.extract_strided_slice %get3A_1 {offsets = [48, 4], sizes = [8, 1], strides = [1, 1]} : vector<64x8xi32> to vector<8x1xi32>
      %eq3A_2644 = vector.broadcast %slice3A_2643 : vector<8x1xi32> to vector<8x128xi32>
      %eq3A_2645 = arith.cmpi eq, %eq3A_2644, %add3A_2612 : vector<8x128xi32>
      %slice3A_2646 = vector.extract_strided_slice %get3A_4 {offsets = [48, 4], sizes = [8, 1], strides = [1, 1]} : vector<64x8xf32> to vector<8x1xf32>
      %broadcast_in_dim3A_2647 = vector.shape_cast %slice3A_2646 : vector<8x1xf32> to vector<8x1xf32>
      %broadcast_in_dim3A_2648 = vector.broadcast %broadcast_in_dim3A_2647 : vector<8x1xf32> to vector<8x128xf32>
      %select_n3A_2649 = arith.select %eq3A_2645, %broadcast_in_dim3A_2648, %select_n3A_2642 : vector<8x128xi1>, vector<8x128xf32>
      %slice3A_2650 = vector.extract_strided_slice %get3A_1 {offsets = [48, 5], sizes = [8, 1], strides = [1, 1]} : vector<64x8xi32> to vector<8x1xi32>
      %eq3A_2651 = vector.broadcast %slice3A_2650 : vector<8x1xi32> to vector<8x128xi32>
      %eq3A_2652 = arith.cmpi eq, %eq3A_2651, %add3A_2612 : vector<8x128xi32>
      %slice3A_2653 = vector.extract_strided_slice %get3A_4 {offsets = [48, 5], sizes = [8, 1], strides = [1, 1]} : vector<64x8xf32> to vector<8x1xf32>
      %broadcast_in_dim3A_2654 = vector.shape_cast %slice3A_2653 : vector<8x1xf32> to vector<8x1xf32>
      %broadcast_in_dim3A_2655 = vector.broadcast %broadcast_in_dim3A_2654 : vector<8x1xf32> to vector<8x128xf32>
      %select_n3A_2656 = arith.select %eq3A_2652, %broadcast_in_dim3A_2655, %select_n3A_2649 : vector<8x128xi1>, vector<8x128xf32>
      %slice3A_2657 = vector.extract_strided_slice %get3A_1 {offsets = [48, 6], sizes = [8, 1], strides = [1, 1]} : vector<64x8xi32> to vector<8x1xi32>
      %eq3A_2658 = vector.broadcast %slice3A_2657 : vector<8x1xi32> to vector<8x128xi32>
      %eq3A_2659 = arith.cmpi eq, %eq3A_2658, %add3A_2612 : vector<8x128xi32>
      %slice3A_2660 = vector.extract_strided_slice %get3A_4 {offsets = [48, 6], sizes = [8, 1], strides = [1, 1]} : vector<64x8xf32> to vector<8x1xf32>
      %broadcast_in_dim3A_2661 = vector.shape_cast %slice3A_2660 : vector<8x1xf32> to vector<8x1xf32>
      %broadcast_in_dim3A_2662 = vector.broadcast %broadcast_in_dim3A_2661 : vector<8x1xf32> to vector<8x128xf32>
      %select_n3A_2663 = arith.select %eq3A_2659, %broadcast_in_dim3A_2662, %select_n3A_2656 : vector<8x128xi1>, vector<8x128xf32>
      %slice3A_2664 = vector.extract_strided_slice %get3A_1 {offsets = [48, 7], sizes = [8, 1], strides = [1, 1]} : vector<64x8xi32> to vector<8x1xi32>
      %eq3A_2665 = vector.broadcast %slice3A_2664 : vector<8x1xi32> to vector<8x128xi32>
      %eq3A_2666 = arith.cmpi eq, %eq3A_2665, %add3A_2612 : vector<8x128xi32>
      %slice3A_2667 = vector.extract_strided_slice %get3A_4 {offsets = [48, 7], sizes = [8, 1], strides = [1, 1]} : vector<64x8xf32> to vector<8x1xf32>
      %broadcast_in_dim3A_2668 = vector.shape_cast %slice3A_2667 : vector<8x1xf32> to vector<8x1xf32>
      %broadcast_in_dim3A_2669 = vector.broadcast %broadcast_in_dim3A_2668 : vector<8x1xf32> to vector<8x128xf32>
      %select_n3A_2670 = arith.select %eq3A_2666, %broadcast_in_dim3A_2669, %select_n3A_2663 : vector<8x128xi1>, vector<8x128xf32>
      %swap3A_2671 = arith.constant 48 : index
      %swap3A_2672 = arith.constant 0 : index
      %swap3A_2673 = vector.load %arg6[%swap3A_2671, %swap3A_2672] : memref<64x128xf32, #tpu.memory_space<vmem>>, vector<8x128xf32>
      tpu.vector_store %arg6[%swap3A_2671, %swap3A_2672], %select_n3A_2670 {strides = array<i32>} : memref<64x128xf32, #tpu.memory_space<vmem>>, vector<8x128xf32>,
      %jit3A_2674 = arith.constant 8 : i32
      %div3A_2675 = arith.divsi %mul3A_1674, %jit3A_2674 : i32
      %sign3A_2676 = arith.constant 0 : i32
      %sign3A_2677 = arith.cmpi sgt, %mul3A_1674, %sign3A_2676 : i32
      %sign3A_2678 = arith.extui %sign3A_2677 : i1 to i32
      %sign3A_2679 = arith.constant 0 : i32
      %sign3A_2680 = arith.cmpi slt, %mul3A_1674, %sign3A_2679 : i32
      %sign3A_2681 = arith.extui %sign3A_2680 : i1 to i32
      %sign3A_2682 = arith.subi %sign3A_2678, %sign3A_2681 : i32
      %sign3A_2683 = arith.constant 0 : i32
      %sign3A_2684 = arith.cmpi sgt, %jit3A_2674, %sign3A_2683 : i32
      %sign3A_2685 = arith.extui %sign3A_2684 : i1 to i32
      %sign3A_2686 = arith.constant 0 : i32
      %sign3A_2687 = arith.cmpi slt, %jit3A_2674, %sign3A_2686 : i32
      %sign3A_2688 = arith.extui %sign3A_2687 : i1 to i32
      %sign3A_2689 = arith.subi %sign3A_2685, %sign3A_2688 : i32
      %ne3A_2690 = arith.cmpi ne, %sign3A_2682, %sign3A_2689 : i32
      %rem3A_2691 = arith.remsi %mul3A_1674, %jit3A_2674 : i32
      %ne3A_2692 = arith.constant 0 : i32
      %ne3A_2693 = arith.cmpi ne, %rem3A_2691, %ne3A_2692 : i32
      %and3A_2694 = arith.andi %ne3A_2690, %ne3A_2693 : i1
      %sub3A_2695 = arith.constant 1 : i32
      %sub3A_2696 = arith.subi %div3A_2675, %sub3A_2695 : i32
      %select_n3A_2697 = arith.select %and3A_2694, %sub3A_2696, %div3A_2675 : i32
      %add3A_2698 = arith.constant 56 : i32
      %add3A_2699 = arith.addi %add3A_2698, %select_n3A_2697 : i32
      %jit3A_2700 = arith.constant 8 : i32
      %eq3A_2701 = arith.constant 0 : i32
      %eq3A_2702 = arith.cmpi eq, %jit3A_2700, %eq3A_2701 : i32
      %jit3A_2703 = arith.constant 1 : i32
      %select_n3A_2704 = arith.select %eq3A_2702, %jit3A_2703, %jit3A_2700 : i32
      %rem3A_2705 = arith.remsi %mul3A_1674, %select_n3A_2704 : i32
      %ne3A_2706 = arith.constant 0 : i32
      %ne3A_2707 = arith.cmpi ne, %rem3A_2705, %ne3A_2706 : i32
      %lt3A_2708 = arith.constant 0 : i32
      %lt3A_2709 = arith.cmpi slt, %rem3A_2705, %lt3A_2708 : i32
      %lt3A_2710 = arith.constant 0 : i32
      %lt3A_2711 = arith.cmpi slt, %select_n3A_2704, %lt3A_2710 : i32
      %ne3A_2712 = arith.xori %lt3A_2709, %lt3A_2711 : i1
      %and3A_2713 = arith.andi %ne3A_2712, %ne3A_2707 : i1
      %add3A_2714 = arith.addi %rem3A_2705, %select_n3A_2704 : i32
      %select_n3A_2715 = arith.select %and3A_2713, %add3A_2714, %rem3A_2705 : i32
      %get3A_2716 = arith.index_cast %add3A_2699 : i32 to index
      %get3A_2717 = arith.index_cast %select_n3A_2715 : i32 to index
      %get3A_2718 = memref.load %arg1[%get3A_2716, %get3A_2717] : memref<64x8xi32, #tpu.memory_space<smem>>
      %jit3A_2719 = arith.constant 128 : i32
      %div3A_2720 = arith.divsi %get3A_2718, %jit3A_2719 : i32
      %sign3A_2721 = arith.constant 0 : i32
      %sign3A_2722 = arith.cmpi sgt, %get3A_2718, %sign3A_2721 : i32
      %sign3A_2723 = arith.extui %sign3A_2722 : i1 to i32
      %sign3A_2724 = arith.constant 0 : i32
      %sign3A_2725 = arith.cmpi slt, %get3A_2718, %sign3A_2724 : i32
      %sign3A_2726 = arith.extui %sign3A_2725 : i1 to i32
      %sign3A_2727 = arith.subi %sign3A_2723, %sign3A_2726 : i32
      %sign3A_2728 = arith.constant 0 : i32
      %sign3A_2729 = arith.cmpi sgt, %jit3A_2719, %sign3A_2728 : i32
      %sign3A_2730 = arith.extui %sign3A_2729 : i1 to i32
      %sign3A_2731 = arith.constant 0 : i32
      %sign3A_2732 = arith.cmpi slt, %jit3A_2719, %sign3A_2731 : i32
      %sign3A_2733 = arith.extui %sign3A_2732 : i1 to i32
      %sign3A_2734 = arith.subi %sign3A_2730, %sign3A_2733 : i32
      %ne3A_2735 = arith.cmpi ne, %sign3A_2727, %sign3A_2734 : i32
      %rem3A_2736 = arith.remsi %get3A_2718, %jit3A_2719 : i32
      %ne3A_2737 = arith.constant 0 : i32
      %ne3A_2738 = arith.cmpi ne, %rem3A_2736, %ne3A_2737 : i32
      %and3A_2739 = arith.andi %ne3A_2735, %ne3A_2738 : i1
      %sub3A_2740 = arith.constant 1 : i32
      %sub3A_2741 = arith.subi %div3A_2720, %sub3A_2740 : i32
      %select_n3A_2742 = arith.select %and3A_2739, %sub3A_2741, %div3A_2720 : i32
      %min3A_2743 = arith.constant 780 : i32
      %min3A_2744 = arith.minsi %select_n3A_2742, %min3A_2743 : i32
      %mul3A_2745 = arith.constant 128 : i32
      %mul3A_2746 = arith.muli %min3A_2744, %mul3A_2745 : i32
      %add3A_2747 = vector.broadcast %mul3A_2746 : i32 to vector<8x128xi32>
      %add3A_2748 = arith.addi %add3A_2747, %iota3A : vector<8x128xi32>
      %broadcast_in_dim3A_2749 = arith.constant 0.000000e+00 : f32
      %broadcast_in_dim3A_2750 = vector.broadcast %broadcast_in_dim3A_2749 : f32 to vector<8x128xf32>
      %slice3A_2751 = vector.extract_strided_slice %get3A_1 {offsets = [56, 0], sizes = [8, 1], strides = [1, 1]} : vector<64x8xi32> to vector<8x1xi32>
      %eq3A_2752 = vector.broadcast %slice3A_2751 : vector<8x1xi32> to vector<8x128xi32>
      %eq3A_2753 = arith.cmpi eq, %eq3A_2752, %add3A_2748 : vector<8x128xi32>
      %slice3A_2754 = vector.extract_strided_slice %get3A_4 {offsets = [56, 0], sizes = [8, 1], strides = [1, 1]} : vector<64x8xf32> to vector<8x1xf32>
      %broadcast_in_dim3A_2755 = vector.shape_cast %slice3A_2754 : vector<8x1xf32> to vector<8x1xf32>
      %broadcast_in_dim3A_2756 = vector.broadcast %broadcast_in_dim3A_2755 : vector<8x1xf32> to vector<8x128xf32>
      %select_n3A_2757 = arith.select %eq3A_2753, %broadcast_in_dim3A_2756, %broadcast_in_dim3A_2750 : vector<8x128xi1>, vector<8x128xf32>
      %slice3A_2758 = vector.extract_strided_slice %get3A_1 {offsets = [56, 1], sizes = [8, 1], strides = [1, 1]} : vector<64x8xi32> to vector<8x1xi32>
      %eq3A_2759 = vector.broadcast %slice3A_2758 : vector<8x1xi32> to vector<8x128xi32>
      %eq3A_2760 = arith.cmpi eq, %eq3A_2759, %add3A_2748 : vector<8x128xi32>
      %slice3A_2761 = vector.extract_strided_slice %get3A_4 {offsets = [56, 1], sizes = [8, 1], strides = [1, 1]} : vector<64x8xf32> to vector<8x1xf32>
      %broadcast_in_dim3A_2762 = vector.shape_cast %slice3A_2761 : vector<8x1xf32> to vector<8x1xf32>
      %broadcast_in_dim3A_2763 = vector.broadcast %broadcast_in_dim3A_2762 : vector<8x1xf32> to vector<8x128xf32>
      %select_n3A_2764 = arith.select %eq3A_2760, %broadcast_in_dim3A_2763, %select_n3A_2757 : vector<8x128xi1>, vector<8x128xf32>
      %slice3A_2765 = vector.extract_strided_slice %get3A_1 {offsets = [56, 2], sizes = [8, 1], strides = [1, 1]} : vector<64x8xi32> to vector<8x1xi32>
      %eq3A_2766 = vector.broadcast %slice3A_2765 : vector<8x1xi32> to vector<8x128xi32>
      %eq3A_2767 = arith.cmpi eq, %eq3A_2766, %add3A_2748 : vector<8x128xi32>
      %slice3A_2768 = vector.extract_strided_slice %get3A_4 {offsets = [56, 2], sizes = [8, 1], strides = [1, 1]} : vector<64x8xf32> to vector<8x1xf32>
      %broadcast_in_dim3A_2769 = vector.shape_cast %slice3A_2768 : vector<8x1xf32> to vector<8x1xf32>
      %broadcast_in_dim3A_2770 = vector.broadcast %broadcast_in_dim3A_2769 : vector<8x1xf32> to vector<8x128xf32>
      %select_n3A_2771 = arith.select %eq3A_2767, %broadcast_in_dim3A_2770, %select_n3A_2764 : vector<8x128xi1>, vector<8x128xf32>
      %slice3A_2772 = vector.extract_strided_slice %get3A_1 {offsets = [56, 3], sizes = [8, 1], strides = [1, 1]} : vector<64x8xi32> to vector<8x1xi32>
      %eq3A_2773 = vector.broadcast %slice3A_2772 : vector<8x1xi32> to vector<8x128xi32>
      %eq3A_2774 = arith.cmpi eq, %eq3A_2773, %add3A_2748 : vector<8x128xi32>
      %slice3A_2775 = vector.extract_strided_slice %get3A_4 {offsets = [56, 3], sizes = [8, 1], strides = [1, 1]} : vector<64x8xf32> to vector<8x1xf32>
      %broadcast_in_dim3A_2776 = vector.shape_cast %slice3A_2775 : vector<8x1xf32> to vector<8x1xf32>
      %broadcast_in_dim3A_2777 = vector.broadcast %broadcast_in_dim3A_2776 : vector<8x1xf32> to vector<8x128xf32>
      %select_n3A_2778 = arith.select %eq3A_2774, %broadcast_in_dim3A_2777, %select_n3A_2771 : vector<8x128xi1>, vector<8x128xf32>
      %slice3A_2779 = vector.extract_strided_slice %get3A_1 {offsets = [56, 4], sizes = [8, 1], strides = [1, 1]} : vector<64x8xi32> to vector<8x1xi32>
      %eq3A_2780 = vector.broadcast %slice3A_2779 : vector<8x1xi32> to vector<8x128xi32>
      %eq3A_2781 = arith.cmpi eq, %eq3A_2780, %add3A_2748 : vector<8x128xi32>
      %slice3A_2782 = vector.extract_strided_slice %get3A_4 {offsets = [56, 4], sizes = [8, 1], strides = [1, 1]} : vector<64x8xf32> to vector<8x1xf32>
      %broadcast_in_dim3A_2783 = vector.shape_cast %slice3A_2782 : vector<8x1xf32> to vector<8x1xf32>
      %broadcast_in_dim3A_2784 = vector.broadcast %broadcast_in_dim3A_2783 : vector<8x1xf32> to vector<8x128xf32>
      %select_n3A_2785 = arith.select %eq3A_2781, %broadcast_in_dim3A_2784, %select_n3A_2778 : vector<8x128xi1>, vector<8x128xf32>
      %slice3A_2786 = vector.extract_strided_slice %get3A_1 {offsets = [56, 5], sizes = [8, 1], strides = [1, 1]} : vector<64x8xi32> to vector<8x1xi32>
      %eq3A_2787 = vector.broadcast %slice3A_2786 : vector<8x1xi32> to vector<8x128xi32>
      %eq3A_2788 = arith.cmpi eq, %eq3A_2787, %add3A_2748 : vector<8x128xi32>
      %slice3A_2789 = vector.extract_strided_slice %get3A_4 {offsets = [56, 5], sizes = [8, 1], strides = [1, 1]} : vector<64x8xf32> to vector<8x1xf32>
      %broadcast_in_dim3A_2790 = vector.shape_cast %slice3A_2789 : vector<8x1xf32> to vector<8x1xf32>
      %broadcast_in_dim3A_2791 = vector.broadcast %broadcast_in_dim3A_2790 : vector<8x1xf32> to vector<8x128xf32>
      %select_n3A_2792 = arith.select %eq3A_2788, %broadcast_in_dim3A_2791, %select_n3A_2785 : vector<8x128xi1>, vector<8x128xf32>
      %slice3A_2793 = vector.extract_strided_slice %get3A_1 {offsets = [56, 6], sizes = [8, 1], strides = [1, 1]} : vector<64x8xi32> to vector<8x1xi32>
      %eq3A_2794 = vector.broadcast %slice3A_2793 : vector<8x1xi32> to vector<8x128xi32>
      %eq3A_2795 = arith.cmpi eq, %eq3A_2794, %add3A_2748 : vector<8x128xi32>
      %slice3A_2796 = vector.extract_strided_slice %get3A_4 {offsets = [56, 6], sizes = [8, 1], strides = [1, 1]} : vector<64x8xf32> to vector<8x1xf32>
      %broadcast_in_dim3A_2797 = vector.shape_cast %slice3A_2796 : vector<8x1xf32> to vector<8x1xf32>
      %broadcast_in_dim3A_2798 = vector.broadcast %broadcast_in_dim3A_2797 : vector<8x1xf32> to vector<8x128xf32>
      %select_n3A_2799 = arith.select %eq3A_2795, %broadcast_in_dim3A_2798, %select_n3A_2792 : vector<8x128xi1>, vector<8x128xf32>
      %slice3A_2800 = vector.extract_strided_slice %get3A_1 {offsets = [56, 7], sizes = [8, 1], strides = [1, 1]} : vector<64x8xi32> to vector<8x1xi32>
      %eq3A_2801 = vector.broadcast %slice3A_2800 : vector<8x1xi32> to vector<8x128xi32>
      %eq3A_2802 = arith.cmpi eq, %eq3A_2801, %add3A_2748 : vector<8x128xi32>
      %slice3A_2803 = vector.extract_strided_slice %get3A_4 {offsets = [56, 7], sizes = [8, 1], strides = [1, 1]} : vector<64x8xf32> to vector<8x1xf32>
      %broadcast_in_dim3A_2804 = vector.shape_cast %slice3A_2803 : vector<8x1xf32> to vector<8x1xf32>
      %broadcast_in_dim3A_2805 = vector.broadcast %broadcast_in_dim3A_2804 : vector<8x1xf32> to vector<8x128xf32>
      %select_n3A_2806 = arith.select %eq3A_2802, %broadcast_in_dim3A_2805, %select_n3A_2799 : vector<8x128xi1>, vector<8x128xf32>
      %swap3A_2807 = arith.constant 56 : index
      %swap3A_2808 = arith.constant 0 : index
      %swap3A_2809 = vector.load %arg6[%swap3A_2807, %swap3A_2808] : memref<64x128xf32, #tpu.memory_space<vmem>>, vector<8x128xf32>
      tpu.vector_store %arg6[%swap3A_2807, %swap3A_2808], %select_n3A_2806 {strides = array<i32>} : memref<64x128xf32, #tpu.memory_space<vmem>>, vector<8x128xf32>,
      %dma_start3A_2810 = arith.constant 0 : i32
      %dma_start3A_2811 = tpu.memref_slice %arg5[%dma_start3A_2810, %mul3A_1794] : memref<64x100000xf32, #tpu.memory_space<any>> -> memref<8x128xf32, #tpu.memory_space<any>>
      %dma_start3A_2812 = arith.constant 0 : i32
      %dma_start3A_2813 = arith.constant 0 : i32
      %dma_start3A_2814 = tpu.memref_slice %arg6[%dma_start3A_2812, %dma_start3A_2813] : memref<64x128xf32, #tpu.memory_space<vmem>> -> memref<8x128xf32, #tpu.memory_space<vmem>>
      tpu.enqueue_dma source(%dma_start3A_2814 : memref<8x128xf32, #tpu.memory_space<vmem>>) target(%dma_start3A_2811 : memref<8x128xf32, #tpu.memory_space<any>>) target_semaphore(%arg8 : memref<!tpu.dma_semaphore, #tpu.memory_space<semaphore_mem>>)
      %dma_start3A_2815 = arith.constant 8 : i32
      %dma_start3A_2816 = tpu.memref_slice %arg5[%dma_start3A_2815, %mul3A_1930] : memref<64x100000xf32, #tpu.memory_space<any>> -> memref<8x128xf32, #tpu.memory_space<any>>
      %dma_start3A_2817 = arith.constant 8 : i32
      %dma_start3A_2818 = arith.constant 0 : i32
      %dma_start3A_2819 = tpu.memref_slice %arg6[%dma_start3A_2817, %dma_start3A_2818] : memref<64x128xf32, #tpu.memory_space<vmem>> -> memref<8x128xf32, #tpu.memory_space<vmem>>
      tpu.enqueue_dma source(%dma_start3A_2819 : memref<8x128xf32, #tpu.memory_space<vmem>>) target(%dma_start3A_2816 : memref<8x128xf32, #tpu.memory_space<any>>) target_semaphore(%arg8 : memref<!tpu.dma_semaphore, #tpu.memory_space<semaphore_mem>>)
      %dma_start3A_2820 = arith.constant 16 : i32
      %dma_start3A_2821 = tpu.memref_slice %arg5[%dma_start3A_2820, %mul3A_2066] : memref<64x100000xf32, #tpu.memory_space<any>> -> memref<8x128xf32, #tpu.memory_space<any>>
      %dma_start3A_2822 = arith.constant 16 : i32
      %dma_start3A_2823 = arith.constant 0 : i32
      %dma_start3A_2824 = tpu.memref_slice %arg6[%dma_start3A_2822, %dma_start3A_2823] : memref<64x128xf32, #tpu.memory_space<vmem>> -> memref<8x128xf32, #tpu.memory_space<vmem>>
      tpu.enqueue_dma source(%dma_start3A_2824 : memref<8x128xf32, #tpu.memory_space<vmem>>) target(%dma_start3A_2821 : memref<8x128xf32, #tpu.memory_space<any>>) target_semaphore(%arg8 : memref<!tpu.dma_semaphore, #tpu.memory_space<semaphore_mem>>)
      %dma_start3A_2825 = arith.constant 24 : i32
      %dma_start3A_2826 = tpu.memref_slice %arg5[%dma_start3A_2825, %mul3A_2202] : memref<64x100000xf32, #tpu.memory_space<any>> -> memref<8x128xf32, #tpu.memory_space<any>>
      %dma_start3A_2827 = arith.constant 24 : i32
      %dma_start3A_2828 = arith.constant 0 : i32
      %dma_start3A_2829 = tpu.memref_slice %arg6[%dma_start3A_2827, %dma_start3A_2828] : memref<64x128xf32, #tpu.memory_space<vmem>> -> memref<8x128xf32, #tpu.memory_space<vmem>>
      tpu.enqueue_dma source(%dma_start3A_2829 : memref<8x128xf32, #tpu.memory_space<vmem>>) target(%dma_start3A_2826 : memref<8x128xf32, #tpu.memory_space<any>>) target_semaphore(%arg8 : memref<!tpu.dma_semaphore, #tpu.memory_space<semaphore_mem>>)
      %dma_start3A_2830 = arith.constant 32 : i32
      %dma_start3A_2831 = tpu.memref_slice %arg5[%dma_start3A_2830, %mul3A_2338] : memref<64x100000xf32, #tpu.memory_space<any>> -> memref<8x128xf32, #tpu.memory_space<any>>
      %dma_start3A_2832 = arith.constant 32 : i32
      %dma_start3A_2833 = arith.constant 0 : i32
      %dma_start3A_2834 = tpu.memref_slice %arg6[%dma_start3A_2832, %dma_start3A_2833] : memref<64x128xf32, #tpu.memory_space<vmem>> -> memref<8x128xf32, #tpu.memory_space<vmem>>
      tpu.enqueue_dma source(%dma_start3A_2834 : memref<8x128xf32, #tpu.memory_space<vmem>>) target(%dma_start3A_2831 : memref<8x128xf32, #tpu.memory_space<any>>) target_semaphore(%arg8 : memref<!tpu.dma_semaphore, #tpu.memory_space<semaphore_mem>>)
      %dma_start3A_2835 = arith.constant 40 : i32
      %dma_start3A_2836 = tpu.memref_slice %arg5[%dma_start3A_2835, %mul3A_2474] : memref<64x100000xf32, #tpu.memory_space<any>> -> memref<8x128xf32, #tpu.memory_space<any>>
      %dma_start3A_2837 = arith.constant 40 : i32
      %dma_start3A_2838 = arith.constant 0 : i32
      %dma_start3A_2839 = tpu.memref_slice %arg6[%dma_start3A_2837, %dma_start3A_2838] : memref<64x128xf32, #tpu.memory_space<vmem>> -> memref<8x128xf32, #tpu.memory_space<vmem>>
      tpu.enqueue_dma source(%dma_start3A_2839 : memref<8x128xf32, #tpu.memory_space<vmem>>) target(%dma_start3A_2836 : memref<8x128xf32, #tpu.memory_space<any>>) target_semaphore(%arg8 : memref<!tpu.dma_semaphore, #tpu.memory_space<semaphore_mem>>)
      %dma_start3A_2840 = arith.constant 48 : i32
      %dma_start3A_2841 = tpu.memref_slice %arg5[%dma_start3A_2840, %mul3A_2610] : memref<64x100000xf32, #tpu.memory_space<any>> -> memref<8x128xf32, #tpu.memory_space<any>>
      %dma_start3A_2842 = arith.constant 48 : i32
      %dma_start3A_2843 = arith.constant 0 : i32
      %dma_start3A_2844 = tpu.memref_slice %arg6[%dma_start3A_2842, %dma_start3A_2843] : memref<64x128xf32, #tpu.memory_space<vmem>> -> memref<8x128xf32, #tpu.memory_space<vmem>>
      tpu.enqueue_dma source(%dma_start3A_2844 : memref<8x128xf32, #tpu.memory_space<vmem>>) target(%dma_start3A_2841 : memref<8x128xf32, #tpu.memory_space<any>>) target_semaphore(%arg8 : memref<!tpu.dma_semaphore, #tpu.memory_space<semaphore_mem>>)
      %dma_start3A_2845 = arith.constant 56 : i32
      %dma_start3A_2846 = tpu.memref_slice %arg5[%dma_start3A_2845, %mul3A_2746] : memref<64x100000xf32, #tpu.memory_space<any>> -> memref<8x128xf32, #tpu.memory_space<any>>
      %dma_start3A_2847 = arith.constant 56 : i32
      %dma_start3A_2848 = arith.constant 0 : i32
      %dma_start3A_2849 = tpu.memref_slice %arg6[%dma_start3A_2847, %dma_start3A_2848] : memref<64x128xf32, #tpu.memory_space<vmem>> -> memref<8x128xf32, #tpu.memory_space<vmem>>
      tpu.enqueue_dma source(%dma_start3A_2849 : memref<8x128xf32, #tpu.memory_space<vmem>>) target(%dma_start3A_2846 : memref<8x128xf32, #tpu.memory_space<any>>) target_semaphore(%arg8 : memref<!tpu.dma_semaphore, #tpu.memory_space<semaphore_mem>>)
      %mul3A_2850 = arith.constant 2 : i32
      %mul3A_2851 = arith.muli %mul3A_2850, %scan3A_1672 : i32
      %add3A_2852 = arith.constant 1 : i32
      %add3A_2853 = arith.addi %mul3A_2851, %add3A_2852 : i32
      %dma_wait3A_2854 = arith.constant 0 : i32
      %dma_wait3A_2855 = arith.constant 0 : i32
      %dma_wait3A_2856 = tpu.memref_slice %arg5[%dma_wait3A_2854, %dma_wait3A_2855] : memref<64x100000xf32, #tpu.memory_space<any>> -> memref<8x128xf32, #tpu.memory_space<any>>
      %dma_wait3A_2857 = arith.constant 0 : i32
      %dma_wait3A_2858 = arith.constant 0 : i32
      %dma_wait3A_2859 = tpu.memref_slice %arg7[%dma_wait3A_2857, %dma_wait3A_2858] : memref<64x128xf32, #tpu.memory_space<vmem>> -> memref<8x128xf32, #tpu.memory_space<vmem>>
      tpu.wait_dma2 semaphore(%arg9 : memref<!tpu.dma_semaphore, #tpu.memory_space<semaphore_mem>>) src(%dma_wait3A_2859 : memref<8x128xf32, #tpu.memory_space<vmem>>) dst(%dma_wait3A_2856 : memref<8x128xf32, #tpu.memory_space<any>>)
      %dma_wait3A_2860 = arith.constant 8 : i32
      %dma_wait3A_2861 = arith.constant 0 : i32
      %dma_wait3A_2862 = tpu.memref_slice %arg5[%dma_wait3A_2860, %dma_wait3A_2861] : memref<64x100000xf32, #tpu.memory_space<any>> -> memref<8x128xf32, #tpu.memory_space<any>>
      %dma_wait3A_2863 = arith.constant 8 : i32
      %dma_wait3A_2864 = arith.constant 0 : i32
      %dma_wait3A_2865 = tpu.memref_slice %arg7[%dma_wait3A_2863, %dma_wait3A_2864] : memref<64x128xf32, #tpu.memory_space<vmem>> -> memref<8x128xf32, #tpu.memory_space<vmem>>
      tpu.wait_dma2 semaphore(%arg9 : memref<!tpu.dma_semaphore, #tpu.memory_space<semaphore_mem>>) src(%dma_wait3A_2865 : memref<8x128xf32, #tpu.memory_space<vmem>>) dst(%dma_wait3A_2862 : memref<8x128xf32, #tpu.memory_space<any>>)
      %dma_wait3A_2866 = arith.constant 16 : i32
      %dma_wait3A_2867 = arith.constant 0 : i32
      %dma_wait3A_2868 = tpu.memref_slice %arg5[%dma_wait3A_2866, %dma_wait3A_2867] : memref<64x100000xf32, #tpu.memory_space<any>> -> memref<8x128xf32, #tpu.memory_space<any>>
      %dma_wait3A_2869 = arith.constant 16 : i32
      %dma_wait3A_2870 = arith.constant 0 : i32
      %dma_wait3A_2871 = tpu.memref_slice %arg7[%dma_wait3A_2869, %dma_wait3A_2870] : memref<64x128xf32, #tpu.memory_space<vmem>> -> memref<8x128xf32, #tpu.memory_space<vmem>>
      tpu.wait_dma2 semaphore(%arg9 : memref<!tpu.dma_semaphore, #tpu.memory_space<semaphore_mem>>) src(%dma_wait3A_2871 : memref<8x128xf32, #tpu.memory_space<vmem>>) dst(%dma_wait3A_2868 : memref<8x128xf32, #tpu.memory_space<any>>)
      %dma_wait3A_2872 = arith.constant 24 : i32
      %dma_wait3A_2873 = arith.constant 0 : i32
      %dma_wait3A_2874 = tpu.memref_slice %arg5[%dma_wait3A_2872, %dma_wait3A_2873] : memref<64x100000xf32, #tpu.memory_space<any>> -> memref<8x128xf32, #tpu.memory_space<any>>
      %dma_wait3A_2875 = arith.constant 24 : i32
      %dma_wait3A_2876 = arith.constant 0 : i32
      %dma_wait3A_2877 = tpu.memref_slice %arg7[%dma_wait3A_2875, %dma_wait3A_2876] : memref<64x128xf32, #tpu.memory_space<vmem>> -> memref<8x128xf32, #tpu.memory_space<vmem>>
      tpu.wait_dma2 semaphore(%arg9 : memref<!tpu.dma_semaphore, #tpu.memory_space<semaphore_mem>>) src(%dma_wait3A_2877 : memref<8x128xf32, #tpu.memory_space<vmem>>) dst(%dma_wait3A_2874 : memref<8x128xf32, #tpu.memory_space<any>>)
      %dma_wait3A_2878 = arith.constant 32 : i32
      %dma_wait3A_2879 = arith.constant 0 : i32
      %dma_wait3A_2880 = tpu.memref_slice %arg5[%dma_wait3A_2878, %dma_wait3A_2879] : memref<64x100000xf32, #tpu.memory_space<any>> -> memref<8x128xf32, #tpu.memory_space<any>>
      %dma_wait3A_2881 = arith.constant 32 : i32
      %dma_wait3A_2882 = arith.constant 0 : i32
      %dma_wait3A_2883 = tpu.memref_slice %arg7[%dma_wait3A_2881, %dma_wait3A_2882] : memref<64x128xf32, #tpu.memory_space<vmem>> -> memref<8x128xf32, #tpu.memory_space<vmem>>
      tpu.wait_dma2 semaphore(%arg9 : memref<!tpu.dma_semaphore, #tpu.memory_space<semaphore_mem>>) src(%dma_wait3A_2883 : memref<8x128xf32, #tpu.memory_space<vmem>>) dst(%dma_wait3A_2880 : memref<8x128xf32, #tpu.memory_space<any>>)
      %dma_wait3A_2884 = arith.constant 40 : i32
      %dma_wait3A_2885 = arith.constant 0 : i32
      %dma_wait3A_2886 = tpu.memref_slice %arg5[%dma_wait3A_2884, %dma_wait3A_2885] : memref<64x100000xf32, #tpu.memory_space<any>> -> memref<8x128xf32, #tpu.memory_space<any>>
      %dma_wait3A_2887 = arith.constant 40 : i32
      %dma_wait3A_2888 = arith.constant 0 : i32
      %dma_wait3A_2889 = tpu.memref_slice %arg7[%dma_wait3A_2887, %dma_wait3A_2888] : memref<64x128xf32, #tpu.memory_space<vmem>> -> memref<8x128xf32, #tpu.memory_space<vmem>>
      tpu.wait_dma2 semaphore(%arg9 : memref<!tpu.dma_semaphore, #tpu.memory_space<semaphore_mem>>) src(%dma_wait3A_2889 : memref<8x128xf32, #tpu.memory_space<vmem>>) dst(%dma_wait3A_2886 : memref<8x128xf32, #tpu.memory_space<any>>)
      %dma_wait3A_2890 = arith.constant 48 : i32
      %dma_wait3A_2891 = arith.constant 0 : i32
      %dma_wait3A_2892 = tpu.memref_slice %arg5[%dma_wait3A_2890, %dma_wait3A_2891] : memref<64x100000xf32, #tpu.memory_space<any>> -> memref<8x128xf32, #tpu.memory_space<any>>
      %dma_wait3A_2893 = arith.constant 48 : i32
      %dma_wait3A_2894 = arith.constant 0 : i32
      %dma_wait3A_2895 = tpu.memref_slice %arg7[%dma_wait3A_2893, %dma_wait3A_2894] : memref<64x128xf32, #tpu.memory_space<vmem>> -> memref<8x128xf32, #tpu.memory_space<vmem>>
      tpu.wait_dma2 semaphore(%arg9 : memref<!tpu.dma_semaphore, #tpu.memory_space<semaphore_mem>>) src(%dma_wait3A_2895 : memref<8x128xf32, #tpu.memory_space<vmem>>) dst(%dma_wait3A_2892 : memref<8x128xf32, #tpu.memory_space<any>>)
      %dma_wait3A_2896 = arith.constant 56 : i32
      %dma_wait3A_2897 = arith.constant 0 : i32
      %dma_wait3A_2898 = tpu.memref_slice %arg5[%dma_wait3A_2896, %dma_wait3A_2897] : memref<64x100000xf32, #tpu.memory_space<any>> -> memref<8x128xf32, #tpu.memory_space<any>>
      %dma_wait3A_2899 = arith.constant 56 : i32
      %dma_wait3A_2900 = arith.constant 0 : i32
      %dma_wait3A_2901 = tpu.memref_slice %arg7[%dma_wait3A_2899, %dma_wait3A_2900] : memref<64x128xf32, #tpu.memory_space<vmem>> -> memref<8x128xf32, #tpu.memory_space<vmem>>
      tpu.wait_dma2 semaphore(%arg9 : memref<!tpu.dma_semaphore, #tpu.memory_space<semaphore_mem>>) src(%dma_wait3A_2901 : memref<8x128xf32, #tpu.memory_space<vmem>>) dst(%dma_wait3A_2898 : memref<8x128xf32, #tpu.memory_space<any>>)
      %jit3A_2902 = arith.constant 8 : i32
      %div3A_2903 = arith.divsi %add3A_2853, %jit3A_2902 : i32
      %sign3A_2904 = arith.constant 0 : i32
      %sign3A_2905 = arith.cmpi sgt, %add3A_2853, %sign3A_2904 : i32
      %sign3A_2906 = arith.extui %sign3A_2905 : i1 to i32
      %sign3A_2907 = arith.constant 0 : i32
      %sign3A_2908 = arith.cmpi slt, %add3A_2853, %sign3A_2907 : i32
      %sign3A_2909 = arith.extui %sign3A_2908 : i1 to i32
      %sign3A_2910 = arith.subi %sign3A_2906, %sign3A_2909 : i32
      %sign3A_2911 = arith.constant 0 : i32
      %sign3A_2912 = arith.cmpi sgt, %jit3A_2902, %sign3A_2911 : i32
      %sign3A_2913 = arith.extui %sign3A_2912 : i1 to i32
      %sign3A_2914 = arith.constant 0 : i32
      %sign3A_2915 = arith.cmpi slt, %jit3A_2902, %sign3A_2914 : i32
      %sign3A_2916 = arith.extui %sign3A_2915 : i1 to i32
      %sign3A_2917 = arith.subi %sign3A_2913, %sign3A_2916 : i32
      %ne3A_2918 = arith.cmpi ne, %sign3A_2910, %sign3A_2917 : i32
      %rem3A_2919 = arith.remsi %add3A_2853, %jit3A_2902 : i32
      %ne3A_2920 = arith.constant 0 : i32
      %ne3A_2921 = arith.cmpi ne, %rem3A_2919, %ne3A_2920 : i32
      %and3A_2922 = arith.andi %ne3A_2918, %ne3A_2921 : i1
      %sub3A_2923 = arith.constant 1 : i32
      %sub3A_2924 = arith.subi %div3A_2903, %sub3A_2923 : i32
      %select_n3A_2925 = arith.select %and3A_2922, %sub3A_2924, %div3A_2903 : i32
      %add3A_2926 = arith.constant 0 : i32
      %add3A_2927 = arith.addi %add3A_2926, %select_n3A_2925 : i32
      %jit3A_2928 = arith.constant 8 : i32
      %eq3A_2929 = arith.constant 0 : i32
      %eq3A_2930 = arith.cmpi eq, %jit3A_2928, %eq3A_2929 : i32
      %jit3A_2931 = arith.constant 1 : i32
      %select_n3A_2932 = arith.select %eq3A_2930, %jit3A_2931, %jit3A_2928 : i32
      %rem3A_2933 = arith.remsi %add3A_2853, %select_n3A_2932 : i32
      %ne3A_2934 = arith.constant 0 : i32
      %ne3A_2935 = arith.cmpi ne, %rem3A_2933, %ne3A_2934 : i32
      %lt3A_2936 = arith.constant 0 : i32
      %lt3A_2937 = arith.cmpi slt, %rem3A_2933, %lt3A_2936 : i32
      %lt3A_2938 = arith.constant 0 : i32
      %lt3A_2939 = arith.cmpi slt, %select_n3A_2932, %lt3A_2938 : i32
      %ne3A_2940 = arith.xori %lt3A_2937, %lt3A_2939 : i1
      %and3A_2941 = arith.andi %ne3A_2940, %ne3A_2935 : i1
      %add3A_2942 = arith.addi %rem3A_2933, %select_n3A_2932 : i32
      %select_n3A_2943 = arith.select %and3A_2941, %add3A_2942, %rem3A_2933 : i32
      %get3A_2944 = arith.index_cast %add3A_2927 : i32 to index
      %get3A_2945 = arith.index_cast %select_n3A_2943 : i32 to index
      %get3A_2946 = memref.load %arg1[%get3A_2944, %get3A_2945] : memref<64x8xi32, #tpu.memory_space<smem>>
      %jit3A_2947 = arith.constant 128 : i32
      %div3A_2948 = arith.divsi %get3A_2946, %jit3A_2947 : i32
      %sign3A_2949 = arith.constant 0 : i32
      %sign3A_2950 = arith.cmpi sgt, %get3A_2946, %sign3A_2949 : i32
      %sign3A_2951 = arith.extui %sign3A_2950 : i1 to i32
      %sign3A_2952 = arith.constant 0 : i32
      %sign3A_2953 = arith.cmpi slt, %get3A_2946, %sign3A_2952 : i32
      %sign3A_2954 = arith.extui %sign3A_2953 : i1 to i32
      %sign3A_2955 = arith.subi %sign3A_2951, %sign3A_2954 : i32
      %sign3A_2956 = arith.constant 0 : i32
      %sign3A_2957 = arith.cmpi sgt, %jit3A_2947, %sign3A_2956 : i32
      %sign3A_2958 = arith.extui %sign3A_2957 : i1 to i32
      %sign3A_2959 = arith.constant 0 : i32
      %sign3A_2960 = arith.cmpi slt, %jit3A_2947, %sign3A_2959 : i32
      %sign3A_2961 = arith.extui %sign3A_2960 : i1 to i32
      %sign3A_2962 = arith.subi %sign3A_2958, %sign3A_2961 : i32
      %ne3A_2963 = arith.cmpi ne, %sign3A_2955, %sign3A_2962 : i32
      %rem3A_2964 = arith.remsi %get3A_2946, %jit3A_2947 : i32
      %ne3A_2965 = arith.constant 0 : i32
      %ne3A_2966 = arith.cmpi ne, %rem3A_2964, %ne3A_2965 : i32
      %and3A_2967 = arith.andi %ne3A_2963, %ne3A_2966 : i1
      %sub3A_2968 = arith.constant 1 : i32
      %sub3A_2969 = arith.subi %div3A_2948, %sub3A_2968 : i32
      %select_n3A_2970 = arith.select %and3A_2967, %sub3A_2969, %div3A_2948 : i32
      %min3A_2971 = arith.constant 780 : i32
      %min3A_2972 = arith.minsi %select_n3A_2970, %min3A_2971 : i32
      %mul3A_2973 = arith.constant 128 : i32
      %mul3A_2974 = arith.muli %min3A_2972, %mul3A_2973 : i32
      %add3A_2975 = vector.broadcast %mul3A_2974 : i32 to vector<8x128xi32>
      %add3A_2976 = arith.addi %add3A_2975, %iota3A : vector<8x128xi32>
      %broadcast_in_dim3A_2977 = arith.constant 0.000000e+00 : f32
      %broadcast_in_dim3A_2978 = vector.broadcast %broadcast_in_dim3A_2977 : f32 to vector<8x128xf32>
      %slice3A_2979 = vector.extract_strided_slice %get3A_1 {offsets = [0, 0], sizes = [8, 1], strides = [1, 1]} : vector<64x8xi32> to vector<8x1xi32>
      %eq3A_2980 = vector.broadcast %slice3A_2979 : vector<8x1xi32> to vector<8x128xi32>
      %eq3A_2981 = arith.cmpi eq, %eq3A_2980, %add3A_2976 : vector<8x128xi32>
      %slice3A_2982 = vector.extract_strided_slice %get3A_4 {offsets = [0, 0], sizes = [8, 1], strides = [1, 1]} : vector<64x8xf32> to vector<8x1xf32>
      %broadcast_in_dim3A_2983 = vector.shape_cast %slice3A_2982 : vector<8x1xf32> to vector<8x1xf32>
      %broadcast_in_dim3A_2984 = vector.broadcast %broadcast_in_dim3A_2983 : vector<8x1xf32> to vector<8x128xf32>
      %select_n3A_2985 = arith.select %eq3A_2981, %broadcast_in_dim3A_2984, %broadcast_in_dim3A_2978 : vector<8x128xi1>, vector<8x128xf32>
      %slice3A_2986 = vector.extract_strided_slice %get3A_1 {offsets = [0, 1], sizes = [8, 1], strides = [1, 1]} : vector<64x8xi32> to vector<8x1xi32>
      %eq3A_2987 = vector.broadcast %slice3A_2986 : vector<8x1xi32> to vector<8x128xi32>
      %eq3A_2988 = arith.cmpi eq, %eq3A_2987, %add3A_2976 : vector<8x128xi32>
      %slice3A_2989 = vector.extract_strided_slice %get3A_4 {offsets = [0, 1], sizes = [8, 1], strides = [1, 1]} : vector<64x8xf32> to vector<8x1xf32>
      %broadcast_in_dim3A_2990 = vector.shape_cast %slice3A_2989 : vector<8x1xf32> to vector<8x1xf32>
      %broadcast_in_dim3A_2991 = vector.broadcast %broadcast_in_dim3A_2990 : vector<8x1xf32> to vector<8x128xf32>
      %select_n3A_2992 = arith.select %eq3A_2988, %broadcast_in_dim3A_2991, %select_n3A_2985 : vector<8x128xi1>, vector<8x128xf32>
      %slice3A_2993 = vector.extract_strided_slice %get3A_1 {offsets = [0, 2], sizes = [8, 1], strides = [1, 1]} : vector<64x8xi32> to vector<8x1xi32>
      %eq3A_2994 = vector.broadcast %slice3A_2993 : vector<8x1xi32> to vector<8x128xi32>
      %eq3A_2995 = arith.cmpi eq, %eq3A_2994, %add3A_2976 : vector<8x128xi32>
      %slice3A_2996 = vector.extract_strided_slice %get3A_4 {offsets = [0, 2], sizes = [8, 1], strides = [1, 1]} : vector<64x8xf32> to vector<8x1xf32>
      %broadcast_in_dim3A_2997 = vector.shape_cast %slice3A_2996 : vector<8x1xf32> to vector<8x1xf32>
      %broadcast_in_dim3A_2998 = vector.broadcast %broadcast_in_dim3A_2997 : vector<8x1xf32> to vector<8x128xf32>
      %select_n3A_2999 = arith.select %eq3A_2995, %broadcast_in_dim3A_2998, %select_n3A_2992 : vector<8x128xi1>, vector<8x128xf32>
      %slice3A_3000 = vector.extract_strided_slice %get3A_1 {offsets = [0, 3], sizes = [8, 1], strides = [1, 1]} : vector<64x8xi32> to vector<8x1xi32>
      %eq3A_3001 = vector.broadcast %slice3A_3000 : vector<8x1xi32> to vector<8x128xi32>
      %eq3A_3002 = arith.cmpi eq, %eq3A_3001, %add3A_2976 : vector<8x128xi32>
      %slice3A_3003 = vector.extract_strided_slice %get3A_4 {offsets = [0, 3], sizes = [8, 1], strides = [1, 1]} : vector<64x8xf32> to vector<8x1xf32>
      %broadcast_in_dim3A_3004 = vector.shape_cast %slice3A_3003 : vector<8x1xf32> to vector<8x1xf32>
      %broadcast_in_dim3A_3005 = vector.broadcast %broadcast_in_dim3A_3004 : vector<8x1xf32> to vector<8x128xf32>
      %select_n3A_3006 = arith.select %eq3A_3002, %broadcast_in_dim3A_3005, %select_n3A_2999 : vector<8x128xi1>, vector<8x128xf32>
      %slice3A_3007 = vector.extract_strided_slice %get3A_1 {offsets = [0, 4], sizes = [8, 1], strides = [1, 1]} : vector<64x8xi32> to vector<8x1xi32>
      %eq3A_3008 = vector.broadcast %slice3A_3007 : vector<8x1xi32> to vector<8x128xi32>
      %eq3A_3009 = arith.cmpi eq, %eq3A_3008, %add3A_2976 : vector<8x128xi32>
      %slice3A_3010 = vector.extract_strided_slice %get3A_4 {offsets = [0, 4], sizes = [8, 1], strides = [1, 1]} : vector<64x8xf32> to vector<8x1xf32>
      %broadcast_in_dim3A_3011 = vector.shape_cast %slice3A_3010 : vector<8x1xf32> to vector<8x1xf32>
      %broadcast_in_dim3A_3012 = vector.broadcast %broadcast_in_dim3A_3011 : vector<8x1xf32> to vector<8x128xf32>
      %select_n3A_3013 = arith.select %eq3A_3009, %broadcast_in_dim3A_3012, %select_n3A_3006 : vector<8x128xi1>, vector<8x128xf32>
      %slice3A_3014 = vector.extract_strided_slice %get3A_1 {offsets = [0, 5], sizes = [8, 1], strides = [1, 1]} : vector<64x8xi32> to vector<8x1xi32>
      %eq3A_3015 = vector.broadcast %slice3A_3014 : vector<8x1xi32> to vector<8x128xi32>
      %eq3A_3016 = arith.cmpi eq, %eq3A_3015, %add3A_2976 : vector<8x128xi32>
      %slice3A_3017 = vector.extract_strided_slice %get3A_4 {offsets = [0, 5], sizes = [8, 1], strides = [1, 1]} : vector<64x8xf32> to vector<8x1xf32>
      %broadcast_in_dim3A_3018 = vector.shape_cast %slice3A_3017 : vector<8x1xf32> to vector<8x1xf32>
      %broadcast_in_dim3A_3019 = vector.broadcast %broadcast_in_dim3A_3018 : vector<8x1xf32> to vector<8x128xf32>
      %select_n3A_3020 = arith.select %eq3A_3016, %broadcast_in_dim3A_3019, %select_n3A_3013 : vector<8x128xi1>, vector<8x128xf32>
      %slice3A_3021 = vector.extract_strided_slice %get3A_1 {offsets = [0, 6], sizes = [8, 1], strides = [1, 1]} : vector<64x8xi32> to vector<8x1xi32>
      %eq3A_3022 = vector.broadcast %slice3A_3021 : vector<8x1xi32> to vector<8x128xi32>
      %eq3A_3023 = arith.cmpi eq, %eq3A_3022, %add3A_2976 : vector<8x128xi32>
      %slice3A_3024 = vector.extract_strided_slice %get3A_4 {offsets = [0, 6], sizes = [8, 1], strides = [1, 1]} : vector<64x8xf32> to vector<8x1xf32>
      %broadcast_in_dim3A_3025 = vector.shape_cast %slice3A_3024 : vector<8x1xf32> to vector<8x1xf32>
      %broadcast_in_dim3A_3026 = vector.broadcast %broadcast_in_dim3A_3025 : vector<8x1xf32> to vector<8x128xf32>
      %select_n3A_3027 = arith.select %eq3A_3023, %broadcast_in_dim3A_3026, %select_n3A_3020 : vector<8x128xi1>, vector<8x128xf32>
      %slice3A_3028 = vector.extract_strided_slice %get3A_1 {offsets = [0, 7], sizes = [8, 1], strides = [1, 1]} : vector<64x8xi32> to vector<8x1xi32>
      %eq3A_3029 = vector.broadcast %slice3A_3028 : vector<8x1xi32> to vector<8x128xi32>
      %eq3A_3030 = arith.cmpi eq, %eq3A_3029, %add3A_2976 : vector<8x128xi32>
      %slice3A_3031 = vector.extract_strided_slice %get3A_4 {offsets = [0, 7], sizes = [8, 1], strides = [1, 1]} : vector<64x8xf32> to vector<8x1xf32>
      %broadcast_in_dim3A_3032 = vector.shape_cast %slice3A_3031 : vector<8x1xf32> to vector<8x1xf32>
      %broadcast_in_dim3A_3033 = vector.broadcast %broadcast_in_dim3A_3032 : vector<8x1xf32> to vector<8x128xf32>
      %select_n3A_3034 = arith.select %eq3A_3030, %broadcast_in_dim3A_3033, %select_n3A_3027 : vector<8x128xi1>, vector<8x128xf32>
      %swap3A_3035 = arith.constant 0 : index
      %swap3A_3036 = arith.constant 0 : index
      %swap3A_3037 = vector.load %arg7[%swap3A_3035, %swap3A_3036] : memref<64x128xf32, #tpu.memory_space<vmem>>, vector<8x128xf32>
      tpu.vector_store %arg7[%swap3A_3035, %swap3A_3036], %select_n3A_3034 {strides = array<i32>} : memref<64x128xf32, #tpu.memory_space<vmem>>, vector<8x128xf32>,
      %jit3A_3038 = arith.constant 8 : i32
      %div3A_3039 = arith.divsi %add3A_2853, %jit3A_3038 : i32
      %sign3A_3040 = arith.constant 0 : i32
      %sign3A_3041 = arith.cmpi sgt, %add3A_2853, %sign3A_3040 : i32
      %sign3A_3042 = arith.extui %sign3A_3041 : i1 to i32
      %sign3A_3043 = arith.constant 0 : i32
      %sign3A_3044 = arith.cmpi slt, %add3A_2853, %sign3A_3043 : i32
      %sign3A_3045 = arith.extui %sign3A_3044 : i1 to i32
      %sign3A_3046 = arith.subi %sign3A_3042, %sign3A_3045 : i32
      %sign3A_3047 = arith.constant 0 : i32
      %sign3A_3048 = arith.cmpi sgt, %jit3A_3038, %sign3A_3047 : i32
      %sign3A_3049 = arith.extui %sign3A_3048 : i1 to i32
      %sign3A_3050 = arith.constant 0 : i32
      %sign3A_3051 = arith.cmpi slt, %jit3A_3038, %sign3A_3050 : i32
      %sign3A_3052 = arith.extui %sign3A_3051 : i1 to i32
      %sign3A_3053 = arith.subi %sign3A_3049, %sign3A_3052 : i32
      %ne3A_3054 = arith.cmpi ne, %sign3A_3046, %sign3A_3053 : i32
      %rem3A_3055 = arith.remsi %add3A_2853, %jit3A_3038 : i32
      %ne3A_3056 = arith.constant 0 : i32
      %ne3A_3057 = arith.cmpi ne, %rem3A_3055, %ne3A_3056 : i32
      %and3A_3058 = arith.andi %ne3A_3054, %ne3A_3057 : i1
      %sub3A_3059 = arith.constant 1 : i32
      %sub3A_3060 = arith.subi %div3A_3039, %sub3A_3059 : i32
      %select_n3A_3061 = arith.select %and3A_3058, %sub3A_3060, %div3A_3039 : i32
      %add3A_3062 = arith.constant 8 : i32
      %add3A_3063 = arith.addi %add3A_3062, %select_n3A_3061 : i32
      %jit3A_3064 = arith.constant 8 : i32
      %eq3A_3065 = arith.constant 0 : i32
      %eq3A_3066 = arith.cmpi eq, %jit3A_3064, %eq3A_3065 : i32
      %jit3A_3067 = arith.constant 1 : i32
      %select_n3A_3068 = arith.select %eq3A_3066, %jit3A_3067, %jit3A_3064 : i32
      %rem3A_3069 = arith.remsi %add3A_2853, %select_n3A_3068 : i32
      %ne3A_3070 = arith.constant 0 : i32
      %ne3A_3071 = arith.cmpi ne, %rem3A_3069, %ne3A_3070 : i32
      %lt3A_3072 = arith.constant 0 : i32
      %lt3A_3073 = arith.cmpi slt, %rem3A_3069, %lt3A_3072 : i32
      %lt3A_3074 = arith.constant 0 : i32
      %lt3A_3075 = arith.cmpi slt, %select_n3A_3068, %lt3A_3074 : i32
      %ne3A_3076 = arith.xori %lt3A_3073, %lt3A_3075 : i1
      %and3A_3077 = arith.andi %ne3A_3076, %ne3A_3071 : i1
      %add3A_3078 = arith.addi %rem3A_3069, %select_n3A_3068 : i32
      %select_n3A_3079 = arith.select %and3A_3077, %add3A_3078, %rem3A_3069 : i32
      %get3A_3080 = arith.index_cast %add3A_3063 : i32 to index
      %get3A_3081 = arith.index_cast %select_n3A_3079 : i32 to index
      %get3A_3082 = memref.load %arg1[%get3A_3080, %get3A_3081] : memref<64x8xi32, #tpu.memory_space<smem>>
      %jit3A_3083 = arith.constant 128 : i32
      %div3A_3084 = arith.divsi %get3A_3082, %jit3A_3083 : i32
      %sign3A_3085 = arith.constant 0 : i32
      %sign3A_3086 = arith.cmpi sgt, %get3A_3082, %sign3A_3085 : i32
      %sign3A_3087 = arith.extui %sign3A_3086 : i1 to i32
      %sign3A_3088 = arith.constant 0 : i32
      %sign3A_3089 = arith.cmpi slt, %get3A_3082, %sign3A_3088 : i32
      %sign3A_3090 = arith.extui %sign3A_3089 : i1 to i32
      %sign3A_3091 = arith.subi %sign3A_3087, %sign3A_3090 : i32
      %sign3A_3092 = arith.constant 0 : i32
      %sign3A_3093 = arith.cmpi sgt, %jit3A_3083, %sign3A_3092 : i32
      %sign3A_3094 = arith.extui %sign3A_3093 : i1 to i32
      %sign3A_3095 = arith.constant 0 : i32
      %sign3A_3096 = arith.cmpi slt, %jit3A_3083, %sign3A_3095 : i32
      %sign3A_3097 = arith.extui %sign3A_3096 : i1 to i32
      %sign3A_3098 = arith.subi %sign3A_3094, %sign3A_3097 : i32
      %ne3A_3099 = arith.cmpi ne, %sign3A_3091, %sign3A_3098 : i32
      %rem3A_3100 = arith.remsi %get3A_3082, %jit3A_3083 : i32
      %ne3A_3101 = arith.constant 0 : i32
      %ne3A_3102 = arith.cmpi ne, %rem3A_3100, %ne3A_3101 : i32
      %and3A_3103 = arith.andi %ne3A_3099, %ne3A_3102 : i1
      %sub3A_3104 = arith.constant 1 : i32
      %sub3A_3105 = arith.subi %div3A_3084, %sub3A_3104 : i32
      %select_n3A_3106 = arith.select %and3A_3103, %sub3A_3105, %div3A_3084 : i32
      %min3A_3107 = arith.constant 780 : i32
      %min3A_3108 = arith.minsi %select_n3A_3106, %min3A_3107 : i32
      %mul3A_3109 = arith.constant 128 : i32
      %mul3A_3110 = arith.muli %min3A_3108, %mul3A_3109 : i32
      %add3A_3111 = vector.broadcast %mul3A_3110 : i32 to vector<8x128xi32>
      %add3A_3112 = arith.addi %add3A_3111, %iota3A : vector<8x128xi32>
      %broadcast_in_dim3A_3113 = arith.constant 0.000000e+00 : f32
      %broadcast_in_dim3A_3114 = vector.broadcast %broadcast_in_dim3A_3113 : f32 to vector<8x128xf32>
      %slice3A_3115 = vector.extract_strided_slice %get3A_1 {offsets = [8, 0], sizes = [8, 1], strides = [1, 1]} : vector<64x8xi32> to vector<8x1xi32>
      %eq3A_3116 = vector.broadcast %slice3A_3115 : vector<8x1xi32> to vector<8x128xi32>
      %eq3A_3117 = arith.cmpi eq, %eq3A_3116, %add3A_3112 : vector<8x128xi32>
      %slice3A_3118 = vector.extract_strided_slice %get3A_4 {offsets = [8, 0], sizes = [8, 1], strides = [1, 1]} : vector<64x8xf32> to vector<8x1xf32>
      %broadcast_in_dim3A_3119 = vector.shape_cast %slice3A_3118 : vector<8x1xf32> to vector<8x1xf32>
      %broadcast_in_dim3A_3120 = vector.broadcast %broadcast_in_dim3A_3119 : vector<8x1xf32> to vector<8x128xf32>
      %select_n3A_3121 = arith.select %eq3A_3117, %broadcast_in_dim3A_3120, %broadcast_in_dim3A_3114 : vector<8x128xi1>, vector<8x128xf32>
      %slice3A_3122 = vector.extract_strided_slice %get3A_1 {offsets = [8, 1], sizes = [8, 1], strides = [1, 1]} : vector<64x8xi32> to vector<8x1xi32>
      %eq3A_3123 = vector.broadcast %slice3A_3122 : vector<8x1xi32> to vector<8x128xi32>
      %eq3A_3124 = arith.cmpi eq, %eq3A_3123, %add3A_3112 : vector<8x128xi32>
      %slice3A_3125 = vector.extract_strided_slice %get3A_4 {offsets = [8, 1], sizes = [8, 1], strides = [1, 1]} : vector<64x8xf32> to vector<8x1xf32>
      %broadcast_in_dim3A_3126 = vector.shape_cast %slice3A_3125 : vector<8x1xf32> to vector<8x1xf32>
      %broadcast_in_dim3A_3127 = vector.broadcast %broadcast_in_dim3A_3126 : vector<8x1xf32> to vector<8x128xf32>
      %select_n3A_3128 = arith.select %eq3A_3124, %broadcast_in_dim3A_3127, %select_n3A_3121 : vector<8x128xi1>, vector<8x128xf32>
      %slice3A_3129 = vector.extract_strided_slice %get3A_1 {offsets = [8, 2], sizes = [8, 1], strides = [1, 1]} : vector<64x8xi32> to vector<8x1xi32>
      %eq3A_3130 = vector.broadcast %slice3A_3129 : vector<8x1xi32> to vector<8x128xi32>
      %eq3A_3131 = arith.cmpi eq, %eq3A_3130, %add3A_3112 : vector<8x128xi32>
      %slice3A_3132 = vector.extract_strided_slice %get3A_4 {offsets = [8, 2], sizes = [8, 1], strides = [1, 1]} : vector<64x8xf32> to vector<8x1xf32>
      %broadcast_in_dim3A_3133 = vector.shape_cast %slice3A_3132 : vector<8x1xf32> to vector<8x1xf32>
      %broadcast_in_dim3A_3134 = vector.broadcast %broadcast_in_dim3A_3133 : vector<8x1xf32> to vector<8x128xf32>
      %select_n3A_3135 = arith.select %eq3A_3131, %broadcast_in_dim3A_3134, %select_n3A_3128 : vector<8x128xi1>, vector<8x128xf32>
      %slice3A_3136 = vector.extract_strided_slice %get3A_1 {offsets = [8, 3], sizes = [8, 1], strides = [1, 1]} : vector<64x8xi32> to vector<8x1xi32>
      %eq3A_3137 = vector.broadcast %slice3A_3136 : vector<8x1xi32> to vector<8x128xi32>
      %eq3A_3138 = arith.cmpi eq, %eq3A_3137, %add3A_3112 : vector<8x128xi32>
      %slice3A_3139 = vector.extract_strided_slice %get3A_4 {offsets = [8, 3], sizes = [8, 1], strides = [1, 1]} : vector<64x8xf32> to vector<8x1xf32>
      %broadcast_in_dim3A_3140 = vector.shape_cast %slice3A_3139 : vector<8x1xf32> to vector<8x1xf32>
      %broadcast_in_dim3A_3141 = vector.broadcast %broadcast_in_dim3A_3140 : vector<8x1xf32> to vector<8x128xf32>
      %select_n3A_3142 = arith.select %eq3A_3138, %broadcast_in_dim3A_3141, %select_n3A_3135 : vector<8x128xi1>, vector<8x128xf32>
      %slice3A_3143 = vector.extract_strided_slice %get3A_1 {offsets = [8, 4], sizes = [8, 1], strides = [1, 1]} : vector<64x8xi32> to vector<8x1xi32>
      %eq3A_3144 = vector.broadcast %slice3A_3143 : vector<8x1xi32> to vector<8x128xi32>
      %eq3A_3145 = arith.cmpi eq, %eq3A_3144, %add3A_3112 : vector<8x128xi32>
      %slice3A_3146 = vector.extract_strided_slice %get3A_4 {offsets = [8, 4], sizes = [8, 1], strides = [1, 1]} : vector<64x8xf32> to vector<8x1xf32>
      %broadcast_in_dim3A_3147 = vector.shape_cast %slice3A_3146 : vector<8x1xf32> to vector<8x1xf32>
      %broadcast_in_dim3A_3148 = vector.broadcast %broadcast_in_dim3A_3147 : vector<8x1xf32> to vector<8x128xf32>
      %select_n3A_3149 = arith.select %eq3A_3145, %broadcast_in_dim3A_3148, %select_n3A_3142 : vector<8x128xi1>, vector<8x128xf32>
      %slice3A_3150 = vector.extract_strided_slice %get3A_1 {offsets = [8, 5], sizes = [8, 1], strides = [1, 1]} : vector<64x8xi32> to vector<8x1xi32>
      %eq3A_3151 = vector.broadcast %slice3A_3150 : vector<8x1xi32> to vector<8x128xi32>
      %eq3A_3152 = arith.cmpi eq, %eq3A_3151, %add3A_3112 : vector<8x128xi32>
      %slice3A_3153 = vector.extract_strided_slice %get3A_4 {offsets = [8, 5], sizes = [8, 1], strides = [1, 1]} : vector<64x8xf32> to vector<8x1xf32>
      %broadcast_in_dim3A_3154 = vector.shape_cast %slice3A_3153 : vector<8x1xf32> to vector<8x1xf32>
      %broadcast_in_dim3A_3155 = vector.broadcast %broadcast_in_dim3A_3154 : vector<8x1xf32> to vector<8x128xf32>
      %select_n3A_3156 = arith.select %eq3A_3152, %broadcast_in_dim3A_3155, %select_n3A_3149 : vector<8x128xi1>, vector<8x128xf32>
      %slice3A_3157 = vector.extract_strided_slice %get3A_1 {offsets = [8, 6], sizes = [8, 1], strides = [1, 1]} : vector<64x8xi32> to vector<8x1xi32>
      %eq3A_3158 = vector.broadcast %slice3A_3157 : vector<8x1xi32> to vector<8x128xi32>
      %eq3A_3159 = arith.cmpi eq, %eq3A_3158, %add3A_3112 : vector<8x128xi32>
      %slice3A_3160 = vector.extract_strided_slice %get3A_4 {offsets = [8, 6], sizes = [8, 1], strides = [1, 1]} : vector<64x8xf32> to vector<8x1xf32>
      %broadcast_in_dim3A_3161 = vector.shape_cast %slice3A_3160 : vector<8x1xf32> to vector<8x1xf32>
      %broadcast_in_dim3A_3162 = vector.broadcast %broadcast_in_dim3A_3161 : vector<8x1xf32> to vector<8x128xf32>
      %select_n3A_3163 = arith.select %eq3A_3159, %broadcast_in_dim3A_3162, %select_n3A_3156 : vector<8x128xi1>, vector<8x128xf32>
      %slice3A_3164 = vector.extract_strided_slice %get3A_1 {offsets = [8, 7], sizes = [8, 1], strides = [1, 1]} : vector<64x8xi32> to vector<8x1xi32>
      %eq3A_3165 = vector.broadcast %slice3A_3164 : vector<8x1xi32> to vector<8x128xi32>
      %eq3A_3166 = arith.cmpi eq, %eq3A_3165, %add3A_3112 : vector<8x128xi32>
      %slice3A_3167 = vector.extract_strided_slice %get3A_4 {offsets = [8, 7], sizes = [8, 1], strides = [1, 1]} : vector<64x8xf32> to vector<8x1xf32>
      %broadcast_in_dim3A_3168 = vector.shape_cast %slice3A_3167 : vector<8x1xf32> to vector<8x1xf32>
      %broadcast_in_dim3A_3169 = vector.broadcast %broadcast_in_dim3A_3168 : vector<8x1xf32> to vector<8x128xf32>
      %select_n3A_3170 = arith.select %eq3A_3166, %broadcast_in_dim3A_3169, %select_n3A_3163 : vector<8x128xi1>, vector<8x128xf32>
      %swap3A_3171 = arith.constant 8 : index
      %swap3A_3172 = arith.constant 0 : index
      %swap3A_3173 = vector.load %arg7[%swap3A_3171, %swap3A_3172] : memref<64x128xf32, #tpu.memory_space<vmem>>, vector<8x128xf32>
      tpu.vector_store %arg7[%swap3A_3171, %swap3A_3172], %select_n3A_3170 {strides = array<i32>} : memref<64x128xf32, #tpu.memory_space<vmem>>, vector<8x128xf32>,
      %jit3A_3174 = arith.constant 8 : i32
      %div3A_3175 = arith.divsi %add3A_2853, %jit3A_3174 : i32
      %sign3A_3176 = arith.constant 0 : i32
      %sign3A_3177 = arith.cmpi sgt, %add3A_2853, %sign3A_3176 : i32
      %sign3A_3178 = arith.extui %sign3A_3177 : i1 to i32
      %sign3A_3179 = arith.constant 0 : i32
      %sign3A_3180 = arith.cmpi slt, %add3A_2853, %sign3A_3179 : i32
      %sign3A_3181 = arith.extui %sign3A_3180 : i1 to i32
      %sign3A_3182 = arith.subi %sign3A_3178, %sign3A_3181 : i32
      %sign3A_3183 = arith.constant 0 : i32
      %sign3A_3184 = arith.cmpi sgt, %jit3A_3174, %sign3A_3183 : i32
      %sign3A_3185 = arith.extui %sign3A_3184 : i1 to i32
      %sign3A_3186 = arith.constant 0 : i32
      %sign3A_3187 = arith.cmpi slt, %jit3A_3174, %sign3A_3186 : i32
      %sign3A_3188 = arith.extui %sign3A_3187 : i1 to i32
      %sign3A_3189 = arith.subi %sign3A_3185, %sign3A_3188 : i32
      %ne3A_3190 = arith.cmpi ne, %sign3A_3182, %sign3A_3189 : i32
      %rem3A_3191 = arith.remsi %add3A_2853, %jit3A_3174 : i32
      %ne3A_3192 = arith.constant 0 : i32
      %ne3A_3193 = arith.cmpi ne, %rem3A_3191, %ne3A_3192 : i32
      %and3A_3194 = arith.andi %ne3A_3190, %ne3A_3193 : i1
      %sub3A_3195 = arith.constant 1 : i32
      %sub3A_3196 = arith.subi %div3A_3175, %sub3A_3195 : i32
      %select_n3A_3197 = arith.select %and3A_3194, %sub3A_3196, %div3A_3175 : i32
      %add3A_3198 = arith.constant 16 : i32
      %add3A_3199 = arith.addi %add3A_3198, %select_n3A_3197 : i32
      %jit3A_3200 = arith.constant 8 : i32
      %eq3A_3201 = arith.constant 0 : i32
      %eq3A_3202 = arith.cmpi eq, %jit3A_3200, %eq3A_3201 : i32
      %jit3A_3203 = arith.constant 1 : i32
      %select_n3A_3204 = arith.select %eq3A_3202, %jit3A_3203, %jit3A_3200 : i32
      %rem3A_3205 = arith.remsi %add3A_2853, %select_n3A_3204 : i32
      %ne3A_3206 = arith.constant 0 : i32
      %ne3A_3207 = arith.cmpi ne, %rem3A_3205, %ne3A_3206 : i32
      %lt3A_3208 = arith.constant 0 : i32
      %lt3A_3209 = arith.cmpi slt, %rem3A_3205, %lt3A_3208 : i32
      %lt3A_3210 = arith.constant 0 : i32
      %lt3A_3211 = arith.cmpi slt, %select_n3A_3204, %lt3A_3210 : i32
      %ne3A_3212 = arith.xori %lt3A_3209, %lt3A_3211 : i1
      %and3A_3213 = arith.andi %ne3A_3212, %ne3A_3207 : i1
      %add3A_3214 = arith.addi %rem3A_3205, %select_n3A_3204 : i32
      %select_n3A_3215 = arith.select %and3A_3213, %add3A_3214, %rem3A_3205 : i32
      %get3A_3216 = arith.index_cast %add3A_3199 : i32 to index
      %get3A_3217 = arith.index_cast %select_n3A_3215 : i32 to index
      %get3A_3218 = memref.load %arg1[%get3A_3216, %get3A_3217] : memref<64x8xi32, #tpu.memory_space<smem>>
      %jit3A_3219 = arith.constant 128 : i32
      %div3A_3220 = arith.divsi %get3A_3218, %jit3A_3219 : i32
      %sign3A_3221 = arith.constant 0 : i32
      %sign3A_3222 = arith.cmpi sgt, %get3A_3218, %sign3A_3221 : i32
      %sign3A_3223 = arith.extui %sign3A_3222 : i1 to i32
      %sign3A_3224 = arith.constant 0 : i32
      %sign3A_3225 = arith.cmpi slt, %get3A_3218, %sign3A_3224 : i32
      %sign3A_3226 = arith.extui %sign3A_3225 : i1 to i32
      %sign3A_3227 = arith.subi %sign3A_3223, %sign3A_3226 : i32
      %sign3A_3228 = arith.constant 0 : i32
      %sign3A_3229 = arith.cmpi sgt, %jit3A_3219, %sign3A_3228 : i32
      %sign3A_3230 = arith.extui %sign3A_3229 : i1 to i32
      %sign3A_3231 = arith.constant 0 : i32
      %sign3A_3232 = arith.cmpi slt, %jit3A_3219, %sign3A_3231 : i32
      %sign3A_3233 = arith.extui %sign3A_3232 : i1 to i32
      %sign3A_3234 = arith.subi %sign3A_3230, %sign3A_3233 : i32
      %ne3A_3235 = arith.cmpi ne, %sign3A_3227, %sign3A_3234 : i32
      %rem3A_3236 = arith.remsi %get3A_3218, %jit3A_3219 : i32
      %ne3A_3237 = arith.constant 0 : i32
      %ne3A_3238 = arith.cmpi ne, %rem3A_3236, %ne3A_3237 : i32
      %and3A_3239 = arith.andi %ne3A_3235, %ne3A_3238 : i1
      %sub3A_3240 = arith.constant 1 : i32
      %sub3A_3241 = arith.subi %div3A_3220, %sub3A_3240 : i32
      %select_n3A_3242 = arith.select %and3A_3239, %sub3A_3241, %div3A_3220 : i32
      %min3A_3243 = arith.constant 780 : i32
      %min3A_3244 = arith.minsi %select_n3A_3242, %min3A_3243 : i32
      %mul3A_3245 = arith.constant 128 : i32
      %mul3A_3246 = arith.muli %min3A_3244, %mul3A_3245 : i32
      %add3A_3247 = vector.broadcast %mul3A_3246 : i32 to vector<8x128xi32>
      %add3A_3248 = arith.addi %add3A_3247, %iota3A : vector<8x128xi32>
      %broadcast_in_dim3A_3249 = arith.constant 0.000000e+00 : f32
      %broadcast_in_dim3A_3250 = vector.broadcast %broadcast_in_dim3A_3249 : f32 to vector<8x128xf32>
      %slice3A_3251 = vector.extract_strided_slice %get3A_1 {offsets = [16, 0], sizes = [8, 1], strides = [1, 1]} : vector<64x8xi32> to vector<8x1xi32>
      %eq3A_3252 = vector.broadcast %slice3A_3251 : vector<8x1xi32> to vector<8x128xi32>
      %eq3A_3253 = arith.cmpi eq, %eq3A_3252, %add3A_3248 : vector<8x128xi32>
      %slice3A_3254 = vector.extract_strided_slice %get3A_4 {offsets = [16, 0], sizes = [8, 1], strides = [1, 1]} : vector<64x8xf32> to vector<8x1xf32>
      %broadcast_in_dim3A_3255 = vector.shape_cast %slice3A_3254 : vector<8x1xf32> to vector<8x1xf32>
      %broadcast_in_dim3A_3256 = vector.broadcast %broadcast_in_dim3A_3255 : vector<8x1xf32> to vector<8x128xf32>
      %select_n3A_3257 = arith.select %eq3A_3253, %broadcast_in_dim3A_3256, %broadcast_in_dim3A_3250 : vector<8x128xi1>, vector<8x128xf32>
      %slice3A_3258 = vector.extract_strided_slice %get3A_1 {offsets = [16, 1], sizes = [8, 1], strides = [1, 1]} : vector<64x8xi32> to vector<8x1xi32>
      %eq3A_3259 = vector.broadcast %slice3A_3258 : vector<8x1xi32> to vector<8x128xi32>
      %eq3A_3260 = arith.cmpi eq, %eq3A_3259, %add3A_3248 : vector<8x128xi32>
      %slice3A_3261 = vector.extract_strided_slice %get3A_4 {offsets = [16, 1], sizes = [8, 1], strides = [1, 1]} : vector<64x8xf32> to vector<8x1xf32>
      %broadcast_in_dim3A_3262 = vector.shape_cast %slice3A_3261 : vector<8x1xf32> to vector<8x1xf32>
      %broadcast_in_dim3A_3263 = vector.broadcast %broadcast_in_dim3A_3262 : vector<8x1xf32> to vector<8x128xf32>
      %select_n3A_3264 = arith.select %eq3A_3260, %broadcast_in_dim3A_3263, %select_n3A_3257 : vector<8x128xi1>, vector<8x128xf32>
      %slice3A_3265 = vector.extract_strided_slice %get3A_1 {offsets = [16, 2], sizes = [8, 1], strides = [1, 1]} : vector<64x8xi32> to vector<8x1xi32>
      %eq3A_3266 = vector.broadcast %slice3A_3265 : vector<8x1xi32> to vector<8x128xi32>
      %eq3A_3267 = arith.cmpi eq, %eq3A_3266, %add3A_3248 : vector<8x128xi32>
      %slice3A_3268 = vector.extract_strided_slice %get3A_4 {offsets = [16, 2], sizes = [8, 1], strides = [1, 1]} : vector<64x8xf32> to vector<8x1xf32>
      %broadcast_in_dim3A_3269 = vector.shape_cast %slice3A_3268 : vector<8x1xf32> to vector<8x1xf32>
      %broadcast_in_dim3A_3270 = vector.broadcast %broadcast_in_dim3A_3269 : vector<8x1xf32> to vector<8x128xf32>
      %select_n3A_3271 = arith.select %eq3A_3267, %broadcast_in_dim3A_3270, %select_n3A_3264 : vector<8x128xi1>, vector<8x128xf32>
      %slice3A_3272 = vector.extract_strided_slice %get3A_1 {offsets = [16, 3], sizes = [8, 1], strides = [1, 1]} : vector<64x8xi32> to vector<8x1xi32>
      %eq3A_3273 = vector.broadcast %slice3A_3272 : vector<8x1xi32> to vector<8x128xi32>
      %eq3A_3274 = arith.cmpi eq, %eq3A_3273, %add3A_3248 : vector<8x128xi32>
      %slice3A_3275 = vector.extract_strided_slice %get3A_4 {offsets = [16, 3], sizes = [8, 1], strides = [1, 1]} : vector<64x8xf32> to vector<8x1xf32>
      %broadcast_in_dim3A_3276 = vector.shape_cast %slice3A_3275 : vector<8x1xf32> to vector<8x1xf32>
      %broadcast_in_dim3A_3277 = vector.broadcast %broadcast_in_dim3A_3276 : vector<8x1xf32> to vector<8x128xf32>
      %select_n3A_3278 = arith.select %eq3A_3274, %broadcast_in_dim3A_3277, %select_n3A_3271 : vector<8x128xi1>, vector<8x128xf32>
      %slice3A_3279 = vector.extract_strided_slice %get3A_1 {offsets = [16, 4], sizes = [8, 1], strides = [1, 1]} : vector<64x8xi32> to vector<8x1xi32>
      %eq3A_3280 = vector.broadcast %slice3A_3279 : vector<8x1xi32> to vector<8x128xi32>
      %eq3A_3281 = arith.cmpi eq, %eq3A_3280, %add3A_3248 : vector<8x128xi32>
      %slice3A_3282 = vector.extract_strided_slice %get3A_4 {offsets = [16, 4], sizes = [8, 1], strides = [1, 1]} : vector<64x8xf32> to vector<8x1xf32>
      %broadcast_in_dim3A_3283 = vector.shape_cast %slice3A_3282 : vector<8x1xf32> to vector<8x1xf32>
      %broadcast_in_dim3A_3284 = vector.broadcast %broadcast_in_dim3A_3283 : vector<8x1xf32> to vector<8x128xf32>
      %select_n3A_3285 = arith.select %eq3A_3281, %broadcast_in_dim3A_3284, %select_n3A_3278 : vector<8x128xi1>, vector<8x128xf32>
      %slice3A_3286 = vector.extract_strided_slice %get3A_1 {offsets = [16, 5], sizes = [8, 1], strides = [1, 1]} : vector<64x8xi32> to vector<8x1xi32>
      %eq3A_3287 = vector.broadcast %slice3A_3286 : vector<8x1xi32> to vector<8x128xi32>
      %eq3A_3288 = arith.cmpi eq, %eq3A_3287, %add3A_3248 : vector<8x128xi32>
      %slice3A_3289 = vector.extract_strided_slice %get3A_4 {offsets = [16, 5], sizes = [8, 1], strides = [1, 1]} : vector<64x8xf32> to vector<8x1xf32>
      %broadcast_in_dim3A_3290 = vector.shape_cast %slice3A_3289 : vector<8x1xf32> to vector<8x1xf32>
      %broadcast_in_dim3A_3291 = vector.broadcast %broadcast_in_dim3A_3290 : vector<8x1xf32> to vector<8x128xf32>
      %select_n3A_3292 = arith.select %eq3A_3288, %broadcast_in_dim3A_3291, %select_n3A_3285 : vector<8x128xi1>, vector<8x128xf32>
      %slice3A_3293 = vector.extract_strided_slice %get3A_1 {offsets = [16, 6], sizes = [8, 1], strides = [1, 1]} : vector<64x8xi32> to vector<8x1xi32>
      %eq3A_3294 = vector.broadcast %slice3A_3293 : vector<8x1xi32> to vector<8x128xi32>
      %eq3A_3295 = arith.cmpi eq, %eq3A_3294, %add3A_3248 : vector<8x128xi32>
      %slice3A_3296 = vector.extract_strided_slice %get3A_4 {offsets = [16, 6], sizes = [8, 1], strides = [1, 1]} : vector<64x8xf32> to vector<8x1xf32>
      %broadcast_in_dim3A_3297 = vector.shape_cast %slice3A_3296 : vector<8x1xf32> to vector<8x1xf32>
      %broadcast_in_dim3A_3298 = vector.broadcast %broadcast_in_dim3A_3297 : vector<8x1xf32> to vector<8x128xf32>
      %select_n3A_3299 = arith.select %eq3A_3295, %broadcast_in_dim3A_3298, %select_n3A_3292 : vector<8x128xi1>, vector<8x128xf32>
      %slice3A_3300 = vector.extract_strided_slice %get3A_1 {offsets = [16, 7], sizes = [8, 1], strides = [1, 1]} : vector<64x8xi32> to vector<8x1xi32>
      %eq3A_3301 = vector.broadcast %slice3A_3300 : vector<8x1xi32> to vector<8x128xi32>
      %eq3A_3302 = arith.cmpi eq, %eq3A_3301, %add3A_3248 : vector<8x128xi32>
      %slice3A_3303 = vector.extract_strided_slice %get3A_4 {offsets = [16, 7], sizes = [8, 1], strides = [1, 1]} : vector<64x8xf32> to vector<8x1xf32>
      %broadcast_in_dim3A_3304 = vector.shape_cast %slice3A_3303 : vector<8x1xf32> to vector<8x1xf32>
      %broadcast_in_dim3A_3305 = vector.broadcast %broadcast_in_dim3A_3304 : vector<8x1xf32> to vector<8x128xf32>
      %select_n3A_3306 = arith.select %eq3A_3302, %broadcast_in_dim3A_3305, %select_n3A_3299 : vector<8x128xi1>, vector<8x128xf32>
      %swap3A_3307 = arith.constant 16 : index
      %swap3A_3308 = arith.constant 0 : index
      %swap3A_3309 = vector.load %arg7[%swap3A_3307, %swap3A_3308] : memref<64x128xf32, #tpu.memory_space<vmem>>, vector<8x128xf32>
      tpu.vector_store %arg7[%swap3A_3307, %swap3A_3308], %select_n3A_3306 {strides = array<i32>} : memref<64x128xf32, #tpu.memory_space<vmem>>, vector<8x128xf32>,
      %jit3A_3310 = arith.constant 8 : i32
      %div3A_3311 = arith.divsi %add3A_2853, %jit3A_3310 : i32
      %sign3A_3312 = arith.constant 0 : i32
      %sign3A_3313 = arith.cmpi sgt, %add3A_2853, %sign3A_3312 : i32
      %sign3A_3314 = arith.extui %sign3A_3313 : i1 to i32
      %sign3A_3315 = arith.constant 0 : i32
      %sign3A_3316 = arith.cmpi slt, %add3A_2853, %sign3A_3315 : i32
      %sign3A_3317 = arith.extui %sign3A_3316 : i1 to i32
      %sign3A_3318 = arith.subi %sign3A_3314, %sign3A_3317 : i32
      %sign3A_3319 = arith.constant 0 : i32
      %sign3A_3320 = arith.cmpi sgt, %jit3A_3310, %sign3A_3319 : i32
      %sign3A_3321 = arith.extui %sign3A_3320 : i1 to i32
      %sign3A_3322 = arith.constant 0 : i32
      %sign3A_3323 = arith.cmpi slt, %jit3A_3310, %sign3A_3322 : i32
      %sign3A_3324 = arith.extui %sign3A_3323 : i1 to i32
      %sign3A_3325 = arith.subi %sign3A_3321, %sign3A_3324 : i32
      %ne3A_3326 = arith.cmpi ne, %sign3A_3318, %sign3A_3325 : i32
      %rem3A_3327 = arith.remsi %add3A_2853, %jit3A_3310 : i32
      %ne3A_3328 = arith.constant 0 : i32
      %ne3A_3329 = arith.cmpi ne, %rem3A_3327, %ne3A_3328 : i32
      %and3A_3330 = arith.andi %ne3A_3326, %ne3A_3329 : i1
      %sub3A_3331 = arith.constant 1 : i32
      %sub3A_3332 = arith.subi %div3A_3311, %sub3A_3331 : i32
      %select_n3A_3333 = arith.select %and3A_3330, %sub3A_3332, %div3A_3311 : i32
      %add3A_3334 = arith.constant 24 : i32
      %add3A_3335 = arith.addi %add3A_3334, %select_n3A_3333 : i32
      %jit3A_3336 = arith.constant 8 : i32
      %eq3A_3337 = arith.constant 0 : i32
      %eq3A_3338 = arith.cmpi eq, %jit3A_3336, %eq3A_3337 : i32
      %jit3A_3339 = arith.constant 1 : i32
      %select_n3A_3340 = arith.select %eq3A_3338, %jit3A_3339, %jit3A_3336 : i32
      %rem3A_3341 = arith.remsi %add3A_2853, %select_n3A_3340 : i32
      %ne3A_3342 = arith.constant 0 : i32
      %ne3A_3343 = arith.cmpi ne, %rem3A_3341, %ne3A_3342 : i32
      %lt3A_3344 = arith.constant 0 : i32
      %lt3A_3345 = arith.cmpi slt, %rem3A_3341, %lt3A_3344 : i32
      %lt3A_3346 = arith.constant 0 : i32
      %lt3A_3347 = arith.cmpi slt, %select_n3A_3340, %lt3A_3346 : i32
      %ne3A_3348 = arith.xori %lt3A_3345, %lt3A_3347 : i1
      %and3A_3349 = arith.andi %ne3A_3348, %ne3A_3343 : i1
      %add3A_3350 = arith.addi %rem3A_3341, %select_n3A_3340 : i32
      %select_n3A_3351 = arith.select %and3A_3349, %add3A_3350, %rem3A_3341 : i32
      %get3A_3352 = arith.index_cast %add3A_3335 : i32 to index
      %get3A_3353 = arith.index_cast %select_n3A_3351 : i32 to index
      %get3A_3354 = memref.load %arg1[%get3A_3352, %get3A_3353] : memref<64x8xi32, #tpu.memory_space<smem>>
      %jit3A_3355 = arith.constant 128 : i32
      %div3A_3356 = arith.divsi %get3A_3354, %jit3A_3355 : i32
      %sign3A_3357 = arith.constant 0 : i32
      %sign3A_3358 = arith.cmpi sgt, %get3A_3354, %sign3A_3357 : i32
      %sign3A_3359 = arith.extui %sign3A_3358 : i1 to i32
      %sign3A_3360 = arith.constant 0 : i32
      %sign3A_3361 = arith.cmpi slt, %get3A_3354, %sign3A_3360 : i32
      %sign3A_3362 = arith.extui %sign3A_3361 : i1 to i32
      %sign3A_3363 = arith.subi %sign3A_3359, %sign3A_3362 : i32
      %sign3A_3364 = arith.constant 0 : i32
      %sign3A_3365 = arith.cmpi sgt, %jit3A_3355, %sign3A_3364 : i32
      %sign3A_3366 = arith.extui %sign3A_3365 : i1 to i32
      %sign3A_3367 = arith.constant 0 : i32
      %sign3A_3368 = arith.cmpi slt, %jit3A_3355, %sign3A_3367 : i32
      %sign3A_3369 = arith.extui %sign3A_3368 : i1 to i32
      %sign3A_3370 = arith.subi %sign3A_3366, %sign3A_3369 : i32
      %ne3A_3371 = arith.cmpi ne, %sign3A_3363, %sign3A_3370 : i32
      %rem3A_3372 = arith.remsi %get3A_3354, %jit3A_3355 : i32
      %ne3A_3373 = arith.constant 0 : i32
      %ne3A_3374 = arith.cmpi ne, %rem3A_3372, %ne3A_3373 : i32
      %and3A_3375 = arith.andi %ne3A_3371, %ne3A_3374 : i1
      %sub3A_3376 = arith.constant 1 : i32
      %sub3A_3377 = arith.subi %div3A_3356, %sub3A_3376 : i32
      %select_n3A_3378 = arith.select %and3A_3375, %sub3A_3377, %div3A_3356 : i32
      %min3A_3379 = arith.constant 780 : i32
      %min3A_3380 = arith.minsi %select_n3A_3378, %min3A_3379 : i32
      %mul3A_3381 = arith.constant 128 : i32
      %mul3A_3382 = arith.muli %min3A_3380, %mul3A_3381 : i32
      %add3A_3383 = vector.broadcast %mul3A_3382 : i32 to vector<8x128xi32>
      %add3A_3384 = arith.addi %add3A_3383, %iota3A : vector<8x128xi32>
      %broadcast_in_dim3A_3385 = arith.constant 0.000000e+00 : f32
      %broadcast_in_dim3A_3386 = vector.broadcast %broadcast_in_dim3A_3385 : f32 to vector<8x128xf32>
      %slice3A_3387 = vector.extract_strided_slice %get3A_1 {offsets = [24, 0], sizes = [8, 1], strides = [1, 1]} : vector<64x8xi32> to vector<8x1xi32>
      %eq3A_3388 = vector.broadcast %slice3A_3387 : vector<8x1xi32> to vector<8x128xi32>
      %eq3A_3389 = arith.cmpi eq, %eq3A_3388, %add3A_3384 : vector<8x128xi32>
      %slice3A_3390 = vector.extract_strided_slice %get3A_4 {offsets = [24, 0], sizes = [8, 1], strides = [1, 1]} : vector<64x8xf32> to vector<8x1xf32>
      %broadcast_in_dim3A_3391 = vector.shape_cast %slice3A_3390 : vector<8x1xf32> to vector<8x1xf32>
      %broadcast_in_dim3A_3392 = vector.broadcast %broadcast_in_dim3A_3391 : vector<8x1xf32> to vector<8x128xf32>
      %select_n3A_3393 = arith.select %eq3A_3389, %broadcast_in_dim3A_3392, %broadcast_in_dim3A_3386 : vector<8x128xi1>, vector<8x128xf32>
      %slice3A_3394 = vector.extract_strided_slice %get3A_1 {offsets = [24, 1], sizes = [8, 1], strides = [1, 1]} : vector<64x8xi32> to vector<8x1xi32>
      %eq3A_3395 = vector.broadcast %slice3A_3394 : vector<8x1xi32> to vector<8x128xi32>
      %eq3A_3396 = arith.cmpi eq, %eq3A_3395, %add3A_3384 : vector<8x128xi32>
      %slice3A_3397 = vector.extract_strided_slice %get3A_4 {offsets = [24, 1], sizes = [8, 1], strides = [1, 1]} : vector<64x8xf32> to vector<8x1xf32>
      %broadcast_in_dim3A_3398 = vector.shape_cast %slice3A_3397 : vector<8x1xf32> to vector<8x1xf32>
      %broadcast_in_dim3A_3399 = vector.broadcast %broadcast_in_dim3A_3398 : vector<8x1xf32> to vector<8x128xf32>
      %select_n3A_3400 = arith.select %eq3A_3396, %broadcast_in_dim3A_3399, %select_n3A_3393 : vector<8x128xi1>, vector<8x128xf32>
      %slice3A_3401 = vector.extract_strided_slice %get3A_1 {offsets = [24, 2], sizes = [8, 1], strides = [1, 1]} : vector<64x8xi32> to vector<8x1xi32>
      %eq3A_3402 = vector.broadcast %slice3A_3401 : vector<8x1xi32> to vector<8x128xi32>
      %eq3A_3403 = arith.cmpi eq, %eq3A_3402, %add3A_3384 : vector<8x128xi32>
      %slice3A_3404 = vector.extract_strided_slice %get3A_4 {offsets = [24, 2], sizes = [8, 1], strides = [1, 1]} : vector<64x8xf32> to vector<8x1xf32>
      %broadcast_in_dim3A_3405 = vector.shape_cast %slice3A_3404 : vector<8x1xf32> to vector<8x1xf32>
      %broadcast_in_dim3A_3406 = vector.broadcast %broadcast_in_dim3A_3405 : vector<8x1xf32> to vector<8x128xf32>
      %select_n3A_3407 = arith.select %eq3A_3403, %broadcast_in_dim3A_3406, %select_n3A_3400 : vector<8x128xi1>, vector<8x128xf32>
      %slice3A_3408 = vector.extract_strided_slice %get3A_1 {offsets = [24, 3], sizes = [8, 1], strides = [1, 1]} : vector<64x8xi32> to vector<8x1xi32>
      %eq3A_3409 = vector.broadcast %slice3A_3408 : vector<8x1xi32> to vector<8x128xi32>
      %eq3A_3410 = arith.cmpi eq, %eq3A_3409, %add3A_3384 : vector<8x128xi32>
      %slice3A_3411 = vector.extract_strided_slice %get3A_4 {offsets = [24, 3], sizes = [8, 1], strides = [1, 1]} : vector<64x8xf32> to vector<8x1xf32>
      %broadcast_in_dim3A_3412 = vector.shape_cast %slice3A_3411 : vector<8x1xf32> to vector<8x1xf32>
      %broadcast_in_dim3A_3413 = vector.broadcast %broadcast_in_dim3A_3412 : vector<8x1xf32> to vector<8x128xf32>
      %select_n3A_3414 = arith.select %eq3A_3410, %broadcast_in_dim3A_3413, %select_n3A_3407 : vector<8x128xi1>, vector<8x128xf32>
      %slice3A_3415 = vector.extract_strided_slice %get3A_1 {offsets = [24, 4], sizes = [8, 1], strides = [1, 1]} : vector<64x8xi32> to vector<8x1xi32>
      %eq3A_3416 = vector.broadcast %slice3A_3415 : vector<8x1xi32> to vector<8x128xi32>
      %eq3A_3417 = arith.cmpi eq, %eq3A_3416, %add3A_3384 : vector<8x128xi32>
      %slice3A_3418 = vector.extract_strided_slice %get3A_4 {offsets = [24, 4], sizes = [8, 1], strides = [1, 1]} : vector<64x8xf32> to vector<8x1xf32>
      %broadcast_in_dim3A_3419 = vector.shape_cast %slice3A_3418 : vector<8x1xf32> to vector<8x1xf32>
      %broadcast_in_dim3A_3420 = vector.broadcast %broadcast_in_dim3A_3419 : vector<8x1xf32> to vector<8x128xf32>
      %select_n3A_3421 = arith.select %eq3A_3417, %broadcast_in_dim3A_3420, %select_n3A_3414 : vector<8x128xi1>, vector<8x128xf32>
      %slice3A_3422 = vector.extract_strided_slice %get3A_1 {offsets = [24, 5], sizes = [8, 1], strides = [1, 1]} : vector<64x8xi32> to vector<8x1xi32>
      %eq3A_3423 = vector.broadcast %slice3A_3422 : vector<8x1xi32> to vector<8x128xi32>
      %eq3A_3424 = arith.cmpi eq, %eq3A_3423, %add3A_3384 : vector<8x128xi32>
      %slice3A_3425 = vector.extract_strided_slice %get3A_4 {offsets = [24, 5], sizes = [8, 1], strides = [1, 1]} : vector<64x8xf32> to vector<8x1xf32>
      %broadcast_in_dim3A_3426 = vector.shape_cast %slice3A_3425 : vector<8x1xf32> to vector<8x1xf32>
      %broadcast_in_dim3A_3427 = vector.broadcast %broadcast_in_dim3A_3426 : vector<8x1xf32> to vector<8x128xf32>
      %select_n3A_3428 = arith.select %eq3A_3424, %broadcast_in_dim3A_3427, %select_n3A_3421 : vector<8x128xi1>, vector<8x128xf32>
      %slice3A_3429 = vector.extract_strided_slice %get3A_1 {offsets = [24, 6], sizes = [8, 1], strides = [1, 1]} : vector<64x8xi32> to vector<8x1xi32>
      %eq3A_3430 = vector.broadcast %slice3A_3429 : vector<8x1xi32> to vector<8x128xi32>
      %eq3A_3431 = arith.cmpi eq, %eq3A_3430, %add3A_3384 : vector<8x128xi32>
      %slice3A_3432 = vector.extract_strided_slice %get3A_4 {offsets = [24, 6], sizes = [8, 1], strides = [1, 1]} : vector<64x8xf32> to vector<8x1xf32>
      %broadcast_in_dim3A_3433 = vector.shape_cast %slice3A_3432 : vector<8x1xf32> to vector<8x1xf32>
      %broadcast_in_dim3A_3434 = vector.broadcast %broadcast_in_dim3A_3433 : vector<8x1xf32> to vector<8x128xf32>
      %select_n3A_3435 = arith.select %eq3A_3431, %broadcast_in_dim3A_3434, %select_n3A_3428 : vector<8x128xi1>, vector<8x128xf32>
      %slice3A_3436 = vector.extract_strided_slice %get3A_1 {offsets = [24, 7], sizes = [8, 1], strides = [1, 1]} : vector<64x8xi32> to vector<8x1xi32>
      %eq3A_3437 = vector.broadcast %slice3A_3436 : vector<8x1xi32> to vector<8x128xi32>
      %eq3A_3438 = arith.cmpi eq, %eq3A_3437, %add3A_3384 : vector<8x128xi32>
      %slice3A_3439 = vector.extract_strided_slice %get3A_4 {offsets = [24, 7], sizes = [8, 1], strides = [1, 1]} : vector<64x8xf32> to vector<8x1xf32>
      %broadcast_in_dim3A_3440 = vector.shape_cast %slice3A_3439 : vector<8x1xf32> to vector<8x1xf32>
      %broadcast_in_dim3A_3441 = vector.broadcast %broadcast_in_dim3A_3440 : vector<8x1xf32> to vector<8x128xf32>
      %select_n3A_3442 = arith.select %eq3A_3438, %broadcast_in_dim3A_3441, %select_n3A_3435 : vector<8x128xi1>, vector<8x128xf32>
      %swap3A_3443 = arith.constant 24 : index
      %swap3A_3444 = arith.constant 0 : index
      %swap3A_3445 = vector.load %arg7[%swap3A_3443, %swap3A_3444] : memref<64x128xf32, #tpu.memory_space<vmem>>, vector<8x128xf32>
      tpu.vector_store %arg7[%swap3A_3443, %swap3A_3444], %select_n3A_3442 {strides = array<i32>} : memref<64x128xf32, #tpu.memory_space<vmem>>, vector<8x128xf32>,
      %jit3A_3446 = arith.constant 8 : i32
      %div3A_3447 = arith.divsi %add3A_2853, %jit3A_3446 : i32
      %sign3A_3448 = arith.constant 0 : i32
      %sign3A_3449 = arith.cmpi sgt, %add3A_2853, %sign3A_3448 : i32
      %sign3A_3450 = arith.extui %sign3A_3449 : i1 to i32
      %sign3A_3451 = arith.constant 0 : i32
      %sign3A_3452 = arith.cmpi slt, %add3A_2853, %sign3A_3451 : i32
      %sign3A_3453 = arith.extui %sign3A_3452 : i1 to i32
      %sign3A_3454 = arith.subi %sign3A_3450, %sign3A_3453 : i32
      %sign3A_3455 = arith.constant 0 : i32
      %sign3A_3456 = arith.cmpi sgt, %jit3A_3446, %sign3A_3455 : i32
      %sign3A_3457 = arith.extui %sign3A_3456 : i1 to i32
      %sign3A_3458 = arith.constant 0 : i32
      %sign3A_3459 = arith.cmpi slt, %jit3A_3446, %sign3A_3458 : i32
      %sign3A_3460 = arith.extui %sign3A_3459 : i1 to i32
      %sign3A_3461 = arith.subi %sign3A_3457, %sign3A_3460 : i32
      %ne3A_3462 = arith.cmpi ne, %sign3A_3454, %sign3A_3461 : i32
      %rem3A_3463 = arith.remsi %add3A_2853, %jit3A_3446 : i32
      %ne3A_3464 = arith.constant 0 : i32
      %ne3A_3465 = arith.cmpi ne, %rem3A_3463, %ne3A_3464 : i32
      %and3A_3466 = arith.andi %ne3A_3462, %ne3A_3465 : i1
      %sub3A_3467 = arith.constant 1 : i32
      %sub3A_3468 = arith.subi %div3A_3447, %sub3A_3467 : i32
      %select_n3A_3469 = arith.select %and3A_3466, %sub3A_3468, %div3A_3447 : i32
      %add3A_3470 = arith.constant 32 : i32
      %add3A_3471 = arith.addi %add3A_3470, %select_n3A_3469 : i32
      %jit3A_3472 = arith.constant 8 : i32
      %eq3A_3473 = arith.constant 0 : i32
      %eq3A_3474 = arith.cmpi eq, %jit3A_3472, %eq3A_3473 : i32
      %jit3A_3475 = arith.constant 1 : i32
      %select_n3A_3476 = arith.select %eq3A_3474, %jit3A_3475, %jit3A_3472 : i32
      %rem3A_3477 = arith.remsi %add3A_2853, %select_n3A_3476 : i32
      %ne3A_3478 = arith.constant 0 : i32
      %ne3A_3479 = arith.cmpi ne, %rem3A_3477, %ne3A_3478 : i32
      %lt3A_3480 = arith.constant 0 : i32
      %lt3A_3481 = arith.cmpi slt, %rem3A_3477, %lt3A_3480 : i32
      %lt3A_3482 = arith.constant 0 : i32
      %lt3A_3483 = arith.cmpi slt, %select_n3A_3476, %lt3A_3482 : i32
      %ne3A_3484 = arith.xori %lt3A_3481, %lt3A_3483 : i1
      %and3A_3485 = arith.andi %ne3A_3484, %ne3A_3479 : i1
      %add3A_3486 = arith.addi %rem3A_3477, %select_n3A_3476 : i32
      %select_n3A_3487 = arith.select %and3A_3485, %add3A_3486, %rem3A_3477 : i32
      %get3A_3488 = arith.index_cast %add3A_3471 : i32 to index
      %get3A_3489 = arith.index_cast %select_n3A_3487 : i32 to index
      %get3A_3490 = memref.load %arg1[%get3A_3488, %get3A_3489] : memref<64x8xi32, #tpu.memory_space<smem>>
      %jit3A_3491 = arith.constant 128 : i32
      %div3A_3492 = arith.divsi %get3A_3490, %jit3A_3491 : i32
      %sign3A_3493 = arith.constant 0 : i32
      %sign3A_3494 = arith.cmpi sgt, %get3A_3490, %sign3A_3493 : i32
      %sign3A_3495 = arith.extui %sign3A_3494 : i1 to i32
      %sign3A_3496 = arith.constant 0 : i32
      %sign3A_3497 = arith.cmpi slt, %get3A_3490, %sign3A_3496 : i32
      %sign3A_3498 = arith.extui %sign3A_3497 : i1 to i32
      %sign3A_3499 = arith.subi %sign3A_3495, %sign3A_3498 : i32
      %sign3A_3500 = arith.constant 0 : i32
      %sign3A_3501 = arith.cmpi sgt, %jit3A_3491, %sign3A_3500 : i32
      %sign3A_3502 = arith.extui %sign3A_3501 : i1 to i32
      %sign3A_3503 = arith.constant 0 : i32
      %sign3A_3504 = arith.cmpi slt, %jit3A_3491, %sign3A_3503 : i32
      %sign3A_3505 = arith.extui %sign3A_3504 : i1 to i32
      %sign3A_3506 = arith.subi %sign3A_3502, %sign3A_3505 : i32
      %ne3A_3507 = arith.cmpi ne, %sign3A_3499, %sign3A_3506 : i32
      %rem3A_3508 = arith.remsi %get3A_3490, %jit3A_3491 : i32
      %ne3A_3509 = arith.constant 0 : i32
      %ne3A_3510 = arith.cmpi ne, %rem3A_3508, %ne3A_3509 : i32
      %and3A_3511 = arith.andi %ne3A_3507, %ne3A_3510 : i1
      %sub3A_3512 = arith.constant 1 : i32
      %sub3A_3513 = arith.subi %div3A_3492, %sub3A_3512 : i32
      %select_n3A_3514 = arith.select %and3A_3511, %sub3A_3513, %div3A_3492 : i32
      %min3A_3515 = arith.constant 780 : i32
      %min3A_3516 = arith.minsi %select_n3A_3514, %min3A_3515 : i32
      %mul3A_3517 = arith.constant 128 : i32
      %mul3A_3518 = arith.muli %min3A_3516, %mul3A_3517 : i32
      %add3A_3519 = vector.broadcast %mul3A_3518 : i32 to vector<8x128xi32>
      %add3A_3520 = arith.addi %add3A_3519, %iota3A : vector<8x128xi32>
      %broadcast_in_dim3A_3521 = arith.constant 0.000000e+00 : f32
      %broadcast_in_dim3A_3522 = vector.broadcast %broadcast_in_dim3A_3521 : f32 to vector<8x128xf32>
      %slice3A_3523 = vector.extract_strided_slice %get3A_1 {offsets = [32, 0], sizes = [8, 1], strides = [1, 1]} : vector<64x8xi32> to vector<8x1xi32>
      %eq3A_3524 = vector.broadcast %slice3A_3523 : vector<8x1xi32> to vector<8x128xi32>
      %eq3A_3525 = arith.cmpi eq, %eq3A_3524, %add3A_3520 : vector<8x128xi32>
      %slice3A_3526 = vector.extract_strided_slice %get3A_4 {offsets = [32, 0], sizes = [8, 1], strides = [1, 1]} : vector<64x8xf32> to vector<8x1xf32>
      %broadcast_in_dim3A_3527 = vector.shape_cast %slice3A_3526 : vector<8x1xf32> to vector<8x1xf32>
      %broadcast_in_dim3A_3528 = vector.broadcast %broadcast_in_dim3A_3527 : vector<8x1xf32> to vector<8x128xf32>
      %select_n3A_3529 = arith.select %eq3A_3525, %broadcast_in_dim3A_3528, %broadcast_in_dim3A_3522 : vector<8x128xi1>, vector<8x128xf32>
      %slice3A_3530 = vector.extract_strided_slice %get3A_1 {offsets = [32, 1], sizes = [8, 1], strides = [1, 1]} : vector<64x8xi32> to vector<8x1xi32>
      %eq3A_3531 = vector.broadcast %slice3A_3530 : vector<8x1xi32> to vector<8x128xi32>
      %eq3A_3532 = arith.cmpi eq, %eq3A_3531, %add3A_3520 : vector<8x128xi32>
      %slice3A_3533 = vector.extract_strided_slice %get3A_4 {offsets = [32, 1], sizes = [8, 1], strides = [1, 1]} : vector<64x8xf32> to vector<8x1xf32>
      %broadcast_in_dim3A_3534 = vector.shape_cast %slice3A_3533 : vector<8x1xf32> to vector<8x1xf32>
      %broadcast_in_dim3A_3535 = vector.broadcast %broadcast_in_dim3A_3534 : vector<8x1xf32> to vector<8x128xf32>
      %select_n3A_3536 = arith.select %eq3A_3532, %broadcast_in_dim3A_3535, %select_n3A_3529 : vector<8x128xi1>, vector<8x128xf32>
      %slice3A_3537 = vector.extract_strided_slice %get3A_1 {offsets = [32, 2], sizes = [8, 1], strides = [1, 1]} : vector<64x8xi32> to vector<8x1xi32>
      %eq3A_3538 = vector.broadcast %slice3A_3537 : vector<8x1xi32> to vector<8x128xi32>
      %eq3A_3539 = arith.cmpi eq, %eq3A_3538, %add3A_3520 : vector<8x128xi32>
      %slice3A_3540 = vector.extract_strided_slice %get3A_4 {offsets = [32, 2], sizes = [8, 1], strides = [1, 1]} : vector<64x8xf32> to vector<8x1xf32>
      %broadcast_in_dim3A_3541 = vector.shape_cast %slice3A_3540 : vector<8x1xf32> to vector<8x1xf32>
      %broadcast_in_dim3A_3542 = vector.broadcast %broadcast_in_dim3A_3541 : vector<8x1xf32> to vector<8x128xf32>
      %select_n3A_3543 = arith.select %eq3A_3539, %broadcast_in_dim3A_3542, %select_n3A_3536 : vector<8x128xi1>, vector<8x128xf32>
      %slice3A_3544 = vector.extract_strided_slice %get3A_1 {offsets = [32, 3], sizes = [8, 1], strides = [1, 1]} : vector<64x8xi32> to vector<8x1xi32>
      %eq3A_3545 = vector.broadcast %slice3A_3544 : vector<8x1xi32> to vector<8x128xi32>
      %eq3A_3546 = arith.cmpi eq, %eq3A_3545, %add3A_3520 : vector<8x128xi32>
      %slice3A_3547 = vector.extract_strided_slice %get3A_4 {offsets = [32, 3], sizes = [8, 1], strides = [1, 1]} : vector<64x8xf32> to vector<8x1xf32>
      %broadcast_in_dim3A_3548 = vector.shape_cast %slice3A_3547 : vector<8x1xf32> to vector<8x1xf32>
      %broadcast_in_dim3A_3549 = vector.broadcast %broadcast_in_dim3A_3548 : vector<8x1xf32> to vector<8x128xf32>
      %select_n3A_3550 = arith.select %eq3A_3546, %broadcast_in_dim3A_3549, %select_n3A_3543 : vector<8x128xi1>, vector<8x128xf32>
      %slice3A_3551 = vector.extract_strided_slice %get3A_1 {offsets = [32, 4], sizes = [8, 1], strides = [1, 1]} : vector<64x8xi32> to vector<8x1xi32>
      %eq3A_3552 = vector.broadcast %slice3A_3551 : vector<8x1xi32> to vector<8x128xi32>
      %eq3A_3553 = arith.cmpi eq, %eq3A_3552, %add3A_3520 : vector<8x128xi32>
      %slice3A_3554 = vector.extract_strided_slice %get3A_4 {offsets = [32, 4], sizes = [8, 1], strides = [1, 1]} : vector<64x8xf32> to vector<8x1xf32>
      %broadcast_in_dim3A_3555 = vector.shape_cast %slice3A_3554 : vector<8x1xf32> to vector<8x1xf32>
      %broadcast_in_dim3A_3556 = vector.broadcast %broadcast_in_dim3A_3555 : vector<8x1xf32> to vector<8x128xf32>
      %select_n3A_3557 = arith.select %eq3A_3553, %broadcast_in_dim3A_3556, %select_n3A_3550 : vector<8x128xi1>, vector<8x128xf32>
      %slice3A_3558 = vector.extract_strided_slice %get3A_1 {offsets = [32, 5], sizes = [8, 1], strides = [1, 1]} : vector<64x8xi32> to vector<8x1xi32>
      %eq3A_3559 = vector.broadcast %slice3A_3558 : vector<8x1xi32> to vector<8x128xi32>
      %eq3A_3560 = arith.cmpi eq, %eq3A_3559, %add3A_3520 : vector<8x128xi32>
      %slice3A_3561 = vector.extract_strided_slice %get3A_4 {offsets = [32, 5], sizes = [8, 1], strides = [1, 1]} : vector<64x8xf32> to vector<8x1xf32>
      %broadcast_in_dim3A_3562 = vector.shape_cast %slice3A_3561 : vector<8x1xf32> to vector<8x1xf32>
      %broadcast_in_dim3A_3563 = vector.broadcast %broadcast_in_dim3A_3562 : vector<8x1xf32> to vector<8x128xf32>
      %select_n3A_3564 = arith.select %eq3A_3560, %broadcast_in_dim3A_3563, %select_n3A_3557 : vector<8x128xi1>, vector<8x128xf32>
      %slice3A_3565 = vector.extract_strided_slice %get3A_1 {offsets = [32, 6], sizes = [8, 1], strides = [1, 1]} : vector<64x8xi32> to vector<8x1xi32>
      %eq3A_3566 = vector.broadcast %slice3A_3565 : vector<8x1xi32> to vector<8x128xi32>
      %eq3A_3567 = arith.cmpi eq, %eq3A_3566, %add3A_3520 : vector<8x128xi32>
      %slice3A_3568 = vector.extract_strided_slice %get3A_4 {offsets = [32, 6], sizes = [8, 1], strides = [1, 1]} : vector<64x8xf32> to vector<8x1xf32>
      %broadcast_in_dim3A_3569 = vector.shape_cast %slice3A_3568 : vector<8x1xf32> to vector<8x1xf32>
      %broadcast_in_dim3A_3570 = vector.broadcast %broadcast_in_dim3A_3569 : vector<8x1xf32> to vector<8x128xf32>
      %select_n3A_3571 = arith.select %eq3A_3567, %broadcast_in_dim3A_3570, %select_n3A_3564 : vector<8x128xi1>, vector<8x128xf32>
      %slice3A_3572 = vector.extract_strided_slice %get3A_1 {offsets = [32, 7], sizes = [8, 1], strides = [1, 1]} : vector<64x8xi32> to vector<8x1xi32>
      %eq3A_3573 = vector.broadcast %slice3A_3572 : vector<8x1xi32> to vector<8x128xi32>
      %eq3A_3574 = arith.cmpi eq, %eq3A_3573, %add3A_3520 : vector<8x128xi32>
      %slice3A_3575 = vector.extract_strided_slice %get3A_4 {offsets = [32, 7], sizes = [8, 1], strides = [1, 1]} : vector<64x8xf32> to vector<8x1xf32>
      %broadcast_in_dim3A_3576 = vector.shape_cast %slice3A_3575 : vector<8x1xf32> to vector<8x1xf32>
      %broadcast_in_dim3A_3577 = vector.broadcast %broadcast_in_dim3A_3576 : vector<8x1xf32> to vector<8x128xf32>
      %select_n3A_3578 = arith.select %eq3A_3574, %broadcast_in_dim3A_3577, %select_n3A_3571 : vector<8x128xi1>, vector<8x128xf32>
      %swap3A_3579 = arith.constant 32 : index
      %swap3A_3580 = arith.constant 0 : index
      %swap3A_3581 = vector.load %arg7[%swap3A_3579, %swap3A_3580] : memref<64x128xf32, #tpu.memory_space<vmem>>, vector<8x128xf32>
      tpu.vector_store %arg7[%swap3A_3579, %swap3A_3580], %select_n3A_3578 {strides = array<i32>} : memref<64x128xf32, #tpu.memory_space<vmem>>, vector<8x128xf32>,
      %jit3A_3582 = arith.constant 8 : i32
      %div3A_3583 = arith.divsi %add3A_2853, %jit3A_3582 : i32
      %sign3A_3584 = arith.constant 0 : i32
      %sign3A_3585 = arith.cmpi sgt, %add3A_2853, %sign3A_3584 : i32
      %sign3A_3586 = arith.extui %sign3A_3585 : i1 to i32
      %sign3A_3587 = arith.constant 0 : i32
      %sign3A_3588 = arith.cmpi slt, %add3A_2853, %sign3A_3587 : i32
      %sign3A_3589 = arith.extui %sign3A_3588 : i1 to i32
      %sign3A_3590 = arith.subi %sign3A_3586, %sign3A_3589 : i32
      %sign3A_3591 = arith.constant 0 : i32
      %sign3A_3592 = arith.cmpi sgt, %jit3A_3582, %sign3A_3591 : i32
      %sign3A_3593 = arith.extui %sign3A_3592 : i1 to i32
      %sign3A_3594 = arith.constant 0 : i32
      %sign3A_3595 = arith.cmpi slt, %jit3A_3582, %sign3A_3594 : i32
      %sign3A_3596 = arith.extui %sign3A_3595 : i1 to i32
      %sign3A_3597 = arith.subi %sign3A_3593, %sign3A_3596 : i32
      %ne3A_3598 = arith.cmpi ne, %sign3A_3590, %sign3A_3597 : i32
      %rem3A_3599 = arith.remsi %add3A_2853, %jit3A_3582 : i32
      %ne3A_3600 = arith.constant 0 : i32
      %ne3A_3601 = arith.cmpi ne, %rem3A_3599, %ne3A_3600 : i32
      %and3A_3602 = arith.andi %ne3A_3598, %ne3A_3601 : i1
      %sub3A_3603 = arith.constant 1 : i32
      %sub3A_3604 = arith.subi %div3A_3583, %sub3A_3603 : i32
      %select_n3A_3605 = arith.select %and3A_3602, %sub3A_3604, %div3A_3583 : i32
      %add3A_3606 = arith.constant 40 : i32
      %add3A_3607 = arith.addi %add3A_3606, %select_n3A_3605 : i32
      %jit3A_3608 = arith.constant 8 : i32
      %eq3A_3609 = arith.constant 0 : i32
      %eq3A_3610 = arith.cmpi eq, %jit3A_3608, %eq3A_3609 : i32
      %jit3A_3611 = arith.constant 1 : i32
      %select_n3A_3612 = arith.select %eq3A_3610, %jit3A_3611, %jit3A_3608 : i32
      %rem3A_3613 = arith.remsi %add3A_2853, %select_n3A_3612 : i32
      %ne3A_3614 = arith.constant 0 : i32
      %ne3A_3615 = arith.cmpi ne, %rem3A_3613, %ne3A_3614 : i32
      %lt3A_3616 = arith.constant 0 : i32
      %lt3A_3617 = arith.cmpi slt, %rem3A_3613, %lt3A_3616 : i32
      %lt3A_3618 = arith.constant 0 : i32
      %lt3A_3619 = arith.cmpi slt, %select_n3A_3612, %lt3A_3618 : i32
      %ne3A_3620 = arith.xori %lt3A_3617, %lt3A_3619 : i1
      %and3A_3621 = arith.andi %ne3A_3620, %ne3A_3615 : i1
      %add3A_3622 = arith.addi %rem3A_3613, %select_n3A_3612 : i32
      %select_n3A_3623 = arith.select %and3A_3621, %add3A_3622, %rem3A_3613 : i32
      %get3A_3624 = arith.index_cast %add3A_3607 : i32 to index
      %get3A_3625 = arith.index_cast %select_n3A_3623 : i32 to index
      %get3A_3626 = memref.load %arg1[%get3A_3624, %get3A_3625] : memref<64x8xi32, #tpu.memory_space<smem>>
      %jit3A_3627 = arith.constant 128 : i32
      %div3A_3628 = arith.divsi %get3A_3626, %jit3A_3627 : i32
      %sign3A_3629 = arith.constant 0 : i32
      %sign3A_3630 = arith.cmpi sgt, %get3A_3626, %sign3A_3629 : i32
      %sign3A_3631 = arith.extui %sign3A_3630 : i1 to i32
      %sign3A_3632 = arith.constant 0 : i32
      %sign3A_3633 = arith.cmpi slt, %get3A_3626, %sign3A_3632 : i32
      %sign3A_3634 = arith.extui %sign3A_3633 : i1 to i32
      %sign3A_3635 = arith.subi %sign3A_3631, %sign3A_3634 : i32
      %sign3A_3636 = arith.constant 0 : i32
      %sign3A_3637 = arith.cmpi sgt, %jit3A_3627, %sign3A_3636 : i32
      %sign3A_3638 = arith.extui %sign3A_3637 : i1 to i32
      %sign3A_3639 = arith.constant 0 : i32
      %sign3A_3640 = arith.cmpi slt, %jit3A_3627, %sign3A_3639 : i32
      %sign3A_3641 = arith.extui %sign3A_3640 : i1 to i32
      %sign3A_3642 = arith.subi %sign3A_3638, %sign3A_3641 : i32
      %ne3A_3643 = arith.cmpi ne, %sign3A_3635, %sign3A_3642 : i32
      %rem3A_3644 = arith.remsi %get3A_3626, %jit3A_3627 : i32
      %ne3A_3645 = arith.constant 0 : i32
      %ne3A_3646 = arith.cmpi ne, %rem3A_3644, %ne3A_3645 : i32
      %and3A_3647 = arith.andi %ne3A_3643, %ne3A_3646 : i1
      %sub3A_3648 = arith.constant 1 : i32
      %sub3A_3649 = arith.subi %div3A_3628, %sub3A_3648 : i32
      %select_n3A_3650 = arith.select %and3A_3647, %sub3A_3649, %div3A_3628 : i32
      %min3A_3651 = arith.constant 780 : i32
      %min3A_3652 = arith.minsi %select_n3A_3650, %min3A_3651 : i32
      %mul3A_3653 = arith.constant 128 : i32
      %mul3A_3654 = arith.muli %min3A_3652, %mul3A_3653 : i32
      %add3A_3655 = vector.broadcast %mul3A_3654 : i32 to vector<8x128xi32>
      %add3A_3656 = arith.addi %add3A_3655, %iota3A : vector<8x128xi32>
      %broadcast_in_dim3A_3657 = arith.constant 0.000000e+00 : f32
      %broadcast_in_dim3A_3658 = vector.broadcast %broadcast_in_dim3A_3657 : f32 to vector<8x128xf32>
      %slice3A_3659 = vector.extract_strided_slice %get3A_1 {offsets = [40, 0], sizes = [8, 1], strides = [1, 1]} : vector<64x8xi32> to vector<8x1xi32>
      %eq3A_3660 = vector.broadcast %slice3A_3659 : vector<8x1xi32> to vector<8x128xi32>
      %eq3A_3661 = arith.cmpi eq, %eq3A_3660, %add3A_3656 : vector<8x128xi32>
      %slice3A_3662 = vector.extract_strided_slice %get3A_4 {offsets = [40, 0], sizes = [8, 1], strides = [1, 1]} : vector<64x8xf32> to vector<8x1xf32>
      %broadcast_in_dim3A_3663 = vector.shape_cast %slice3A_3662 : vector<8x1xf32> to vector<8x1xf32>
      %broadcast_in_dim3A_3664 = vector.broadcast %broadcast_in_dim3A_3663 : vector<8x1xf32> to vector<8x128xf32>
      %select_n3A_3665 = arith.select %eq3A_3661, %broadcast_in_dim3A_3664, %broadcast_in_dim3A_3658 : vector<8x128xi1>, vector<8x128xf32>
      %slice3A_3666 = vector.extract_strided_slice %get3A_1 {offsets = [40, 1], sizes = [8, 1], strides = [1, 1]} : vector<64x8xi32> to vector<8x1xi32>
      %eq3A_3667 = vector.broadcast %slice3A_3666 : vector<8x1xi32> to vector<8x128xi32>
      %eq3A_3668 = arith.cmpi eq, %eq3A_3667, %add3A_3656 : vector<8x128xi32>
      %slice3A_3669 = vector.extract_strided_slice %get3A_4 {offsets = [40, 1], sizes = [8, 1], strides = [1, 1]} : vector<64x8xf32> to vector<8x1xf32>
      %broadcast_in_dim3A_3670 = vector.shape_cast %slice3A_3669 : vector<8x1xf32> to vector<8x1xf32>
      %broadcast_in_dim3A_3671 = vector.broadcast %broadcast_in_dim3A_3670 : vector<8x1xf32> to vector<8x128xf32>
      %select_n3A_3672 = arith.select %eq3A_3668, %broadcast_in_dim3A_3671, %select_n3A_3665 : vector<8x128xi1>, vector<8x128xf32>
      %slice3A_3673 = vector.extract_strided_slice %get3A_1 {offsets = [40, 2], sizes = [8, 1], strides = [1, 1]} : vector<64x8xi32> to vector<8x1xi32>
      %eq3A_3674 = vector.broadcast %slice3A_3673 : vector<8x1xi32> to vector<8x128xi32>
      %eq3A_3675 = arith.cmpi eq, %eq3A_3674, %add3A_3656 : vector<8x128xi32>
      %slice3A_3676 = vector.extract_strided_slice %get3A_4 {offsets = [40, 2], sizes = [8, 1], strides = [1, 1]} : vector<64x8xf32> to vector<8x1xf32>
      %broadcast_in_dim3A_3677 = vector.shape_cast %slice3A_3676 : vector<8x1xf32> to vector<8x1xf32>
      %broadcast_in_dim3A_3678 = vector.broadcast %broadcast_in_dim3A_3677 : vector<8x1xf32> to vector<8x128xf32>
      %select_n3A_3679 = arith.select %eq3A_3675, %broadcast_in_dim3A_3678, %select_n3A_3672 : vector<8x128xi1>, vector<8x128xf32>
      %slice3A_3680 = vector.extract_strided_slice %get3A_1 {offsets = [40, 3], sizes = [8, 1], strides = [1, 1]} : vector<64x8xi32> to vector<8x1xi32>
      %eq3A_3681 = vector.broadcast %slice3A_3680 : vector<8x1xi32> to vector<8x128xi32>
      %eq3A_3682 = arith.cmpi eq, %eq3A_3681, %add3A_3656 : vector<8x128xi32>
      %slice3A_3683 = vector.extract_strided_slice %get3A_4 {offsets = [40, 3], sizes = [8, 1], strides = [1, 1]} : vector<64x8xf32> to vector<8x1xf32>
      %broadcast_in_dim3A_3684 = vector.shape_cast %slice3A_3683 : vector<8x1xf32> to vector<8x1xf32>
      %broadcast_in_dim3A_3685 = vector.broadcast %broadcast_in_dim3A_3684 : vector<8x1xf32> to vector<8x128xf32>
      %select_n3A_3686 = arith.select %eq3A_3682, %broadcast_in_dim3A_3685, %select_n3A_3679 : vector<8x128xi1>, vector<8x128xf32>
      %slice3A_3687 = vector.extract_strided_slice %get3A_1 {offsets = [40, 4], sizes = [8, 1], strides = [1, 1]} : vector<64x8xi32> to vector<8x1xi32>
      %eq3A_3688 = vector.broadcast %slice3A_3687 : vector<8x1xi32> to vector<8x128xi32>
      %eq3A_3689 = arith.cmpi eq, %eq3A_3688, %add3A_3656 : vector<8x128xi32>
      %slice3A_3690 = vector.extract_strided_slice %get3A_4 {offsets = [40, 4], sizes = [8, 1], strides = [1, 1]} : vector<64x8xf32> to vector<8x1xf32>
      %broadcast_in_dim3A_3691 = vector.shape_cast %slice3A_3690 : vector<8x1xf32> to vector<8x1xf32>
      %broadcast_in_dim3A_3692 = vector.broadcast %broadcast_in_dim3A_3691 : vector<8x1xf32> to vector<8x128xf32>
      %select_n3A_3693 = arith.select %eq3A_3689, %broadcast_in_dim3A_3692, %select_n3A_3686 : vector<8x128xi1>, vector<8x128xf32>
      %slice3A_3694 = vector.extract_strided_slice %get3A_1 {offsets = [40, 5], sizes = [8, 1], strides = [1, 1]} : vector<64x8xi32> to vector<8x1xi32>
      %eq3A_3695 = vector.broadcast %slice3A_3694 : vector<8x1xi32> to vector<8x128xi32>
      %eq3A_3696 = arith.cmpi eq, %eq3A_3695, %add3A_3656 : vector<8x128xi32>
      %slice3A_3697 = vector.extract_strided_slice %get3A_4 {offsets = [40, 5], sizes = [8, 1], strides = [1, 1]} : vector<64x8xf32> to vector<8x1xf32>
      %broadcast_in_dim3A_3698 = vector.shape_cast %slice3A_3697 : vector<8x1xf32> to vector<8x1xf32>
      %broadcast_in_dim3A_3699 = vector.broadcast %broadcast_in_dim3A_3698 : vector<8x1xf32> to vector<8x128xf32>
      %select_n3A_3700 = arith.select %eq3A_3696, %broadcast_in_dim3A_3699, %select_n3A_3693 : vector<8x128xi1>, vector<8x128xf32>
      %slice3A_3701 = vector.extract_strided_slice %get3A_1 {offsets = [40, 6], sizes = [8, 1], strides = [1, 1]} : vector<64x8xi32> to vector<8x1xi32>
      %eq3A_3702 = vector.broadcast %slice3A_3701 : vector<8x1xi32> to vector<8x128xi32>
      %eq3A_3703 = arith.cmpi eq, %eq3A_3702, %add3A_3656 : vector<8x128xi32>
      %slice3A_3704 = vector.extract_strided_slice %get3A_4 {offsets = [40, 6], sizes = [8, 1], strides = [1, 1]} : vector<64x8xf32> to vector<8x1xf32>
      %broadcast_in_dim3A_3705 = vector.shape_cast %slice3A_3704 : vector<8x1xf32> to vector<8x1xf32>
      %broadcast_in_dim3A_3706 = vector.broadcast %broadcast_in_dim3A_3705 : vector<8x1xf32> to vector<8x128xf32>
      %select_n3A_3707 = arith.select %eq3A_3703, %broadcast_in_dim3A_3706, %select_n3A_3700 : vector<8x128xi1>, vector<8x128xf32>
      %slice3A_3708 = vector.extract_strided_slice %get3A_1 {offsets = [40, 7], sizes = [8, 1], strides = [1, 1]} : vector<64x8xi32> to vector<8x1xi32>
      %eq3A_3709 = vector.broadcast %slice3A_3708 : vector<8x1xi32> to vector<8x128xi32>
      %eq3A_3710 = arith.cmpi eq, %eq3A_3709, %add3A_3656 : vector<8x128xi32>
      %slice3A_3711 = vector.extract_strided_slice %get3A_4 {offsets = [40, 7], sizes = [8, 1], strides = [1, 1]} : vector<64x8xf32> to vector<8x1xf32>
      %broadcast_in_dim3A_3712 = vector.shape_cast %slice3A_3711 : vector<8x1xf32> to vector<8x1xf32>
      %broadcast_in_dim3A_3713 = vector.broadcast %broadcast_in_dim3A_3712 : vector<8x1xf32> to vector<8x128xf32>
      %select_n3A_3714 = arith.select %eq3A_3710, %broadcast_in_dim3A_3713, %select_n3A_3707 : vector<8x128xi1>, vector<8x128xf32>
      %swap3A_3715 = arith.constant 40 : index
      %swap3A_3716 = arith.constant 0 : index
      %swap3A_3717 = vector.load %arg7[%swap3A_3715, %swap3A_3716] : memref<64x128xf32, #tpu.memory_space<vmem>>, vector<8x128xf32>
      tpu.vector_store %arg7[%swap3A_3715, %swap3A_3716], %select_n3A_3714 {strides = array<i32>} : memref<64x128xf32, #tpu.memory_space<vmem>>, vector<8x128xf32>,
      %jit3A_3718 = arith.constant 8 : i32
      %div3A_3719 = arith.divsi %add3A_2853, %jit3A_3718 : i32
      %sign3A_3720 = arith.constant 0 : i32
      %sign3A_3721 = arith.cmpi sgt, %add3A_2853, %sign3A_3720 : i32
      %sign3A_3722 = arith.extui %sign3A_3721 : i1 to i32
      %sign3A_3723 = arith.constant 0 : i32
      %sign3A_3724 = arith.cmpi slt, %add3A_2853, %sign3A_3723 : i32
      %sign3A_3725 = arith.extui %sign3A_3724 : i1 to i32
      %sign3A_3726 = arith.subi %sign3A_3722, %sign3A_3725 : i32
      %sign3A_3727 = arith.constant 0 : i32
      %sign3A_3728 = arith.cmpi sgt, %jit3A_3718, %sign3A_3727 : i32
      %sign3A_3729 = arith.extui %sign3A_3728 : i1 to i32
      %sign3A_3730 = arith.constant 0 : i32
      %sign3A_3731 = arith.cmpi slt, %jit3A_3718, %sign3A_3730 : i32
      %sign3A_3732 = arith.extui %sign3A_3731 : i1 to i32
      %sign3A_3733 = arith.subi %sign3A_3729, %sign3A_3732 : i32
      %ne3A_3734 = arith.cmpi ne, %sign3A_3726, %sign3A_3733 : i32
      %rem3A_3735 = arith.remsi %add3A_2853, %jit3A_3718 : i32
      %ne3A_3736 = arith.constant 0 : i32
      %ne3A_3737 = arith.cmpi ne, %rem3A_3735, %ne3A_3736 : i32
      %and3A_3738 = arith.andi %ne3A_3734, %ne3A_3737 : i1
      %sub3A_3739 = arith.constant 1 : i32
      %sub3A_3740 = arith.subi %div3A_3719, %sub3A_3739 : i32
      %select_n3A_3741 = arith.select %and3A_3738, %sub3A_3740, %div3A_3719 : i32
      %add3A_3742 = arith.constant 48 : i32
      %add3A_3743 = arith.addi %add3A_3742, %select_n3A_3741 : i32
      %jit3A_3744 = arith.constant 8 : i32
      %eq3A_3745 = arith.constant 0 : i32
      %eq3A_3746 = arith.cmpi eq, %jit3A_3744, %eq3A_3745 : i32
      %jit3A_3747 = arith.constant 1 : i32
      %select_n3A_3748 = arith.select %eq3A_3746, %jit3A_3747, %jit3A_3744 : i32
      %rem3A_3749 = arith.remsi %add3A_2853, %select_n3A_3748 : i32
      %ne3A_3750 = arith.constant 0 : i32
      %ne3A_3751 = arith.cmpi ne, %rem3A_3749, %ne3A_3750 : i32
      %lt3A_3752 = arith.constant 0 : i32
      %lt3A_3753 = arith.cmpi slt, %rem3A_3749, %lt3A_3752 : i32
      %lt3A_3754 = arith.constant 0 : i32
      %lt3A_3755 = arith.cmpi slt, %select_n3A_3748, %lt3A_3754 : i32
      %ne3A_3756 = arith.xori %lt3A_3753, %lt3A_3755 : i1
      %and3A_3757 = arith.andi %ne3A_3756, %ne3A_3751 : i1
      %add3A_3758 = arith.addi %rem3A_3749, %select_n3A_3748 : i32
      %select_n3A_3759 = arith.select %and3A_3757, %add3A_3758, %rem3A_3749 : i32
      %get3A_3760 = arith.index_cast %add3A_3743 : i32 to index
      %get3A_3761 = arith.index_cast %select_n3A_3759 : i32 to index
      %get3A_3762 = memref.load %arg1[%get3A_3760, %get3A_3761] : memref<64x8xi32, #tpu.memory_space<smem>>
      %jit3A_3763 = arith.constant 128 : i32
      %div3A_3764 = arith.divsi %get3A_3762, %jit3A_3763 : i32
      %sign3A_3765 = arith.constant 0 : i32
      %sign3A_3766 = arith.cmpi sgt, %get3A_3762, %sign3A_3765 : i32
      %sign3A_3767 = arith.extui %sign3A_3766 : i1 to i32
      %sign3A_3768 = arith.constant 0 : i32
      %sign3A_3769 = arith.cmpi slt, %get3A_3762, %sign3A_3768 : i32
      %sign3A_3770 = arith.extui %sign3A_3769 : i1 to i32
      %sign3A_3771 = arith.subi %sign3A_3767, %sign3A_3770 : i32
      %sign3A_3772 = arith.constant 0 : i32
      %sign3A_3773 = arith.cmpi sgt, %jit3A_3763, %sign3A_3772 : i32
      %sign3A_3774 = arith.extui %sign3A_3773 : i1 to i32
      %sign3A_3775 = arith.constant 0 : i32
      %sign3A_3776 = arith.cmpi slt, %jit3A_3763, %sign3A_3775 : i32
      %sign3A_3777 = arith.extui %sign3A_3776 : i1 to i32
      %sign3A_3778 = arith.subi %sign3A_3774, %sign3A_3777 : i32
      %ne3A_3779 = arith.cmpi ne, %sign3A_3771, %sign3A_3778 : i32
      %rem3A_3780 = arith.remsi %get3A_3762, %jit3A_3763 : i32
      %ne3A_3781 = arith.constant 0 : i32
      %ne3A_3782 = arith.cmpi ne, %rem3A_3780, %ne3A_3781 : i32
      %and3A_3783 = arith.andi %ne3A_3779, %ne3A_3782 : i1
      %sub3A_3784 = arith.constant 1 : i32
      %sub3A_3785 = arith.subi %div3A_3764, %sub3A_3784 : i32
      %select_n3A_3786 = arith.select %and3A_3783, %sub3A_3785, %div3A_3764 : i32
      %min3A_3787 = arith.constant 780 : i32
      %min3A_3788 = arith.minsi %select_n3A_3786, %min3A_3787 : i32
      %mul3A_3789 = arith.constant 128 : i32
      %mul3A_3790 = arith.muli %min3A_3788, %mul3A_3789 : i32
      %add3A_3791 = vector.broadcast %mul3A_3790 : i32 to vector<8x128xi32>
      %add3A_3792 = arith.addi %add3A_3791, %iota3A : vector<8x128xi32>
      %broadcast_in_dim3A_3793 = arith.constant 0.000000e+00 : f32
      %broadcast_in_dim3A_3794 = vector.broadcast %broadcast_in_dim3A_3793 : f32 to vector<8x128xf32>
      %slice3A_3795 = vector.extract_strided_slice %get3A_1 {offsets = [48, 0], sizes = [8, 1], strides = [1, 1]} : vector<64x8xi32> to vector<8x1xi32>
      %eq3A_3796 = vector.broadcast %slice3A_3795 : vector<8x1xi32> to vector<8x128xi32>
      %eq3A_3797 = arith.cmpi eq, %eq3A_3796, %add3A_3792 : vector<8x128xi32>
      %slice3A_3798 = vector.extract_strided_slice %get3A_4 {offsets = [48, 0], sizes = [8, 1], strides = [1, 1]} : vector<64x8xf32> to vector<8x1xf32>
      %broadcast_in_dim3A_3799 = vector.shape_cast %slice3A_3798 : vector<8x1xf32> to vector<8x1xf32>
      %broadcast_in_dim3A_3800 = vector.broadcast %broadcast_in_dim3A_3799 : vector<8x1xf32> to vector<8x128xf32>
      %select_n3A_3801 = arith.select %eq3A_3797, %broadcast_in_dim3A_3800, %broadcast_in_dim3A_3794 : vector<8x128xi1>, vector<8x128xf32>
      %slice3A_3802 = vector.extract_strided_slice %get3A_1 {offsets = [48, 1], sizes = [8, 1], strides = [1, 1]} : vector<64x8xi32> to vector<8x1xi32>
      %eq3A_3803 = vector.broadcast %slice3A_3802 : vector<8x1xi32> to vector<8x128xi32>
      %eq3A_3804 = arith.cmpi eq, %eq3A_3803, %add3A_3792 : vector<8x128xi32>
      %slice3A_3805 = vector.extract_strided_slice %get3A_4 {offsets = [48, 1], sizes = [8, 1], strides = [1, 1]} : vector<64x8xf32> to vector<8x1xf32>
      %broadcast_in_dim3A_3806 = vector.shape_cast %slice3A_3805 : vector<8x1xf32> to vector<8x1xf32>
      %broadcast_in_dim3A_3807 = vector.broadcast %broadcast_in_dim3A_3806 : vector<8x1xf32> to vector<8x128xf32>
      %select_n3A_3808 = arith.select %eq3A_3804, %broadcast_in_dim3A_3807, %select_n3A_3801 : vector<8x128xi1>, vector<8x128xf32>
      %slice3A_3809 = vector.extract_strided_slice %get3A_1 {offsets = [48, 2], sizes = [8, 1], strides = [1, 1]} : vector<64x8xi32> to vector<8x1xi32>
      %eq3A_3810 = vector.broadcast %slice3A_3809 : vector<8x1xi32> to vector<8x128xi32>
      %eq3A_3811 = arith.cmpi eq, %eq3A_3810, %add3A_3792 : vector<8x128xi32>
      %slice3A_3812 = vector.extract_strided_slice %get3A_4 {offsets = [48, 2], sizes = [8, 1], strides = [1, 1]} : vector<64x8xf32> to vector<8x1xf32>
      %broadcast_in_dim3A_3813 = vector.shape_cast %slice3A_3812 : vector<8x1xf32> to vector<8x1xf32>
      %broadcast_in_dim3A_3814 = vector.broadcast %broadcast_in_dim3A_3813 : vector<8x1xf32> to vector<8x128xf32>
      %select_n3A_3815 = arith.select %eq3A_3811, %broadcast_in_dim3A_3814, %select_n3A_3808 : vector<8x128xi1>, vector<8x128xf32>
      %slice3A_3816 = vector.extract_strided_slice %get3A_1 {offsets = [48, 3], sizes = [8, 1], strides = [1, 1]} : vector<64x8xi32> to vector<8x1xi32>
      %eq3A_3817 = vector.broadcast %slice3A_3816 : vector<8x1xi32> to vector<8x128xi32>
      %eq3A_3818 = arith.cmpi eq, %eq3A_3817, %add3A_3792 : vector<8x128xi32>
      %slice3A_3819 = vector.extract_strided_slice %get3A_4 {offsets = [48, 3], sizes = [8, 1], strides = [1, 1]} : vector<64x8xf32> to vector<8x1xf32>
      %broadcast_in_dim3A_3820 = vector.shape_cast %slice3A_3819 : vector<8x1xf32> to vector<8x1xf32>
      %broadcast_in_dim3A_3821 = vector.broadcast %broadcast_in_dim3A_3820 : vector<8x1xf32> to vector<8x128xf32>
      %select_n3A_3822 = arith.select %eq3A_3818, %broadcast_in_dim3A_3821, %select_n3A_3815 : vector<8x128xi1>, vector<8x128xf32>
      %slice3A_3823 = vector.extract_strided_slice %get3A_1 {offsets = [48, 4], sizes = [8, 1], strides = [1, 1]} : vector<64x8xi32> to vector<8x1xi32>
      %eq3A_3824 = vector.broadcast %slice3A_3823 : vector<8x1xi32> to vector<8x128xi32>
      %eq3A_3825 = arith.cmpi eq, %eq3A_3824, %add3A_3792 : vector<8x128xi32>
      %slice3A_3826 = vector.extract_strided_slice %get3A_4 {offsets = [48, 4], sizes = [8, 1], strides = [1, 1]} : vector<64x8xf32> to vector<8x1xf32>
      %broadcast_in_dim3A_3827 = vector.shape_cast %slice3A_3826 : vector<8x1xf32> to vector<8x1xf32>
      %broadcast_in_dim3A_3828 = vector.broadcast %broadcast_in_dim3A_3827 : vector<8x1xf32> to vector<8x128xf32>
      %select_n3A_3829 = arith.select %eq3A_3825, %broadcast_in_dim3A_3828, %select_n3A_3822 : vector<8x128xi1>, vector<8x128xf32>
      %slice3A_3830 = vector.extract_strided_slice %get3A_1 {offsets = [48, 5], sizes = [8, 1], strides = [1, 1]} : vector<64x8xi32> to vector<8x1xi32>
      %eq3A_3831 = vector.broadcast %slice3A_3830 : vector<8x1xi32> to vector<8x128xi32>
      %eq3A_3832 = arith.cmpi eq, %eq3A_3831, %add3A_3792 : vector<8x128xi32>
      %slice3A_3833 = vector.extract_strided_slice %get3A_4 {offsets = [48, 5], sizes = [8, 1], strides = [1, 1]} : vector<64x8xf32> to vector<8x1xf32>
      %broadcast_in_dim3A_3834 = vector.shape_cast %slice3A_3833 : vector<8x1xf32> to vector<8x1xf32>
      %broadcast_in_dim3A_3835 = vector.broadcast %broadcast_in_dim3A_3834 : vector<8x1xf32> to vector<8x128xf32>
      %select_n3A_3836 = arith.select %eq3A_3832, %broadcast_in_dim3A_3835, %select_n3A_3829 : vector<8x128xi1>, vector<8x128xf32>
      %slice3A_3837 = vector.extract_strided_slice %get3A_1 {offsets = [48, 6], sizes = [8, 1], strides = [1, 1]} : vector<64x8xi32> to vector<8x1xi32>
      %eq3A_3838 = vector.broadcast %slice3A_3837 : vector<8x1xi32> to vector<8x128xi32>
      %eq3A_3839 = arith.cmpi eq, %eq3A_3838, %add3A_3792 : vector<8x128xi32>
      %slice3A_3840 = vector.extract_strided_slice %get3A_4 {offsets = [48, 6], sizes = [8, 1], strides = [1, 1]} : vector<64x8xf32> to vector<8x1xf32>
      %broadcast_in_dim3A_3841 = vector.shape_cast %slice3A_3840 : vector<8x1xf32> to vector<8x1xf32>
      %broadcast_in_dim3A_3842 = vector.broadcast %broadcast_in_dim3A_3841 : vector<8x1xf32> to vector<8x128xf32>
      %select_n3A_3843 = arith.select %eq3A_3839, %broadcast_in_dim3A_3842, %select_n3A_3836 : vector<8x128xi1>, vector<8x128xf32>
      %slice3A_3844 = vector.extract_strided_slice %get3A_1 {offsets = [48, 7], sizes = [8, 1], strides = [1, 1]} : vector<64x8xi32> to vector<8x1xi32>
      %eq3A_3845 = vector.broadcast %slice3A_3844 : vector<8x1xi32> to vector<8x128xi32>
      %eq3A_3846 = arith.cmpi eq, %eq3A_3845, %add3A_3792 : vector<8x128xi32>
      %slice3A_3847 = vector.extract_strided_slice %get3A_4 {offsets = [48, 7], sizes = [8, 1], strides = [1, 1]} : vector<64x8xf32> to vector<8x1xf32>
      %broadcast_in_dim3A_3848 = vector.shape_cast %slice3A_3847 : vector<8x1xf32> to vector<8x1xf32>
      %broadcast_in_dim3A_3849 = vector.broadcast %broadcast_in_dim3A_3848 : vector<8x1xf32> to vector<8x128xf32>
      %select_n3A_3850 = arith.select %eq3A_3846, %broadcast_in_dim3A_3849, %select_n3A_3843 : vector<8x128xi1>, vector<8x128xf32>
      %swap3A_3851 = arith.constant 48 : index
      %swap3A_3852 = arith.constant 0 : index
      %swap3A_3853 = vector.load %arg7[%swap3A_3851, %swap3A_3852] : memref<64x128xf32, #tpu.memory_space<vmem>>, vector<8x128xf32>
      tpu.vector_store %arg7[%swap3A_3851, %swap3A_3852], %select_n3A_3850 {strides = array<i32>} : memref<64x128xf32, #tpu.memory_space<vmem>>, vector<8x128xf32>,
      %jit3A_3854 = arith.constant 8 : i32
      %div3A_3855 = arith.divsi %add3A_2853, %jit3A_3854 : i32
      %sign3A_3856 = arith.constant 0 : i32
      %sign3A_3857 = arith.cmpi sgt, %add3A_2853, %sign3A_3856 : i32
      %sign3A_3858 = arith.extui %sign3A_3857 : i1 to i32
      %sign3A_3859 = arith.constant 0 : i32
      %sign3A_3860 = arith.cmpi slt, %add3A_2853, %sign3A_3859 : i32
      %sign3A_3861 = arith.extui %sign3A_3860 : i1 to i32
      %sign3A_3862 = arith.subi %sign3A_3858, %sign3A_3861 : i32
      %sign3A_3863 = arith.constant 0 : i32
      %sign3A_3864 = arith.cmpi sgt, %jit3A_3854, %sign3A_3863 : i32
      %sign3A_3865 = arith.extui %sign3A_3864 : i1 to i32
      %sign3A_3866 = arith.constant 0 : i32
      %sign3A_3867 = arith.cmpi slt, %jit3A_3854, %sign3A_3866 : i32
      %sign3A_3868 = arith.extui %sign3A_3867 : i1 to i32
      %sign3A_3869 = arith.subi %sign3A_3865, %sign3A_3868 : i32
      %ne3A_3870 = arith.cmpi ne, %sign3A_3862, %sign3A_3869 : i32
      %rem3A_3871 = arith.remsi %add3A_2853, %jit3A_3854 : i32
      %ne3A_3872 = arith.constant 0 : i32
      %ne3A_3873 = arith.cmpi ne, %rem3A_3871, %ne3A_3872 : i32
      %and3A_3874 = arith.andi %ne3A_3870, %ne3A_3873 : i1
      %sub3A_3875 = arith.constant 1 : i32
      %sub3A_3876 = arith.subi %div3A_3855, %sub3A_3875 : i32
      %select_n3A_3877 = arith.select %and3A_3874, %sub3A_3876, %div3A_3855 : i32
      %add3A_3878 = arith.constant 56 : i32
      %add3A_3879 = arith.addi %add3A_3878, %select_n3A_3877 : i32
      %jit3A_3880 = arith.constant 8 : i32
      %eq3A_3881 = arith.constant 0 : i32
      %eq3A_3882 = arith.cmpi eq, %jit3A_3880, %eq3A_3881 : i32
      %jit3A_3883 = arith.constant 1 : i32
      %select_n3A_3884 = arith.select %eq3A_3882, %jit3A_3883, %jit3A_3880 : i32
      %rem3A_3885 = arith.remsi %add3A_2853, %select_n3A_3884 : i32
      %ne3A_3886 = arith.constant 0 : i32
      %ne3A_3887 = arith.cmpi ne, %rem3A_3885, %ne3A_3886 : i32
      %lt3A_3888 = arith.constant 0 : i32
      %lt3A_3889 = arith.cmpi slt, %rem3A_3885, %lt3A_3888 : i32
      %lt3A_3890 = arith.constant 0 : i32
      %lt3A_3891 = arith.cmpi slt, %select_n3A_3884, %lt3A_3890 : i32
      %ne3A_3892 = arith.xori %lt3A_3889, %lt3A_3891 : i1
      %and3A_3893 = arith.andi %ne3A_3892, %ne3A_3887 : i1
      %add3A_3894 = arith.addi %rem3A_3885, %select_n3A_3884 : i32
      %select_n3A_3895 = arith.select %and3A_3893, %add3A_3894, %rem3A_3885 : i32
      %get3A_3896 = arith.index_cast %add3A_3879 : i32 to index
      %get3A_3897 = arith.index_cast %select_n3A_3895 : i32 to index
      %get3A_3898 = memref.load %arg1[%get3A_3896, %get3A_3897] : memref<64x8xi32, #tpu.memory_space<smem>>
      %jit3A_3899 = arith.constant 128 : i32
      %div3A_3900 = arith.divsi %get3A_3898, %jit3A_3899 : i32
      %sign3A_3901 = arith.constant 0 : i32
      %sign3A_3902 = arith.cmpi sgt, %get3A_3898, %sign3A_3901 : i32
      %sign3A_3903 = arith.extui %sign3A_3902 : i1 to i32
      %sign3A_3904 = arith.constant 0 : i32
      %sign3A_3905 = arith.cmpi slt, %get3A_3898, %sign3A_3904 : i32
      %sign3A_3906 = arith.extui %sign3A_3905 : i1 to i32
      %sign3A_3907 = arith.subi %sign3A_3903, %sign3A_3906 : i32
      %sign3A_3908 = arith.constant 0 : i32
      %sign3A_3909 = arith.cmpi sgt, %jit3A_3899, %sign3A_3908 : i32
      %sign3A_3910 = arith.extui %sign3A_3909 : i1 to i32
      %sign3A_3911 = arith.constant 0 : i32
      %sign3A_3912 = arith.cmpi slt, %jit3A_3899, %sign3A_3911 : i32
      %sign3A_3913 = arith.extui %sign3A_3912 : i1 to i32
      %sign3A_3914 = arith.subi %sign3A_3910, %sign3A_3913 : i32
      %ne3A_3915 = arith.cmpi ne, %sign3A_3907, %sign3A_3914 : i32
      %rem3A_3916 = arith.remsi %get3A_3898, %jit3A_3899 : i32
      %ne3A_3917 = arith.constant 0 : i32
      %ne3A_3918 = arith.cmpi ne, %rem3A_3916, %ne3A_3917 : i32
      %and3A_3919 = arith.andi %ne3A_3915, %ne3A_3918 : i1
      %sub3A_3920 = arith.constant 1 : i32
      %sub3A_3921 = arith.subi %div3A_3900, %sub3A_3920 : i32
      %select_n3A_3922 = arith.select %and3A_3919, %sub3A_3921, %div3A_3900 : i32
      %min3A_3923 = arith.constant 780 : i32
      %min3A_3924 = arith.minsi %select_n3A_3922, %min3A_3923 : i32
      %mul3A_3925 = arith.constant 128 : i32
      %mul3A_3926 = arith.muli %min3A_3924, %mul3A_3925 : i32
      %add3A_3927 = vector.broadcast %mul3A_3926 : i32 to vector<8x128xi32>
      %add3A_3928 = arith.addi %add3A_3927, %iota3A : vector<8x128xi32>
      %broadcast_in_dim3A_3929 = arith.constant 0.000000e+00 : f32
      %broadcast_in_dim3A_3930 = vector.broadcast %broadcast_in_dim3A_3929 : f32 to vector<8x128xf32>
      %slice3A_3931 = vector.extract_strided_slice %get3A_1 {offsets = [56, 0], sizes = [8, 1], strides = [1, 1]} : vector<64x8xi32> to vector<8x1xi32>
      %eq3A_3932 = vector.broadcast %slice3A_3931 : vector<8x1xi32> to vector<8x128xi32>
      %eq3A_3933 = arith.cmpi eq, %eq3A_3932, %add3A_3928 : vector<8x128xi32>
      %slice3A_3934 = vector.extract_strided_slice %get3A_4 {offsets = [56, 0], sizes = [8, 1], strides = [1, 1]} : vector<64x8xf32> to vector<8x1xf32>
      %broadcast_in_dim3A_3935 = vector.shape_cast %slice3A_3934 : vector<8x1xf32> to vector<8x1xf32>
      %broadcast_in_dim3A_3936 = vector.broadcast %broadcast_in_dim3A_3935 : vector<8x1xf32> to vector<8x128xf32>
      %select_n3A_3937 = arith.select %eq3A_3933, %broadcast_in_dim3A_3936, %broadcast_in_dim3A_3930 : vector<8x128xi1>, vector<8x128xf32>
      %slice3A_3938 = vector.extract_strided_slice %get3A_1 {offsets = [56, 1], sizes = [8, 1], strides = [1, 1]} : vector<64x8xi32> to vector<8x1xi32>
      %eq3A_3939 = vector.broadcast %slice3A_3938 : vector<8x1xi32> to vector<8x128xi32>
      %eq3A_3940 = arith.cmpi eq, %eq3A_3939, %add3A_3928 : vector<8x128xi32>
      %slice3A_3941 = vector.extract_strided_slice %get3A_4 {offsets = [56, 1], sizes = [8, 1], strides = [1, 1]} : vector<64x8xf32> to vector<8x1xf32>
      %broadcast_in_dim3A_3942 = vector.shape_cast %slice3A_3941 : vector<8x1xf32> to vector<8x1xf32>
      %broadcast_in_dim3A_3943 = vector.broadcast %broadcast_in_dim3A_3942 : vector<8x1xf32> to vector<8x128xf32>
      %select_n3A_3944 = arith.select %eq3A_3940, %broadcast_in_dim3A_3943, %select_n3A_3937 : vector<8x128xi1>, vector<8x128xf32>
      %slice3A_3945 = vector.extract_strided_slice %get3A_1 {offsets = [56, 2], sizes = [8, 1], strides = [1, 1]} : vector<64x8xi32> to vector<8x1xi32>
      %eq3A_3946 = vector.broadcast %slice3A_3945 : vector<8x1xi32> to vector<8x128xi32>
      %eq3A_3947 = arith.cmpi eq, %eq3A_3946, %add3A_3928 : vector<8x128xi32>
      %slice3A_3948 = vector.extract_strided_slice %get3A_4 {offsets = [56, 2], sizes = [8, 1], strides = [1, 1]} : vector<64x8xf32> to vector<8x1xf32>
      %broadcast_in_dim3A_3949 = vector.shape_cast %slice3A_3948 : vector<8x1xf32> to vector<8x1xf32>
      %broadcast_in_dim3A_3950 = vector.broadcast %broadcast_in_dim3A_3949 : vector<8x1xf32> to vector<8x128xf32>
      %select_n3A_3951 = arith.select %eq3A_3947, %broadcast_in_dim3A_3950, %select_n3A_3944 : vector<8x128xi1>, vector<8x128xf32>
      %slice3A_3952 = vector.extract_strided_slice %get3A_1 {offsets = [56, 3], sizes = [8, 1], strides = [1, 1]} : vector<64x8xi32> to vector<8x1xi32>
      %eq3A_3953 = vector.broadcast %slice3A_3952 : vector<8x1xi32> to vector<8x128xi32>
      %eq3A_3954 = arith.cmpi eq, %eq3A_3953, %add3A_3928 : vector<8x128xi32>
      %slice3A_3955 = vector.extract_strided_slice %get3A_4 {offsets = [56, 3], sizes = [8, 1], strides = [1, 1]} : vector<64x8xf32> to vector<8x1xf32>
      %broadcast_in_dim3A_3956 = vector.shape_cast %slice3A_3955 : vector<8x1xf32> to vector<8x1xf32>
      %broadcast_in_dim3A_3957 = vector.broadcast %broadcast_in_dim3A_3956 : vector<8x1xf32> to vector<8x128xf32>
      %select_n3A_3958 = arith.select %eq3A_3954, %broadcast_in_dim3A_3957, %select_n3A_3951 : vector<8x128xi1>, vector<8x128xf32>
      %slice3A_3959 = vector.extract_strided_slice %get3A_1 {offsets = [56, 4], sizes = [8, 1], strides = [1, 1]} : vector<64x8xi32> to vector<8x1xi32>
      %eq3A_3960 = vector.broadcast %slice3A_3959 : vector<8x1xi32> to vector<8x128xi32>
      %eq3A_3961 = arith.cmpi eq, %eq3A_3960, %add3A_3928 : vector<8x128xi32>
      %slice3A_3962 = vector.extract_strided_slice %get3A_4 {offsets = [56, 4], sizes = [8, 1], strides = [1, 1]} : vector<64x8xf32> to vector<8x1xf32>
      %broadcast_in_dim3A_3963 = vector.shape_cast %slice3A_3962 : vector<8x1xf32> to vector<8x1xf32>
      %broadcast_in_dim3A_3964 = vector.broadcast %broadcast_in_dim3A_3963 : vector<8x1xf32> to vector<8x128xf32>
      %select_n3A_3965 = arith.select %eq3A_3961, %broadcast_in_dim3A_3964, %select_n3A_3958 : vector<8x128xi1>, vector<8x128xf32>
      %slice3A_3966 = vector.extract_strided_slice %get3A_1 {offsets = [56, 5], sizes = [8, 1], strides = [1, 1]} : vector<64x8xi32> to vector<8x1xi32>
      %eq3A_3967 = vector.broadcast %slice3A_3966 : vector<8x1xi32> to vector<8x128xi32>
      %eq3A_3968 = arith.cmpi eq, %eq3A_3967, %add3A_3928 : vector<8x128xi32>
      %slice3A_3969 = vector.extract_strided_slice %get3A_4 {offsets = [56, 5], sizes = [8, 1], strides = [1, 1]} : vector<64x8xf32> to vector<8x1xf32>
      %broadcast_in_dim3A_3970 = vector.shape_cast %slice3A_3969 : vector<8x1xf32> to vector<8x1xf32>
      %broadcast_in_dim3A_3971 = vector.broadcast %broadcast_in_dim3A_3970 : vector<8x1xf32> to vector<8x128xf32>
      %select_n3A_3972 = arith.select %eq3A_3968, %broadcast_in_dim3A_3971, %select_n3A_3965 : vector<8x128xi1>, vector<8x128xf32>
      %slice3A_3973 = vector.extract_strided_slice %get3A_1 {offsets = [56, 6], sizes = [8, 1], strides = [1, 1]} : vector<64x8xi32> to vector<8x1xi32>
      %eq3A_3974 = vector.broadcast %slice3A_3973 : vector<8x1xi32> to vector<8x128xi32>
      %eq3A_3975 = arith.cmpi eq, %eq3A_3974, %add3A_3928 : vector<8x128xi32>
      %slice3A_3976 = vector.extract_strided_slice %get3A_4 {offsets = [56, 6], sizes = [8, 1], strides = [1, 1]} : vector<64x8xf32> to vector<8x1xf32>
      %broadcast_in_dim3A_3977 = vector.shape_cast %slice3A_3976 : vector<8x1xf32> to vector<8x1xf32>
      %broadcast_in_dim3A_3978 = vector.broadcast %broadcast_in_dim3A_3977 : vector<8x1xf32> to vector<8x128xf32>
      %select_n3A_3979 = arith.select %eq3A_3975, %broadcast_in_dim3A_3978, %select_n3A_3972 : vector<8x128xi1>, vector<8x128xf32>
      %slice3A_3980 = vector.extract_strided_slice %get3A_1 {offsets = [56, 7], sizes = [8, 1], strides = [1, 1]} : vector<64x8xi32> to vector<8x1xi32>
      %eq3A_3981 = vector.broadcast %slice3A_3980 : vector<8x1xi32> to vector<8x128xi32>
      %eq3A_3982 = arith.cmpi eq, %eq3A_3981, %add3A_3928 : vector<8x128xi32>
      %slice3A_3983 = vector.extract_strided_slice %get3A_4 {offsets = [56, 7], sizes = [8, 1], strides = [1, 1]} : vector<64x8xf32> to vector<8x1xf32>
      %broadcast_in_dim3A_3984 = vector.shape_cast %slice3A_3983 : vector<8x1xf32> to vector<8x1xf32>
      %broadcast_in_dim3A_3985 = vector.broadcast %broadcast_in_dim3A_3984 : vector<8x1xf32> to vector<8x128xf32>
      %select_n3A_3986 = arith.select %eq3A_3982, %broadcast_in_dim3A_3985, %select_n3A_3979 : vector<8x128xi1>, vector<8x128xf32>
      %swap3A_3987 = arith.constant 56 : index
      %swap3A_3988 = arith.constant 0 : index
      %swap3A_3989 = vector.load %arg7[%swap3A_3987, %swap3A_3988] : memref<64x128xf32, #tpu.memory_space<vmem>>, vector<8x128xf32>
      tpu.vector_store %arg7[%swap3A_3987, %swap3A_3988], %select_n3A_3986 {strides = array<i32>} : memref<64x128xf32, #tpu.memory_space<vmem>>, vector<8x128xf32>,
      %dma_start3A_3990 = arith.constant 0 : i32
      %dma_start3A_3991 = tpu.memref_slice %arg5[%dma_start3A_3990, %mul3A_2974] : memref<64x100000xf32, #tpu.memory_space<any>> -> memref<8x128xf32, #tpu.memory_space<any>>
      %dma_start3A_3992 = arith.constant 0 : i32
      %dma_start3A_3993 = arith.constant 0 : i32
      %dma_start3A_3994 = tpu.memref_slice %arg7[%dma_start3A_3992, %dma_start3A_3993] : memref<64x128xf32, #tpu.memory_space<vmem>> -> memref<8x128xf32, #tpu.memory_space<vmem>>
      tpu.enqueue_dma source(%dma_start3A_3994 : memref<8x128xf32, #tpu.memory_space<vmem>>) target(%dma_start3A_3991 : memref<8x128xf32, #tpu.memory_space<any>>) target_semaphore(%arg9 : memref<!tpu.dma_semaphore, #tpu.memory_space<semaphore_mem>>)
      %dma_start3A_3995 = arith.constant 8 : i32
      %dma_start3A_3996 = tpu.memref_slice %arg5[%dma_start3A_3995, %mul3A_3110] : memref<64x100000xf32, #tpu.memory_space<any>> -> memref<8x128xf32, #tpu.memory_space<any>>
      %dma_start3A_3997 = arith.constant 8 : i32
      %dma_start3A_3998 = arith.constant 0 : i32
      %dma_start3A_3999 = tpu.memref_slice %arg7[%dma_start3A_3997, %dma_start3A_3998] : memref<64x128xf32, #tpu.memory_space<vmem>> -> memref<8x128xf32, #tpu.memory_space<vmem>>
      tpu.enqueue_dma source(%dma_start3A_3999 : memref<8x128xf32, #tpu.memory_space<vmem>>) target(%dma_start3A_3996 : memref<8x128xf32, #tpu.memory_space<any>>) target_semaphore(%arg9 : memref<!tpu.dma_semaphore, #tpu.memory_space<semaphore_mem>>)
      %dma_start3A_4000 = arith.constant 16 : i32
      %dma_start3A_4001 = tpu.memref_slice %arg5[%dma_start3A_4000, %mul3A_3246] : memref<64x100000xf32, #tpu.memory_space<any>> -> memref<8x128xf32, #tpu.memory_space<any>>
      %dma_start3A_4002 = arith.constant 16 : i32
      %dma_start3A_4003 = arith.constant 0 : i32
      %dma_start3A_4004 = tpu.memref_slice %arg7[%dma_start3A_4002, %dma_start3A_4003] : memref<64x128xf32, #tpu.memory_space<vmem>> -> memref<8x128xf32, #tpu.memory_space<vmem>>
      tpu.enqueue_dma source(%dma_start3A_4004 : memref<8x128xf32, #tpu.memory_space<vmem>>) target(%dma_start3A_4001 : memref<8x128xf32, #tpu.memory_space<any>>) target_semaphore(%arg9 : memref<!tpu.dma_semaphore, #tpu.memory_space<semaphore_mem>>)
      %dma_start3A_4005 = arith.constant 24 : i32
      %dma_start3A_4006 = tpu.memref_slice %arg5[%dma_start3A_4005, %mul3A_3382] : memref<64x100000xf32, #tpu.memory_space<any>> -> memref<8x128xf32, #tpu.memory_space<any>>
      %dma_start3A_4007 = arith.constant 24 : i32
      %dma_start3A_4008 = arith.constant 0 : i32
      %dma_start3A_4009 = tpu.memref_slice %arg7[%dma_start3A_4007, %dma_start3A_4008] : memref<64x128xf32, #tpu.memory_space<vmem>> -> memref<8x128xf32, #tpu.memory_space<vmem>>
      tpu.enqueue_dma source(%dma_start3A_4009 : memref<8x128xf32, #tpu.memory_space<vmem>>) target(%dma_start3A_4006 : memref<8x128xf32, #tpu.memory_space<any>>) target_semaphore(%arg9 : memref<!tpu.dma_semaphore, #tpu.memory_space<semaphore_mem>>)
      %dma_start3A_4010 = arith.constant 32 : i32
      %dma_start3A_4011 = tpu.memref_slice %arg5[%dma_start3A_4010, %mul3A_3518] : memref<64x100000xf32, #tpu.memory_space<any>> -> memref<8x128xf32, #tpu.memory_space<any>>
      %dma_start3A_4012 = arith.constant 32 : i32
      %dma_start3A_4013 = arith.constant 0 : i32
      %dma_start3A_4014 = tpu.memref_slice %arg7[%dma_start3A_4012, %dma_start3A_4013] : memref<64x128xf32, #tpu.memory_space<vmem>> -> memref<8x128xf32, #tpu.memory_space<vmem>>
      tpu.enqueue_dma source(%dma_start3A_4014 : memref<8x128xf32, #tpu.memory_space<vmem>>) target(%dma_start3A_4011 : memref<8x128xf32, #tpu.memory_space<any>>) target_semaphore(%arg9 : memref<!tpu.dma_semaphore, #tpu.memory_space<semaphore_mem>>)
      %dma_start3A_4015 = arith.constant 40 : i32
      %dma_start3A_4016 = tpu.memref_slice %arg5[%dma_start3A_4015, %mul3A_3654] : memref<64x100000xf32, #tpu.memory_space<any>> -> memref<8x128xf32, #tpu.memory_space<any>>
      %dma_start3A_4017 = arith.constant 40 : i32
      %dma_start3A_4018 = arith.constant 0 : i32
      %dma_start3A_4019 = tpu.memref_slice %arg7[%dma_start3A_4017, %dma_start3A_4018] : memref<64x128xf32, #tpu.memory_space<vmem>> -> memref<8x128xf32, #tpu.memory_space<vmem>>
      tpu.enqueue_dma source(%dma_start3A_4019 : memref<8x128xf32, #tpu.memory_space<vmem>>) target(%dma_start3A_4016 : memref<8x128xf32, #tpu.memory_space<any>>) target_semaphore(%arg9 : memref<!tpu.dma_semaphore, #tpu.memory_space<semaphore_mem>>)
      %dma_start3A_4020 = arith.constant 48 : i32
      %dma_start3A_4021 = tpu.memref_slice %arg5[%dma_start3A_4020, %mul3A_3790] : memref<64x100000xf32, #tpu.memory_space<any>> -> memref<8x128xf32, #tpu.memory_space<any>>
      %dma_start3A_4022 = arith.constant 48 : i32
      %dma_start3A_4023 = arith.constant 0 : i32
      %dma_start3A_4024 = tpu.memref_slice %arg7[%dma_start3A_4022, %dma_start3A_4023] : memref<64x128xf32, #tpu.memory_space<vmem>> -> memref<8x128xf32, #tpu.memory_space<vmem>>
      tpu.enqueue_dma source(%dma_start3A_4024 : memref<8x128xf32, #tpu.memory_space<vmem>>) target(%dma_start3A_4021 : memref<8x128xf32, #tpu.memory_space<any>>) target_semaphore(%arg9 : memref<!tpu.dma_semaphore, #tpu.memory_space<semaphore_mem>>)
      %dma_start3A_4025 = arith.constant 56 : i32
      %dma_start3A_4026 = tpu.memref_slice %arg5[%dma_start3A_4025, %mul3A_3926] : memref<64x100000xf32, #tpu.memory_space<any>> -> memref<8x128xf32, #tpu.memory_space<any>>
      %dma_start3A_4027 = arith.constant 56 : i32
      %dma_start3A_4028 = arith.constant 0 : i32
      %dma_start3A_4029 = tpu.memref_slice %arg7[%dma_start3A_4027, %dma_start3A_4028] : memref<64x128xf32, #tpu.memory_space<vmem>> -> memref<8x128xf32, #tpu.memory_space<vmem>>
      tpu.enqueue_dma source(%dma_start3A_4029 : memref<8x128xf32, #tpu.memory_space<vmem>>) target(%dma_start3A_4026 : memref<8x128xf32, #tpu.memory_space<any>>) target_semaphore(%arg9 : memref<!tpu.dma_semaphore, #tpu.memory_space<semaphore_mem>>)
    }
    %scan3A_1576 = arith.constant 31 : i32
    %dma_wait3A = arith.constant 0 : i32
    %dma_wait3A_1577 = arith.constant 0 : i32
    %dma_wait3A_1578 = tpu.memref_slice %arg5[%dma_wait3A, %dma_wait3A_1577] : memref<64x100000xf32, #tpu.memory_space<any>> -> memref<8x128xf32, #tpu.memory_space<any>>
    %dma_wait3A_1579 = arith.constant 0 : i32
    %dma_wait3A_1580 = arith.constant 0 : i32
    %dma_wait3A_1581 = tpu.memref_slice %arg6[%dma_wait3A_1579, %dma_wait3A_1580] : memref<64x128xf32, #tpu.memory_space<vmem>> -> memref<8x128xf32, #tpu.memory_space<vmem>>
    tpu.wait_dma2 semaphore(%arg8 : memref<!tpu.dma_semaphore, #tpu.memory_space<semaphore_mem>>) src(%dma_wait3A_1581 : memref<8x128xf32, #tpu.memory_space<vmem>>) dst(%dma_wait3A_1578 : memref<8x128xf32, #tpu.memory_space<any>>)
    %dma_wait3A_1582 = arith.constant 8 : i32
    %dma_wait3A_1583 = arith.constant 0 : i32
    %dma_wait3A_1584 = tpu.memref_slice %arg5[%dma_wait3A_1582, %dma_wait3A_1583] : memref<64x100000xf32, #tpu.memory_space<any>> -> memref<8x128xf32, #tpu.memory_space<any>>
    %dma_wait3A_1585 = arith.constant 8 : i32
    %dma_wait3A_1586 = arith.constant 0 : i32
    %dma_wait3A_1587 = tpu.memref_slice %arg6[%dma_wait3A_1585, %dma_wait3A_1586] : memref<64x128xf32, #tpu.memory_space<vmem>> -> memref<8x128xf32, #tpu.memory_space<vmem>>
    tpu.wait_dma2 semaphore(%arg8 : memref<!tpu.dma_semaphore, #tpu.memory_space<semaphore_mem>>) src(%dma_wait3A_1587 : memref<8x128xf32, #tpu.memory_space<vmem>>) dst(%dma_wait3A_1584 : memref<8x128xf32, #tpu.memory_space<any>>)
    %dma_wait3A_1588 = arith.constant 16 : i32
    %dma_wait3A_1589 = arith.constant 0 : i32
    %dma_wait3A_1590 = tpu.memref_slice %arg5[%dma_wait3A_1588, %dma_wait3A_1589] : memref<64x100000xf32, #tpu.memory_space<any>> -> memref<8x128xf32, #tpu.memory_space<any>>
    %dma_wait3A_1591 = arith.constant 16 : i32
    %dma_wait3A_1592 = arith.constant 0 : i32
    %dma_wait3A_1593 = tpu.memref_slice %arg6[%dma_wait3A_1591, %dma_wait3A_1592] : memref<64x128xf32, #tpu.memory_space<vmem>> -> memref<8x128xf32, #tpu.memory_space<vmem>>
    tpu.wait_dma2 semaphore(%arg8 : memref<!tpu.dma_semaphore, #tpu.memory_space<semaphore_mem>>) src(%dma_wait3A_1593 : memref<8x128xf32, #tpu.memory_space<vmem>>) dst(%dma_wait3A_1590 : memref<8x128xf32, #tpu.memory_space<any>>)
    %dma_wait3A_1594 = arith.constant 24 : i32
    %dma_wait3A_1595 = arith.constant 0 : i32
    %dma_wait3A_1596 = tpu.memref_slice %arg5[%dma_wait3A_1594, %dma_wait3A_1595] : memref<64x100000xf32, #tpu.memory_space<any>> -> memref<8x128xf32, #tpu.memory_space<any>>
    %dma_wait3A_1597 = arith.constant 24 : i32
    %dma_wait3A_1598 = arith.constant 0 : i32
    %dma_wait3A_1599 = tpu.memref_slice %arg6[%dma_wait3A_1597, %dma_wait3A_1598] : memref<64x128xf32, #tpu.memory_space<vmem>> -> memref<8x128xf32, #tpu.memory_space<vmem>>
    tpu.wait_dma2 semaphore(%arg8 : memref<!tpu.dma_semaphore, #tpu.memory_space<semaphore_mem>>) src(%dma_wait3A_1599 : memref<8x128xf32, #tpu.memory_space<vmem>>) dst(%dma_wait3A_1596 : memref<8x128xf32, #tpu.memory_space<any>>)
    %dma_wait3A_1600 = arith.constant 32 : i32
    %dma_wait3A_1601 = arith.constant 0 : i32
    %dma_wait3A_1602 = tpu.memref_slice %arg5[%dma_wait3A_1600, %dma_wait3A_1601] : memref<64x100000xf32, #tpu.memory_space<any>> -> memref<8x128xf32, #tpu.memory_space<any>>
    %dma_wait3A_1603 = arith.constant 32 : i32
    %dma_wait3A_1604 = arith.constant 0 : i32
    %dma_wait3A_1605 = tpu.memref_slice %arg6[%dma_wait3A_1603, %dma_wait3A_1604] : memref<64x128xf32, #tpu.memory_space<vmem>> -> memref<8x128xf32, #tpu.memory_space<vmem>>
    tpu.wait_dma2 semaphore(%arg8 : memref<!tpu.dma_semaphore, #tpu.memory_space<semaphore_mem>>) src(%dma_wait3A_1605 : memref<8x128xf32, #tpu.memory_space<vmem>>) dst(%dma_wait3A_1602 : memref<8x128xf32, #tpu.memory_space<any>>)
    %dma_wait3A_1606 = arith.constant 40 : i32
    %dma_wait3A_1607 = arith.constant 0 : i32
    %dma_wait3A_1608 = tpu.memref_slice %arg5[%dma_wait3A_1606, %dma_wait3A_1607] : memref<64x100000xf32, #tpu.memory_space<any>> -> memref<8x128xf32, #tpu.memory_space<any>>
    %dma_wait3A_1609 = arith.constant 40 : i32
    %dma_wait3A_1610 = arith.constant 0 : i32
    %dma_wait3A_1611 = tpu.memref_slice %arg6[%dma_wait3A_1609, %dma_wait3A_1610] : memref<64x128xf32, #tpu.memory_space<vmem>> -> memref<8x128xf32, #tpu.memory_space<vmem>>
    tpu.wait_dma2 semaphore(%arg8 : memref<!tpu.dma_semaphore, #tpu.memory_space<semaphore_mem>>) src(%dma_wait3A_1611 : memref<8x128xf32, #tpu.memory_space<vmem>>) dst(%dma_wait3A_1608 : memref<8x128xf32, #tpu.memory_space<any>>)
    %dma_wait3A_1612 = arith.constant 48 : i32
    %dma_wait3A_1613 = arith.constant 0 : i32
    %dma_wait3A_1614 = tpu.memref_slice %arg5[%dma_wait3A_1612, %dma_wait3A_1613] : memref<64x100000xf32, #tpu.memory_space<any>> -> memref<8x128xf32, #tpu.memory_space<any>>
    %dma_wait3A_1615 = arith.constant 48 : i32
    %dma_wait3A_1616 = arith.constant 0 : i32
    %dma_wait3A_1617 = tpu.memref_slice %arg6[%dma_wait3A_1615, %dma_wait3A_1616] : memref<64x128xf32, #tpu.memory_space<vmem>> -> memref<8x128xf32, #tpu.memory_space<vmem>>
    tpu.wait_dma2 semaphore(%arg8 : memref<!tpu.dma_semaphore, #tpu.memory_space<semaphore_mem>>) src(%dma_wait3A_1617 : memref<8x128xf32, #tpu.memory_space<vmem>>) dst(%dma_wait3A_1614 : memref<8x128xf32, #tpu.memory_space<any>>)
    %dma_wait3A_1618 = arith.constant 56 : i32
    %dma_wait3A_1619 = arith.constant 0 : i32
    %dma_wait3A_1620 = tpu.memref_slice %arg5[%dma_wait3A_1618, %dma_wait3A_1619] : memref<64x100000xf32, #tpu.memory_space<any>> -> memref<8x128xf32, #tpu.memory_space<any>>
    %dma_wait3A_1621 = arith.constant 56 : i32
    %dma_wait3A_1622 = arith.constant 0 : i32
    %dma_wait3A_1623 = tpu.memref_slice %arg6[%dma_wait3A_1621, %dma_wait3A_1622] : memref<64x128xf32, #tpu.memory_space<vmem>> -> memref<8x128xf32, #tpu.memory_space<vmem>>
    tpu.wait_dma2 semaphore(%arg8 : memref<!tpu.dma_semaphore, #tpu.memory_space<semaphore_mem>>) src(%dma_wait3A_1623 : memref<8x128xf32, #tpu.memory_space<vmem>>) dst(%dma_wait3A_1620 : memref<8x128xf32, #tpu.memory_space<any>>)
    %dma_wait3A_1624 = arith.constant 0 : i32
    %dma_wait3A_1625 = arith.constant 0 : i32
    %dma_wait3A_1626 = tpu.memref_slice %arg5[%dma_wait3A_1624, %dma_wait3A_1625] : memref<64x100000xf32, #tpu.memory_space<any>> -> memref<8x128xf32, #tpu.memory_space<any>>
    %dma_wait3A_1627 = arith.constant 0 : i32
    %dma_wait3A_1628 = arith.constant 0 : i32
    %dma_wait3A_1629 = tpu.memref_slice %arg7[%dma_wait3A_1627, %dma_wait3A_1628] : memref<64x128xf32, #tpu.memory_space<vmem>> -> memref<8x128xf32, #tpu.memory_space<vmem>>
    tpu.wait_dma2 semaphore(%arg9 : memref<!tpu.dma_semaphore, #tpu.memory_space<semaphore_mem>>) src(%dma_wait3A_1629 : memref<8x128xf32, #tpu.memory_space<vmem>>) dst(%dma_wait3A_1626 : memref<8x128xf32, #tpu.memory_space<any>>)
    %dma_wait3A_1630 = arith.constant 8 : i32
    %dma_wait3A_1631 = arith.constant 0 : i32
    %dma_wait3A_1632 = tpu.memref_slice %arg5[%dma_wait3A_1630, %dma_wait3A_1631] : memref<64x100000xf32, #tpu.memory_space<any>> -> memref<8x128xf32, #tpu.memory_space<any>>
    %dma_wait3A_1633 = arith.constant 8 : i32
    %dma_wait3A_1634 = arith.constant 0 : i32
    %dma_wait3A_1635 = tpu.memref_slice %arg7[%dma_wait3A_1633, %dma_wait3A_1634] : memref<64x128xf32, #tpu.memory_space<vmem>> -> memref<8x128xf32, #tpu.memory_space<vmem>>
    tpu.wait_dma2 semaphore(%arg9 : memref<!tpu.dma_semaphore, #tpu.memory_space<semaphore_mem>>) src(%dma_wait3A_1635 : memref<8x128xf32, #tpu.memory_space<vmem>>) dst(%dma_wait3A_1632 : memref<8x128xf32, #tpu.memory_space<any>>)
    %dma_wait3A_1636 = arith.constant 16 : i32
    %dma_wait3A_1637 = arith.constant 0 : i32
    %dma_wait3A_1638 = tpu.memref_slice %arg5[%dma_wait3A_1636, %dma_wait3A_1637] : memref<64x100000xf32, #tpu.memory_space<any>> -> memref<8x128xf32, #tpu.memory_space<any>>
    %dma_wait3A_1639 = arith.constant 16 : i32
    %dma_wait3A_1640 = arith.constant 0 : i32
    %dma_wait3A_1641 = tpu.memref_slice %arg7[%dma_wait3A_1639, %dma_wait3A_1640] : memref<64x128xf32, #tpu.memory_space<vmem>> -> memref<8x128xf32, #tpu.memory_space<vmem>>
    tpu.wait_dma2 semaphore(%arg9 : memref<!tpu.dma_semaphore, #tpu.memory_space<semaphore_mem>>) src(%dma_wait3A_1641 : memref<8x128xf32, #tpu.memory_space<vmem>>) dst(%dma_wait3A_1638 : memref<8x128xf32, #tpu.memory_space<any>>)
    %dma_wait3A_1642 = arith.constant 24 : i32
    %dma_wait3A_1643 = arith.constant 0 : i32
    %dma_wait3A_1644 = tpu.memref_slice %arg5[%dma_wait3A_1642, %dma_wait3A_1643] : memref<64x100000xf32, #tpu.memory_space<any>> -> memref<8x128xf32, #tpu.memory_space<any>>
    %dma_wait3A_1645 = arith.constant 24 : i32
    %dma_wait3A_1646 = arith.constant 0 : i32
    %dma_wait3A_1647 = tpu.memref_slice %arg7[%dma_wait3A_1645, %dma_wait3A_1646] : memref<64x128xf32, #tpu.memory_space<vmem>> -> memref<8x128xf32, #tpu.memory_space<vmem>>
    tpu.wait_dma2 semaphore(%arg9 : memref<!tpu.dma_semaphore, #tpu.memory_space<semaphore_mem>>) src(%dma_wait3A_1647 : memref<8x128xf32, #tpu.memory_space<vmem>>) dst(%dma_wait3A_1644 : memref<8x128xf32, #tpu.memory_space<any>>)
    %dma_wait3A_1648 = arith.constant 32 : i32
    %dma_wait3A_1649 = arith.constant 0 : i32
    %dma_wait3A_1650 = tpu.memref_slice %arg5[%dma_wait3A_1648, %dma_wait3A_1649] : memref<64x100000xf32, #tpu.memory_space<any>> -> memref<8x128xf32, #tpu.memory_space<any>>
    %dma_wait3A_1651 = arith.constant 32 : i32
    %dma_wait3A_1652 = arith.constant 0 : i32
    %dma_wait3A_1653 = tpu.memref_slice %arg7[%dma_wait3A_1651, %dma_wait3A_1652] : memref<64x128xf32, #tpu.memory_space<vmem>> -> memref<8x128xf32, #tpu.memory_space<vmem>>
    tpu.wait_dma2 semaphore(%arg9 : memref<!tpu.dma_semaphore, #tpu.memory_space<semaphore_mem>>) src(%dma_wait3A_1653 : memref<8x128xf32, #tpu.memory_space<vmem>>) dst(%dma_wait3A_1650 : memref<8x128xf32, #tpu.memory_space<any>>)
    %dma_wait3A_1654 = arith.constant 40 : i32
    %dma_wait3A_1655 = arith.constant 0 : i32
    %dma_wait3A_1656 = tpu.memref_slice %arg5[%dma_wait3A_1654, %dma_wait3A_1655] : memref<64x100000xf32, #tpu.memory_space<any>> -> memref<8x128xf32, #tpu.memory_space<any>>
    %dma_wait3A_1657 = arith.constant 40 : i32
    %dma_wait3A_1658 = arith.constant 0 : i32
    %dma_wait3A_1659 = tpu.memref_slice %arg7[%dma_wait3A_1657, %dma_wait3A_1658] : memref<64x128xf32, #tpu.memory_space<vmem>> -> memref<8x128xf32, #tpu.memory_space<vmem>>
    tpu.wait_dma2 semaphore(%arg9 : memref<!tpu.dma_semaphore, #tpu.memory_space<semaphore_mem>>) src(%dma_wait3A_1659 : memref<8x128xf32, #tpu.memory_space<vmem>>) dst(%dma_wait3A_1656 : memref<8x128xf32, #tpu.memory_space<any>>)
    %dma_wait3A_1660 = arith.constant 48 : i32
    %dma_wait3A_1661 = arith.constant 0 : i32
    %dma_wait3A_1662 = tpu.memref_slice %arg5[%dma_wait3A_1660, %dma_wait3A_1661] : memref<64x100000xf32, #tpu.memory_space<any>> -> memref<8x128xf32, #tpu.memory_space<any>>
    %dma_wait3A_1663 = arith.constant 48 : i32
    %dma_wait3A_1664 = arith.constant 0 : i32
    %dma_wait3A_1665 = tpu.memref_slice %arg7[%dma_wait3A_1663, %dma_wait3A_1664] : memref<64x128xf32, #tpu.memory_space<vmem>> -> memref<8x128xf32, #tpu.memory_space<vmem>>
    tpu.wait_dma2 semaphore(%arg9 : memref<!tpu.dma_semaphore, #tpu.memory_space<semaphore_mem>>) src(%dma_wait3A_1665 : memref<8x128xf32, #tpu.memory_space<vmem>>) dst(%dma_wait3A_1662 : memref<8x128xf32, #tpu.memory_space<any>>)
    %dma_wait3A_1666 = arith.constant 56 : i32
    %dma_wait3A_1667 = arith.constant 0 : i32
    %dma_wait3A_1668 = tpu.memref_slice %arg5[%dma_wait3A_1666, %dma_wait3A_1667] : memref<64x100000xf32, #tpu.memory_space<any>> -> memref<8x128xf32, #tpu.memory_space<any>>
    %dma_wait3A_1669 = arith.constant 56 : i32
    %dma_wait3A_1670 = arith.constant 0 : i32
    %dma_wait3A_1671 = tpu.memref_slice %arg7[%dma_wait3A_1669, %dma_wait3A_1670] : memref<64x128xf32, #tpu.memory_space<vmem>> -> memref<8x128xf32, #tpu.memory_space<vmem>>
    tpu.wait_dma2 semaphore(%arg9 : memref<!tpu.dma_semaphore, #tpu.memory_space<semaphore_mem>>) src(%dma_wait3A_1671 : memref<8x128xf32, #tpu.memory_space<vmem>>) dst(%dma_wait3A_1668 : memref<8x128xf32, #tpu.memory_space<any>>)
    return
  }
  func.func @transform_0(%arg0: i32, %arg1: memref<64x8xi32, #tpu.memory_space<smem>>) -> (i32, i32) {
    %c0_i32 = arith.constant 0 : i32
    %c0_i32_0 = arith.constant 0 : i32
    %c0_i32_1 = arith.constant 0 : i32
    return %c0_i32, %c0_i32_0 : i32, i32
  }
  func.func @transform_1(%arg0: i32, %arg1: memref<64x8xi32, #tpu.memory_space<smem>>) -> (i32, i32) {
    %c0_i32 = arith.constant 0 : i32
    %c0_i32_0 = arith.constant 0 : i32
    %c0_i32_1 = arith.constant 0 : i32
    return %c0_i32, %c0_i32_0 : i32, i32
  }
}

</mosaic_0001>

<sc_bundles>
// kernel: kernel.5.cloned.1.call-start
scs
__scs_entry_jumppad:
0x0: {  	(pc) =	sbr.rel $0x88, $3  }
0x1: {  	(tag) =	ssettag $0x0;
	lr =	simm.s32 $0x1  }
0x2: {  	[smem:$0x3F9F] =	sst lr;
	_ =	strace $0xD0000000  }
0x3: {  	_ = 	snop  }
0x4: {  	_ = 	snop  }
0x5: {  	_ = 	snop  }
0x6: {  	_ = 	snop  }
0x7: {  	_ = 	snop  }
__scs_overlays_trampoline_lowered:
0x8: {  	[smem:$0x3FAE] =	sst s0  }
0x9: {  	[smem:$0x3FAF] =	sst s1  }
0xa: {  	[smem:$0x3FB0] =	sst s2  }
0xb: {  	[smem:$0x3FB1] =	sst s3  }
0xc: {  	[smem:$0x3FB2] =	sst s4  }
0xd: {  	[smem:$0x3FB3] =	sst s5  }
0xe: {  	[smem:$0x3FB4] =	sst s6  }
0xf: {  	[smem:$0x3FB5] =	sst s7  }
0x10: {  	[smem:$0x3FB6] =	sst s8  }
0x11: {  	[smem:$0x3FB7] =	sst s9;
	s0 =	simm.s32 @!p0 $0x0  }
0x12: {  	s1 =	sld [smem:$0x3F9D];
	s0 =	simm.s32 @p0 $0x1  }
0x13: {  	[smem:$0x3FB8] =	sst s0;
	s0 =	simm.s32 @!p1 $0x0  }
0x14: {  	s2 =	sld [smem:$0x3F9C];
	s0 =	simm.s32 @p1 $0x1  }
0x15: {  	[smem:$0x3FB9] =	sst s0;
	s0 =	simm.s32 @!p2 $0x0  }
0x16: {  	s3 =	sld [smem:$0x3FDB];
	s0 =	simm.s32 @p2 $0x1  }
0x17: {  	s4 =	simm.s32 $0x1BF5;
	[smem:$0x3FBB] =	sst s0  }
0x18: {  	s0 =	sld [smem:$0x3F9E];
	_ =	swait.ge [sflag:s4], $0x0  }
0x19: {  	s7 =	sld [smem:$0x3F9F]  }
0x1a: {  	s8 =	sadd.s32 $0xFFFFE003, lr  }
0x1b: {  	s9 =	sadd.s32 $0xFFFFFEF7, lr;
	s5 =	simm.s32 $0xFFFFFFFF;
	p2 =	slt.u32 s8, $0xFFFFF086  }
0x1c: {  	p1 =	slt.u32 s9, $0xF7A;
	s5 =	simm.s32 @!p2 $0x0  }
0x1d: {  	s5 =	simm.s32 @p1 $0x1;
	p0 =	seq.s32 s7, s2  }
0x1e: {  	s7 =	smul.u32 @!p0 $0xF7A, s2;
	p2 =	seq.s32 @!p0 s5, $0x0  }
0x1f: {  	s9 =	smul.u32 $0xF7A, s1;
	s8 =	simm.s32 @!p0 $0x1BF5;
	p2 =	por !p2, p0  }
0x20: {  	[sflag:s8] =	ssyncset.s32 @!p0 $0xFFFFF086;
	s6 =	sadd.s32 @!p0 s3, s7;
	s7 =	simm.s32 @!p0 $0x108  }
0x21: {  	s3 =	sadd.s32 s3, s9;
	s6 =	sadd.s32 @!p0 $0x88, s6;
	s7 =	simm.s32 @p2 $0x1082  }
0x22: {  	[simem:s7], [sflag:s8] =	dma.local @!p0 [hbm:s6], $0xF7A  }
0x23: {  	s9 =	sor.u32 $0xD0000000, s2;
	s6 =	simm.s32 $0x108;
	_ =	swait.ge @!p0 [sflag:s8], $0x0  }
0x24: {  	s3 =	sadd.s32 $0x88, s3;
	s6 =	simm.s32 @!p1 $0x1082;
	[sflag:s4] =	ssyncset.s32 $0xFFFFF086  }
0x25: {  	[simem:s6], [sflag:s4] =	dma.local [hbm:s3], $0xF7A  }
0x26: {  	[smem:$0x3F9F] =	sst s1;
	(tag) =	ssettag s2;
	_ =	strace s9  }
0x27: {  	s1 =	sld [smem:$0x3FAF]  }
0x28: {  	s2 =	sld [smem:$0x3FB0]  }
0x29: {  	s4 =	sld [smem:$0x3FB2]  }
0x2a: {  	p0 =	seq.s32 s5, $0x0;
	s5 =	sld [smem:$0x3FB3]  }
0x2b: {  	s6 =	sld [smem:$0x3FB4]  }
0x2c: {  	s7 =	sld [smem:$0x3FB5]  }
0x2d: {  	s3 =	simm.s32 $0x108;
	s8 =	sld [smem:$0x3FB6]  }
0x2e: {  	s3 =	simm.s32 @!p0 $0x1082;
	s9 =	sld [smem:$0x3FB7]  }
0x2f: {  	lr =	sadd.s32 s0, s3;
	s0 =	sld [smem:$0x3FAE]  }
0x30: {  	s3 =	sld [smem:$0x3FB1]  }
0x31: {  	[smem:$0x3FBA] =	sst s10  }
0x32: {  	s10 =	sld [smem:$0x3FB8];
	_ =	sdelay $0x3  }
0x33: {  	p0 =	seq.s32 s10, $0x1;
	s10 =	sld [smem:$0x3FBA];
	_ =	sdelay $0x3  }
0x34: {  	[smem:$0x3FBA] =	sst s10  }
0x35: {  	s10 =	sld [smem:$0x3FB9];
	_ =	sdelay $0x3  }
0x36: {  	p1 =	seq.s32 s10, $0x1;
	s10 =	sld [smem:$0x3FBA];
	_ =	sdelay $0x3  }
0x37: {  	[smem:$0x3FBA] =	sst s10  }
0x38: {  	s10 =	sld [smem:$0x3FBB]  }
0x39: {  	_ = 	snop;
	(pc) =	sbr.ind lr, $3  }
0x3a: {  	_ = 	snop  }
0x3b: {  	_ = 	snop  }
0x3c: {  	p2 =	seq.s32 s10, $0x1;
	s10 =	sld [smem:$0x3FBA]  }
0x3d: {  	_ =	shalt  }
0x3e: {  	_ =	shalt  }
0x3f: {  	_ =	shalt  }
0x40: {  	_ =	shalt  }
0x41: {  	_ =	shalt  }
0x42: {  	_ =	shalt  }
0x43: {  	_ =	shalt  }
0x44: {  	_ =	shalt  }
0x45: {  	_ =	shalt  }
0x46: {  	_ =	shalt  }
0x47: {  	_ =	shalt  }
0x48: {  	_ =	shalt  }
0x49: {  	_ =	shalt  }
0x4a: {  	_ =	shalt  }
0x4b: {  	_ =	shalt  }
0x4c: {  	_ =	shalt  }
0x4d: {  	_ =	shalt  }
0x4e: {  	_ =	shalt  }
0x4f: {  	_ =	shalt  }
0x50: {  	_ =	shalt  }
0x51: {  	_ =	shalt  }
0x52: {  	_ =	shalt  }
0x53: {  	_ =	shalt  }
0x54: {  	_ =	shalt  }
0x55: {  	_ =	shalt  }
0x56: {  	_ =	shalt  }
0x57: {  	_ =	shalt  }
0x58: {  	_ =	shalt  }
0x59: {  	_ =	shalt  }
0x5a: {  	_ =	shalt  }
0x5b: {  	_ =	shalt  }
0x5c: {  	_ =	shalt  }
0x5d: {  	_ =	shalt  }
0x5e: {  	_ =	shalt  }
0x5f: {  	_ =	shalt  }
0x60: {  	_ =	shalt  }
0x61: {  	_ =	shalt  }
0x62: {  	_ =	shalt  }
0x63: {  	_ =	shalt  }
0x64: {  	_ =	shalt  }
0x65: {  	_ =	shalt  }
0x66: {  	_ =	shalt  }
0x67: {  	_ =	shalt  }
0x68: {  	_ =	shalt  }
0x69: {  	_ =	shalt  }
0x6a: {  	_ =	shalt  }
0x6b: {  	_ =	shalt  }
0x6c: {  	_ =	shalt  }
0x6d: {  	_ =	shalt  }
0x6e: {  	_ =	shalt  }
0x6f: {  	_ =	shalt  }
0x70: {  	_ =	shalt  }
0x71: {  	_ =	shalt  }
0x72: {  	_ =	shalt  }
0x73: {  	_ =	shalt  }
0x74: {  	_ =	shalt  }
0x75: {  	_ =	shalt  }
0x76: {  	_ =	shalt  }
0x77: {  	_ =	shalt  }
0x78: {  	_ =	shalt  }
0x79: {  	_ =	shalt  }
0x7a: {  	_ =	shalt  }
0x7b: {  	_ =	shalt  }
0x7c: {  	_ =	shalt  }
0x7d: {  	_ =	shalt  }
0x7e: {  	_ =	shalt  }
0x7f: {  	_ =	shalt  }
0x80: {  	_ =	shalt  }
0x81: {  	_ =	shalt  }
0x82: {  	_ =	shalt  }
0x83: {  	_ =	shalt  }
0x84: {  	_ =	shalt  }
0x85: {  	_ =	shalt  }
0x86: {  	_ =	shalt  }
0x87: {  	_ =	shalt  }
.Lfunc_end0:
.L_simem_size_0:
called_computation_lowered:
.L_overlay_start_0:
0x88: {  	s2 =	sld [smem:$0x3FD9]  }
0x89: {  	s3 =	sld [smem:$0x3FFE];
	_ =	sdelay $0x1  }
0x8a: {  	s1 =	srdreg.scid  }
0x8b: {  	s0 =	sand.u32 $0x1, s1  }
0x8c: {  	s16 =	sshll.u32 s0, $0xA;
	s2 =	sadd.s32 s3, s2  }
0x8d: {  	s2 =	sadd.s32 s2, s16  }
0x8e: {  	[smem:$0x3FC6] =	sst s2  }
0x8f: {  	_ = 	snop  }
0x90: {  	(tm) =	ssettm $0x1  }
0x91: {  	s17 =	sld [smem:$0x3FFB];
	_ =	sdelay $0x3  }
0x92: {  	_ =	strace s17  }
0x93: {  	s2 =	sld [smem:$0x3FFC];
	_ =	sdelay $0x3  }
0x94: {  	_ =	strace s2  }
0x95: {  	s2 =	sld [smem:$0x3FFD];
	_ =	sdelay $0x3  }
0x96: {  	_ =	strace s2  }
0x97: {  	_ =	strace $0x8FFFFFFF  }
0x98: {  	s18 =	sld [smem:$0x3FDB];
	_ =	sdelay $0x1  }
0x99: {  	s19 =	simm.s32 $_scs_section_size  }
0x9a: {  	s4 =	simm.s32 $_size__tile_overlayer_lowered;
	s5 =	simm.s32 $_tile_overlayer_lowered  }
0x9b: {  	s22 =	simm.s32 $0x1BFF;
	s21 =	sshll.u32 s5, $0x1;
	s2 =	sadd.s32 s19, s18  }
0x9c: {  	s6 =	simm.s32 $0x0;
	s20 =	sshll.u32 s4, $0x1;
	s4 =	sadd.s32 s21, s2  }
0x9d: {  	[timem:s6], [sflag:s22] =	dma.local [hbm:s4], s20  }
0x9e: {  	_ =	swait.ge [sflag:s22], s20  }
0x9f: {  	s3 =	ssub.s32 $0x0, s20;
	[sflag:s22] =	ssyncset.done $0x0  }
0xa0: {  	[sflag:s22] =	ssyncadd.s32 s3;
	_ =	sdelay $0x1  }
0xa1: {  	s23 =	simm.s32 $0x1B8B  }
0xa2: {  	_ =	swait.ge [sflag:s23], $0x1  }
0xa3: {  	[sflag:s23] =	ssyncset.done $0x0  }
0xa4: {  	s25 =	simm.s32 $0x1B8E;
	s24 =	sld [smem:$0x3FFE];
	[sflag:s23] =	ssyncadd.s32 $0xFFFFFFFF  }
0xa5: {  	s26 =	simm.s32 $execute0_lowered;
	[smem:$0x3FD2] =	sst s25  }
0xa6: {  	s4 =	sshll.u32 s26, $0x1;
	_ =	strace $0x80000046;
	[dreg:$0x1] =	wrdreg $0xFFFFFFFF  }
0xa7: {  	s28 =	simm.s32 $_size_execute0_lowered;
	s2 =	sadd.s32 s2, s4;
	[dreg:$0x0] =	wrdreg $0x0  }
0xa8: {  	s4 =	sshll.u32 s28, $0x1;
	[dreg:$0x2] =	wrdreg s2  }
0xa9: {  	[dreg:$0x3] =	wrdreg s4  }
0xaa: {  	[dreg:$0x4] =	wrdreg $0xC0  }
0xab: {  	_ =	task [dreg:s6], $0x5FFFF  }
0xac: {  	[dreg:$0x1] =	wrdreg $0xFFFFFFFF  }
0xad: {  	[dreg:$0x0] =	wrdreg $0x60  }
0xae: {  	[dreg:$0x2] =	wrdreg s24  }
0xaf: {  	[dreg:$0x3] =	wrdreg $0x9  }
0xb0: {  	_ =	task.clear_ibuf [dreg:s6], $0x4FFFF;
	_ =	strace $0x90000046  }
0xb1: {  	s29 =	simm.s32 $0x9;
	_ =	strace $0x80000048  }
0xb2: {  	_ =	swait.ge [sflag:s29], $0x1  }
0xb3: {  	[sflag:s29] =	ssyncadd.s32 $0xFFFFFFFF  }
0xb4: {  	_ =	strace $0x90000048  }
0xb5: {  	_ =	sfence  }
0xb6: {  	s30 =	sld [smem:$0x0];
	_ =	sdelay $0x2  }
0xb7: {  	s31 =	sshll.u32 s1, $0xD;
	s1 =	sshrl.u32 s1, $0x2  }
0xb8: {  	s3 =	sand.u32 $0x4000, s31;
	s1 =	sadd.s32 s1, s30  }
0xb9: {  	s0 =	sor.u32 s3, s0;
	s1 =	sshll.u32 s1, $0x11  }
0xba: {  	s0 =	sor.u32 s1, s0  }
0xbb: {  	s0 =	sadd.s32 $0x8F2B, s0  }
0xbc: {  	[sflag:s0] =	ssyncadd.remote.s32 $0x1  }
0xbd: {  	_ =	sfence.sel $0xFFFF  }
0xbe: {  	[dreg:$0x0] =	wrdreg $0xFFFFFFFF;
	(pc) =	sbr.abs _section_cstart, $3  }
0xbf: {  	[dreg:$0x1] =	wrdreg $0xFFFFFFFF  }
0xc0: {  	_ =	task.clear_ibuf [dreg:s6], $0x2FFFF;
	_ =	strace $0x9FFFFFFF  }
0xc1: {  	(tm) =	ssettm $0x7FFFFFFF  }
tec
execute0_lowered:
.L_overlay_start_1:
0x0: {  	(tag) =	ssettag $0x1  }
0x1: {  	s1 =	srdreg.scid  }
0x2: {  	s0 =	stileid.u32;
	s3 =	sand.u32 $0x1, s1  }
0x3: {  	s4 =	rddreg [dreg:$0x0];
	s30 =	sshll.u32 s0, $0x2;
	s2 =	sshll.u32 s3, $0x1  }
0x4: {  	s14 =	simm.s32 $0x1;
	s15 =	simm.s32 $0x2;
	s1 =	sor.u32 s2, s30  }
0x5: {  	s16 =	simm.s32 $0x3;
	s17 =	simm.s32 $0x4;
	s5 =	smul.u32 $0x186A0, s1  }
0x6: {  	s18 =	simm.s32 $0x0;
	s3 =	ssub.s32 $0x2, s3;
	s2 =	simm.s32 $0x0  }
0x7: {  	s31 =	sshrl.u32 s3, $0x1;
	s1 =	rddreg [dreg:$0x1];
	s5 =	sshrl.u32 s5, $0x3  }
0x8: {  	[smem:$0x7FF] =	sst s2;
	s13 =	ssub.s32 s3, s31;
	s12 =	sadd.s32 s5, s4  }
0x9: {  	_ =	strace $0x80000047;
	s13 =	smax.u32 s13, $0x1;
	s3 =	sadd.s32 $0x800, s12  }
0xa: {  	s4 =	sadd.s32 $0x11C4, s12;
	s5 =	sadd.s32 $0x1B88, s12;
	s6 =	sadd.s32 $0x254C, s12  }
0xb: {  	s7 =	sadd.s32 $0x2F10, s12;
	s8 =	sadd.s32 $0x38D4, s12;
	s9 =	sadd.s32 $0x4298, s12  }
0xc: {  	v0 =	vimm.f32 $0.0e+00;
	s10 =	sadd.s32 $0x4C5C, s12;
	s11 =	sadd.s32 $0x5620, s12;
	s12 =	sadd.s32 $0x5FE4, s12  }
.LBB2_1:
0xd: {  	s19 =	simm.s32 $0x40;
	s20 =	simm.s32 $0x0  }
.LBB2_2:
0xe: {  	p0 =	sne.s32 s19, $0x13840;
	[tilespmem:s20+$0x0] =	vst v0;
	s20 =	smov.u32 s19;
	s19 =	sadd.s32 $0x40, s19  }
.Ltmp0:
0xf: {  	(pc) =	sbr.rel @p0 .LBB2_2-.Ltmp0, $2  }
0x10: {  	_ =	sdelay $0x2  }
0x11: {  	s20 =	sshra.s32 s20, $0x2  }
0x12: {  	[tilespmem:s20+$0x0] =	vst v0  }
0x13: {  	[hbm4b:s3+s2] =	stream.linear.scatter [tilespmem:s2], [sflag:$0x1], $0x4E20, $0x38;
	[tilespmem:$0x4E20] =	vst v63  }
0x14: {  	_ = 	snop  }
0x15: {  	[hbm4b:s4+s2] =	stream.linear.scatter [tilespmem:s2], [sflag:$0x2], $0x4E20, $0x38;
	[tilespmem:$0x4E20] =	vst v63  }
0x16: {  	_ = 	snop  }
0x17: {  	[hbm4b:s5+s2] =	stream.linear.scatter [tilespmem:s2], [sflag:$0x3], $0x4E20, $0x38;
	[tilespmem:$0x4E20] =	vst v63  }
0x18: {  	_ = 	snop  }
0x19: {  	[hbm4b:s6+s2] =	stream.linear.scatter [tilespmem:s2], [sflag:$0x4], $0x4E20, $0x38;
	[tilespmem:$0x4E20] =	vst v63  }
0x1a: {  	_ =	swait.ge [sflag:s14], $0x4E20  }
0x1b: {  	[sflag:s14] =	ssyncset.done $0x0  }
0x1c: {  	[sflag:s14] =	ssyncadd.s32 $0xFFFFB1E0  }
0x1d: {  	[hbm4b:s7+s2] =	stream.linear.scatter [tilespmem:s2], [sflag:$0x1], $0x4E20, $0x38;
	[tilespmem:$0x4E20] =	vst v63  }
0x1e: {  	_ =	swait.ge [sflag:s15], $0x4E20  }
0x1f: {  	[sflag:s15] =	ssyncset.done $0x0  }
0x20: {  	[sflag:s15] =	ssyncadd.s32 $0xFFFFB1E0  }
0x21: {  	[hbm4b:s8+s2] =	stream.linear.scatter [tilespmem:s2], [sflag:$0x2], $0x4E20, $0x38;
	[tilespmem:$0x4E20] =	vst v63  }
0x22: {  	_ =	swait.ge [sflag:s16], $0x4E20  }
0x23: {  	[sflag:s16] =	ssyncset.done $0x0  }
0x24: {  	[sflag:s16] =	ssyncadd.s32 $0xFFFFB1E0  }
0x25: {  	[hbm4b:s9+s2] =	stream.linear.scatter [tilespmem:s2], [sflag:$0x3], $0x4E20, $0x38;
	[tilespmem:$0x4E20] =	vst v63  }
0x26: {  	_ =	swait.ge [sflag:s17], $0x4E20  }
0x27: {  	[sflag:s17] =	ssyncset.done $0x0  }
0x28: {  	[sflag:s17] =	ssyncadd.s32 $0xFFFFB1E0  }
0x29: {  	[hbm4b:s10+s2] =	stream.linear.scatter [tilespmem:s2], [sflag:$0x4], $0x4E20, $0x38;
	[tilespmem:$0x4E20] =	vst v63  }
0x2a: {  	_ =	swait.ge [sflag:s14], $0x4E20  }
0x2b: {  	[sflag:s14] =	ssyncset.done $0x0  }
0x2c: {  	[sflag:s14] =	ssyncadd.s32 $0xFFFFB1E0  }
0x2d: {  	[hbm4b:s11+s2] =	stream.linear.scatter [tilespmem:s2], [sflag:$0x1], $0x4E20, $0x38;
	[tilespmem:$0x4E20] =	vst v63  }
0x2e: {  	_ =	swait.ge [sflag:s15], $0x4E20  }
0x2f: {  	[sflag:s15] =	ssyncset.done $0x0  }
0x30: {  	[sflag:s15] =	ssyncadd.s32 $0xFFFFB1E0  }
0x31: {  	[hbm4b:s12+s2] =	stream.linear.scatter [tilespmem:s2], [sflag:$0x2], $0x4E20, $0x38;
	[tilespmem:$0x4E20] =	vst v63  }
0x32: {  	_ =	swait.ge [sflag:s14], $0x4E20  }
0x33: {  	[sflag:s14] =	ssyncset.done $0x0  }
0x34: {  	[sflag:s14] =	ssyncadd.s32 $0xFFFFB1E0  }
0x35: {  	_ =	swait.ge [sflag:s15], $0x4E20  }
0x36: {  	[sflag:s15] =	ssyncset.done $0x0  }
0x37: {  	s18 =	sadd.s32 $0x1, s18;
	[sflag:s15] =	ssyncadd.s32 $0xFFFFB1E0  }
0x38: {  	p0 =	sne.s32 s18, s13;
	_ =	swait.ge [sflag:s16], $0x4E20  }
.Ltmp1:
0x39: {  	[sflag:s16] =	ssyncset.done $0x0;
	(pc) =	sbr.rel @p0 .LBB2_1-.Ltmp1, $4  }
0x3a: {  	[sflag:s16] =	ssyncadd.s32 $0xFFFFB1E0  }
0x3b: {  	_ =	swait.ge [sflag:s17], $0x4E20  }
0x3c: {  	[sflag:s17] =	ssyncset.done $0x0  }
0x3d: {  	[sflag:s17] =	ssyncadd.s32 $0xFFFFB1E0  }
0x3e: {  	_ =	sfence.sel $0x180000  }
0x3f: {  	[bflag:$0x0] =	sbarrier.arrive $0xFFFF  }
0x40: {  	p0 =	sne.s32 s0, $0x0;
	_ =	strace $0x90000047  }
0x41: {  	s0 =	sadd.s32 @!p0 $0x100000, s1;
	[bflag:$0x2] =	sbarrier.arrive $0xFFFF  }
0x42: {  	[sflag:s0] =	ssyncadd.tile.s32 @!p0 $0x1;
	_ =	shalt  }
.Lfunc_end2:
_tile_overlayer_lowered:
.L_overlay_start_2:
0x43: {  	(tag) =	ssettag $0x2  }
0x44: {  	s0 =	rddreg [dreg:$0x0];
	s2 =	stileid.u32  }
0x45: {  	s1 =	rddreg [dreg:$0x1];
	p0 =	sne.s32 s2, $0x0  }
0x46: {  	s3 =	rddreg [dreg:$0x2];
	[bflag:$0x3] =	sbarrier.arrive $0xFFFF;
	s2 =	simm.s32 @!p0 $0x1C05  }
0x47: {  	[timem:s3], [sflag:s2] =	dma.local @!p0 [hbm:s0], s1  }
0x48: {  	s0 =	simm.s32 @!p0 $0x5  }
0x49: {  	_ =	swait.ge @!p0 [sflag:s0], s1  }
0x4a: {  	s1 =	ssub.s32 @!p0 $0x0, s1;
	[sflag:s0] =	ssyncset.done @!p0 $0x0  }
0x4b: {  	[sflag:s0] =	ssyncadd.s32 @!p0 s1  }
0x4c: {  	[bflag:$0x3] =	sbarrier.arrive $0xFFFF  }
0x4d: {  	_ =	shalt  }

</sc_bundles>
